<compile_context>
chip_gen: v7x
topology: tpu7x:2x2x1
jax: 0.10.2.dev20260603
libtpu: 0.0.44.dev20260713+nightly
codegen_flags: <defaults>
</compile_context>

<pallas_src>
import functools

import jax
import jax.numpy as jnp
from jax import lax
from jax.experimental import pallas as pl
from jax.experimental.pallas import tpu as pltpu
from jax.experimental.pallas import tpu_sc as plsc

NC = 2
NS = 16
NW = NC * NS
CH = 125
RBLK = 1000


def _make_hist(n, e):
    epw = e // NW
    steps = epw // CH
    full = CH // 16
    tail = CH - full * 16
    mesh = plsc.VectorSubcoreMesh(core_axis_name="c", subcore_axis_name="s")

    @functools.partial(
        pl.kernel,
        out_type=jax.ShapeDtypeStruct((NW, n), jnp.float32),
        mesh=mesh,
        scratch_types=[
            pltpu.VMEM((steps, CH), jnp.int32),
            pltpu.VMEM((n,), jnp.float32),
        ],
        compiler_params=pltpu.CompilerParams(
            needs_layout_passes=False, use_tc_tiling_on_sc=False),
    )
    def hist_kernel(row_hbm, out_hbm, rowv, hist):
        wid = lax.axis_index("s") * NC + lax.axis_index("c")
        pltpu.sync_copy(row_hbm.at[pl.ds(wid * steps, steps)], rowv)
        z16 = jnp.zeros((16,), jnp.float32)

        def zbody(i, carry):
            hist[pl.ds(i * 16, 16)] = z16
            return carry

        lax.fori_loop(0, n // 16, zbody, 0)
        ones16 = jnp.ones((16,), jnp.float32)
        tmask = lax.iota(jnp.int32, 16) >= (16 - tail)

        def body(j, carry):
            for k in range(full):
                idx = rowv[j, pl.ds(k * 16, 16)]
                plsc.addupdate_scatter(hist, [idx], ones16)
            if tail:
                idx = rowv[j, pl.ds(CH - 16, 16)]
                plsc.addupdate_scatter(hist, [idx], ones16, mask=tmask)
            return carry

        lax.fori_loop(0, steps, body, 0)
        pltpu.sync_copy(hist, out_hbm.at[wid])

    return hist_kernel


def _make_agg(n, e, w):
    epw = e // NW
    steps = epw // CH
    GB = 4 if w > 32 else 8
    rows_pt = (n // NS) // 8 * 8
    last_extra = n - NS * rows_pt
    zr = 16
    mesh = plsc.VectorSubcoreMesh(core_axis_name="c", subcore_axis_name="s")

    @functools.partial(
        pl.kernel,
        out_type=jax.ShapeDtypeStruct((NC, n, w), jnp.float32),
        mesh=mesh,
        scratch_types=[
            pltpu.VMEM((steps, CH), jnp.int32),
            pltpu.VMEM((steps, CH), jnp.int32),
            [pltpu.VMEM((CH, w), jnp.float32) for _ in range(GB)],
            [pltpu.VMEM((CH, w), jnp.float32) for _ in range(GB)],
            pltpu.VMEM((zr, w), jnp.float32),
            pltpu.VMEM_SHARED((n, w), jnp.float32),
            pltpu.SemaphoreType.DMA,
            pltpu.SemaphoreType.DMA,
        ],
        compiler_params=pltpu.CompilerParams(
            needs_layout_passes=False, use_tc_tiling_on_sc=False),
    )
    def agg_kernel(zt_hbm, col_hbm, row_hbm, out_hbm,
                   colv, rowv, bufa, bufb, zbuf, acc, gsa, gsb):
        c = lax.axis_index("c")
        s = lax.axis_index("s")
        wid = s * NC + c
        z16 = jnp.zeros((16,), jnp.float32)
        for r in range(zr):
            for k in range(w // 16):
                zbuf[r, pl.ds(k * 16, 16)] = z16
        base = s * rows_pt
        for r in range(rows_pt // zr):
            pltpu.sync_copy(zbuf, acc.at[pl.ds(base + r * zr, zr)])

        @pl.when(s == NS - 1)
        def _():
            for r in range(last_extra // zr):
                pltpu.sync_copy(
                    zbuf, acc.at[pl.ds(NS * rows_pt + r * zr, zr)])

        pltpu.sync_copy(col_hbm.at[pl.ds(wid * steps, steps)], colv)
        pltpu.sync_copy(row_hbm.at[pl.ds(wid * steps, steps)], rowv)
        plsc.subcore_barrier()

        def fire(j0, bufs, sem):
            for k in range(GB):
                pltpu.async_copy(zt_hbm.at[colv.at[j0 + k]], bufs[k], sem)

        def drain_scatter(j0, bufs, sem):
            for k in range(GB):
                pltpu.make_async_copy(zt_hbm.at[colv.at[j0 + k]], bufs[k],
                                      sem).wait()
                pltpu.sync_copy(bufs[k], acc.at[rowv.at[j0 + k]], add=True)

        fire(0, bufa, gsa)

        def body(i, carry):
            ja = 2 * GB * i
            jb = ja + GB
            fire(jb, bufb, gsb)
            drain_scatter(ja, bufa, gsa)

            @pl.when(jb + GB < steps)
            def _():
                fire(jb + GB, bufa, gsa)

            drain_scatter(jb, bufb, gsb)
            return carry

        lax.fori_loop(0, steps // (2 * GB), body, 0)
        plsc.subcore_barrier()
        pltpu.sync_copy(acc.at[pl.ds(s * rows_pt, rows_pt)],
                        out_hbm.at[c, pl.ds(s * rows_pt, rows_pt)])

        @pl.when(s == NS - 1)
        def _():
            pltpu.sync_copy(
                acc.at[pl.ds(NS * rows_pt, last_extra)],
                out_hbm.at[c, pl.ds(NS * rows_pt, last_extra)])

    return agg_kernel


def _dinv_from_hist(h_blk):
    ones = jnp.ones((NW, 1), jnp.float32)
    deg = lax.dot_general(h_blk, ones, (((0,), (0,)), ((), ())),
                          precision=lax.Precision.HIGHEST,
                          preferred_element_type=jnp.float32)
    return jnp.where(deg > 0, lax.rsqrt(jnp.maximum(deg, 1e-30)), 0.0)


def _full(shape):
    nd = len(shape)
    return pl.BlockSpec(shape, lambda: (0,) * nd)


def _tc_layer1(verts, hist, w0, w1, b1):
    n, d = verts.shape
    h1 = w0.shape[1]

    def body(v_ref, h_ref, w0_ref, w1_ref, b_ref, y_ref, zt_ref):
        dinv = _dinv_from_hist(h_ref[...])
        v = v_ref[...]
        y_ref[...] = (jnp.dot(v, w0_ref[...], preferred_element_type=jnp.float32)
                      + b_ref[...])
        zt_ref[...] = jnp.dot(v, w1_ref[...],
                              preferred_element_type=jnp.float32) * dinv

    return pl.pallas_call(
        body,
        in_specs=[_full((n, d)), _full((NW, n)), _full((d, h1)),
                  _full((d, h1)), _full((1, h1))],
        out_specs=[_full((n, h1)), _full((n, h1))],
        out_shape=[
            jax.ShapeDtypeStruct((n, h1), jnp.float32),
            jax.ShapeDtypeStruct((n, h1), jnp.float32),
        ],
    )(verts, hist, w0, w1, b1)


def _tc_layer2(y1, agg1, hist, w0, w1, b2):
    n, h1 = y1.shape
    h2 = w0.shape[1]

    def body(y_ref, a_ref, h_ref, w0_ref, w1_ref, b_ref, y2_ref, zt2_ref):
        dinv = _dinv_from_hist(h_ref[...])
        a = (a_ref[0] + a_ref[1]) * dinv
        hid = jnp.maximum(y_ref[...] - a, 0.0)
        y2_ref[...] = (jnp.dot(hid, w0_ref[...],
                               preferred_element_type=jnp.float32) + b_ref[...])
        zt2_ref[...] = jnp.dot(hid, w1_ref[...],
                               preferred_element_type=jnp.float32) * dinv

    return pl.pallas_call(
        body,
        in_specs=[_full((n, h1)), _full((NC, n, h1)), _full((NW, n)),
                  _full((h1, h2)), _full((h1, h2)), _full((1, h2))],
        out_specs=[_full((n, h2)), _full((n, h2))],
        out_shape=[
            jax.ShapeDtypeStruct((n, h2), jnp.float32),
            jax.ShapeDtypeStruct((n, h2), jnp.float32),
        ],
    )(y1, agg1, hist, w0, w1, b2)


def _tc_final(y2, agg2, hist):
    n, h2 = y2.shape

    def body(y_ref, a_ref, h_ref, o_ref):
        dinv = _dinv_from_hist(h_ref[...])
        o_ref[...] = y_ref[...] - (a_ref[0] + a_ref[1]) * dinv

    return pl.pallas_call(
        body,
        in_specs=[_full((n, h2)), _full((NC, n, h2)), _full((NW, n))],
        out_specs=_full((n, h2)),
        out_shape=jax.ShapeDtypeStruct((n, h2), jnp.float32),
    )(y2, agg2, hist)


def kernel(verts, edges, l1_W0, l1_W1, l1_b, l2_W0, l2_W1, l2_b):
    n, _ = verts.shape
    e = edges.shape[0]
    row2d = edges[:, 0].reshape(e // CH, CH)
    col2d = edges[:, 1].reshape(e // CH, CH)

    hist = _make_hist(n, e)(row2d)

    y1, zt1 = _tc_layer1(verts, hist, l1_W0, l1_W1, l1_b.reshape(1, -1))
    agg1 = _make_agg(n, e, l1_W0.shape[1])(zt1, col2d, row2d)
    y2, zt2 = _tc_layer2(y1, agg1, hist, l2_W0, l2_W1, l2_b.reshape(1, -1))
    agg2 = _make_agg(n, e, l2_W0.shape[1])(zt2, col2d, row2d)
    return _tc_final(y2, agg2, hist)

# --- scband reference (transcript-rebuilt; emitter-appended) ---
"""Pipeline reference for scband-mesh-conv-36893769072935 (READ-ONLY COPY).

The authoritative reference and input builder live on the scoring server;
editing this copy changes nothing except your own understanding.
"""

import jax, jax.numpy as jnp
import numpy as np

N = 10000
E = 320000
D = 128
H1 = 64
H2 = 32


def setup_inputs(seed: int = 0) -> dict:
    key = jax.random.key(seed)
    ks = jax.random.split(key, 8)
    verts = jax.random.normal(ks[0], (N, D), dtype=jnp.float32)
    edges = jax.random.randint(ks[1], (E, 2), 0, N, dtype=jnp.int32)
    l1_W0 = jax.random.normal(ks[2], (D, H1), dtype=jnp.float32) * (1.0 / np.sqrt(D))
    l1_W1 = jax.random.normal(ks[3], (D, H1), dtype=jnp.float32) * (1.0 / np.sqrt(D))
    l1_b = jnp.zeros((H1,), dtype=jnp.float32)
    l2_W0 = jax.random.normal(ks[4], (H1, H2), dtype=jnp.float32) * (1.0 / np.sqrt(H1))
    l2_W1 = jax.random.normal(ks[5], (H1, H2), dtype=jnp.float32) * (1.0 / np.sqrt(H1))
    l2_b = jnp.zeros((H2,), dtype=jnp.float32)
    return {"verts": verts, "edges": edges, "l1_W0": l1_W0, "l1_W1": l1_W1, "l1_b": l1_b, "l2_W0": l2_W0, "l2_W1": l2_W1, "l2_b": l2_b}


def _cheb_conv_k2(x, row, col, W0, W1, b, n):
    # ChebConv with K=2, sym normalization, lambda_max=2:
    # L_hat = L - I = -D^{-1/2} A D^{-1/2}
    deg = jnp.zeros((n,), dtype=x.dtype).at[row].add(jnp.ones((row.shape[0],), dtype=x.dtype))
    deg_inv_sqrt = jnp.where(deg > 0, 1.0 / jnp.sqrt(jnp.where(deg > 0, deg, 1.0)), 0.0)
    norm = deg_inv_sqrt[row] * deg_inv_sqrt[col]
    msg = jnp.take(x, col, axis=0) * norm[:, None]
    agg = jnp.zeros_like(x).at[row].add(msg)
    Tx0 = x
    Tx1 = -agg
    return Tx0 @ W0 + Tx1 @ W1 + b


def reference(verts, edges, l1_W0, l1_W1, l1_b, l2_W0, l2_W1, l2_b):
    # forward: xt = relu(l1(verts, edges.t())); feature = l2(xt, edges.t())
    ei = edges.T
    row, col = ei[0], ei[1]
    xt = jax.nn.relu(_cheb_conv_k2(verts, row, col, l1_W0, l1_W1, l1_b, N))
    feature = _cheb_conv_k2(xt, row, col, l2_W0, l2_W1, l2_b, N)
    return feature

if __name__ == "__main__":
    import jax
    _d = setup_inputs()
    print(jax.jit(kernel)(*tuple(_d.values())))

</pallas_src>

<mosaic_0001>
#map = affine_map<(d0, d1) -> (0, 0)>
module attributes {stable_mosaic.version = 14 : i64} {
  func.func @hist_kernel(%arg0: i32, %arg1: i32, %arg2: memref<2560x125xi32, #tpu.memory_space<hbm>>, %arg3: memref<32x10000xf32, #tpu.memory_space<hbm>>, %arg4: memref<80x125xi32, #tpu.memory_space<vmem>>, %arg5: memref<10000xf32, #tpu.memory_space<vmem>>) attributes {dimension_semantics = [#tpu.dimension_semantics<core_parallel>, #tpu.dimension_semantics<subcore_parallel>], iteration_bounds = array<i64: 2, 16>, scalar_prefetch = 0 : i64, scratch_operands = 2 : i64, tpu.core_type = #tpu.core_type<sc_vector_subcore>, window_params = [{transform_indices = #map}, {transform_indices = #map}]} {
    %mul3A = arith.constant 2 : i32
    %mul3A_0 = arith.muli %arg1, %mul3A : i32
    %add3A = arith.addi %mul3A_0, %arg0 : i32
    %mul3A_1 = arith.constant 80 : i32
    %mul3A_2 = arith.muli %add3A, %mul3A_1 : i32
    "tpu.region"() ({
      %run_scoped3A = tpu.sem_alloc : memref<!tpu.dma_semaphore, #tpu.memory_space<semaphore_mem>>
      %dma_start3A = arith.constant 0 : i32
      %dma_start3A_19 = tpu.memref_slice %arg2[%mul3A_2, %dma_start3A] : memref<2560x125xi32, #tpu.memory_space<hbm>> -> memref<80x125xi32, #tpu.memory_space<hbm>>
      %dma_start3A_20 = arith.constant 0 : i32
      %dma_start3A_21 = tpu.memref_slice %arg2[%mul3A_2, %dma_start3A_20] : memref<2560x125xi32, #tpu.memory_space<hbm>> -> memref<80x125xi32, #tpu.memory_space<hbm>>
      tpu.enqueue_dma source(%dma_start3A_21 : memref<80x125xi32, #tpu.memory_space<hbm>>) target(%arg4 : memref<80x125xi32, #tpu.memory_space<vmem>>) target_semaphore(%run_scoped3A : memref<!tpu.dma_semaphore, #tpu.memory_space<semaphore_mem>>)
      %dma_wait3A = arith.constant 0 : i32
      %dma_wait3A_22 = tpu.memref_slice %arg2[%mul3A_2, %dma_wait3A] : memref<2560x125xi32, #tpu.memory_space<hbm>> -> memref<80x125xi32, #tpu.memory_space<hbm>>
      %dma_wait3A_23 = arith.constant 0 : i32
      %dma_wait3A_24 = tpu.memref_slice %arg2[%mul3A_2, %dma_wait3A_23] : memref<2560x125xi32, #tpu.memory_space<hbm>> -> memref<80x125xi32, #tpu.memory_space<hbm>>
      tpu.wait_dma2 semaphore(%run_scoped3A : memref<!tpu.dma_semaphore, #tpu.memory_space<semaphore_mem>>) src(%dma_wait3A_24 : memref<80x125xi32, #tpu.memory_space<hbm>>) dst(%arg4 : memref<80x125xi32, #tpu.memory_space<vmem>>)
      tpu.yield
    }) : () -> ()
    %broadcast_in_dim3A = arith.constant 0.000000e+00 : f32
    %broadcast_in_dim3A_3 = vector.broadcast %broadcast_in_dim3A : f32 to vector<16xf32>
    %scan3A = arith.constant 0 : i32
    %scan3A_4 = arith.constant 0 : i32
    %scan3A_5 = arith.constant 625 : i32
    %scan3A_6 = arith.addi %scan3A_4, %scan3A_5 : i32
    %scan3A_7 = arith.constant 1 : i32
    scf.for %scan3A_19 = %scan3A_4 to %scan3A_6 step %scan3A_7  : i32 {
      %mul3A_20 = arith.constant 16 : i32
      %mul3A_21 = arith.muli %scan3A_19, %mul3A_20 : i32
      %swap3A = arith.index_cast %mul3A_21 : i32 to index
      %swap3A_22 = tpu.vector_load %arg5[%swap3A] {strides = array<i32>} : memref<10000xf32, #tpu.memory_space<vmem>>, vector<16xf32>,
      tpu.vector_store %arg5[%swap3A], %broadcast_in_dim3A_3 {strides = array<i32>} : memref<10000xf32, #tpu.memory_space<vmem>>, vector<16xf32>,
    }
    %scan3A_8 = arith.constant 625 : i32
    %broadcast_in_dim3A_9 = arith.constant 1.000000e+00 : f32
    %broadcast_in_dim3A_10 = vector.broadcast %broadcast_in_dim3A_9 : f32 to vector<16xf32>
    %iota3A = tpu.iota {dimensions = array<i32: 0>} : vector<16xi32>
    %ge3A = arith.constant 3 : i32
    %ge3A_11 = vector.broadcast %ge3A : i32 to vector<16xi32>
    %ge3A_12 = arith.cmpi sge, %iota3A, %ge3A_11 : vector<16xi32>
    %scan3A_13 = arith.constant 0 : i32
    %scan3A_14 = arith.constant 0 : i32
    %scan3A_15 = arith.constant 80 : i32
    %scan3A_16 = arith.addi %scan3A_14, %scan3A_15 : i32
    %scan3A_17 = arith.constant 1 : i32
    scf.for %scan3A_19 = %scan3A_14 to %scan3A_16 step %scan3A_17  : i32 {
      %get3A = arith.index_cast %scan3A_19 : i32 to index
      %get3A_20 = arith.constant 0 : index
      %get3A_21 = tpu.vector_load %arg4[%get3A, %get3A_20] {strides = array<i32>} : memref<80x125xi32, #tpu.memory_space<vmem>>, vector<16xi32>,
      tpu.vector_store_idx %arg5[%get3A_21], %broadcast_in_dim3A_10 {add = true} : memref<10000xf32, #tpu.memory_space<vmem>>[vector<16xi32>], vector<16xf32>,
      %get3A_22 = arith.index_cast %scan3A_19 : i32 to index
      %get3A_23 = arith.constant 16 : index
      %get3A_24 = tpu.vector_load %arg4[%get3A_22, %get3A_23] {strides = array<i32>} : memref<80x125xi32, #tpu.memory_space<vmem>>, vector<16xi32>,
      tpu.vector_store_idx %arg5[%get3A_24], %broadcast_in_dim3A_10 {add = true} : memref<10000xf32, #tpu.memory_space<vmem>>[vector<16xi32>], vector<16xf32>,
      %get3A_25 = arith.index_cast %scan3A_19 : i32 to index
      %get3A_26 = arith.constant 32 : index
      %get3A_27 = tpu.vector_load %arg4[%get3A_25, %get3A_26] {strides = array<i32>} : memref<80x125xi32, #tpu.memory_space<vmem>>, vector<16xi32>,
      tpu.vector_store_idx %arg5[%get3A_27], %broadcast_in_dim3A_10 {add = true} : memref<10000xf32, #tpu.memory_space<vmem>>[vector<16xi32>], vector<16xf32>,
      %get3A_28 = arith.index_cast %scan3A_19 : i32 to index
      %get3A_29 = arith.constant 48 : index
      %get3A_30 = tpu.vector_load %arg4[%get3A_28, %get3A_29] {strides = array<i32>} : memref<80x125xi32, #tpu.memory_space<vmem>>, vector<16xi32>,
      tpu.vector_store_idx %arg5[%get3A_30], %broadcast_in_dim3A_10 {add = true} : memref<10000xf32, #tpu.memory_space<vmem>>[vector<16xi32>], vector<16xf32>,
      %get3A_31 = arith.index_cast %scan3A_19 : i32 to index
      %get3A_32 = arith.constant 64 : index
      %get3A_33 = tpu.vector_load %arg4[%get3A_31, %get3A_32] {strides = array<i32>} : memref<80x125xi32, #tpu.memory_space<vmem>>, vector<16xi32>,
      tpu.vector_store_idx %arg5[%get3A_33], %broadcast_in_dim3A_10 {add = true} : memref<10000xf32, #tpu.memory_space<vmem>>[vector<16xi32>], vector<16xf32>,
      %get3A_34 = arith.index_cast %scan3A_19 : i32 to index
      %get3A_35 = arith.constant 80 : index
      %get3A_36 = tpu.vector_load %arg4[%get3A_34, %get3A_35] {strides = array<i32>} : memref<80x125xi32, #tpu.memory_space<vmem>>, vector<16xi32>,
      tpu.vector_store_idx %arg5[%get3A_36], %broadcast_in_dim3A_10 {add = true} : memref<10000xf32, #tpu.memory_space<vmem>>[vector<16xi32>], vector<16xf32>,
      %get3A_37 = arith.index_cast %scan3A_19 : i32 to index
      %get3A_38 = arith.constant 96 : index
      %get3A_39 = tpu.vector_load %arg4[%get3A_37, %get3A_38] {strides = array<i32>} : memref<80x125xi32, #tpu.memory_space<vmem>>, vector<16xi32>,
      tpu.vector_store_idx %arg5[%get3A_39], %broadcast_in_dim3A_10 {add = true} : memref<10000xf32, #tpu.memory_space<vmem>>[vector<16xi32>], vector<16xf32>,
      %get3A_40 = arith.index_cast %scan3A_19 : i32 to index
      %get3A_41 = arith.constant 109 : index
      %get3A_42 = tpu.vector_load %arg4[%get3A_40, %get3A_41] {strides = array<i32>} : memref<80x125xi32, #tpu.memory_space<vmem>>, vector<16xi32>,
      tpu.vector_store_idx %arg5[%get3A_42], %broadcast_in_dim3A_10 masked %ge3A_12 {add = true} : memref<10000xf32, #tpu.memory_space<vmem>>[vector<16xi32>], vector<16xf32>, vector<16xi1>
    }
    %scan3A_18 = arith.constant 80 : i32
    "tpu.region"() ({
      %run_scoped3A = tpu.sem_alloc : memref<!tpu.dma_semaphore, #tpu.memory_space<semaphore_mem>>
      %dma_start3A = arith.constant 0 : i32
      %dma_start3A_19 = tpu.memref_slice %arg3[%add3A, %dma_start3A] : memref<32x10000xf32, #tpu.memory_space<hbm>> -> memref<1x10000xf32, #tpu.memory_space<hbm>>
      %dma_start3A_20 = tpu.memref_squeeze %dma_start3A_19 : memref<1x10000xf32, #tpu.memory_space<hbm>> -> memref<10000xf32, #tpu.memory_space<hbm>>
      %dma_start3A_21 = arith.constant 0 : i32
      %dma_start3A_22 = tpu.memref_slice %arg3[%add3A, %dma_start3A_21] : memref<32x10000xf32, #tpu.memory_space<hbm>> -> memref<1x10000xf32, #tpu.memory_space<hbm>>
      %dma_start3A_23 = tpu.memref_squeeze %dma_start3A_22 : memref<1x10000xf32, #tpu.memory_space<hbm>> -> memref<10000xf32, #tpu.memory_space<hbm>>
      tpu.enqueue_dma source(%arg5 : memref<10000xf32, #tpu.memory_space<vmem>>) target(%dma_start3A_23 : memref<10000xf32, #tpu.memory_space<hbm>>) target_semaphore(%run_scoped3A : memref<!tpu.dma_semaphore, #tpu.memory_space<semaphore_mem>>)
      %dma_wait3A = arith.constant 0 : i32
      %dma_wait3A_24 = tpu.memref_slice %arg3[%add3A, %dma_wait3A] : memref<32x10000xf32, #tpu.memory_space<hbm>> -> memref<1x10000xf32, #tpu.memory_space<hbm>>
      %dma_wait3A_25 = tpu.memref_squeeze %dma_wait3A_24 : memref<1x10000xf32, #tpu.memory_space<hbm>> -> memref<10000xf32, #tpu.memory_space<hbm>>
      %dma_wait3A_26 = arith.constant 0 : i32
      %dma_wait3A_27 = tpu.memref_slice %arg3[%add3A, %dma_wait3A_26] : memref<32x10000xf32, #tpu.memory_space<hbm>> -> memref<1x10000xf32, #tpu.memory_space<hbm>>
      %dma_wait3A_28 = tpu.memref_squeeze %dma_wait3A_27 : memref<1x10000xf32, #tpu.memory_space<hbm>> -> memref<10000xf32, #tpu.memory_space<hbm>>
      tpu.wait_dma2 semaphore(%run_scoped3A : memref<!tpu.dma_semaphore, #tpu.memory_space<semaphore_mem>>) src(%arg5 : memref<10000xf32, #tpu.memory_space<vmem>>) dst(%dma_wait3A_28 : memref<10000xf32, #tpu.memory_space<hbm>>)
      tpu.yield
    }) : () -> ()
    return
  }
}

#map = affine_map<(d0, d1) -> (0, 0)>
#map1 = affine_map<(d0, d1) -> (0, 0, 0)>
module attributes {stable_mosaic.version = 14 : i64} {
  func.func @agg_kernel(%arg0: i32, %arg1: i32, %arg2: memref<10000x64xf32, #tpu.memory_space<hbm>>, %arg3: memref<2560x125xi32, #tpu.memory_space<hbm>>, %arg4: memref<2560x125xi32, #tpu.memory_space<hbm>>, %arg5: memref<2x10000x64xf32, #tpu.memory_space<hbm>>, %arg6: memref<80x125xi32, #tpu.memory_space<vmem>>, %arg7: memref<80x125xi32, #tpu.memory_space<vmem>>, %arg8: memref<125x64xf32, #tpu.memory_space<vmem>>, %arg9: memref<125x64xf32, #tpu.memory_space<vmem>>, %arg10: memref<125x64xf32, #tpu.memory_space<vmem>>, %arg11: memref<125x64xf32, #tpu.memory_space<vmem>>, %arg12: memref<125x64xf32, #tpu.memory_space<vmem>>, %arg13: memref<125x64xf32, #tpu.memory_space<vmem>>, %arg14: memref<125x64xf32, #tpu.memory_space<vmem>>, %arg15: memref<125x64xf32, #tpu.memory_space<vmem>>, %arg16: memref<16x64xf32, #tpu.memory_space<vmem>>, %arg17: memref<10000x64xf32, #tpu.memory_space<vmem_shared>>, %arg18: memref<!tpu.dma_semaphore, #tpu.memory_space<semaphore_mem>>, %arg19: memref<!tpu.dma_semaphore, #tpu.memory_space<semaphore_mem>>) attributes {dimension_semantics = [#tpu.dimension_semantics<core_parallel>, #tpu.dimension_semantics<subcore_parallel>], iteration_bounds = array<i64: 2, 16>, scalar_prefetch = 0 : i64, scratch_operands = 14 : i64, tpu.core_type = #tpu.core_type<sc_vector_subcore>, window_params = [{transform_indices = #map}, {transform_indices = #map}, {transform_indices = #map}, {transform_indices = #map1}]} {
    %mul3A = arith.constant 2 : i32
    %mul3A_0 = arith.muli %arg1, %mul3A : i32
    %add3A = arith.addi %mul3A_0, %arg0 : i32
    %broadcast_in_dim3A = arith.constant 0.000000e+00 : f32
    %broadcast_in_dim3A_1 = vector.broadcast %broadcast_in_dim3A : f32 to vector<16xf32>
    %swap3A = arith.constant 0 : i32
    %swap3A_2 = arith.index_cast %swap3A : i32 to index
    %swap3A_3 = arith.constant 0 : index
    %swap3A_4 = tpu.vector_load %arg16[%swap3A_2, %swap3A_3] {strides = array<i32>} : memref<16x64xf32, #tpu.memory_space<vmem>>, vector<16xf32>,
    tpu.vector_store %arg16[%swap3A_2, %swap3A_3], %broadcast_in_dim3A_1 {strides = array<i32>} : memref<16x64xf32, #tpu.memory_space<vmem>>, vector<16xf32>,
    %swap3A_5 = arith.constant 0 : i32
    %swap3A_6 = arith.index_cast %swap3A_5 : i32 to index
    %swap3A_7 = arith.constant 16 : index
    %swap3A_8 = tpu.vector_load %arg16[%swap3A_6, %swap3A_7] {strides = array<i32>} : memref<16x64xf32, #tpu.memory_space<vmem>>, vector<16xf32>,
    tpu.vector_store %arg16[%swap3A_6, %swap3A_7], %broadcast_in_dim3A_1 {strides = array<i32>} : memref<16x64xf32, #tpu.memory_space<vmem>>, vector<16xf32>,
    %swap3A_9 = arith.constant 0 : i32
    %swap3A_10 = arith.index_cast %swap3A_9 : i32 to index
    %swap3A_11 = arith.constant 32 : index
    %swap3A_12 = tpu.vector_load %arg16[%swap3A_10, %swap3A_11] {strides = array<i32>} : memref<16x64xf32, #tpu.memory_space<vmem>>, vector<16xf32>,
    tpu.vector_store %arg16[%swap3A_10, %swap3A_11], %broadcast_in_dim3A_1 {strides = array<i32>} : memref<16x64xf32, #tpu.memory_space<vmem>>, vector<16xf32>,
    %swap3A_13 = arith.constant 0 : i32
    %swap3A_14 = arith.index_cast %swap3A_13 : i32 to index
    %swap3A_15 = arith.constant 48 : index
    %swap3A_16 = tpu.vector_load %arg16[%swap3A_14, %swap3A_15] {strides = array<i32>} : memref<16x64xf32, #tpu.memory_space<vmem>>, vector<16xf32>,
    tpu.vector_store %arg16[%swap3A_14, %swap3A_15], %broadcast_in_dim3A_1 {strides = array<i32>} : memref<16x64xf32, #tpu.memory_space<vmem>>, vector<16xf32>,
    %swap3A_17 = arith.constant 1 : i32
    %swap3A_18 = arith.index_cast %swap3A_17 : i32 to index
    %swap3A_19 = arith.constant 0 : index
    %swap3A_20 = tpu.vector_load %arg16[%swap3A_18, %swap3A_19] {strides = array<i32>} : memref<16x64xf32, #tpu.memory_space<vmem>>, vector<16xf32>,
    tpu.vector_store %arg16[%swap3A_18, %swap3A_19], %broadcast_in_dim3A_1 {strides = array<i32>} : memref<16x64xf32, #tpu.memory_space<vmem>>, vector<16xf32>,
    %swap3A_21 = arith.constant 1 : i32
    %swap3A_22 = arith.index_cast %swap3A_21 : i32 to index
    %swap3A_23 = arith.constant 16 : index
    %swap3A_24 = tpu.vector_load %arg16[%swap3A_22, %swap3A_23] {strides = array<i32>} : memref<16x64xf32, #tpu.memory_space<vmem>>, vector<16xf32>,
    tpu.vector_store %arg16[%swap3A_22, %swap3A_23], %broadcast_in_dim3A_1 {strides = array<i32>} : memref<16x64xf32, #tpu.memory_space<vmem>>, vector<16xf32>,
    %swap3A_25 = arith.constant 1 : i32
    %swap3A_26 = arith.index_cast %swap3A_25 : i32 to index
    %swap3A_27 = arith.constant 32 : index
    %swap3A_28 = tpu.vector_load %arg16[%swap3A_26, %swap3A_27] {strides = array<i32>} : memref<16x64xf32, #tpu.memory_space<vmem>>, vector<16xf32>,
    tpu.vector_store %arg16[%swap3A_26, %swap3A_27], %broadcast_in_dim3A_1 {strides = array<i32>} : memref<16x64xf32, #tpu.memory_space<vmem>>, vector<16xf32>,
    %swap3A_29 = arith.constant 1 : i32
    %swap3A_30 = arith.index_cast %swap3A_29 : i32 to index
    %swap3A_31 = arith.constant 48 : index
    %swap3A_32 = tpu.vector_load %arg16[%swap3A_30, %swap3A_31] {strides = array<i32>} : memref<16x64xf32, #tpu.memory_space<vmem>>, vector<16xf32>,
    tpu.vector_store %arg16[%swap3A_30, %swap3A_31], %broadcast_in_dim3A_1 {strides = array<i32>} : memref<16x64xf32, #tpu.memory_space<vmem>>, vector<16xf32>,
    %swap3A_33 = arith.constant 2 : i32
    %swap3A_34 = arith.index_cast %swap3A_33 : i32 to index
    %swap3A_35 = arith.constant 0 : index
    %swap3A_36 = tpu.vector_load %arg16[%swap3A_34, %swap3A_35] {strides = array<i32>} : memref<16x64xf32, #tpu.memory_space<vmem>>, vector<16xf32>,
    tpu.vector_store %arg16[%swap3A_34, %swap3A_35], %broadcast_in_dim3A_1 {strides = array<i32>} : memref<16x64xf32, #tpu.memory_space<vmem>>, vector<16xf32>,
    %swap3A_37 = arith.constant 2 : i32
    %swap3A_38 = arith.index_cast %swap3A_37 : i32 to index
    %swap3A_39 = arith.constant 16 : index
    %swap3A_40 = tpu.vector_load %arg16[%swap3A_38, %swap3A_39] {strides = array<i32>} : memref<16x64xf32, #tpu.memory_space<vmem>>, vector<16xf32>,
    tpu.vector_store %arg16[%swap3A_38, %swap3A_39], %broadcast_in_dim3A_1 {strides = array<i32>} : memref<16x64xf32, #tpu.memory_space<vmem>>, vector<16xf32>,
    %swap3A_41 = arith.constant 2 : i32
    %swap3A_42 = arith.index_cast %swap3A_41 : i32 to index
    %swap3A_43 = arith.constant 32 : index
    %swap3A_44 = tpu.vector_load %arg16[%swap3A_42, %swap3A_43] {strides = array<i32>} : memref<16x64xf32, #tpu.memory_space<vmem>>, vector<16xf32>,
    tpu.vector_store %arg16[%swap3A_42, %swap3A_43], %broadcast_in_dim3A_1 {strides = array<i32>} : memref<16x64xf32, #tpu.memory_space<vmem>>, vector<16xf32>,
    %swap3A_45 = arith.constant 2 : i32
    %swap3A_46 = arith.index_cast %swap3A_45 : i32 to index
    %swap3A_47 = arith.constant 48 : index
    %swap3A_48 = tpu.vector_load %arg16[%swap3A_46, %swap3A_47] {strides = array<i32>} : memref<16x64xf32, #tpu.memory_space<vmem>>, vector<16xf32>,
    tpu.vector_store %arg16[%swap3A_46, %swap3A_47], %broadcast_in_dim3A_1 {strides = array<i32>} : memref<16x64xf32, #tpu.memory_space<vmem>>, vector<16xf32>,
    %swap3A_49 = arith.constant 3 : i32
    %swap3A_50 = arith.index_cast %swap3A_49 : i32 to index
    %swap3A_51 = arith.constant 0 : index
    %swap3A_52 = tpu.vector_load %arg16[%swap3A_50, %swap3A_51] {strides = array<i32>} : memref<16x64xf32, #tpu.memory_space<vmem>>, vector<16xf32>,
    tpu.vector_store %arg16[%swap3A_50, %swap3A_51], %broadcast_in_dim3A_1 {strides = array<i32>} : memref<16x64xf32, #tpu.memory_space<vmem>>, vector<16xf32>,
    %swap3A_53 = arith.constant 3 : i32
    %swap3A_54 = arith.index_cast %swap3A_53 : i32 to index
    %swap3A_55 = arith.constant 16 : index
    %swap3A_56 = tpu.vector_load %arg16[%swap3A_54, %swap3A_55] {strides = array<i32>} : memref<16x64xf32, #tpu.memory_space<vmem>>, vector<16xf32>,
    tpu.vector_store %arg16[%swap3A_54, %swap3A_55], %broadcast_in_dim3A_1 {strides = array<i32>} : memref<16x64xf32, #tpu.memory_space<vmem>>, vector<16xf32>,
    %swap3A_57 = arith.constant 3 : i32
    %swap3A_58 = arith.index_cast %swap3A_57 : i32 to index
    %swap3A_59 = arith.constant 32 : index
    %swap3A_60 = tpu.vector_load %arg16[%swap3A_58, %swap3A_59] {strides = array<i32>} : memref<16x64xf32, #tpu.memory_space<vmem>>, vector<16xf32>,
    tpu.vector_store %arg16[%swap3A_58, %swap3A_59], %broadcast_in_dim3A_1 {strides = array<i32>} : memref<16x64xf32, #tpu.memory_space<vmem>>, vector<16xf32>,
    %swap3A_61 = arith.constant 3 : i32
    %swap3A_62 = arith.index_cast %swap3A_61 : i32 to index
    %swap3A_63 = arith.constant 48 : index
    %swap3A_64 = tpu.vector_load %arg16[%swap3A_62, %swap3A_63] {strides = array<i32>} : memref<16x64xf32, #tpu.memory_space<vmem>>, vector<16xf32>,
    tpu.vector_store %arg16[%swap3A_62, %swap3A_63], %broadcast_in_dim3A_1 {strides = array<i32>} : memref<16x64xf32, #tpu.memory_space<vmem>>, vector<16xf32>,
    %swap3A_65 = arith.constant 4 : i32
    %swap3A_66 = arith.index_cast %swap3A_65 : i32 to index
    %swap3A_67 = arith.constant 0 : index
    %swap3A_68 = tpu.vector_load %arg16[%swap3A_66, %swap3A_67] {strides = array<i32>} : memref<16x64xf32, #tpu.memory_space<vmem>>, vector<16xf32>,
    tpu.vector_store %arg16[%swap3A_66, %swap3A_67], %broadcast_in_dim3A_1 {strides = array<i32>} : memref<16x64xf32, #tpu.memory_space<vmem>>, vector<16xf32>,
    %swap3A_69 = arith.constant 4 : i32
    %swap3A_70 = arith.index_cast %swap3A_69 : i32 to index
    %swap3A_71 = arith.constant 16 : index
    %swap3A_72 = tpu.vector_load %arg16[%swap3A_70, %swap3A_71] {strides = array<i32>} : memref<16x64xf32, #tpu.memory_space<vmem>>, vector<16xf32>,
    tpu.vector_store %arg16[%swap3A_70, %swap3A_71], %broadcast_in_dim3A_1 {strides = array<i32>} : memref<16x64xf32, #tpu.memory_space<vmem>>, vector<16xf32>,
    %swap3A_73 = arith.constant 4 : i32
    %swap3A_74 = arith.index_cast %swap3A_73 : i32 to index
    %swap3A_75 = arith.constant 32 : index
    %swap3A_76 = tpu.vector_load %arg16[%swap3A_74, %swap3A_75] {strides = array<i32>} : memref<16x64xf32, #tpu.memory_space<vmem>>, vector<16xf32>,
    tpu.vector_store %arg16[%swap3A_74, %swap3A_75], %broadcast_in_dim3A_1 {strides = array<i32>} : memref<16x64xf32, #tpu.memory_space<vmem>>, vector<16xf32>,
    %swap3A_77 = arith.constant 4 : i32
    %swap3A_78 = arith.index_cast %swap3A_77 : i32 to index
    %swap3A_79 = arith.constant 48 : index
    %swap3A_80 = tpu.vector_load %arg16[%swap3A_78, %swap3A_79] {strides = array<i32>} : memref<16x64xf32, #tpu.memory_space<vmem>>, vector<16xf32>,
    tpu.vector_store %arg16[%swap3A_78, %swap3A_79], %broadcast_in_dim3A_1 {strides = array<i32>} : memref<16x64xf32, #tpu.memory_space<vmem>>, vector<16xf32>,
    %swap3A_81 = arith.constant 5 : i32
    %swap3A_82 = arith.index_cast %swap3A_81 : i32 to index
    %swap3A_83 = arith.constant 0 : index
    %swap3A_84 = tpu.vector_load %arg16[%swap3A_82, %swap3A_83] {strides = array<i32>} : memref<16x64xf32, #tpu.memory_space<vmem>>, vector<16xf32>,
    tpu.vector_store %arg16[%swap3A_82, %swap3A_83], %broadcast_in_dim3A_1 {strides = array<i32>} : memref<16x64xf32, #tpu.memory_space<vmem>>, vector<16xf32>,
    %swap3A_85 = arith.constant 5 : i32
    %swap3A_86 = arith.index_cast %swap3A_85 : i32 to index
    %swap3A_87 = arith.constant 16 : index
    %swap3A_88 = tpu.vector_load %arg16[%swap3A_86, %swap3A_87] {strides = array<i32>} : memref<16x64xf32, #tpu.memory_space<vmem>>, vector<16xf32>,
    tpu.vector_store %arg16[%swap3A_86, %swap3A_87], %broadcast_in_dim3A_1 {strides = array<i32>} : memref<16x64xf32, #tpu.memory_space<vmem>>, vector<16xf32>,
    %swap3A_89 = arith.constant 5 : i32
    %swap3A_90 = arith.index_cast %swap3A_89 : i32 to index
    %swap3A_91 = arith.constant 32 : index
    %swap3A_92 = tpu.vector_load %arg16[%swap3A_90, %swap3A_91] {strides = array<i32>} : memref<16x64xf32, #tpu.memory_space<vmem>>, vector<16xf32>,
    tpu.vector_store %arg16[%swap3A_90, %swap3A_91], %broadcast_in_dim3A_1 {strides = array<i32>} : memref<16x64xf32, #tpu.memory_space<vmem>>, vector<16xf32>,
    %swap3A_93 = arith.constant 5 : i32
    %swap3A_94 = arith.index_cast %swap3A_93 : i32 to index
    %swap3A_95 = arith.constant 48 : index
    %swap3A_96 = tpu.vector_load %arg16[%swap3A_94, %swap3A_95] {strides = array<i32>} : memref<16x64xf32, #tpu.memory_space<vmem>>, vector<16xf32>,
    tpu.vector_store %arg16[%swap3A_94, %swap3A_95], %broadcast_in_dim3A_1 {strides = array<i32>} : memref<16x64xf32, #tpu.memory_space<vmem>>, vector<16xf32>,
    %swap3A_97 = arith.constant 6 : i32
    %swap3A_98 = arith.index_cast %swap3A_97 : i32 to index
    %swap3A_99 = arith.constant 0 : index
    %swap3A_100 = tpu.vector_load %arg16[%swap3A_98, %swap3A_99] {strides = array<i32>} : memref<16x64xf32, #tpu.memory_space<vmem>>, vector<16xf32>,
    tpu.vector_store %arg16[%swap3A_98, %swap3A_99], %broadcast_in_dim3A_1 {strides = array<i32>} : memref<16x64xf32, #tpu.memory_space<vmem>>, vector<16xf32>,
    %swap3A_101 = arith.constant 6 : i32
    %swap3A_102 = arith.index_cast %swap3A_101 : i32 to index
    %swap3A_103 = arith.constant 16 : index
    %swap3A_104 = tpu.vector_load %arg16[%swap3A_102, %swap3A_103] {strides = array<i32>} : memref<16x64xf32, #tpu.memory_space<vmem>>, vector<16xf32>,
    tpu.vector_store %arg16[%swap3A_102, %swap3A_103], %broadcast_in_dim3A_1 {strides = array<i32>} : memref<16x64xf32, #tpu.memory_space<vmem>>, vector<16xf32>,
    %swap3A_105 = arith.constant 6 : i32
    %swap3A_106 = arith.index_cast %swap3A_105 : i32 to index
    %swap3A_107 = arith.constant 32 : index
    %swap3A_108 = tpu.vector_load %arg16[%swap3A_106, %swap3A_107] {strides = array<i32>} : memref<16x64xf32, #tpu.memory_space<vmem>>, vector<16xf32>,
    tpu.vector_store %arg16[%swap3A_106, %swap3A_107], %broadcast_in_dim3A_1 {strides = array<i32>} : memref<16x64xf32, #tpu.memory_space<vmem>>, vector<16xf32>,
    %swap3A_109 = arith.constant 6 : i32
    %swap3A_110 = arith.index_cast %swap3A_109 : i32 to index
    %swap3A_111 = arith.constant 48 : index
    %swap3A_112 = tpu.vector_load %arg16[%swap3A_110, %swap3A_111] {strides = array<i32>} : memref<16x64xf32, #tpu.memory_space<vmem>>, vector<16xf32>,
    tpu.vector_store %arg16[%swap3A_110, %swap3A_111], %broadcast_in_dim3A_1 {strides = array<i32>} : memref<16x64xf32, #tpu.memory_space<vmem>>, vector<16xf32>,
    %swap3A_113 = arith.constant 7 : i32
    %swap3A_114 = arith.index_cast %swap3A_113 : i32 to index
    %swap3A_115 = arith.constant 0 : index
    %swap3A_116 = tpu.vector_load %arg16[%swap3A_114, %swap3A_115] {strides = array<i32>} : memref<16x64xf32, #tpu.memory_space<vmem>>, vector<16xf32>,
    tpu.vector_store %arg16[%swap3A_114, %swap3A_115], %broadcast_in_dim3A_1 {strides = array<i32>} : memref<16x64xf32, #tpu.memory_space<vmem>>, vector<16xf32>,
    %swap3A_117 = arith.constant 7 : i32
    %swap3A_118 = arith.index_cast %swap3A_117 : i32 to index
    %swap3A_119 = arith.constant 16 : index
    %swap3A_120 = tpu.vector_load %arg16[%swap3A_118, %swap3A_119] {strides = array<i32>} : memref<16x64xf32, #tpu.memory_space<vmem>>, vector<16xf32>,
    tpu.vector_store %arg16[%swap3A_118, %swap3A_119], %broadcast_in_dim3A_1 {strides = array<i32>} : memref<16x64xf32, #tpu.memory_space<vmem>>, vector<16xf32>,
    %swap3A_121 = arith.constant 7 : i32
    %swap3A_122 = arith.index_cast %swap3A_121 : i32 to index
    %swap3A_123 = arith.constant 32 : index
    %swap3A_124 = tpu.vector_load %arg16[%swap3A_122, %swap3A_123] {strides = array<i32>} : memref<16x64xf32, #tpu.memory_space<vmem>>, vector<16xf32>,
    tpu.vector_store %arg16[%swap3A_122, %swap3A_123], %broadcast_in_dim3A_1 {strides = array<i32>} : memref<16x64xf32, #tpu.memory_space<vmem>>, vector<16xf32>,
    %swap3A_125 = arith.constant 7 : i32
    %swap3A_126 = arith.index_cast %swap3A_125 : i32 to index
    %swap3A_127 = arith.constant 48 : index
    %swap3A_128 = tpu.vector_load %arg16[%swap3A_126, %swap3A_127] {strides = array<i32>} : memref<16x64xf32, #tpu.memory_space<vmem>>, vector<16xf32>,
    tpu.vector_store %arg16[%swap3A_126, %swap3A_127], %broadcast_in_dim3A_1 {strides = array<i32>} : memref<16x64xf32, #tpu.memory_space<vmem>>, vector<16xf32>,
    %swap3A_129 = arith.constant 8 : i32
    %swap3A_130 = arith.index_cast %swap3A_129 : i32 to index
    %swap3A_131 = arith.constant 0 : index
    %swap3A_132 = tpu.vector_load %arg16[%swap3A_130, %swap3A_131] {strides = array<i32>} : memref<16x64xf32, #tpu.memory_space<vmem>>, vector<16xf32>,
    tpu.vector_store %arg16[%swap3A_130, %swap3A_131], %broadcast_in_dim3A_1 {strides = array<i32>} : memref<16x64xf32, #tpu.memory_space<vmem>>, vector<16xf32>,
    %swap3A_133 = arith.constant 8 : i32
    %swap3A_134 = arith.index_cast %swap3A_133 : i32 to index
    %swap3A_135 = arith.constant 16 : index
    %swap3A_136 = tpu.vector_load %arg16[%swap3A_134, %swap3A_135] {strides = array<i32>} : memref<16x64xf32, #tpu.memory_space<vmem>>, vector<16xf32>,
    tpu.vector_store %arg16[%swap3A_134, %swap3A_135], %broadcast_in_dim3A_1 {strides = array<i32>} : memref<16x64xf32, #tpu.memory_space<vmem>>, vector<16xf32>,
    %swap3A_137 = arith.constant 8 : i32
    %swap3A_138 = arith.index_cast %swap3A_137 : i32 to index
    %swap3A_139 = arith.constant 32 : index
    %swap3A_140 = tpu.vector_load %arg16[%swap3A_138, %swap3A_139] {strides = array<i32>} : memref<16x64xf32, #tpu.memory_space<vmem>>, vector<16xf32>,
    tpu.vector_store %arg16[%swap3A_138, %swap3A_139], %broadcast_in_dim3A_1 {strides = array<i32>} : memref<16x64xf32, #tpu.memory_space<vmem>>, vector<16xf32>,
    %swap3A_141 = arith.constant 8 : i32
    %swap3A_142 = arith.index_cast %swap3A_141 : i32 to index
    %swap3A_143 = arith.constant 48 : index
    %swap3A_144 = tpu.vector_load %arg16[%swap3A_142, %swap3A_143] {strides = array<i32>} : memref<16x64xf32, #tpu.memory_space<vmem>>, vector<16xf32>,
    tpu.vector_store %arg16[%swap3A_142, %swap3A_143], %broadcast_in_dim3A_1 {strides = array<i32>} : memref<16x64xf32, #tpu.memory_space<vmem>>, vector<16xf32>,
    %swap3A_145 = arith.constant 9 : i32
    %swap3A_146 = arith.index_cast %swap3A_145 : i32 to index
    %swap3A_147 = arith.constant 0 : index
    %swap3A_148 = tpu.vector_load %arg16[%swap3A_146, %swap3A_147] {strides = array<i32>} : memref<16x64xf32, #tpu.memory_space<vmem>>, vector<16xf32>,
    tpu.vector_store %arg16[%swap3A_146, %swap3A_147], %broadcast_in_dim3A_1 {strides = array<i32>} : memref<16x64xf32, #tpu.memory_space<vmem>>, vector<16xf32>,
    %swap3A_149 = arith.constant 9 : i32
    %swap3A_150 = arith.index_cast %swap3A_149 : i32 to index
    %swap3A_151 = arith.constant 16 : index
    %swap3A_152 = tpu.vector_load %arg16[%swap3A_150, %swap3A_151] {strides = array<i32>} : memref<16x64xf32, #tpu.memory_space<vmem>>, vector<16xf32>,
    tpu.vector_store %arg16[%swap3A_150, %swap3A_151], %broadcast_in_dim3A_1 {strides = array<i32>} : memref<16x64xf32, #tpu.memory_space<vmem>>, vector<16xf32>,
    %swap3A_153 = arith.constant 9 : i32
    %swap3A_154 = arith.index_cast %swap3A_153 : i32 to index
    %swap3A_155 = arith.constant 32 : index
    %swap3A_156 = tpu.vector_load %arg16[%swap3A_154, %swap3A_155] {strides = array<i32>} : memref<16x64xf32, #tpu.memory_space<vmem>>, vector<16xf32>,
    tpu.vector_store %arg16[%swap3A_154, %swap3A_155], %broadcast_in_dim3A_1 {strides = array<i32>} : memref<16x64xf32, #tpu.memory_space<vmem>>, vector<16xf32>,
    %swap3A_157 = arith.constant 9 : i32
    %swap3A_158 = arith.index_cast %swap3A_157 : i32 to index
    %swap3A_159 = arith.constant 48 : index
    %swap3A_160 = tpu.vector_load %arg16[%swap3A_158, %swap3A_159] {strides = array<i32>} : memref<16x64xf32, #tpu.memory_space<vmem>>, vector<16xf32>,
    tpu.vector_store %arg16[%swap3A_158, %swap3A_159], %broadcast_in_dim3A_1 {strides = array<i32>} : memref<16x64xf32, #tpu.memory_space<vmem>>, vector<16xf32>,
    %swap3A_161 = arith.constant 10 : i32
    %swap3A_162 = arith.index_cast %swap3A_161 : i32 to index
    %swap3A_163 = arith.constant 0 : index
    %swap3A_164 = tpu.vector_load %arg16[%swap3A_162, %swap3A_163] {strides = array<i32>} : memref<16x64xf32, #tpu.memory_space<vmem>>, vector<16xf32>,
    tpu.vector_store %arg16[%swap3A_162, %swap3A_163], %broadcast_in_dim3A_1 {strides = array<i32>} : memref<16x64xf32, #tpu.memory_space<vmem>>, vector<16xf32>,
    %swap3A_165 = arith.constant 10 : i32
    %swap3A_166 = arith.index_cast %swap3A_165 : i32 to index
    %swap3A_167 = arith.constant 16 : index
    %swap3A_168 = tpu.vector_load %arg16[%swap3A_166, %swap3A_167] {strides = array<i32>} : memref<16x64xf32, #tpu.memory_space<vmem>>, vector<16xf32>,
    tpu.vector_store %arg16[%swap3A_166, %swap3A_167], %broadcast_in_dim3A_1 {strides = array<i32>} : memref<16x64xf32, #tpu.memory_space<vmem>>, vector<16xf32>,
    %swap3A_169 = arith.constant 10 : i32
    %swap3A_170 = arith.index_cast %swap3A_169 : i32 to index
    %swap3A_171 = arith.constant 32 : index
    %swap3A_172 = tpu.vector_load %arg16[%swap3A_170, %swap3A_171] {strides = array<i32>} : memref<16x64xf32, #tpu.memory_space<vmem>>, vector<16xf32>,
    tpu.vector_store %arg16[%swap3A_170, %swap3A_171], %broadcast_in_dim3A_1 {strides = array<i32>} : memref<16x64xf32, #tpu.memory_space<vmem>>, vector<16xf32>,
    %swap3A_173 = arith.constant 10 : i32
    %swap3A_174 = arith.index_cast %swap3A_173 : i32 to index
    %swap3A_175 = arith.constant 48 : index
    %swap3A_176 = tpu.vector_load %arg16[%swap3A_174, %swap3A_175] {strides = array<i32>} : memref<16x64xf32, #tpu.memory_space<vmem>>, vector<16xf32>,
    tpu.vector_store %arg16[%swap3A_174, %swap3A_175], %broadcast_in_dim3A_1 {strides = array<i32>} : memref<16x64xf32, #tpu.memory_space<vmem>>, vector<16xf32>,
    %swap3A_177 = arith.constant 11 : i32
    %swap3A_178 = arith.index_cast %swap3A_177 : i32 to index
    %swap3A_179 = arith.constant 0 : index
    %swap3A_180 = tpu.vector_load %arg16[%swap3A_178, %swap3A_179] {strides = array<i32>} : memref<16x64xf32, #tpu.memory_space<vmem>>, vector<16xf32>,
    tpu.vector_store %arg16[%swap3A_178, %swap3A_179], %broadcast_in_dim3A_1 {strides = array<i32>} : memref<16x64xf32, #tpu.memory_space<vmem>>, vector<16xf32>,
    %swap3A_181 = arith.constant 11 : i32
    %swap3A_182 = arith.index_cast %swap3A_181 : i32 to index
    %swap3A_183 = arith.constant 16 : index
    %swap3A_184 = tpu.vector_load %arg16[%swap3A_182, %swap3A_183] {strides = array<i32>} : memref<16x64xf32, #tpu.memory_space<vmem>>, vector<16xf32>,
    tpu.vector_store %arg16[%swap3A_182, %swap3A_183], %broadcast_in_dim3A_1 {strides = array<i32>} : memref<16x64xf32, #tpu.memory_space<vmem>>, vector<16xf32>,
    %swap3A_185 = arith.constant 11 : i32
    %swap3A_186 = arith.index_cast %swap3A_185 : i32 to index
    %swap3A_187 = arith.constant 32 : index
    %swap3A_188 = tpu.vector_load %arg16[%swap3A_186, %swap3A_187] {strides = array<i32>} : memref<16x64xf32, #tpu.memory_space<vmem>>, vector<16xf32>,
    tpu.vector_store %arg16[%swap3A_186, %swap3A_187], %broadcast_in_dim3A_1 {strides = array<i32>} : memref<16x64xf32, #tpu.memory_space<vmem>>, vector<16xf32>,
    %swap3A_189 = arith.constant 11 : i32
    %swap3A_190 = arith.index_cast %swap3A_189 : i32 to index
    %swap3A_191 = arith.constant 48 : index
    %swap3A_192 = tpu.vector_load %arg16[%swap3A_190, %swap3A_191] {strides = array<i32>} : memref<16x64xf32, #tpu.memory_space<vmem>>, vector<16xf32>,
    tpu.vector_store %arg16[%swap3A_190, %swap3A_191], %broadcast_in_dim3A_1 {strides = array<i32>} : memref<16x64xf32, #tpu.memory_space<vmem>>, vector<16xf32>,
    %swap3A_193 = arith.constant 12 : i32
    %swap3A_194 = arith.index_cast %swap3A_193 : i32 to index
    %swap3A_195 = arith.constant 0 : index
    %swap3A_196 = tpu.vector_load %arg16[%swap3A_194, %swap3A_195] {strides = array<i32>} : memref<16x64xf32, #tpu.memory_space<vmem>>, vector<16xf32>,
    tpu.vector_store %arg16[%swap3A_194, %swap3A_195], %broadcast_in_dim3A_1 {strides = array<i32>} : memref<16x64xf32, #tpu.memory_space<vmem>>, vector<16xf32>,
    %swap3A_197 = arith.constant 12 : i32
    %swap3A_198 = arith.index_cast %swap3A_197 : i32 to index
    %swap3A_199 = arith.constant 16 : index
    %swap3A_200 = tpu.vector_load %arg16[%swap3A_198, %swap3A_199] {strides = array<i32>} : memref<16x64xf32, #tpu.memory_space<vmem>>, vector<16xf32>,
    tpu.vector_store %arg16[%swap3A_198, %swap3A_199], %broadcast_in_dim3A_1 {strides = array<i32>} : memref<16x64xf32, #tpu.memory_space<vmem>>, vector<16xf32>,
    %swap3A_201 = arith.constant 12 : i32
    %swap3A_202 = arith.index_cast %swap3A_201 : i32 to index
    %swap3A_203 = arith.constant 32 : index
    %swap3A_204 = tpu.vector_load %arg16[%swap3A_202, %swap3A_203] {strides = array<i32>} : memref<16x64xf32, #tpu.memory_space<vmem>>, vector<16xf32>,
    tpu.vector_store %arg16[%swap3A_202, %swap3A_203], %broadcast_in_dim3A_1 {strides = array<i32>} : memref<16x64xf32, #tpu.memory_space<vmem>>, vector<16xf32>,
    %swap3A_205 = arith.constant 12 : i32
    %swap3A_206 = arith.index_cast %swap3A_205 : i32 to index
    %swap3A_207 = arith.constant 48 : index
    %swap3A_208 = tpu.vector_load %arg16[%swap3A_206, %swap3A_207] {strides = array<i32>} : memref<16x64xf32, #tpu.memory_space<vmem>>, vector<16xf32>,
    tpu.vector_store %arg16[%swap3A_206, %swap3A_207], %broadcast_in_dim3A_1 {strides = array<i32>} : memref<16x64xf32, #tpu.memory_space<vmem>>, vector<16xf32>,
    %swap3A_209 = arith.constant 13 : i32
    %swap3A_210 = arith.index_cast %swap3A_209 : i32 to index
    %swap3A_211 = arith.constant 0 : index
    %swap3A_212 = tpu.vector_load %arg16[%swap3A_210, %swap3A_211] {strides = array<i32>} : memref<16x64xf32, #tpu.memory_space<vmem>>, vector<16xf32>,
    tpu.vector_store %arg16[%swap3A_210, %swap3A_211], %broadcast_in_dim3A_1 {strides = array<i32>} : memref<16x64xf32, #tpu.memory_space<vmem>>, vector<16xf32>,
    %swap3A_213 = arith.constant 13 : i32
    %swap3A_214 = arith.index_cast %swap3A_213 : i32 to index
    %swap3A_215 = arith.constant 16 : index
    %swap3A_216 = tpu.vector_load %arg16[%swap3A_214, %swap3A_215] {strides = array<i32>} : memref<16x64xf32, #tpu.memory_space<vmem>>, vector<16xf32>,
    tpu.vector_store %arg16[%swap3A_214, %swap3A_215], %broadcast_in_dim3A_1 {strides = array<i32>} : memref<16x64xf32, #tpu.memory_space<vmem>>, vector<16xf32>,
    %swap3A_217 = arith.constant 13 : i32
    %swap3A_218 = arith.index_cast %swap3A_217 : i32 to index
    %swap3A_219 = arith.constant 32 : index
    %swap3A_220 = tpu.vector_load %arg16[%swap3A_218, %swap3A_219] {strides = array<i32>} : memref<16x64xf32, #tpu.memory_space<vmem>>, vector<16xf32>,
    tpu.vector_store %arg16[%swap3A_218, %swap3A_219], %broadcast_in_dim3A_1 {strides = array<i32>} : memref<16x64xf32, #tpu.memory_space<vmem>>, vector<16xf32>,
    %swap3A_221 = arith.constant 13 : i32
    %swap3A_222 = arith.index_cast %swap3A_221 : i32 to index
    %swap3A_223 = arith.constant 48 : index
    %swap3A_224 = tpu.vector_load %arg16[%swap3A_222, %swap3A_223] {strides = array<i32>} : memref<16x64xf32, #tpu.memory_space<vmem>>, vector<16xf32>,
    tpu.vector_store %arg16[%swap3A_222, %swap3A_223], %broadcast_in_dim3A_1 {strides = array<i32>} : memref<16x64xf32, #tpu.memory_space<vmem>>, vector<16xf32>,
    %swap3A_225 = arith.constant 14 : i32
    %swap3A_226 = arith.index_cast %swap3A_225 : i32 to index
    %swap3A_227 = arith.constant 0 : index
    %swap3A_228 = tpu.vector_load %arg16[%swap3A_226, %swap3A_227] {strides = array<i32>} : memref<16x64xf32, #tpu.memory_space<vmem>>, vector<16xf32>,
    tpu.vector_store %arg16[%swap3A_226, %swap3A_227], %broadcast_in_dim3A_1 {strides = array<i32>} : memref<16x64xf32, #tpu.memory_space<vmem>>, vector<16xf32>,
    %swap3A_229 = arith.constant 14 : i32
    %swap3A_230 = arith.index_cast %swap3A_229 : i32 to index
    %swap3A_231 = arith.constant 16 : index
    %swap3A_232 = tpu.vector_load %arg16[%swap3A_230, %swap3A_231] {strides = array<i32>} : memref<16x64xf32, #tpu.memory_space<vmem>>, vector<16xf32>,
    tpu.vector_store %arg16[%swap3A_230, %swap3A_231], %broadcast_in_dim3A_1 {strides = array<i32>} : memref<16x64xf32, #tpu.memory_space<vmem>>, vector<16xf32>,
    %swap3A_233 = arith.constant 14 : i32
    %swap3A_234 = arith.index_cast %swap3A_233 : i32 to index
    %swap3A_235 = arith.constant 32 : index
    %swap3A_236 = tpu.vector_load %arg16[%swap3A_234, %swap3A_235] {strides = array<i32>} : memref<16x64xf32, #tpu.memory_space<vmem>>, vector<16xf32>,
    tpu.vector_store %arg16[%swap3A_234, %swap3A_235], %broadcast_in_dim3A_1 {strides = array<i32>} : memref<16x64xf32, #tpu.memory_space<vmem>>, vector<16xf32>,
    %swap3A_237 = arith.constant 14 : i32
    %swap3A_238 = arith.index_cast %swap3A_237 : i32 to index
    %swap3A_239 = arith.constant 48 : index
    %swap3A_240 = tpu.vector_load %arg16[%swap3A_238, %swap3A_239] {strides = array<i32>} : memref<16x64xf32, #tpu.memory_space<vmem>>, vector<16xf32>,
    tpu.vector_store %arg16[%swap3A_238, %swap3A_239], %broadcast_in_dim3A_1 {strides = array<i32>} : memref<16x64xf32, #tpu.memory_space<vmem>>, vector<16xf32>,
    %swap3A_241 = arith.constant 15 : i32
    %swap3A_242 = arith.index_cast %swap3A_241 : i32 to index
    %swap3A_243 = arith.constant 0 : index
    %swap3A_244 = tpu.vector_load %arg16[%swap3A_242, %swap3A_243] {strides = array<i32>} : memref<16x64xf32, #tpu.memory_space<vmem>>, vector<16xf32>,
    tpu.vector_store %arg16[%swap3A_242, %swap3A_243], %broadcast_in_dim3A_1 {strides = array<i32>} : memref<16x64xf32, #tpu.memory_space<vmem>>, vector<16xf32>,
    %swap3A_245 = arith.constant 15 : i32
    %swap3A_246 = arith.index_cast %swap3A_245 : i32 to index
    %swap3A_247 = arith.constant 16 : index
    %swap3A_248 = tpu.vector_load %arg16[%swap3A_246, %swap3A_247] {strides = array<i32>} : memref<16x64xf32, #tpu.memory_space<vmem>>, vector<16xf32>,
    tpu.vector_store %arg16[%swap3A_246, %swap3A_247], %broadcast_in_dim3A_1 {strides = array<i32>} : memref<16x64xf32, #tpu.memory_space<vmem>>, vector<16xf32>,
    %swap3A_249 = arith.constant 15 : i32
    %swap3A_250 = arith.index_cast %swap3A_249 : i32 to index
    %swap3A_251 = arith.constant 32 : index
    %swap3A_252 = tpu.vector_load %arg16[%swap3A_250, %swap3A_251] {strides = array<i32>} : memref<16x64xf32, #tpu.memory_space<vmem>>, vector<16xf32>,
    tpu.vector_store %arg16[%swap3A_250, %swap3A_251], %broadcast_in_dim3A_1 {strides = array<i32>} : memref<16x64xf32, #tpu.memory_space<vmem>>, vector<16xf32>,
    %swap3A_253 = arith.constant 15 : i32
    %swap3A_254 = arith.index_cast %swap3A_253 : i32 to index
    %swap3A_255 = arith.constant 48 : index
    %swap3A_256 = tpu.vector_load %arg16[%swap3A_254, %swap3A_255] {strides = array<i32>} : memref<16x64xf32, #tpu.memory_space<vmem>>, vector<16xf32>,
    tpu.vector_store %arg16[%swap3A_254, %swap3A_255], %broadcast_in_dim3A_1 {strides = array<i32>} : memref<16x64xf32, #tpu.memory_space<vmem>>, vector<16xf32>,
    %mul3A_257 = arith.constant 624 : i32
    %mul3A_258 = arith.muli %arg1, %mul3A_257 : i32
    %add3A_259 = arith.constant 0 : i32
    %add3A_260 = arith.addi %mul3A_258, %add3A_259 : i32
    "tpu.region"() ({
      %run_scoped3A = tpu.sem_alloc : memref<!tpu.dma_semaphore, #tpu.memory_space<semaphore_mem>>
      %dma_start3A_385 = arith.constant 0 : i32
      %dma_start3A_386 = tpu.memref_slice %arg17[%add3A_260, %dma_start3A_385] : memref<10000x64xf32, #tpu.memory_space<vmem_shared>> -> memref<16x64xf32, #tpu.memory_space<vmem_shared>>
      %dma_start3A_387 = arith.constant 0 : i32
      %dma_start3A_388 = tpu.memref_slice %arg17[%add3A_260, %dma_start3A_387] : memref<10000x64xf32, #tpu.memory_space<vmem_shared>> -> memref<16x64xf32, #tpu.memory_space<vmem_shared>>
      tpu.enqueue_dma source(%arg16 : memref<16x64xf32, #tpu.memory_space<vmem>>) target(%dma_start3A_388 : memref<16x64xf32, #tpu.memory_space<vmem_shared>>) target_semaphore(%run_scoped3A : memref<!tpu.dma_semaphore, #tpu.memory_space<semaphore_mem>>)
      %dma_wait3A = arith.constant 0 : i32
      %dma_wait3A_389 = tpu.memref_slice %arg17[%add3A_260, %dma_wait3A] : memref<10000x64xf32, #tpu.memory_space<vmem_shared>> -> memref<16x64xf32, #tpu.memory_space<vmem_shared>>
      %dma_wait3A_390 = arith.constant 0 : i32
      %dma_wait3A_391 = tpu.memref_slice %arg17[%add3A_260, %dma_wait3A_390] : memref<10000x64xf32, #tpu.memory_space<vmem_shared>> -> memref<16x64xf32, #tpu.memory_space<vmem_shared>>
      tpu.wait_dma2 semaphore(%run_scoped3A : memref<!tpu.dma_semaphore, #tpu.memory_space<semaphore_mem>>) src(%arg16 : memref<16x64xf32, #tpu.memory_space<vmem>>) dst(%dma_wait3A_391 : memref<16x64xf32, #tpu.memory_space<vmem_shared>>)
      tpu.yield
    }) : () -> ()
    %add3A_261 = arith.constant 16 : i32
    %add3A_262 = arith.addi %mul3A_258, %add3A_261 : i32
    "tpu.region"() ({
      %run_scoped3A = tpu.sem_alloc : memref<!tpu.dma_semaphore, #tpu.memory_space<semaphore_mem>>
      %dma_start3A_385 = arith.constant 0 : i32
      %dma_start3A_386 = tpu.memref_slice %arg17[%add3A_262, %dma_start3A_385] : memref<10000x64xf32, #tpu.memory_space<vmem_shared>> -> memref<16x64xf32, #tpu.memory_space<vmem_shared>>
      %dma_start3A_387 = arith.constant 0 : i32
      %dma_start3A_388 = tpu.memref_slice %arg17[%add3A_262, %dma_start3A_387] : memref<10000x64xf32, #tpu.memory_space<vmem_shared>> -> memref<16x64xf32, #tpu.memory_space<vmem_shared>>
      tpu.enqueue_dma source(%arg16 : memref<16x64xf32, #tpu.memory_space<vmem>>) target(%dma_start3A_388 : memref<16x64xf32, #tpu.memory_space<vmem_shared>>) target_semaphore(%run_scoped3A : memref<!tpu.dma_semaphore, #tpu.memory_space<semaphore_mem>>)
      %dma_wait3A = arith.constant 0 : i32
      %dma_wait3A_389 = tpu.memref_slice %arg17[%add3A_262, %dma_wait3A] : memref<10000x64xf32, #tpu.memory_space<vmem_shared>> -> memref<16x64xf32, #tpu.memory_space<vmem_shared>>
      %dma_wait3A_390 = arith.constant 0 : i32
      %dma_wait3A_391 = tpu.memref_slice %arg17[%add3A_262, %dma_wait3A_390] : memref<10000x64xf32, #tpu.memory_space<vmem_shared>> -> memref<16x64xf32, #tpu.memory_space<vmem_shared>>
      tpu.wait_dma2 semaphore(%run_scoped3A : memref<!tpu.dma_semaphore, #tpu.memory_space<semaphore_mem>>) src(%arg16 : memref<16x64xf32, #tpu.memory_space<vmem>>) dst(%dma_wait3A_391 : memref<16x64xf32, #tpu.memory_space<vmem_shared>>)
      tpu.yield
    }) : () -> ()
    %add3A_263 = arith.constant 32 : i32
    %add3A_264 = arith.addi %mul3A_258, %add3A_263 : i32
    "tpu.region"() ({
      %run_scoped3A = tpu.sem_alloc : memref<!tpu.dma_semaphore, #tpu.memory_space<semaphore_mem>>
      %dma_start3A_385 = arith.constant 0 : i32
      %dma_start3A_386 = tpu.memref_slice %arg17[%add3A_264, %dma_start3A_385] : memref<10000x64xf32, #tpu.memory_space<vmem_shared>> -> memref<16x64xf32, #tpu.memory_space<vmem_shared>>
      %dma_start3A_387 = arith.constant 0 : i32
      %dma_start3A_388 = tpu.memref_slice %arg17[%add3A_264, %dma_start3A_387] : memref<10000x64xf32, #tpu.memory_space<vmem_shared>> -> memref<16x64xf32, #tpu.memory_space<vmem_shared>>
      tpu.enqueue_dma source(%arg16 : memref<16x64xf32, #tpu.memory_space<vmem>>) target(%dma_start3A_388 : memref<16x64xf32, #tpu.memory_space<vmem_shared>>) target_semaphore(%run_scoped3A : memref<!tpu.dma_semaphore, #tpu.memory_space<semaphore_mem>>)
      %dma_wait3A = arith.constant 0 : i32
      %dma_wait3A_389 = tpu.memref_slice %arg17[%add3A_264, %dma_wait3A] : memref<10000x64xf32, #tpu.memory_space<vmem_shared>> -> memref<16x64xf32, #tpu.memory_space<vmem_shared>>
      %dma_wait3A_390 = arith.constant 0 : i32
      %dma_wait3A_391 = tpu.memref_slice %arg17[%add3A_264, %dma_wait3A_390] : memref<10000x64xf32, #tpu.memory_space<vmem_shared>> -> memref<16x64xf32, #tpu.memory_space<vmem_shared>>
      tpu.wait_dma2 semaphore(%run_scoped3A : memref<!tpu.dma_semaphore, #tpu.memory_space<semaphore_mem>>) src(%arg16 : memref<16x64xf32, #tpu.memory_space<vmem>>) dst(%dma_wait3A_391 : memref<16x64xf32, #tpu.memory_space<vmem_shared>>)
      tpu.yield
    }) : () -> ()
    %add3A_265 = arith.constant 48 : i32
    %add3A_266 = arith.addi %mul3A_258, %add3A_265 : i32
    "tpu.region"() ({
      %run_scoped3A = tpu.sem_alloc : memref<!tpu.dma_semaphore, #tpu.memory_space<semaphore_mem>>
      %dma_start3A_385 = arith.constant 0 : i32
      %dma_start3A_386 = tpu.memref_slice %arg17[%add3A_266, %dma_start3A_385] : memref<10000x64xf32, #tpu.memory_space<vmem_shared>> -> memref<16x64xf32, #tpu.memory_space<vmem_shared>>
      %dma_start3A_387 = arith.constant 0 : i32
      %dma_start3A_388 = tpu.memref_slice %arg17[%add3A_266, %dma_start3A_387] : memref<10000x64xf32, #tpu.memory_space<vmem_shared>> -> memref<16x64xf32, #tpu.memory_space<vmem_shared>>
      tpu.enqueue_dma source(%arg16 : memref<16x64xf32, #tpu.memory_space<vmem>>) target(%dma_start3A_388 : memref<16x64xf32, #tpu.memory_space<vmem_shared>>) target_semaphore(%run_scoped3A : memref<!tpu.dma_semaphore, #tpu.memory_space<semaphore_mem>>)
      %dma_wait3A = arith.constant 0 : i32
      %dma_wait3A_389 = tpu.memref_slice %arg17[%add3A_266, %dma_wait3A] : memref<10000x64xf32, #tpu.memory_space<vmem_shared>> -> memref<16x64xf32, #tpu.memory_space<vmem_shared>>
      %dma_wait3A_390 = arith.constant 0 : i32
      %dma_wait3A_391 = tpu.memref_slice %arg17[%add3A_266, %dma_wait3A_390] : memref<10000x64xf32, #tpu.memory_space<vmem_shared>> -> memref<16x64xf32, #tpu.memory_space<vmem_shared>>
      tpu.wait_dma2 semaphore(%run_scoped3A : memref<!tpu.dma_semaphore, #tpu.memory_space<semaphore_mem>>) src(%arg16 : memref<16x64xf32, #tpu.memory_space<vmem>>) dst(%dma_wait3A_391 : memref<16x64xf32, #tpu.memory_space<vmem_shared>>)
      tpu.yield
    }) : () -> ()
    %add3A_267 = arith.constant 64 : i32
    %add3A_268 = arith.addi %mul3A_258, %add3A_267 : i32
    "tpu.region"() ({
      %run_scoped3A = tpu.sem_alloc : memref<!tpu.dma_semaphore, #tpu.memory_space<semaphore_mem>>
      %dma_start3A_385 = arith.constant 0 : i32
      %dma_start3A_386 = tpu.memref_slice %arg17[%add3A_268, %dma_start3A_385] : memref<10000x64xf32, #tpu.memory_space<vmem_shared>> -> memref<16x64xf32, #tpu.memory_space<vmem_shared>>
      %dma_start3A_387 = arith.constant 0 : i32
      %dma_start3A_388 = tpu.memref_slice %arg17[%add3A_268, %dma_start3A_387] : memref<10000x64xf32, #tpu.memory_space<vmem_shared>> -> memref<16x64xf32, #tpu.memory_space<vmem_shared>>
      tpu.enqueue_dma source(%arg16 : memref<16x64xf32, #tpu.memory_space<vmem>>) target(%dma_start3A_388 : memref<16x64xf32, #tpu.memory_space<vmem_shared>>) target_semaphore(%run_scoped3A : memref<!tpu.dma_semaphore, #tpu.memory_space<semaphore_mem>>)
      %dma_wait3A = arith.constant 0 : i32
      %dma_wait3A_389 = tpu.memref_slice %arg17[%add3A_268, %dma_wait3A] : memref<10000x64xf32, #tpu.memory_space<vmem_shared>> -> memref<16x64xf32, #tpu.memory_space<vmem_shared>>
      %dma_wait3A_390 = arith.constant 0 : i32
      %dma_wait3A_391 = tpu.memref_slice %arg17[%add3A_268, %dma_wait3A_390] : memref<10000x64xf32, #tpu.memory_space<vmem_shared>> -> memref<16x64xf32, #tpu.memory_space<vmem_shared>>
      tpu.wait_dma2 semaphore(%run_scoped3A : memref<!tpu.dma_semaphore, #tpu.memory_space<semaphore_mem>>) src(%arg16 : memref<16x64xf32, #tpu.memory_space<vmem>>) dst(%dma_wait3A_391 : memref<16x64xf32, #tpu.memory_space<vmem_shared>>)
      tpu.yield
    }) : () -> ()
    %add3A_269 = arith.constant 80 : i32
    %add3A_270 = arith.addi %mul3A_258, %add3A_269 : i32
    "tpu.region"() ({
      %run_scoped3A = tpu.sem_alloc : memref<!tpu.dma_semaphore, #tpu.memory_space<semaphore_mem>>
      %dma_start3A_385 = arith.constant 0 : i32
      %dma_start3A_386 = tpu.memref_slice %arg17[%add3A_270, %dma_start3A_385] : memref<10000x64xf32, #tpu.memory_space<vmem_shared>> -> memref<16x64xf32, #tpu.memory_space<vmem_shared>>
      %dma_start3A_387 = arith.constant 0 : i32
      %dma_start3A_388 = tpu.memref_slice %arg17[%add3A_270, %dma_start3A_387] : memref<10000x64xf32, #tpu.memory_space<vmem_shared>> -> memref<16x64xf32, #tpu.memory_space<vmem_shared>>
      tpu.enqueue_dma source(%arg16 : memref<16x64xf32, #tpu.memory_space<vmem>>) target(%dma_start3A_388 : memref<16x64xf32, #tpu.memory_space<vmem_shared>>) target_semaphore(%run_scoped3A : memref<!tpu.dma_semaphore, #tpu.memory_space<semaphore_mem>>)
      %dma_wait3A = arith.constant 0 : i32
      %dma_wait3A_389 = tpu.memref_slice %arg17[%add3A_270, %dma_wait3A] : memref<10000x64xf32, #tpu.memory_space<vmem_shared>> -> memref<16x64xf32, #tpu.memory_space<vmem_shared>>
      %dma_wait3A_390 = arith.constant 0 : i32
      %dma_wait3A_391 = tpu.memref_slice %arg17[%add3A_270, %dma_wait3A_390] : memref<10000x64xf32, #tpu.memory_space<vmem_shared>> -> memref<16x64xf32, #tpu.memory_space<vmem_shared>>
      tpu.wait_dma2 semaphore(%run_scoped3A : memref<!tpu.dma_semaphore, #tpu.memory_space<semaphore_mem>>) src(%arg16 : memref<16x64xf32, #tpu.memory_space<vmem>>) dst(%dma_wait3A_391 : memref<16x64xf32, #tpu.memory_space<vmem_shared>>)
      tpu.yield
    }) : () -> ()
    %add3A_271 = arith.constant 96 : i32
    %add3A_272 = arith.addi %mul3A_258, %add3A_271 : i32
    "tpu.region"() ({
      %run_scoped3A = tpu.sem_alloc : memref<!tpu.dma_semaphore, #tpu.memory_space<semaphore_mem>>
      %dma_start3A_385 = arith.constant 0 : i32
      %dma_start3A_386 = tpu.memref_slice %arg17[%add3A_272, %dma_start3A_385] : memref<10000x64xf32, #tpu.memory_space<vmem_shared>> -> memref<16x64xf32, #tpu.memory_space<vmem_shared>>
      %dma_start3A_387 = arith.constant 0 : i32
      %dma_start3A_388 = tpu.memref_slice %arg17[%add3A_272, %dma_start3A_387] : memref<10000x64xf32, #tpu.memory_space<vmem_shared>> -> memref<16x64xf32, #tpu.memory_space<vmem_shared>>
      tpu.enqueue_dma source(%arg16 : memref<16x64xf32, #tpu.memory_space<vmem>>) target(%dma_start3A_388 : memref<16x64xf32, #tpu.memory_space<vmem_shared>>) target_semaphore(%run_scoped3A : memref<!tpu.dma_semaphore, #tpu.memory_space<semaphore_mem>>)
      %dma_wait3A = arith.constant 0 : i32
      %dma_wait3A_389 = tpu.memref_slice %arg17[%add3A_272, %dma_wait3A] : memref<10000x64xf32, #tpu.memory_space<vmem_shared>> -> memref<16x64xf32, #tpu.memory_space<vmem_shared>>
      %dma_wait3A_390 = arith.constant 0 : i32
      %dma_wait3A_391 = tpu.memref_slice %arg17[%add3A_272, %dma_wait3A_390] : memref<10000x64xf32, #tpu.memory_space<vmem_shared>> -> memref<16x64xf32, #tpu.memory_space<vmem_shared>>
      tpu.wait_dma2 semaphore(%run_scoped3A : memref<!tpu.dma_semaphore, #tpu.memory_space<semaphore_mem>>) src(%arg16 : memref<16x64xf32, #tpu.memory_space<vmem>>) dst(%dma_wait3A_391 : memref<16x64xf32, #tpu.memory_space<vmem_shared>>)
      tpu.yield
    }) : () -> ()
    %add3A_273 = arith.constant 112 : i32
    %add3A_274 = arith.addi %mul3A_258, %add3A_273 : i32
    "tpu.region"() ({
      %run_scoped3A = tpu.sem_alloc : memref<!tpu.dma_semaphore, #tpu.memory_space<semaphore_mem>>
      %dma_start3A_385 = arith.constant 0 : i32
      %dma_start3A_386 = tpu.memref_slice %arg17[%add3A_274, %dma_start3A_385] : memref<10000x64xf32, #tpu.memory_space<vmem_shared>> -> memref<16x64xf32, #tpu.memory_space<vmem_shared>>
      %dma_start3A_387 = arith.constant 0 : i32
      %dma_start3A_388 = tpu.memref_slice %arg17[%add3A_274, %dma_start3A_387] : memref<10000x64xf32, #tpu.memory_space<vmem_shared>> -> memref<16x64xf32, #tpu.memory_space<vmem_shared>>
      tpu.enqueue_dma source(%arg16 : memref<16x64xf32, #tpu.memory_space<vmem>>) target(%dma_start3A_388 : memref<16x64xf32, #tpu.memory_space<vmem_shared>>) target_semaphore(%run_scoped3A : memref<!tpu.dma_semaphore, #tpu.memory_space<semaphore_mem>>)
      %dma_wait3A = arith.constant 0 : i32
      %dma_wait3A_389 = tpu.memref_slice %arg17[%add3A_274, %dma_wait3A] : memref<10000x64xf32, #tpu.memory_space<vmem_shared>> -> memref<16x64xf32, #tpu.memory_space<vmem_shared>>
      %dma_wait3A_390 = arith.constant 0 : i32
      %dma_wait3A_391 = tpu.memref_slice %arg17[%add3A_274, %dma_wait3A_390] : memref<10000x64xf32, #tpu.memory_space<vmem_shared>> -> memref<16x64xf32, #tpu.memory_space<vmem_shared>>
      tpu.wait_dma2 semaphore(%run_scoped3A : memref<!tpu.dma_semaphore, #tpu.memory_space<semaphore_mem>>) src(%arg16 : memref<16x64xf32, #tpu.memory_space<vmem>>) dst(%dma_wait3A_391 : memref<16x64xf32, #tpu.memory_space<vmem_shared>>)
      tpu.yield
    }) : () -> ()
    %add3A_275 = arith.constant 128 : i32
    %add3A_276 = arith.addi %mul3A_258, %add3A_275 : i32
    "tpu.region"() ({
      %run_scoped3A = tpu.sem_alloc : memref<!tpu.dma_semaphore, #tpu.memory_space<semaphore_mem>>
      %dma_start3A_385 = arith.constant 0 : i32
      %dma_start3A_386 = tpu.memref_slice %arg17[%add3A_276, %dma_start3A_385] : memref<10000x64xf32, #tpu.memory_space<vmem_shared>> -> memref<16x64xf32, #tpu.memory_space<vmem_shared>>
      %dma_start3A_387 = arith.constant 0 : i32
      %dma_start3A_388 = tpu.memref_slice %arg17[%add3A_276, %dma_start3A_387] : memref<10000x64xf32, #tpu.memory_space<vmem_shared>> -> memref<16x64xf32, #tpu.memory_space<vmem_shared>>
      tpu.enqueue_dma source(%arg16 : memref<16x64xf32, #tpu.memory_space<vmem>>) target(%dma_start3A_388 : memref<16x64xf32, #tpu.memory_space<vmem_shared>>) target_semaphore(%run_scoped3A : memref<!tpu.dma_semaphore, #tpu.memory_space<semaphore_mem>>)
      %dma_wait3A = arith.constant 0 : i32
      %dma_wait3A_389 = tpu.memref_slice %arg17[%add3A_276, %dma_wait3A] : memref<10000x64xf32, #tpu.memory_space<vmem_shared>> -> memref<16x64xf32, #tpu.memory_space<vmem_shared>>
      %dma_wait3A_390 = arith.constant 0 : i32
      %dma_wait3A_391 = tpu.memref_slice %arg17[%add3A_276, %dma_wait3A_390] : memref<10000x64xf32, #tpu.memory_space<vmem_shared>> -> memref<16x64xf32, #tpu.memory_space<vmem_shared>>
      tpu.wait_dma2 semaphore(%run_scoped3A : memref<!tpu.dma_semaphore, #tpu.memory_space<semaphore_mem>>) src(%arg16 : memref<16x64xf32, #tpu.memory_space<vmem>>) dst(%dma_wait3A_391 : memref<16x64xf32, #tpu.memory_space<vmem_shared>>)
      tpu.yield
    }) : () -> ()
    %add3A_277 = arith.constant 144 : i32
    %add3A_278 = arith.addi %mul3A_258, %add3A_277 : i32
    "tpu.region"() ({
      %run_scoped3A = tpu.sem_alloc : memref<!tpu.dma_semaphore, #tpu.memory_space<semaphore_mem>>
      %dma_start3A_385 = arith.constant 0 : i32
      %dma_start3A_386 = tpu.memref_slice %arg17[%add3A_278, %dma_start3A_385] : memref<10000x64xf32, #tpu.memory_space<vmem_shared>> -> memref<16x64xf32, #tpu.memory_space<vmem_shared>>
      %dma_start3A_387 = arith.constant 0 : i32
      %dma_start3A_388 = tpu.memref_slice %arg17[%add3A_278, %dma_start3A_387] : memref<10000x64xf32, #tpu.memory_space<vmem_shared>> -> memref<16x64xf32, #tpu.memory_space<vmem_shared>>
      tpu.enqueue_dma source(%arg16 : memref<16x64xf32, #tpu.memory_space<vmem>>) target(%dma_start3A_388 : memref<16x64xf32, #tpu.memory_space<vmem_shared>>) target_semaphore(%run_scoped3A : memref<!tpu.dma_semaphore, #tpu.memory_space<semaphore_mem>>)
      %dma_wait3A = arith.constant 0 : i32
      %dma_wait3A_389 = tpu.memref_slice %arg17[%add3A_278, %dma_wait3A] : memref<10000x64xf32, #tpu.memory_space<vmem_shared>> -> memref<16x64xf32, #tpu.memory_space<vmem_shared>>
      %dma_wait3A_390 = arith.constant 0 : i32
      %dma_wait3A_391 = tpu.memref_slice %arg17[%add3A_278, %dma_wait3A_390] : memref<10000x64xf32, #tpu.memory_space<vmem_shared>> -> memref<16x64xf32, #tpu.memory_space<vmem_shared>>
      tpu.wait_dma2 semaphore(%run_scoped3A : memref<!tpu.dma_semaphore, #tpu.memory_space<semaphore_mem>>) src(%arg16 : memref<16x64xf32, #tpu.memory_space<vmem>>) dst(%dma_wait3A_391 : memref<16x64xf32, #tpu.memory_space<vmem_shared>>)
      tpu.yield
    }) : () -> ()
    %add3A_279 = arith.constant 160 : i32
    %add3A_280 = arith.addi %mul3A_258, %add3A_279 : i32
    "tpu.region"() ({
      %run_scoped3A = tpu.sem_alloc : memref<!tpu.dma_semaphore, #tpu.memory_space<semaphore_mem>>
      %dma_start3A_385 = arith.constant 0 : i32
      %dma_start3A_386 = tpu.memref_slice %arg17[%add3A_280, %dma_start3A_385] : memref<10000x64xf32, #tpu.memory_space<vmem_shared>> -> memref<16x64xf32, #tpu.memory_space<vmem_shared>>
      %dma_start3A_387 = arith.constant 0 : i32
      %dma_start3A_388 = tpu.memref_slice %arg17[%add3A_280, %dma_start3A_387] : memref<10000x64xf32, #tpu.memory_space<vmem_shared>> -> memref<16x64xf32, #tpu.memory_space<vmem_shared>>
      tpu.enqueue_dma source(%arg16 : memref<16x64xf32, #tpu.memory_space<vmem>>) target(%dma_start3A_388 : memref<16x64xf32, #tpu.memory_space<vmem_shared>>) target_semaphore(%run_scoped3A : memref<!tpu.dma_semaphore, #tpu.memory_space<semaphore_mem>>)
      %dma_wait3A = arith.constant 0 : i32
      %dma_wait3A_389 = tpu.memref_slice %arg17[%add3A_280, %dma_wait3A] : memref<10000x64xf32, #tpu.memory_space<vmem_shared>> -> memref<16x64xf32, #tpu.memory_space<vmem_shared>>
      %dma_wait3A_390 = arith.constant 0 : i32
      %dma_wait3A_391 = tpu.memref_slice %arg17[%add3A_280, %dma_wait3A_390] : memref<10000x64xf32, #tpu.memory_space<vmem_shared>> -> memref<16x64xf32, #tpu.memory_space<vmem_shared>>
      tpu.wait_dma2 semaphore(%run_scoped3A : memref<!tpu.dma_semaphore, #tpu.memory_space<semaphore_mem>>) src(%arg16 : memref<16x64xf32, #tpu.memory_space<vmem>>) dst(%dma_wait3A_391 : memref<16x64xf32, #tpu.memory_space<vmem_shared>>)
      tpu.yield
    }) : () -> ()
    %add3A_281 = arith.constant 176 : i32
    %add3A_282 = arith.addi %mul3A_258, %add3A_281 : i32
    "tpu.region"() ({
      %run_scoped3A = tpu.sem_alloc : memref<!tpu.dma_semaphore, #tpu.memory_space<semaphore_mem>>
      %dma_start3A_385 = arith.constant 0 : i32
      %dma_start3A_386 = tpu.memref_slice %arg17[%add3A_282, %dma_start3A_385] : memref<10000x64xf32, #tpu.memory_space<vmem_shared>> -> memref<16x64xf32, #tpu.memory_space<vmem_shared>>
      %dma_start3A_387 = arith.constant 0 : i32
      %dma_start3A_388 = tpu.memref_slice %arg17[%add3A_282, %dma_start3A_387] : memref<10000x64xf32, #tpu.memory_space<vmem_shared>> -> memref<16x64xf32, #tpu.memory_space<vmem_shared>>
      tpu.enqueue_dma source(%arg16 : memref<16x64xf32, #tpu.memory_space<vmem>>) target(%dma_start3A_388 : memref<16x64xf32, #tpu.memory_space<vmem_shared>>) target_semaphore(%run_scoped3A : memref<!tpu.dma_semaphore, #tpu.memory_space<semaphore_mem>>)
      %dma_wait3A = arith.constant 0 : i32
      %dma_wait3A_389 = tpu.memref_slice %arg17[%add3A_282, %dma_wait3A] : memref<10000x64xf32, #tpu.memory_space<vmem_shared>> -> memref<16x64xf32, #tpu.memory_space<vmem_shared>>
      %dma_wait3A_390 = arith.constant 0 : i32
      %dma_wait3A_391 = tpu.memref_slice %arg17[%add3A_282, %dma_wait3A_390] : memref<10000x64xf32, #tpu.memory_space<vmem_shared>> -> memref<16x64xf32, #tpu.memory_space<vmem_shared>>
      tpu.wait_dma2 semaphore(%run_scoped3A : memref<!tpu.dma_semaphore, #tpu.memory_space<semaphore_mem>>) src(%arg16 : memref<16x64xf32, #tpu.memory_space<vmem>>) dst(%dma_wait3A_391 : memref<16x64xf32, #tpu.memory_space<vmem_shared>>)
      tpu.yield
    }) : () -> ()
    %add3A_283 = arith.constant 192 : i32
    %add3A_284 = arith.addi %mul3A_258, %add3A_283 : i32
    "tpu.region"() ({
      %run_scoped3A = tpu.sem_alloc : memref<!tpu.dma_semaphore, #tpu.memory_space<semaphore_mem>>
      %dma_start3A_385 = arith.constant 0 : i32
      %dma_start3A_386 = tpu.memref_slice %arg17[%add3A_284, %dma_start3A_385] : memref<10000x64xf32, #tpu.memory_space<vmem_shared>> -> memref<16x64xf32, #tpu.memory_space<vmem_shared>>
      %dma_start3A_387 = arith.constant 0 : i32
      %dma_start3A_388 = tpu.memref_slice %arg17[%add3A_284, %dma_start3A_387] : memref<10000x64xf32, #tpu.memory_space<vmem_shared>> -> memref<16x64xf32, #tpu.memory_space<vmem_shared>>
      tpu.enqueue_dma source(%arg16 : memref<16x64xf32, #tpu.memory_space<vmem>>) target(%dma_start3A_388 : memref<16x64xf32, #tpu.memory_space<vmem_shared>>) target_semaphore(%run_scoped3A : memref<!tpu.dma_semaphore, #tpu.memory_space<semaphore_mem>>)
      %dma_wait3A = arith.constant 0 : i32
      %dma_wait3A_389 = tpu.memref_slice %arg17[%add3A_284, %dma_wait3A] : memref<10000x64xf32, #tpu.memory_space<vmem_shared>> -> memref<16x64xf32, #tpu.memory_space<vmem_shared>>
      %dma_wait3A_390 = arith.constant 0 : i32
      %dma_wait3A_391 = tpu.memref_slice %arg17[%add3A_284, %dma_wait3A_390] : memref<10000x64xf32, #tpu.memory_space<vmem_shared>> -> memref<16x64xf32, #tpu.memory_space<vmem_shared>>
      tpu.wait_dma2 semaphore(%run_scoped3A : memref<!tpu.dma_semaphore, #tpu.memory_space<semaphore_mem>>) src(%arg16 : memref<16x64xf32, #tpu.memory_space<vmem>>) dst(%dma_wait3A_391 : memref<16x64xf32, #tpu.memory_space<vmem_shared>>)
      tpu.yield
    }) : () -> ()
    %add3A_285 = arith.constant 208 : i32
    %add3A_286 = arith.addi %mul3A_258, %add3A_285 : i32
    "tpu.region"() ({
      %run_scoped3A = tpu.sem_alloc : memref<!tpu.dma_semaphore, #tpu.memory_space<semaphore_mem>>
      %dma_start3A_385 = arith.constant 0 : i32
      %dma_start3A_386 = tpu.memref_slice %arg17[%add3A_286, %dma_start3A_385] : memref<10000x64xf32, #tpu.memory_space<vmem_shared>> -> memref<16x64xf32, #tpu.memory_space<vmem_shared>>
      %dma_start3A_387 = arith.constant 0 : i32
      %dma_start3A_388 = tpu.memref_slice %arg17[%add3A_286, %dma_start3A_387] : memref<10000x64xf32, #tpu.memory_space<vmem_shared>> -> memref<16x64xf32, #tpu.memory_space<vmem_shared>>
      tpu.enqueue_dma source(%arg16 : memref<16x64xf32, #tpu.memory_space<vmem>>) target(%dma_start3A_388 : memref<16x64xf32, #tpu.memory_space<vmem_shared>>) target_semaphore(%run_scoped3A : memref<!tpu.dma_semaphore, #tpu.memory_space<semaphore_mem>>)
      %dma_wait3A = arith.constant 0 : i32
      %dma_wait3A_389 = tpu.memref_slice %arg17[%add3A_286, %dma_wait3A] : memref<10000x64xf32, #tpu.memory_space<vmem_shared>> -> memref<16x64xf32, #tpu.memory_space<vmem_shared>>
      %dma_wait3A_390 = arith.constant 0 : i32
      %dma_wait3A_391 = tpu.memref_slice %arg17[%add3A_286, %dma_wait3A_390] : memref<10000x64xf32, #tpu.memory_space<vmem_shared>> -> memref<16x64xf32, #tpu.memory_space<vmem_shared>>
      tpu.wait_dma2 semaphore(%run_scoped3A : memref<!tpu.dma_semaphore, #tpu.memory_space<semaphore_mem>>) src(%arg16 : memref<16x64xf32, #tpu.memory_space<vmem>>) dst(%dma_wait3A_391 : memref<16x64xf32, #tpu.memory_space<vmem_shared>>)
      tpu.yield
    }) : () -> ()
    %add3A_287 = arith.constant 224 : i32
    %add3A_288 = arith.addi %mul3A_258, %add3A_287 : i32
    "tpu.region"() ({
      %run_scoped3A = tpu.sem_alloc : memref<!tpu.dma_semaphore, #tpu.memory_space<semaphore_mem>>
      %dma_start3A_385 = arith.constant 0 : i32
      %dma_start3A_386 = tpu.memref_slice %arg17[%add3A_288, %dma_start3A_385] : memref<10000x64xf32, #tpu.memory_space<vmem_shared>> -> memref<16x64xf32, #tpu.memory_space<vmem_shared>>
      %dma_start3A_387 = arith.constant 0 : i32
      %dma_start3A_388 = tpu.memref_slice %arg17[%add3A_288, %dma_start3A_387] : memref<10000x64xf32, #tpu.memory_space<vmem_shared>> -> memref<16x64xf32, #tpu.memory_space<vmem_shared>>
      tpu.enqueue_dma source(%arg16 : memref<16x64xf32, #tpu.memory_space<vmem>>) target(%dma_start3A_388 : memref<16x64xf32, #tpu.memory_space<vmem_shared>>) target_semaphore(%run_scoped3A : memref<!tpu.dma_semaphore, #tpu.memory_space<semaphore_mem>>)
      %dma_wait3A = arith.constant 0 : i32
      %dma_wait3A_389 = tpu.memref_slice %arg17[%add3A_288, %dma_wait3A] : memref<10000x64xf32, #tpu.memory_space<vmem_shared>> -> memref<16x64xf32, #tpu.memory_space<vmem_shared>>
      %dma_wait3A_390 = arith.constant 0 : i32
      %dma_wait3A_391 = tpu.memref_slice %arg17[%add3A_288, %dma_wait3A_390] : memref<10000x64xf32, #tpu.memory_space<vmem_shared>> -> memref<16x64xf32, #tpu.memory_space<vmem_shared>>
      tpu.wait_dma2 semaphore(%run_scoped3A : memref<!tpu.dma_semaphore, #tpu.memory_space<semaphore_mem>>) src(%arg16 : memref<16x64xf32, #tpu.memory_space<vmem>>) dst(%dma_wait3A_391 : memref<16x64xf32, #tpu.memory_space<vmem_shared>>)
      tpu.yield
    }) : () -> ()
    %add3A_289 = arith.constant 240 : i32
    %add3A_290 = arith.addi %mul3A_258, %add3A_289 : i32
    "tpu.region"() ({
      %run_scoped3A = tpu.sem_alloc : memref<!tpu.dma_semaphore, #tpu.memory_space<semaphore_mem>>
      %dma_start3A_385 = arith.constant 0 : i32
      %dma_start3A_386 = tpu.memref_slice %arg17[%add3A_290, %dma_start3A_385] : memref<10000x64xf32, #tpu.memory_space<vmem_shared>> -> memref<16x64xf32, #tpu.memory_space<vmem_shared>>
      %dma_start3A_387 = arith.constant 0 : i32
      %dma_start3A_388 = tpu.memref_slice %arg17[%add3A_290, %dma_start3A_387] : memref<10000x64xf32, #tpu.memory_space<vmem_shared>> -> memref<16x64xf32, #tpu.memory_space<vmem_shared>>
      tpu.enqueue_dma source(%arg16 : memref<16x64xf32, #tpu.memory_space<vmem>>) target(%dma_start3A_388 : memref<16x64xf32, #tpu.memory_space<vmem_shared>>) target_semaphore(%run_scoped3A : memref<!tpu.dma_semaphore, #tpu.memory_space<semaphore_mem>>)
      %dma_wait3A = arith.constant 0 : i32
      %dma_wait3A_389 = tpu.memref_slice %arg17[%add3A_290, %dma_wait3A] : memref<10000x64xf32, #tpu.memory_space<vmem_shared>> -> memref<16x64xf32, #tpu.memory_space<vmem_shared>>
      %dma_wait3A_390 = arith.constant 0 : i32
      %dma_wait3A_391 = tpu.memref_slice %arg17[%add3A_290, %dma_wait3A_390] : memref<10000x64xf32, #tpu.memory_space<vmem_shared>> -> memref<16x64xf32, #tpu.memory_space<vmem_shared>>
      tpu.wait_dma2 semaphore(%run_scoped3A : memref<!tpu.dma_semaphore, #tpu.memory_space<semaphore_mem>>) src(%arg16 : memref<16x64xf32, #tpu.memory_space<vmem>>) dst(%dma_wait3A_391 : memref<16x64xf32, #tpu.memory_space<vmem_shared>>)
      tpu.yield
    }) : () -> ()
    %add3A_291 = arith.constant 256 : i32
    %add3A_292 = arith.addi %mul3A_258, %add3A_291 : i32
    "tpu.region"() ({
      %run_scoped3A = tpu.sem_alloc : memref<!tpu.dma_semaphore, #tpu.memory_space<semaphore_mem>>
      %dma_start3A_385 = arith.constant 0 : i32
      %dma_start3A_386 = tpu.memref_slice %arg17[%add3A_292, %dma_start3A_385] : memref<10000x64xf32, #tpu.memory_space<vmem_shared>> -> memref<16x64xf32, #tpu.memory_space<vmem_shared>>
      %dma_start3A_387 = arith.constant 0 : i32
      %dma_start3A_388 = tpu.memref_slice %arg17[%add3A_292, %dma_start3A_387] : memref<10000x64xf32, #tpu.memory_space<vmem_shared>> -> memref<16x64xf32, #tpu.memory_space<vmem_shared>>
      tpu.enqueue_dma source(%arg16 : memref<16x64xf32, #tpu.memory_space<vmem>>) target(%dma_start3A_388 : memref<16x64xf32, #tpu.memory_space<vmem_shared>>) target_semaphore(%run_scoped3A : memref<!tpu.dma_semaphore, #tpu.memory_space<semaphore_mem>>)
      %dma_wait3A = arith.constant 0 : i32
      %dma_wait3A_389 = tpu.memref_slice %arg17[%add3A_292, %dma_wait3A] : memref<10000x64xf32, #tpu.memory_space<vmem_shared>> -> memref<16x64xf32, #tpu.memory_space<vmem_shared>>
      %dma_wait3A_390 = arith.constant 0 : i32
      %dma_wait3A_391 = tpu.memref_slice %arg17[%add3A_292, %dma_wait3A_390] : memref<10000x64xf32, #tpu.memory_space<vmem_shared>> -> memref<16x64xf32, #tpu.memory_space<vmem_shared>>
      tpu.wait_dma2 semaphore(%run_scoped3A : memref<!tpu.dma_semaphore, #tpu.memory_space<semaphore_mem>>) src(%arg16 : memref<16x64xf32, #tpu.memory_space<vmem>>) dst(%dma_wait3A_391 : memref<16x64xf32, #tpu.memory_space<vmem_shared>>)
      tpu.yield
    }) : () -> ()
    %add3A_293 = arith.constant 272 : i32
    %add3A_294 = arith.addi %mul3A_258, %add3A_293 : i32
    "tpu.region"() ({
      %run_scoped3A = tpu.sem_alloc : memref<!tpu.dma_semaphore, #tpu.memory_space<semaphore_mem>>
      %dma_start3A_385 = arith.constant 0 : i32
      %dma_start3A_386 = tpu.memref_slice %arg17[%add3A_294, %dma_start3A_385] : memref<10000x64xf32, #tpu.memory_space<vmem_shared>> -> memref<16x64xf32, #tpu.memory_space<vmem_shared>>
      %dma_start3A_387 = arith.constant 0 : i32
      %dma_start3A_388 = tpu.memref_slice %arg17[%add3A_294, %dma_start3A_387] : memref<10000x64xf32, #tpu.memory_space<vmem_shared>> -> memref<16x64xf32, #tpu.memory_space<vmem_shared>>
      tpu.enqueue_dma source(%arg16 : memref<16x64xf32, #tpu.memory_space<vmem>>) target(%dma_start3A_388 : memref<16x64xf32, #tpu.memory_space<vmem_shared>>) target_semaphore(%run_scoped3A : memref<!tpu.dma_semaphore, #tpu.memory_space<semaphore_mem>>)
      %dma_wait3A = arith.constant 0 : i32
      %dma_wait3A_389 = tpu.memref_slice %arg17[%add3A_294, %dma_wait3A] : memref<10000x64xf32, #tpu.memory_space<vmem_shared>> -> memref<16x64xf32, #tpu.memory_space<vmem_shared>>
      %dma_wait3A_390 = arith.constant 0 : i32
      %dma_wait3A_391 = tpu.memref_slice %arg17[%add3A_294, %dma_wait3A_390] : memref<10000x64xf32, #tpu.memory_space<vmem_shared>> -> memref<16x64xf32, #tpu.memory_space<vmem_shared>>
      tpu.wait_dma2 semaphore(%run_scoped3A : memref<!tpu.dma_semaphore, #tpu.memory_space<semaphore_mem>>) src(%arg16 : memref<16x64xf32, #tpu.memory_space<vmem>>) dst(%dma_wait3A_391 : memref<16x64xf32, #tpu.memory_space<vmem_shared>>)
      tpu.yield
    }) : () -> ()
    %add3A_295 = arith.constant 288 : i32
    %add3A_296 = arith.addi %mul3A_258, %add3A_295 : i32
    "tpu.region"() ({
      %run_scoped3A = tpu.sem_alloc : memref<!tpu.dma_semaphore, #tpu.memory_space<semaphore_mem>>
      %dma_start3A_385 = arith.constant 0 : i32
      %dma_start3A_386 = tpu.memref_slice %arg17[%add3A_296, %dma_start3A_385] : memref<10000x64xf32, #tpu.memory_space<vmem_shared>> -> memref<16x64xf32, #tpu.memory_space<vmem_shared>>
      %dma_start3A_387 = arith.constant 0 : i32
      %dma_start3A_388 = tpu.memref_slice %arg17[%add3A_296, %dma_start3A_387] : memref<10000x64xf32, #tpu.memory_space<vmem_shared>> -> memref<16x64xf32, #tpu.memory_space<vmem_shared>>
      tpu.enqueue_dma source(%arg16 : memref<16x64xf32, #tpu.memory_space<vmem>>) target(%dma_start3A_388 : memref<16x64xf32, #tpu.memory_space<vmem_shared>>) target_semaphore(%run_scoped3A : memref<!tpu.dma_semaphore, #tpu.memory_space<semaphore_mem>>)
      %dma_wait3A = arith.constant 0 : i32
      %dma_wait3A_389 = tpu.memref_slice %arg17[%add3A_296, %dma_wait3A] : memref<10000x64xf32, #tpu.memory_space<vmem_shared>> -> memref<16x64xf32, #tpu.memory_space<vmem_shared>>
      %dma_wait3A_390 = arith.constant 0 : i32
      %dma_wait3A_391 = tpu.memref_slice %arg17[%add3A_296, %dma_wait3A_390] : memref<10000x64xf32, #tpu.memory_space<vmem_shared>> -> memref<16x64xf32, #tpu.memory_space<vmem_shared>>
      tpu.wait_dma2 semaphore(%run_scoped3A : memref<!tpu.dma_semaphore, #tpu.memory_space<semaphore_mem>>) src(%arg16 : memref<16x64xf32, #tpu.memory_space<vmem>>) dst(%dma_wait3A_391 : memref<16x64xf32, #tpu.memory_space<vmem_shared>>)
      tpu.yield
    }) : () -> ()
    %add3A_297 = arith.constant 304 : i32
    %add3A_298 = arith.addi %mul3A_258, %add3A_297 : i32
    "tpu.region"() ({
      %run_scoped3A = tpu.sem_alloc : memref<!tpu.dma_semaphore, #tpu.memory_space<semaphore_mem>>
      %dma_start3A_385 = arith.constant 0 : i32
      %dma_start3A_386 = tpu.memref_slice %arg17[%add3A_298, %dma_start3A_385] : memref<10000x64xf32, #tpu.memory_space<vmem_shared>> -> memref<16x64xf32, #tpu.memory_space<vmem_shared>>
      %dma_start3A_387 = arith.constant 0 : i32
      %dma_start3A_388 = tpu.memref_slice %arg17[%add3A_298, %dma_start3A_387] : memref<10000x64xf32, #tpu.memory_space<vmem_shared>> -> memref<16x64xf32, #tpu.memory_space<vmem_shared>>
      tpu.enqueue_dma source(%arg16 : memref<16x64xf32, #tpu.memory_space<vmem>>) target(%dma_start3A_388 : memref<16x64xf32, #tpu.memory_space<vmem_shared>>) target_semaphore(%run_scoped3A : memref<!tpu.dma_semaphore, #tpu.memory_space<semaphore_mem>>)
      %dma_wait3A = arith.constant 0 : i32
      %dma_wait3A_389 = tpu.memref_slice %arg17[%add3A_298, %dma_wait3A] : memref<10000x64xf32, #tpu.memory_space<vmem_shared>> -> memref<16x64xf32, #tpu.memory_space<vmem_shared>>
      %dma_wait3A_390 = arith.constant 0 : i32
      %dma_wait3A_391 = tpu.memref_slice %arg17[%add3A_298, %dma_wait3A_390] : memref<10000x64xf32, #tpu.memory_space<vmem_shared>> -> memref<16x64xf32, #tpu.memory_space<vmem_shared>>
      tpu.wait_dma2 semaphore(%run_scoped3A : memref<!tpu.dma_semaphore, #tpu.memory_space<semaphore_mem>>) src(%arg16 : memref<16x64xf32, #tpu.memory_space<vmem>>) dst(%dma_wait3A_391 : memref<16x64xf32, #tpu.memory_space<vmem_shared>>)
      tpu.yield
    }) : () -> ()
    %add3A_299 = arith.constant 320 : i32
    %add3A_300 = arith.addi %mul3A_258, %add3A_299 : i32
    "tpu.region"() ({
      %run_scoped3A = tpu.sem_alloc : memref<!tpu.dma_semaphore, #tpu.memory_space<semaphore_mem>>
      %dma_start3A_385 = arith.constant 0 : i32
      %dma_start3A_386 = tpu.memref_slice %arg17[%add3A_300, %dma_start3A_385] : memref<10000x64xf32, #tpu.memory_space<vmem_shared>> -> memref<16x64xf32, #tpu.memory_space<vmem_shared>>
      %dma_start3A_387 = arith.constant 0 : i32
      %dma_start3A_388 = tpu.memref_slice %arg17[%add3A_300, %dma_start3A_387] : memref<10000x64xf32, #tpu.memory_space<vmem_shared>> -> memref<16x64xf32, #tpu.memory_space<vmem_shared>>
      tpu.enqueue_dma source(%arg16 : memref<16x64xf32, #tpu.memory_space<vmem>>) target(%dma_start3A_388 : memref<16x64xf32, #tpu.memory_space<vmem_shared>>) target_semaphore(%run_scoped3A : memref<!tpu.dma_semaphore, #tpu.memory_space<semaphore_mem>>)
      %dma_wait3A = arith.constant 0 : i32
      %dma_wait3A_389 = tpu.memref_slice %arg17[%add3A_300, %dma_wait3A] : memref<10000x64xf32, #tpu.memory_space<vmem_shared>> -> memref<16x64xf32, #tpu.memory_space<vmem_shared>>
      %dma_wait3A_390 = arith.constant 0 : i32
      %dma_wait3A_391 = tpu.memref_slice %arg17[%add3A_300, %dma_wait3A_390] : memref<10000x64xf32, #tpu.memory_space<vmem_shared>> -> memref<16x64xf32, #tpu.memory_space<vmem_shared>>
      tpu.wait_dma2 semaphore(%run_scoped3A : memref<!tpu.dma_semaphore, #tpu.memory_space<semaphore_mem>>) src(%arg16 : memref<16x64xf32, #tpu.memory_space<vmem>>) dst(%dma_wait3A_391 : memref<16x64xf32, #tpu.memory_space<vmem_shared>>)
      tpu.yield
    }) : () -> ()
    %add3A_301 = arith.constant 336 : i32
    %add3A_302 = arith.addi %mul3A_258, %add3A_301 : i32
    "tpu.region"() ({
      %run_scoped3A = tpu.sem_alloc : memref<!tpu.dma_semaphore, #tpu.memory_space<semaphore_mem>>
      %dma_start3A_385 = arith.constant 0 : i32
      %dma_start3A_386 = tpu.memref_slice %arg17[%add3A_302, %dma_start3A_385] : memref<10000x64xf32, #tpu.memory_space<vmem_shared>> -> memref<16x64xf32, #tpu.memory_space<vmem_shared>>
      %dma_start3A_387 = arith.constant 0 : i32
      %dma_start3A_388 = tpu.memref_slice %arg17[%add3A_302, %dma_start3A_387] : memref<10000x64xf32, #tpu.memory_space<vmem_shared>> -> memref<16x64xf32, #tpu.memory_space<vmem_shared>>
      tpu.enqueue_dma source(%arg16 : memref<16x64xf32, #tpu.memory_space<vmem>>) target(%dma_start3A_388 : memref<16x64xf32, #tpu.memory_space<vmem_shared>>) target_semaphore(%run_scoped3A : memref<!tpu.dma_semaphore, #tpu.memory_space<semaphore_mem>>)
      %dma_wait3A = arith.constant 0 : i32
      %dma_wait3A_389 = tpu.memref_slice %arg17[%add3A_302, %dma_wait3A] : memref<10000x64xf32, #tpu.memory_space<vmem_shared>> -> memref<16x64xf32, #tpu.memory_space<vmem_shared>>
      %dma_wait3A_390 = arith.constant 0 : i32
      %dma_wait3A_391 = tpu.memref_slice %arg17[%add3A_302, %dma_wait3A_390] : memref<10000x64xf32, #tpu.memory_space<vmem_shared>> -> memref<16x64xf32, #tpu.memory_space<vmem_shared>>
      tpu.wait_dma2 semaphore(%run_scoped3A : memref<!tpu.dma_semaphore, #tpu.memory_space<semaphore_mem>>) src(%arg16 : memref<16x64xf32, #tpu.memory_space<vmem>>) dst(%dma_wait3A_391 : memref<16x64xf32, #tpu.memory_space<vmem_shared>>)
      tpu.yield
    }) : () -> ()
    %add3A_303 = arith.constant 352 : i32
    %add3A_304 = arith.addi %mul3A_258, %add3A_303 : i32
    "tpu.region"() ({
      %run_scoped3A = tpu.sem_alloc : memref<!tpu.dma_semaphore, #tpu.memory_space<semaphore_mem>>
      %dma_start3A_385 = arith.constant 0 : i32
      %dma_start3A_386 = tpu.memref_slice %arg17[%add3A_304, %dma_start3A_385] : memref<10000x64xf32, #tpu.memory_space<vmem_shared>> -> memref<16x64xf32, #tpu.memory_space<vmem_shared>>
      %dma_start3A_387 = arith.constant 0 : i32
      %dma_start3A_388 = tpu.memref_slice %arg17[%add3A_304, %dma_start3A_387] : memref<10000x64xf32, #tpu.memory_space<vmem_shared>> -> memref<16x64xf32, #tpu.memory_space<vmem_shared>>
      tpu.enqueue_dma source(%arg16 : memref<16x64xf32, #tpu.memory_space<vmem>>) target(%dma_start3A_388 : memref<16x64xf32, #tpu.memory_space<vmem_shared>>) target_semaphore(%run_scoped3A : memref<!tpu.dma_semaphore, #tpu.memory_space<semaphore_mem>>)
      %dma_wait3A = arith.constant 0 : i32
      %dma_wait3A_389 = tpu.memref_slice %arg17[%add3A_304, %dma_wait3A] : memref<10000x64xf32, #tpu.memory_space<vmem_shared>> -> memref<16x64xf32, #tpu.memory_space<vmem_shared>>
      %dma_wait3A_390 = arith.constant 0 : i32
      %dma_wait3A_391 = tpu.memref_slice %arg17[%add3A_304, %dma_wait3A_390] : memref<10000x64xf32, #tpu.memory_space<vmem_shared>> -> memref<16x64xf32, #tpu.memory_space<vmem_shared>>
      tpu.wait_dma2 semaphore(%run_scoped3A : memref<!tpu.dma_semaphore, #tpu.memory_space<semaphore_mem>>) src(%arg16 : memref<16x64xf32, #tpu.memory_space<vmem>>) dst(%dma_wait3A_391 : memref<16x64xf32, #tpu.memory_space<vmem_shared>>)
      tpu.yield
    }) : () -> ()
    %add3A_305 = arith.constant 368 : i32
    %add3A_306 = arith.addi %mul3A_258, %add3A_305 : i32
    "tpu.region"() ({
      %run_scoped3A = tpu.sem_alloc : memref<!tpu.dma_semaphore, #tpu.memory_space<semaphore_mem>>
      %dma_start3A_385 = arith.constant 0 : i32
      %dma_start3A_386 = tpu.memref_slice %arg17[%add3A_306, %dma_start3A_385] : memref<10000x64xf32, #tpu.memory_space<vmem_shared>> -> memref<16x64xf32, #tpu.memory_space<vmem_shared>>
      %dma_start3A_387 = arith.constant 0 : i32
      %dma_start3A_388 = tpu.memref_slice %arg17[%add3A_306, %dma_start3A_387] : memref<10000x64xf32, #tpu.memory_space<vmem_shared>> -> memref<16x64xf32, #tpu.memory_space<vmem_shared>>
      tpu.enqueue_dma source(%arg16 : memref<16x64xf32, #tpu.memory_space<vmem>>) target(%dma_start3A_388 : memref<16x64xf32, #tpu.memory_space<vmem_shared>>) target_semaphore(%run_scoped3A : memref<!tpu.dma_semaphore, #tpu.memory_space<semaphore_mem>>)
      %dma_wait3A = arith.constant 0 : i32
      %dma_wait3A_389 = tpu.memref_slice %arg17[%add3A_306, %dma_wait3A] : memref<10000x64xf32, #tpu.memory_space<vmem_shared>> -> memref<16x64xf32, #tpu.memory_space<vmem_shared>>
      %dma_wait3A_390 = arith.constant 0 : i32
      %dma_wait3A_391 = tpu.memref_slice %arg17[%add3A_306, %dma_wait3A_390] : memref<10000x64xf32, #tpu.memory_space<vmem_shared>> -> memref<16x64xf32, #tpu.memory_space<vmem_shared>>
      tpu.wait_dma2 semaphore(%run_scoped3A : memref<!tpu.dma_semaphore, #tpu.memory_space<semaphore_mem>>) src(%arg16 : memref<16x64xf32, #tpu.memory_space<vmem>>) dst(%dma_wait3A_391 : memref<16x64xf32, #tpu.memory_space<vmem_shared>>)
      tpu.yield
    }) : () -> ()
    %add3A_307 = arith.constant 384 : i32
    %add3A_308 = arith.addi %mul3A_258, %add3A_307 : i32
    "tpu.region"() ({
      %run_scoped3A = tpu.sem_alloc : memref<!tpu.dma_semaphore, #tpu.memory_space<semaphore_mem>>
      %dma_start3A_385 = arith.constant 0 : i32
      %dma_start3A_386 = tpu.memref_slice %arg17[%add3A_308, %dma_start3A_385] : memref<10000x64xf32, #tpu.memory_space<vmem_shared>> -> memref<16x64xf32, #tpu.memory_space<vmem_shared>>
      %dma_start3A_387 = arith.constant 0 : i32
      %dma_start3A_388 = tpu.memref_slice %arg17[%add3A_308, %dma_start3A_387] : memref<10000x64xf32, #tpu.memory_space<vmem_shared>> -> memref<16x64xf32, #tpu.memory_space<vmem_shared>>
      tpu.enqueue_dma source(%arg16 : memref<16x64xf32, #tpu.memory_space<vmem>>) target(%dma_start3A_388 : memref<16x64xf32, #tpu.memory_space<vmem_shared>>) target_semaphore(%run_scoped3A : memref<!tpu.dma_semaphore, #tpu.memory_space<semaphore_mem>>)
      %dma_wait3A = arith.constant 0 : i32
      %dma_wait3A_389 = tpu.memref_slice %arg17[%add3A_308, %dma_wait3A] : memref<10000x64xf32, #tpu.memory_space<vmem_shared>> -> memref<16x64xf32, #tpu.memory_space<vmem_shared>>
      %dma_wait3A_390 = arith.constant 0 : i32
      %dma_wait3A_391 = tpu.memref_slice %arg17[%add3A_308, %dma_wait3A_390] : memref<10000x64xf32, #tpu.memory_space<vmem_shared>> -> memref<16x64xf32, #tpu.memory_space<vmem_shared>>
      tpu.wait_dma2 semaphore(%run_scoped3A : memref<!tpu.dma_semaphore, #tpu.memory_space<semaphore_mem>>) src(%arg16 : memref<16x64xf32, #tpu.memory_space<vmem>>) dst(%dma_wait3A_391 : memref<16x64xf32, #tpu.memory_space<vmem_shared>>)
      tpu.yield
    }) : () -> ()
    %add3A_309 = arith.constant 400 : i32
    %add3A_310 = arith.addi %mul3A_258, %add3A_309 : i32
    "tpu.region"() ({
      %run_scoped3A = tpu.sem_alloc : memref<!tpu.dma_semaphore, #tpu.memory_space<semaphore_mem>>
      %dma_start3A_385 = arith.constant 0 : i32
      %dma_start3A_386 = tpu.memref_slice %arg17[%add3A_310, %dma_start3A_385] : memref<10000x64xf32, #tpu.memory_space<vmem_shared>> -> memref<16x64xf32, #tpu.memory_space<vmem_shared>>
      %dma_start3A_387 = arith.constant 0 : i32
      %dma_start3A_388 = tpu.memref_slice %arg17[%add3A_310, %dma_start3A_387] : memref<10000x64xf32, #tpu.memory_space<vmem_shared>> -> memref<16x64xf32, #tpu.memory_space<vmem_shared>>
      tpu.enqueue_dma source(%arg16 : memref<16x64xf32, #tpu.memory_space<vmem>>) target(%dma_start3A_388 : memref<16x64xf32, #tpu.memory_space<vmem_shared>>) target_semaphore(%run_scoped3A : memref<!tpu.dma_semaphore, #tpu.memory_space<semaphore_mem>>)
      %dma_wait3A = arith.constant 0 : i32
      %dma_wait3A_389 = tpu.memref_slice %arg17[%add3A_310, %dma_wait3A] : memref<10000x64xf32, #tpu.memory_space<vmem_shared>> -> memref<16x64xf32, #tpu.memory_space<vmem_shared>>
      %dma_wait3A_390 = arith.constant 0 : i32
      %dma_wait3A_391 = tpu.memref_slice %arg17[%add3A_310, %dma_wait3A_390] : memref<10000x64xf32, #tpu.memory_space<vmem_shared>> -> memref<16x64xf32, #tpu.memory_space<vmem_shared>>
      tpu.wait_dma2 semaphore(%run_scoped3A : memref<!tpu.dma_semaphore, #tpu.memory_space<semaphore_mem>>) src(%arg16 : memref<16x64xf32, #tpu.memory_space<vmem>>) dst(%dma_wait3A_391 : memref<16x64xf32, #tpu.memory_space<vmem_shared>>)
      tpu.yield
    }) : () -> ()
    %add3A_311 = arith.constant 416 : i32
    %add3A_312 = arith.addi %mul3A_258, %add3A_311 : i32
    "tpu.region"() ({
      %run_scoped3A = tpu.sem_alloc : memref<!tpu.dma_semaphore, #tpu.memory_space<semaphore_mem>>
      %dma_start3A_385 = arith.constant 0 : i32
      %dma_start3A_386 = tpu.memref_slice %arg17[%add3A_312, %dma_start3A_385] : memref<10000x64xf32, #tpu.memory_space<vmem_shared>> -> memref<16x64xf32, #tpu.memory_space<vmem_shared>>
      %dma_start3A_387 = arith.constant 0 : i32
      %dma_start3A_388 = tpu.memref_slice %arg17[%add3A_312, %dma_start3A_387] : memref<10000x64xf32, #tpu.memory_space<vmem_shared>> -> memref<16x64xf32, #tpu.memory_space<vmem_shared>>
      tpu.enqueue_dma source(%arg16 : memref<16x64xf32, #tpu.memory_space<vmem>>) target(%dma_start3A_388 : memref<16x64xf32, #tpu.memory_space<vmem_shared>>) target_semaphore(%run_scoped3A : memref<!tpu.dma_semaphore, #tpu.memory_space<semaphore_mem>>)
      %dma_wait3A = arith.constant 0 : i32
      %dma_wait3A_389 = tpu.memref_slice %arg17[%add3A_312, %dma_wait3A] : memref<10000x64xf32, #tpu.memory_space<vmem_shared>> -> memref<16x64xf32, #tpu.memory_space<vmem_shared>>
      %dma_wait3A_390 = arith.constant 0 : i32
      %dma_wait3A_391 = tpu.memref_slice %arg17[%add3A_312, %dma_wait3A_390] : memref<10000x64xf32, #tpu.memory_space<vmem_shared>> -> memref<16x64xf32, #tpu.memory_space<vmem_shared>>
      tpu.wait_dma2 semaphore(%run_scoped3A : memref<!tpu.dma_semaphore, #tpu.memory_space<semaphore_mem>>) src(%arg16 : memref<16x64xf32, #tpu.memory_space<vmem>>) dst(%dma_wait3A_391 : memref<16x64xf32, #tpu.memory_space<vmem_shared>>)
      tpu.yield
    }) : () -> ()
    %add3A_313 = arith.constant 432 : i32
    %add3A_314 = arith.addi %mul3A_258, %add3A_313 : i32
    "tpu.region"() ({
      %run_scoped3A = tpu.sem_alloc : memref<!tpu.dma_semaphore, #tpu.memory_space<semaphore_mem>>
      %dma_start3A_385 = arith.constant 0 : i32
      %dma_start3A_386 = tpu.memref_slice %arg17[%add3A_314, %dma_start3A_385] : memref<10000x64xf32, #tpu.memory_space<vmem_shared>> -> memref<16x64xf32, #tpu.memory_space<vmem_shared>>
      %dma_start3A_387 = arith.constant 0 : i32
      %dma_start3A_388 = tpu.memref_slice %arg17[%add3A_314, %dma_start3A_387] : memref<10000x64xf32, #tpu.memory_space<vmem_shared>> -> memref<16x64xf32, #tpu.memory_space<vmem_shared>>
      tpu.enqueue_dma source(%arg16 : memref<16x64xf32, #tpu.memory_space<vmem>>) target(%dma_start3A_388 : memref<16x64xf32, #tpu.memory_space<vmem_shared>>) target_semaphore(%run_scoped3A : memref<!tpu.dma_semaphore, #tpu.memory_space<semaphore_mem>>)
      %dma_wait3A = arith.constant 0 : i32
      %dma_wait3A_389 = tpu.memref_slice %arg17[%add3A_314, %dma_wait3A] : memref<10000x64xf32, #tpu.memory_space<vmem_shared>> -> memref<16x64xf32, #tpu.memory_space<vmem_shared>>
      %dma_wait3A_390 = arith.constant 0 : i32
      %dma_wait3A_391 = tpu.memref_slice %arg17[%add3A_314, %dma_wait3A_390] : memref<10000x64xf32, #tpu.memory_space<vmem_shared>> -> memref<16x64xf32, #tpu.memory_space<vmem_shared>>
      tpu.wait_dma2 semaphore(%run_scoped3A : memref<!tpu.dma_semaphore, #tpu.memory_space<semaphore_mem>>) src(%arg16 : memref<16x64xf32, #tpu.memory_space<vmem>>) dst(%dma_wait3A_391 : memref<16x64xf32, #tpu.memory_space<vmem_shared>>)
      tpu.yield
    }) : () -> ()
    %add3A_315 = arith.constant 448 : i32
    %add3A_316 = arith.addi %mul3A_258, %add3A_315 : i32
    "tpu.region"() ({
      %run_scoped3A = tpu.sem_alloc : memref<!tpu.dma_semaphore, #tpu.memory_space<semaphore_mem>>
      %dma_start3A_385 = arith.constant 0 : i32
      %dma_start3A_386 = tpu.memref_slice %arg17[%add3A_316, %dma_start3A_385] : memref<10000x64xf32, #tpu.memory_space<vmem_shared>> -> memref<16x64xf32, #tpu.memory_space<vmem_shared>>
      %dma_start3A_387 = arith.constant 0 : i32
      %dma_start3A_388 = tpu.memref_slice %arg17[%add3A_316, %dma_start3A_387] : memref<10000x64xf32, #tpu.memory_space<vmem_shared>> -> memref<16x64xf32, #tpu.memory_space<vmem_shared>>
      tpu.enqueue_dma source(%arg16 : memref<16x64xf32, #tpu.memory_space<vmem>>) target(%dma_start3A_388 : memref<16x64xf32, #tpu.memory_space<vmem_shared>>) target_semaphore(%run_scoped3A : memref<!tpu.dma_semaphore, #tpu.memory_space<semaphore_mem>>)
      %dma_wait3A = arith.constant 0 : i32
      %dma_wait3A_389 = tpu.memref_slice %arg17[%add3A_316, %dma_wait3A] : memref<10000x64xf32, #tpu.memory_space<vmem_shared>> -> memref<16x64xf32, #tpu.memory_space<vmem_shared>>
      %dma_wait3A_390 = arith.constant 0 : i32
      %dma_wait3A_391 = tpu.memref_slice %arg17[%add3A_316, %dma_wait3A_390] : memref<10000x64xf32, #tpu.memory_space<vmem_shared>> -> memref<16x64xf32, #tpu.memory_space<vmem_shared>>
      tpu.wait_dma2 semaphore(%run_scoped3A : memref<!tpu.dma_semaphore, #tpu.memory_space<semaphore_mem>>) src(%arg16 : memref<16x64xf32, #tpu.memory_space<vmem>>) dst(%dma_wait3A_391 : memref<16x64xf32, #tpu.memory_space<vmem_shared>>)
      tpu.yield
    }) : () -> ()
    %add3A_317 = arith.constant 464 : i32
    %add3A_318 = arith.addi %mul3A_258, %add3A_317 : i32
    "tpu.region"() ({
      %run_scoped3A = tpu.sem_alloc : memref<!tpu.dma_semaphore, #tpu.memory_space<semaphore_mem>>
      %dma_start3A_385 = arith.constant 0 : i32
      %dma_start3A_386 = tpu.memref_slice %arg17[%add3A_318, %dma_start3A_385] : memref<10000x64xf32, #tpu.memory_space<vmem_shared>> -> memref<16x64xf32, #tpu.memory_space<vmem_shared>>
      %dma_start3A_387 = arith.constant 0 : i32
      %dma_start3A_388 = tpu.memref_slice %arg17[%add3A_318, %dma_start3A_387] : memref<10000x64xf32, #tpu.memory_space<vmem_shared>> -> memref<16x64xf32, #tpu.memory_space<vmem_shared>>
      tpu.enqueue_dma source(%arg16 : memref<16x64xf32, #tpu.memory_space<vmem>>) target(%dma_start3A_388 : memref<16x64xf32, #tpu.memory_space<vmem_shared>>) target_semaphore(%run_scoped3A : memref<!tpu.dma_semaphore, #tpu.memory_space<semaphore_mem>>)
      %dma_wait3A = arith.constant 0 : i32
      %dma_wait3A_389 = tpu.memref_slice %arg17[%add3A_318, %dma_wait3A] : memref<10000x64xf32, #tpu.memory_space<vmem_shared>> -> memref<16x64xf32, #tpu.memory_space<vmem_shared>>
      %dma_wait3A_390 = arith.constant 0 : i32
      %dma_wait3A_391 = tpu.memref_slice %arg17[%add3A_318, %dma_wait3A_390] : memref<10000x64xf32, #tpu.memory_space<vmem_shared>> -> memref<16x64xf32, #tpu.memory_space<vmem_shared>>
      tpu.wait_dma2 semaphore(%run_scoped3A : memref<!tpu.dma_semaphore, #tpu.memory_space<semaphore_mem>>) src(%arg16 : memref<16x64xf32, #tpu.memory_space<vmem>>) dst(%dma_wait3A_391 : memref<16x64xf32, #tpu.memory_space<vmem_shared>>)
      tpu.yield
    }) : () -> ()
    %add3A_319 = arith.constant 480 : i32
    %add3A_320 = arith.addi %mul3A_258, %add3A_319 : i32
    "tpu.region"() ({
      %run_scoped3A = tpu.sem_alloc : memref<!tpu.dma_semaphore, #tpu.memory_space<semaphore_mem>>
      %dma_start3A_385 = arith.constant 0 : i32
      %dma_start3A_386 = tpu.memref_slice %arg17[%add3A_320, %dma_start3A_385] : memref<10000x64xf32, #tpu.memory_space<vmem_shared>> -> memref<16x64xf32, #tpu.memory_space<vmem_shared>>
      %dma_start3A_387 = arith.constant 0 : i32
      %dma_start3A_388 = tpu.memref_slice %arg17[%add3A_320, %dma_start3A_387] : memref<10000x64xf32, #tpu.memory_space<vmem_shared>> -> memref<16x64xf32, #tpu.memory_space<vmem_shared>>
      tpu.enqueue_dma source(%arg16 : memref<16x64xf32, #tpu.memory_space<vmem>>) target(%dma_start3A_388 : memref<16x64xf32, #tpu.memory_space<vmem_shared>>) target_semaphore(%run_scoped3A : memref<!tpu.dma_semaphore, #tpu.memory_space<semaphore_mem>>)
      %dma_wait3A = arith.constant 0 : i32
      %dma_wait3A_389 = tpu.memref_slice %arg17[%add3A_320, %dma_wait3A] : memref<10000x64xf32, #tpu.memory_space<vmem_shared>> -> memref<16x64xf32, #tpu.memory_space<vmem_shared>>
      %dma_wait3A_390 = arith.constant 0 : i32
      %dma_wait3A_391 = tpu.memref_slice %arg17[%add3A_320, %dma_wait3A_390] : memref<10000x64xf32, #tpu.memory_space<vmem_shared>> -> memref<16x64xf32, #tpu.memory_space<vmem_shared>>
      tpu.wait_dma2 semaphore(%run_scoped3A : memref<!tpu.dma_semaphore, #tpu.memory_space<semaphore_mem>>) src(%arg16 : memref<16x64xf32, #tpu.memory_space<vmem>>) dst(%dma_wait3A_391 : memref<16x64xf32, #tpu.memory_space<vmem_shared>>)
      tpu.yield
    }) : () -> ()
    %add3A_321 = arith.constant 496 : i32
    %add3A_322 = arith.addi %mul3A_258, %add3A_321 : i32
    "tpu.region"() ({
      %run_scoped3A = tpu.sem_alloc : memref<!tpu.dma_semaphore, #tpu.memory_space<semaphore_mem>>
      %dma_start3A_385 = arith.constant 0 : i32
      %dma_start3A_386 = tpu.memref_slice %arg17[%add3A_322, %dma_start3A_385] : memref<10000x64xf32, #tpu.memory_space<vmem_shared>> -> memref<16x64xf32, #tpu.memory_space<vmem_shared>>
      %dma_start3A_387 = arith.constant 0 : i32
      %dma_start3A_388 = tpu.memref_slice %arg17[%add3A_322, %dma_start3A_387] : memref<10000x64xf32, #tpu.memory_space<vmem_shared>> -> memref<16x64xf32, #tpu.memory_space<vmem_shared>>
      tpu.enqueue_dma source(%arg16 : memref<16x64xf32, #tpu.memory_space<vmem>>) target(%dma_start3A_388 : memref<16x64xf32, #tpu.memory_space<vmem_shared>>) target_semaphore(%run_scoped3A : memref<!tpu.dma_semaphore, #tpu.memory_space<semaphore_mem>>)
      %dma_wait3A = arith.constant 0 : i32
      %dma_wait3A_389 = tpu.memref_slice %arg17[%add3A_322, %dma_wait3A] : memref<10000x64xf32, #tpu.memory_space<vmem_shared>> -> memref<16x64xf32, #tpu.memory_space<vmem_shared>>
      %dma_wait3A_390 = arith.constant 0 : i32
      %dma_wait3A_391 = tpu.memref_slice %arg17[%add3A_322, %dma_wait3A_390] : memref<10000x64xf32, #tpu.memory_space<vmem_shared>> -> memref<16x64xf32, #tpu.memory_space<vmem_shared>>
      tpu.wait_dma2 semaphore(%run_scoped3A : memref<!tpu.dma_semaphore, #tpu.memory_space<semaphore_mem>>) src(%arg16 : memref<16x64xf32, #tpu.memory_space<vmem>>) dst(%dma_wait3A_391 : memref<16x64xf32, #tpu.memory_space<vmem_shared>>)
      tpu.yield
    }) : () -> ()
    %add3A_323 = arith.constant 512 : i32
    %add3A_324 = arith.addi %mul3A_258, %add3A_323 : i32
    "tpu.region"() ({
      %run_scoped3A = tpu.sem_alloc : memref<!tpu.dma_semaphore, #tpu.memory_space<semaphore_mem>>
      %dma_start3A_385 = arith.constant 0 : i32
      %dma_start3A_386 = tpu.memref_slice %arg17[%add3A_324, %dma_start3A_385] : memref<10000x64xf32, #tpu.memory_space<vmem_shared>> -> memref<16x64xf32, #tpu.memory_space<vmem_shared>>
      %dma_start3A_387 = arith.constant 0 : i32
      %dma_start3A_388 = tpu.memref_slice %arg17[%add3A_324, %dma_start3A_387] : memref<10000x64xf32, #tpu.memory_space<vmem_shared>> -> memref<16x64xf32, #tpu.memory_space<vmem_shared>>
      tpu.enqueue_dma source(%arg16 : memref<16x64xf32, #tpu.memory_space<vmem>>) target(%dma_start3A_388 : memref<16x64xf32, #tpu.memory_space<vmem_shared>>) target_semaphore(%run_scoped3A : memref<!tpu.dma_semaphore, #tpu.memory_space<semaphore_mem>>)
      %dma_wait3A = arith.constant 0 : i32
      %dma_wait3A_389 = tpu.memref_slice %arg17[%add3A_324, %dma_wait3A] : memref<10000x64xf32, #tpu.memory_space<vmem_shared>> -> memref<16x64xf32, #tpu.memory_space<vmem_shared>>
      %dma_wait3A_390 = arith.constant 0 : i32
      %dma_wait3A_391 = tpu.memref_slice %arg17[%add3A_324, %dma_wait3A_390] : memref<10000x64xf32, #tpu.memory_space<vmem_shared>> -> memref<16x64xf32, #tpu.memory_space<vmem_shared>>
      tpu.wait_dma2 semaphore(%run_scoped3A : memref<!tpu.dma_semaphore, #tpu.memory_space<semaphore_mem>>) src(%arg16 : memref<16x64xf32, #tpu.memory_space<vmem>>) dst(%dma_wait3A_391 : memref<16x64xf32, #tpu.memory_space<vmem_shared>>)
      tpu.yield
    }) : () -> ()
    %add3A_325 = arith.constant 528 : i32
    %add3A_326 = arith.addi %mul3A_258, %add3A_325 : i32
    "tpu.region"() ({
      %run_scoped3A = tpu.sem_alloc : memref<!tpu.dma_semaphore, #tpu.memory_space<semaphore_mem>>
      %dma_start3A_385 = arith.constant 0 : i32
      %dma_start3A_386 = tpu.memref_slice %arg17[%add3A_326, %dma_start3A_385] : memref<10000x64xf32, #tpu.memory_space<vmem_shared>> -> memref<16x64xf32, #tpu.memory_space<vmem_shared>>
      %dma_start3A_387 = arith.constant 0 : i32
      %dma_start3A_388 = tpu.memref_slice %arg17[%add3A_326, %dma_start3A_387] : memref<10000x64xf32, #tpu.memory_space<vmem_shared>> -> memref<16x64xf32, #tpu.memory_space<vmem_shared>>
      tpu.enqueue_dma source(%arg16 : memref<16x64xf32, #tpu.memory_space<vmem>>) target(%dma_start3A_388 : memref<16x64xf32, #tpu.memory_space<vmem_shared>>) target_semaphore(%run_scoped3A : memref<!tpu.dma_semaphore, #tpu.memory_space<semaphore_mem>>)
      %dma_wait3A = arith.constant 0 : i32
      %dma_wait3A_389 = tpu.memref_slice %arg17[%add3A_326, %dma_wait3A] : memref<10000x64xf32, #tpu.memory_space<vmem_shared>> -> memref<16x64xf32, #tpu.memory_space<vmem_shared>>
      %dma_wait3A_390 = arith.constant 0 : i32
      %dma_wait3A_391 = tpu.memref_slice %arg17[%add3A_326, %dma_wait3A_390] : memref<10000x64xf32, #tpu.memory_space<vmem_shared>> -> memref<16x64xf32, #tpu.memory_space<vmem_shared>>
      tpu.wait_dma2 semaphore(%run_scoped3A : memref<!tpu.dma_semaphore, #tpu.memory_space<semaphore_mem>>) src(%arg16 : memref<16x64xf32, #tpu.memory_space<vmem>>) dst(%dma_wait3A_391 : memref<16x64xf32, #tpu.memory_space<vmem_shared>>)
      tpu.yield
    }) : () -> ()
    %add3A_327 = arith.constant 544 : i32
    %add3A_328 = arith.addi %mul3A_258, %add3A_327 : i32
    "tpu.region"() ({
      %run_scoped3A = tpu.sem_alloc : memref<!tpu.dma_semaphore, #tpu.memory_space<semaphore_mem>>
      %dma_start3A_385 = arith.constant 0 : i32
      %dma_start3A_386 = tpu.memref_slice %arg17[%add3A_328, %dma_start3A_385] : memref<10000x64xf32, #tpu.memory_space<vmem_shared>> -> memref<16x64xf32, #tpu.memory_space<vmem_shared>>
      %dma_start3A_387 = arith.constant 0 : i32
      %dma_start3A_388 = tpu.memref_slice %arg17[%add3A_328, %dma_start3A_387] : memref<10000x64xf32, #tpu.memory_space<vmem_shared>> -> memref<16x64xf32, #tpu.memory_space<vmem_shared>>
      tpu.enqueue_dma source(%arg16 : memref<16x64xf32, #tpu.memory_space<vmem>>) target(%dma_start3A_388 : memref<16x64xf32, #tpu.memory_space<vmem_shared>>) target_semaphore(%run_scoped3A : memref<!tpu.dma_semaphore, #tpu.memory_space<semaphore_mem>>)
      %dma_wait3A = arith.constant 0 : i32
      %dma_wait3A_389 = tpu.memref_slice %arg17[%add3A_328, %dma_wait3A] : memref<10000x64xf32, #tpu.memory_space<vmem_shared>> -> memref<16x64xf32, #tpu.memory_space<vmem_shared>>
      %dma_wait3A_390 = arith.constant 0 : i32
      %dma_wait3A_391 = tpu.memref_slice %arg17[%add3A_328, %dma_wait3A_390] : memref<10000x64xf32, #tpu.memory_space<vmem_shared>> -> memref<16x64xf32, #tpu.memory_space<vmem_shared>>
      tpu.wait_dma2 semaphore(%run_scoped3A : memref<!tpu.dma_semaphore, #tpu.memory_space<semaphore_mem>>) src(%arg16 : memref<16x64xf32, #tpu.memory_space<vmem>>) dst(%dma_wait3A_391 : memref<16x64xf32, #tpu.memory_space<vmem_shared>>)
      tpu.yield
    }) : () -> ()
    %add3A_329 = arith.constant 560 : i32
    %add3A_330 = arith.addi %mul3A_258, %add3A_329 : i32
    "tpu.region"() ({
      %run_scoped3A = tpu.sem_alloc : memref<!tpu.dma_semaphore, #tpu.memory_space<semaphore_mem>>
      %dma_start3A_385 = arith.constant 0 : i32
      %dma_start3A_386 = tpu.memref_slice %arg17[%add3A_330, %dma_start3A_385] : memref<10000x64xf32, #tpu.memory_space<vmem_shared>> -> memref<16x64xf32, #tpu.memory_space<vmem_shared>>
      %dma_start3A_387 = arith.constant 0 : i32
      %dma_start3A_388 = tpu.memref_slice %arg17[%add3A_330, %dma_start3A_387] : memref<10000x64xf32, #tpu.memory_space<vmem_shared>> -> memref<16x64xf32, #tpu.memory_space<vmem_shared>>
      tpu.enqueue_dma source(%arg16 : memref<16x64xf32, #tpu.memory_space<vmem>>) target(%dma_start3A_388 : memref<16x64xf32, #tpu.memory_space<vmem_shared>>) target_semaphore(%run_scoped3A : memref<!tpu.dma_semaphore, #tpu.memory_space<semaphore_mem>>)
      %dma_wait3A = arith.constant 0 : i32
      %dma_wait3A_389 = tpu.memref_slice %arg17[%add3A_330, %dma_wait3A] : memref<10000x64xf32, #tpu.memory_space<vmem_shared>> -> memref<16x64xf32, #tpu.memory_space<vmem_shared>>
      %dma_wait3A_390 = arith.constant 0 : i32
      %dma_wait3A_391 = tpu.memref_slice %arg17[%add3A_330, %dma_wait3A_390] : memref<10000x64xf32, #tpu.memory_space<vmem_shared>> -> memref<16x64xf32, #tpu.memory_space<vmem_shared>>
      tpu.wait_dma2 semaphore(%run_scoped3A : memref<!tpu.dma_semaphore, #tpu.memory_space<semaphore_mem>>) src(%arg16 : memref<16x64xf32, #tpu.memory_space<vmem>>) dst(%dma_wait3A_391 : memref<16x64xf32, #tpu.memory_space<vmem_shared>>)
      tpu.yield
    }) : () -> ()
    %add3A_331 = arith.constant 576 : i32
    %add3A_332 = arith.addi %mul3A_258, %add3A_331 : i32
    "tpu.region"() ({
      %run_scoped3A = tpu.sem_alloc : memref<!tpu.dma_semaphore, #tpu.memory_space<semaphore_mem>>
      %dma_start3A_385 = arith.constant 0 : i32
      %dma_start3A_386 = tpu.memref_slice %arg17[%add3A_332, %dma_start3A_385] : memref<10000x64xf32, #tpu.memory_space<vmem_shared>> -> memref<16x64xf32, #tpu.memory_space<vmem_shared>>
      %dma_start3A_387 = arith.constant 0 : i32
      %dma_start3A_388 = tpu.memref_slice %arg17[%add3A_332, %dma_start3A_387] : memref<10000x64xf32, #tpu.memory_space<vmem_shared>> -> memref<16x64xf32, #tpu.memory_space<vmem_shared>>
      tpu.enqueue_dma source(%arg16 : memref<16x64xf32, #tpu.memory_space<vmem>>) target(%dma_start3A_388 : memref<16x64xf32, #tpu.memory_space<vmem_shared>>) target_semaphore(%run_scoped3A : memref<!tpu.dma_semaphore, #tpu.memory_space<semaphore_mem>>)
      %dma_wait3A = arith.constant 0 : i32
      %dma_wait3A_389 = tpu.memref_slice %arg17[%add3A_332, %dma_wait3A] : memref<10000x64xf32, #tpu.memory_space<vmem_shared>> -> memref<16x64xf32, #tpu.memory_space<vmem_shared>>
      %dma_wait3A_390 = arith.constant 0 : i32
      %dma_wait3A_391 = tpu.memref_slice %arg17[%add3A_332, %dma_wait3A_390] : memref<10000x64xf32, #tpu.memory_space<vmem_shared>> -> memref<16x64xf32, #tpu.memory_space<vmem_shared>>
      tpu.wait_dma2 semaphore(%run_scoped3A : memref<!tpu.dma_semaphore, #tpu.memory_space<semaphore_mem>>) src(%arg16 : memref<16x64xf32, #tpu.memory_space<vmem>>) dst(%dma_wait3A_391 : memref<16x64xf32, #tpu.memory_space<vmem_shared>>)
      tpu.yield
    }) : () -> ()
    %add3A_333 = arith.constant 592 : i32
    %add3A_334 = arith.addi %mul3A_258, %add3A_333 : i32
    "tpu.region"() ({
      %run_scoped3A = tpu.sem_alloc : memref<!tpu.dma_semaphore, #tpu.memory_space<semaphore_mem>>
      %dma_start3A_385 = arith.constant 0 : i32
      %dma_start3A_386 = tpu.memref_slice %arg17[%add3A_334, %dma_start3A_385] : memref<10000x64xf32, #tpu.memory_space<vmem_shared>> -> memref<16x64xf32, #tpu.memory_space<vmem_shared>>
      %dma_start3A_387 = arith.constant 0 : i32
      %dma_start3A_388 = tpu.memref_slice %arg17[%add3A_334, %dma_start3A_387] : memref<10000x64xf32, #tpu.memory_space<vmem_shared>> -> memref<16x64xf32, #tpu.memory_space<vmem_shared>>
      tpu.enqueue_dma source(%arg16 : memref<16x64xf32, #tpu.memory_space<vmem>>) target(%dma_start3A_388 : memref<16x64xf32, #tpu.memory_space<vmem_shared>>) target_semaphore(%run_scoped3A : memref<!tpu.dma_semaphore, #tpu.memory_space<semaphore_mem>>)
      %dma_wait3A = arith.constant 0 : i32
      %dma_wait3A_389 = tpu.memref_slice %arg17[%add3A_334, %dma_wait3A] : memref<10000x64xf32, #tpu.memory_space<vmem_shared>> -> memref<16x64xf32, #tpu.memory_space<vmem_shared>>
      %dma_wait3A_390 = arith.constant 0 : i32
      %dma_wait3A_391 = tpu.memref_slice %arg17[%add3A_334, %dma_wait3A_390] : memref<10000x64xf32, #tpu.memory_space<vmem_shared>> -> memref<16x64xf32, #tpu.memory_space<vmem_shared>>
      tpu.wait_dma2 semaphore(%run_scoped3A : memref<!tpu.dma_semaphore, #tpu.memory_space<semaphore_mem>>) src(%arg16 : memref<16x64xf32, #tpu.memory_space<vmem>>) dst(%dma_wait3A_391 : memref<16x64xf32, #tpu.memory_space<vmem_shared>>)
      tpu.yield
    }) : () -> ()
    %add3A_335 = arith.constant 608 : i32
    %add3A_336 = arith.addi %mul3A_258, %add3A_335 : i32
    "tpu.region"() ({
      %run_scoped3A = tpu.sem_alloc : memref<!tpu.dma_semaphore, #tpu.memory_space<semaphore_mem>>
      %dma_start3A_385 = arith.constant 0 : i32
      %dma_start3A_386 = tpu.memref_slice %arg17[%add3A_336, %dma_start3A_385] : memref<10000x64xf32, #tpu.memory_space<vmem_shared>> -> memref<16x64xf32, #tpu.memory_space<vmem_shared>>
      %dma_start3A_387 = arith.constant 0 : i32
      %dma_start3A_388 = tpu.memref_slice %arg17[%add3A_336, %dma_start3A_387] : memref<10000x64xf32, #tpu.memory_space<vmem_shared>> -> memref<16x64xf32, #tpu.memory_space<vmem_shared>>
      tpu.enqueue_dma source(%arg16 : memref<16x64xf32, #tpu.memory_space<vmem>>) target(%dma_start3A_388 : memref<16x64xf32, #tpu.memory_space<vmem_shared>>) target_semaphore(%run_scoped3A : memref<!tpu.dma_semaphore, #tpu.memory_space<semaphore_mem>>)
      %dma_wait3A = arith.constant 0 : i32
      %dma_wait3A_389 = tpu.memref_slice %arg17[%add3A_336, %dma_wait3A] : memref<10000x64xf32, #tpu.memory_space<vmem_shared>> -> memref<16x64xf32, #tpu.memory_space<vmem_shared>>
      %dma_wait3A_390 = arith.constant 0 : i32
      %dma_wait3A_391 = tpu.memref_slice %arg17[%add3A_336, %dma_wait3A_390] : memref<10000x64xf32, #tpu.memory_space<vmem_shared>> -> memref<16x64xf32, #tpu.memory_space<vmem_shared>>
      tpu.wait_dma2 semaphore(%run_scoped3A : memref<!tpu.dma_semaphore, #tpu.memory_space<semaphore_mem>>) src(%arg16 : memref<16x64xf32, #tpu.memory_space<vmem>>) dst(%dma_wait3A_391 : memref<16x64xf32, #tpu.memory_space<vmem_shared>>)
      tpu.yield
    }) : () -> ()
    %eq3A = arith.constant 15 : i32
    %eq3A_337 = arith.cmpi eq, %arg1, %eq3A : i32
    %convert_element_type3A = arith.extui %eq3A_337 : i1 to i32
    %cond3A = arith.constant 0 : i32
    %cond3A_338 = arith.cmpi ne, %convert_element_type3A, %cond3A : i32
    scf.if %cond3A_338 {
      "tpu.region"() ({
        %run_scoped3A = tpu.sem_alloc : memref<!tpu.dma_semaphore, #tpu.memory_space<semaphore_mem>>
        %dma_start3A_385 = arith.constant 9984 : i32
        %dma_start3A_386 = arith.constant 0 : i32
        %dma_start3A_387 = tpu.memref_slice %arg17[%dma_start3A_385, %dma_start3A_386] : memref<10000x64xf32, #tpu.memory_space<vmem_shared>> -> memref<16x64xf32, #tpu.memory_space<vmem_shared>>
        %dma_start3A_388 = arith.constant 9984 : i32
        %dma_start3A_389 = arith.constant 0 : i32
        %dma_start3A_390 = tpu.memref_slice %arg17[%dma_start3A_388, %dma_start3A_389] : memref<10000x64xf32, #tpu.memory_space<vmem_shared>> -> memref<16x64xf32, #tpu.memory_space<vmem_shared>>
        tpu.enqueue_dma source(%arg16 : memref<16x64xf32, #tpu.memory_space<vmem>>) target(%dma_start3A_390 : memref<16x64xf32, #tpu.memory_space<vmem_shared>>) target_semaphore(%run_scoped3A : memref<!tpu.dma_semaphore, #tpu.memory_space<semaphore_mem>>)
        %dma_wait3A = arith.constant 9984 : i32
        %dma_wait3A_391 = arith.constant 0 : i32
        %dma_wait3A_392 = tpu.memref_slice %arg17[%dma_wait3A, %dma_wait3A_391] : memref<10000x64xf32, #tpu.memory_space<vmem_shared>> -> memref<16x64xf32, #tpu.memory_space<vmem_shared>>
        %dma_wait3A_393 = arith.constant 9984 : i32
        %dma_wait3A_394 = arith.constant 0 : i32
        %dma_wait3A_395 = tpu.memref_slice %arg17[%dma_wait3A_393, %dma_wait3A_394] : memref<10000x64xf32, #tpu.memory_space<vmem_shared>> -> memref<16x64xf32, #tpu.memory_space<vmem_shared>>
        tpu.wait_dma2 semaphore(%run_scoped3A : memref<!tpu.dma_semaphore, #tpu.memory_space<semaphore_mem>>) src(%arg16 : memref<16x64xf32, #tpu.memory_space<vmem>>) dst(%dma_wait3A_395 : memref<16x64xf32, #tpu.memory_space<vmem_shared>>)
        tpu.yield
      }) : () -> ()
    } else {
    }
    %mul3A_339 = arith.constant 80 : i32
    %mul3A_340 = arith.muli %add3A, %mul3A_339 : i32
    "tpu.region"() ({
      %run_scoped3A = tpu.sem_alloc : memref<!tpu.dma_semaphore, #tpu.memory_space<semaphore_mem>>
      %dma_start3A_385 = arith.constant 0 : i32
      %dma_start3A_386 = tpu.memref_slice %arg3[%mul3A_340, %dma_start3A_385] : memref<2560x125xi32, #tpu.memory_space<hbm>> -> memref<80x125xi32, #tpu.memory_space<hbm>>
      %dma_start3A_387 = arith.constant 0 : i32
      %dma_start3A_388 = tpu.memref_slice %arg3[%mul3A_340, %dma_start3A_387] : memref<2560x125xi32, #tpu.memory_space<hbm>> -> memref<80x125xi32, #tpu.memory_space<hbm>>
      tpu.enqueue_dma source(%dma_start3A_388 : memref<80x125xi32, #tpu.memory_space<hbm>>) target(%arg6 : memref<80x125xi32, #tpu.memory_space<vmem>>) target_semaphore(%run_scoped3A : memref<!tpu.dma_semaphore, #tpu.memory_space<semaphore_mem>>)
      %dma_wait3A = arith.constant 0 : i32
      %dma_wait3A_389 = tpu.memref_slice %arg3[%mul3A_340, %dma_wait3A] : memref<2560x125xi32, #tpu.memory_space<hbm>> -> memref<80x125xi32, #tpu.memory_space<hbm>>
      %dma_wait3A_390 = arith.constant 0 : i32
      %dma_wait3A_391 = tpu.memref_slice %arg3[%mul3A_340, %dma_wait3A_390] : memref<2560x125xi32, #tpu.memory_space<hbm>> -> memref<80x125xi32, #tpu.memory_space<hbm>>
      tpu.wait_dma2 semaphore(%run_scoped3A : memref<!tpu.dma_semaphore, #tpu.memory_space<semaphore_mem>>) src(%dma_wait3A_391 : memref<80x125xi32, #tpu.memory_space<hbm>>) dst(%arg6 : memref<80x125xi32, #tpu.memory_space<vmem>>)
      tpu.yield
    }) : () -> ()
    %mul3A_341 = arith.constant 80 : i32
    %mul3A_342 = arith.muli %add3A, %mul3A_341 : i32
    "tpu.region"() ({
      %run_scoped3A = tpu.sem_alloc : memref<!tpu.dma_semaphore, #tpu.memory_space<semaphore_mem>>
      %dma_start3A_385 = arith.constant 0 : i32
      %dma_start3A_386 = tpu.memref_slice %arg4[%mul3A_342, %dma_start3A_385] : memref<2560x125xi32, #tpu.memory_space<hbm>> -> memref<80x125xi32, #tpu.memory_space<hbm>>
      %dma_start3A_387 = arith.constant 0 : i32
      %dma_start3A_388 = tpu.memref_slice %arg4[%mul3A_342, %dma_start3A_387] : memref<2560x125xi32, #tpu.memory_space<hbm>> -> memref<80x125xi32, #tpu.memory_space<hbm>>
      tpu.enqueue_dma source(%dma_start3A_388 : memref<80x125xi32, #tpu.memory_space<hbm>>) target(%arg7 : memref<80x125xi32, #tpu.memory_space<vmem>>) target_semaphore(%run_scoped3A : memref<!tpu.dma_semaphore, #tpu.memory_space<semaphore_mem>>)
      %dma_wait3A = arith.constant 0 : i32
      %dma_wait3A_389 = tpu.memref_slice %arg4[%mul3A_342, %dma_wait3A] : memref<2560x125xi32, #tpu.memory_space<hbm>> -> memref<80x125xi32, #tpu.memory_space<hbm>>
      %dma_wait3A_390 = arith.constant 0 : i32
      %dma_wait3A_391 = tpu.memref_slice %arg4[%mul3A_342, %dma_wait3A_390] : memref<2560x125xi32, #tpu.memory_space<hbm>> -> memref<80x125xi32, #tpu.memory_space<hbm>>
      tpu.wait_dma2 semaphore(%run_scoped3A : memref<!tpu.dma_semaphore, #tpu.memory_space<semaphore_mem>>) src(%dma_wait3A_391 : memref<80x125xi32, #tpu.memory_space<hbm>>) dst(%arg7 : memref<80x125xi32, #tpu.memory_space<vmem>>)
      tpu.yield
    }) : () -> ()
    %barrier3A = arith.constant 0 : index
    tpu.barrier barrier_id(%barrier3A)
    %dma_start3A = arith.constant 0 : i32
    %dma_start3A_343 = arith.constant 0 : i32
    %dma_start3A_344 = tpu.memref_slice %arg6[%dma_start3A, %dma_start3A_343] : memref<80x125xi32, #tpu.memory_space<vmem>> -> memref<1x125xi32, #tpu.memory_space<vmem>>
    %dma_start3A_345 = tpu.memref_squeeze %dma_start3A_344 : memref<1x125xi32, #tpu.memory_space<vmem>> -> memref<125xi32, #tpu.memory_space<vmem>>
    %dma_start3A_346 = arith.constant 0 : i32
    %dma_start3A_347 = arith.constant 0 : i32
    %dma_start3A_348 = tpu.memref_slice %arg2[%dma_start3A_346, %dma_start3A_347] : memref<10000x64xf32, #tpu.memory_space<hbm>> -> memref<10000x64xf32, #tpu.memory_space<hbm>>
    tpu.enqueue_indirect_dma source(%dma_start3A_348 : memref<10000x64xf32, #tpu.memory_space<hbm>>) target(%arg8 : memref<125x64xf32, #tpu.memory_space<vmem>>) offsets(%dma_start3A_345 : memref<125xi32, #tpu.memory_space<vmem>>) semaphore(%arg18 : memref<!tpu.dma_semaphore, #tpu.memory_space<semaphore_mem>>)
    %dma_start3A_349 = arith.constant 1 : i32
    %dma_start3A_350 = arith.constant 0 : i32
    %dma_start3A_351 = tpu.memref_slice %arg6[%dma_start3A_349, %dma_start3A_350] : memref<80x125xi32, #tpu.memory_space<vmem>> -> memref<1x125xi32, #tpu.memory_space<vmem>>
    %dma_start3A_352 = tpu.memref_squeeze %dma_start3A_351 : memref<1x125xi32, #tpu.memory_space<vmem>> -> memref<125xi32, #tpu.memory_space<vmem>>
    %dma_start3A_353 = arith.constant 0 : i32
    %dma_start3A_354 = arith.constant 0 : i32
    %dma_start3A_355 = tpu.memref_slice %arg2[%dma_start3A_353, %dma_start3A_354] : memref<10000x64xf32, #tpu.memory_space<hbm>> -> memref<10000x64xf32, #tpu.memory_space<hbm>>
    tpu.enqueue_indirect_dma source(%dma_start3A_355 : memref<10000x64xf32, #tpu.memory_space<hbm>>) target(%arg9 : memref<125x64xf32, #tpu.memory_space<vmem>>) offsets(%dma_start3A_352 : memref<125xi32, #tpu.memory_space<vmem>>) semaphore(%arg18 : memref<!tpu.dma_semaphore, #tpu.memory_space<semaphore_mem>>)
    %dma_start3A_356 = arith.constant 2 : i32
    %dma_start3A_357 = arith.constant 0 : i32
    %dma_start3A_358 = tpu.memref_slice %arg6[%dma_start3A_356, %dma_start3A_357] : memref<80x125xi32, #tpu.memory_space<vmem>> -> memref<1x125xi32, #tpu.memory_space<vmem>>
    %dma_start3A_359 = tpu.memref_squeeze %dma_start3A_358 : memref<1x125xi32, #tpu.memory_space<vmem>> -> memref<125xi32, #tpu.memory_space<vmem>>
    %dma_start3A_360 = arith.constant 0 : i32
    %dma_start3A_361 = arith.constant 0 : i32
    %dma_start3A_362 = tpu.memref_slice %arg2[%dma_start3A_360, %dma_start3A_361] : memref<10000x64xf32, #tpu.memory_space<hbm>> -> memref<10000x64xf32, #tpu.memory_space<hbm>>
    tpu.enqueue_indirect_dma source(%dma_start3A_362 : memref<10000x64xf32, #tpu.memory_space<hbm>>) target(%arg10 : memref<125x64xf32, #tpu.memory_space<vmem>>) offsets(%dma_start3A_359 : memref<125xi32, #tpu.memory_space<vmem>>) semaphore(%arg18 : memref<!tpu.dma_semaphore, #tpu.memory_space<semaphore_mem>>)
    %dma_start3A_363 = arith.constant 3 : i32
    %dma_start3A_364 = arith.constant 0 : i32
    %dma_start3A_365 = tpu.memref_slice %arg6[%dma_start3A_363, %dma_start3A_364] : memref<80x125xi32, #tpu.memory_space<vmem>> -> memref<1x125xi32, #tpu.memory_space<vmem>>
    %dma_start3A_366 = tpu.memref_squeeze %dma_start3A_365 : memref<1x125xi32, #tpu.memory_space<vmem>> -> memref<125xi32, #tpu.memory_space<vmem>>
    %dma_start3A_367 = arith.constant 0 : i32
    %dma_start3A_368 = arith.constant 0 : i32
    %dma_start3A_369 = tpu.memref_slice %arg2[%dma_start3A_367, %dma_start3A_368] : memref<10000x64xf32, #tpu.memory_space<hbm>> -> memref<10000x64xf32, #tpu.memory_space<hbm>>
    tpu.enqueue_indirect_dma source(%dma_start3A_369 : memref<10000x64xf32, #tpu.memory_space<hbm>>) target(%arg11 : memref<125x64xf32, #tpu.memory_space<vmem>>) offsets(%dma_start3A_366 : memref<125xi32, #tpu.memory_space<vmem>>) semaphore(%arg18 : memref<!tpu.dma_semaphore, #tpu.memory_space<semaphore_mem>>)
    %scan3A = arith.constant 0 : i32
    %scan3A_370 = arith.constant 0 : i32
    %scan3A_371 = arith.constant 10 : i32
    %scan3A_372 = arith.addi %scan3A_370, %scan3A_371 : i32
    %scan3A_373 = arith.constant 1 : i32
    scf.for %scan3A_385 = %scan3A_370 to %scan3A_372 step %scan3A_373  : i32 {
      %mul3A_386 = arith.constant 8 : i32
      %mul3A_387 = arith.muli %mul3A_386, %scan3A_385 : i32
      %add3A_388 = arith.constant 4 : i32
      %add3A_389 = arith.addi %mul3A_387, %add3A_388 : i32
      %add3A_390 = arith.constant 0 : i32
      %add3A_391 = arith.addi %add3A_389, %add3A_390 : i32
      %dma_start3A_392 = arith.constant 0 : i32
      %dma_start3A_393 = tpu.memref_slice %arg6[%add3A_391, %dma_start3A_392] : memref<80x125xi32, #tpu.memory_space<vmem>> -> memref<1x125xi32, #tpu.memory_space<vmem>>
      %dma_start3A_394 = tpu.memref_squeeze %dma_start3A_393 : memref<1x125xi32, #tpu.memory_space<vmem>> -> memref<125xi32, #tpu.memory_space<vmem>>
      %dma_start3A_395 = arith.constant 0 : i32
      %dma_start3A_396 = arith.constant 0 : i32
      %dma_start3A_397 = tpu.memref_slice %arg2[%dma_start3A_395, %dma_start3A_396] : memref<10000x64xf32, #tpu.memory_space<hbm>> -> memref<10000x64xf32, #tpu.memory_space<hbm>>
      tpu.enqueue_indirect_dma source(%dma_start3A_397 : memref<10000x64xf32, #tpu.memory_space<hbm>>) target(%arg12 : memref<125x64xf32, #tpu.memory_space<vmem>>) offsets(%dma_start3A_394 : memref<125xi32, #tpu.memory_space<vmem>>) semaphore(%arg19 : memref<!tpu.dma_semaphore, #tpu.memory_space<semaphore_mem>>)
      %add3A_398 = arith.constant 1 : i32
      %add3A_399 = arith.addi %add3A_389, %add3A_398 : i32
      %dma_start3A_400 = arith.constant 0 : i32
      %dma_start3A_401 = tpu.memref_slice %arg6[%add3A_399, %dma_start3A_400] : memref<80x125xi32, #tpu.memory_space<vmem>> -> memref<1x125xi32, #tpu.memory_space<vmem>>
      %dma_start3A_402 = tpu.memref_squeeze %dma_start3A_401 : memref<1x125xi32, #tpu.memory_space<vmem>> -> memref<125xi32, #tpu.memory_space<vmem>>
      %dma_start3A_403 = arith.constant 0 : i32
      %dma_start3A_404 = arith.constant 0 : i32
      %dma_start3A_405 = tpu.memref_slice %arg2[%dma_start3A_403, %dma_start3A_404] : memref<10000x64xf32, #tpu.memory_space<hbm>> -> memref<10000x64xf32, #tpu.memory_space<hbm>>
      tpu.enqueue_indirect_dma source(%dma_start3A_405 : memref<10000x64xf32, #tpu.memory_space<hbm>>) target(%arg13 : memref<125x64xf32, #tpu.memory_space<vmem>>) offsets(%dma_start3A_402 : memref<125xi32, #tpu.memory_space<vmem>>) semaphore(%arg19 : memref<!tpu.dma_semaphore, #tpu.memory_space<semaphore_mem>>)
      %add3A_406 = arith.constant 2 : i32
      %add3A_407 = arith.addi %add3A_389, %add3A_406 : i32
      %dma_start3A_408 = arith.constant 0 : i32
      %dma_start3A_409 = tpu.memref_slice %arg6[%add3A_407, %dma_start3A_408] : memref<80x125xi32, #tpu.memory_space<vmem>> -> memref<1x125xi32, #tpu.memory_space<vmem>>
      %dma_start3A_410 = tpu.memref_squeeze %dma_start3A_409 : memref<1x125xi32, #tpu.memory_space<vmem>> -> memref<125xi32, #tpu.memory_space<vmem>>
      %dma_start3A_411 = arith.constant 0 : i32
      %dma_start3A_412 = arith.constant 0 : i32
      %dma_start3A_413 = tpu.memref_slice %arg2[%dma_start3A_411, %dma_start3A_412] : memref<10000x64xf32, #tpu.memory_space<hbm>> -> memref<10000x64xf32, #tpu.memory_space<hbm>>
      tpu.enqueue_indirect_dma source(%dma_start3A_413 : memref<10000x64xf32, #tpu.memory_space<hbm>>) target(%arg14 : memref<125x64xf32, #tpu.memory_space<vmem>>) offsets(%dma_start3A_410 : memref<125xi32, #tpu.memory_space<vmem>>) semaphore(%arg19 : memref<!tpu.dma_semaphore, #tpu.memory_space<semaphore_mem>>)
      %add3A_414 = arith.constant 3 : i32
      %add3A_415 = arith.addi %add3A_389, %add3A_414 : i32
      %dma_start3A_416 = arith.constant 0 : i32
      %dma_start3A_417 = tpu.memref_slice %arg6[%add3A_415, %dma_start3A_416] : memref<80x125xi32, #tpu.memory_space<vmem>> -> memref<1x125xi32, #tpu.memory_space<vmem>>
      %dma_start3A_418 = tpu.memref_squeeze %dma_start3A_417 : memref<1x125xi32, #tpu.memory_space<vmem>> -> memref<125xi32, #tpu.memory_space<vmem>>
      %dma_start3A_419 = arith.constant 0 : i32
      %dma_start3A_420 = arith.constant 0 : i32
      %dma_start3A_421 = tpu.memref_slice %arg2[%dma_start3A_419, %dma_start3A_420] : memref<10000x64xf32, #tpu.memory_space<hbm>> -> memref<10000x64xf32, #tpu.memory_space<hbm>>
      tpu.enqueue_indirect_dma source(%dma_start3A_421 : memref<10000x64xf32, #tpu.memory_space<hbm>>) target(%arg15 : memref<125x64xf32, #tpu.memory_space<vmem>>) offsets(%dma_start3A_418 : memref<125xi32, #tpu.memory_space<vmem>>) semaphore(%arg19 : memref<!tpu.dma_semaphore, #tpu.memory_space<semaphore_mem>>)
      %add3A_422 = arith.constant 0 : i32
      %add3A_423 = arith.addi %mul3A_387, %add3A_422 : i32
      %dma_wait3A = arith.constant 0 : i32
      %dma_wait3A_424 = tpu.memref_slice %arg6[%add3A_423, %dma_wait3A] : memref<80x125xi32, #tpu.memory_space<vmem>> -> memref<1x125xi32, #tpu.memory_space<vmem>>
      %dma_wait3A_425 = tpu.memref_squeeze %dma_wait3A_424 : memref<1x125xi32, #tpu.memory_space<vmem>> -> memref<125xi32, #tpu.memory_space<vmem>>
      %dma_wait3A_426 = arith.constant 0 : i32
      %dma_wait3A_427 = arith.constant 0 : i32
      %dma_wait3A_428 = tpu.memref_slice %arg2[%dma_wait3A_426, %dma_wait3A_427] : memref<10000x64xf32, #tpu.memory_space<hbm>> -> memref<10000x64xf32, #tpu.memory_space<hbm>>
      tpu.wait_indirect_dma semaphore(%arg18 : memref<!tpu.dma_semaphore, #tpu.memory_space<semaphore_mem>>) src(%dma_wait3A_428 : memref<10000x64xf32, #tpu.memory_space<hbm>>) dst(%arg8 : memref<125x64xf32, #tpu.memory_space<vmem>>)
      %add3A_429 = arith.constant 0 : i32
      %add3A_430 = arith.addi %mul3A_387, %add3A_429 : i32
      "tpu.region"() ({
        %run_scoped3A = tpu.sem_alloc : memref<!tpu.dma_semaphore, #tpu.memory_space<semaphore_mem>>
        %dma_start3A_507 = arith.constant 0 : i32
        %dma_start3A_508 = tpu.memref_slice %arg7[%add3A_430, %dma_start3A_507] : memref<80x125xi32, #tpu.memory_space<vmem>> -> memref<1x125xi32, #tpu.memory_space<vmem>>
        %dma_start3A_509 = tpu.memref_squeeze %dma_start3A_508 : memref<1x125xi32, #tpu.memory_space<vmem>> -> memref<125xi32, #tpu.memory_space<vmem>>
        %dma_start3A_510 = arith.constant 0 : i32
        %dma_start3A_511 = arith.constant 0 : i32
        %dma_start3A_512 = tpu.memref_slice %arg17[%dma_start3A_510, %dma_start3A_511] : memref<10000x64xf32, #tpu.memory_space<vmem_shared>> -> memref<10000x64xf32, #tpu.memory_space<vmem_shared>>
        tpu.enqueue_indirect_dma source(%arg8 : memref<125x64xf32, #tpu.memory_space<vmem>>) target(%dma_start3A_512 : memref<10000x64xf32, #tpu.memory_space<vmem_shared>>) offsets(%dma_start3A_509 : memref<125xi32, #tpu.memory_space<vmem>>) semaphore(%run_scoped3A : memref<!tpu.dma_semaphore, #tpu.memory_space<semaphore_mem>>) {add = true}
        %dma_wait3A_513 = arith.constant 0 : i32
        %dma_wait3A_514 = tpu.memref_slice %arg7[%add3A_430, %dma_wait3A_513] : memref<80x125xi32, #tpu.memory_space<vmem>> -> memref<1x125xi32, #tpu.memory_space<vmem>>
        %dma_wait3A_515 = tpu.memref_squeeze %dma_wait3A_514 : memref<1x125xi32, #tpu.memory_space<vmem>> -> memref<125xi32, #tpu.memory_space<vmem>>
        %dma_wait3A_516 = arith.constant 0 : i32
        %dma_wait3A_517 = arith.constant 0 : i32
        %dma_wait3A_518 = tpu.memref_slice %arg17[%dma_wait3A_516, %dma_wait3A_517] : memref<10000x64xf32, #tpu.memory_space<vmem_shared>> -> memref<10000x64xf32, #tpu.memory_space<vmem_shared>>
        tpu.wait_indirect_dma semaphore(%run_scoped3A : memref<!tpu.dma_semaphore, #tpu.memory_space<semaphore_mem>>) src(%arg8 : memref<125x64xf32, #tpu.memory_space<vmem>>) dst(%dma_wait3A_518 : memref<10000x64xf32, #tpu.memory_space<vmem_shared>>)
        tpu.yield
      }) : () -> ()
      %add3A_431 = arith.constant 1 : i32
      %add3A_432 = arith.addi %mul3A_387, %add3A_431 : i32
      %dma_wait3A_433 = arith.constant 0 : i32
      %dma_wait3A_434 = tpu.memref_slice %arg6[%add3A_432, %dma_wait3A_433] : memref<80x125xi32, #tpu.memory_space<vmem>> -> memref<1x125xi32, #tpu.memory_space<vmem>>
      %dma_wait3A_435 = tpu.memref_squeeze %dma_wait3A_434 : memref<1x125xi32, #tpu.memory_space<vmem>> -> memref<125xi32, #tpu.memory_space<vmem>>
      %dma_wait3A_436 = arith.constant 0 : i32
      %dma_wait3A_437 = arith.constant 0 : i32
      %dma_wait3A_438 = tpu.memref_slice %arg2[%dma_wait3A_436, %dma_wait3A_437] : memref<10000x64xf32, #tpu.memory_space<hbm>> -> memref<10000x64xf32, #tpu.memory_space<hbm>>
      tpu.wait_indirect_dma semaphore(%arg18 : memref<!tpu.dma_semaphore, #tpu.memory_space<semaphore_mem>>) src(%dma_wait3A_438 : memref<10000x64xf32, #tpu.memory_space<hbm>>) dst(%arg9 : memref<125x64xf32, #tpu.memory_space<vmem>>)
      %add3A_439 = arith.constant 1 : i32
      %add3A_440 = arith.addi %mul3A_387, %add3A_439 : i32
      "tpu.region"() ({
        %run_scoped3A = tpu.sem_alloc : memref<!tpu.dma_semaphore, #tpu.memory_space<semaphore_mem>>
        %dma_start3A_507 = arith.constant 0 : i32
        %dma_start3A_508 = tpu.memref_slice %arg7[%add3A_440, %dma_start3A_507] : memref<80x125xi32, #tpu.memory_space<vmem>> -> memref<1x125xi32, #tpu.memory_space<vmem>>
        %dma_start3A_509 = tpu.memref_squeeze %dma_start3A_508 : memref<1x125xi32, #tpu.memory_space<vmem>> -> memref<125xi32, #tpu.memory_space<vmem>>
        %dma_start3A_510 = arith.constant 0 : i32
        %dma_start3A_511 = arith.constant 0 : i32
        %dma_start3A_512 = tpu.memref_slice %arg17[%dma_start3A_510, %dma_start3A_511] : memref<10000x64xf32, #tpu.memory_space<vmem_shared>> -> memref<10000x64xf32, #tpu.memory_space<vmem_shared>>
        tpu.enqueue_indirect_dma source(%arg9 : memref<125x64xf32, #tpu.memory_space<vmem>>) target(%dma_start3A_512 : memref<10000x64xf32, #tpu.memory_space<vmem_shared>>) offsets(%dma_start3A_509 : memref<125xi32, #tpu.memory_space<vmem>>) semaphore(%run_scoped3A : memref<!tpu.dma_semaphore, #tpu.memory_space<semaphore_mem>>) {add = true}
        %dma_wait3A_513 = arith.constant 0 : i32
        %dma_wait3A_514 = tpu.memref_slice %arg7[%add3A_440, %dma_wait3A_513] : memref<80x125xi32, #tpu.memory_space<vmem>> -> memref<1x125xi32, #tpu.memory_space<vmem>>
        %dma_wait3A_515 = tpu.memref_squeeze %dma_wait3A_514 : memref<1x125xi32, #tpu.memory_space<vmem>> -> memref<125xi32, #tpu.memory_space<vmem>>
        %dma_wait3A_516 = arith.constant 0 : i32
        %dma_wait3A_517 = arith.constant 0 : i32
        %dma_wait3A_518 = tpu.memref_slice %arg17[%dma_wait3A_516, %dma_wait3A_517] : memref<10000x64xf32, #tpu.memory_space<vmem_shared>> -> memref<10000x64xf32, #tpu.memory_space<vmem_shared>>
        tpu.wait_indirect_dma semaphore(%run_scoped3A : memref<!tpu.dma_semaphore, #tpu.memory_space<semaphore_mem>>) src(%arg9 : memref<125x64xf32, #tpu.memory_space<vmem>>) dst(%dma_wait3A_518 : memref<10000x64xf32, #tpu.memory_space<vmem_shared>>)
        tpu.yield
      }) : () -> ()
      %add3A_441 = arith.constant 2 : i32
      %add3A_442 = arith.addi %mul3A_387, %add3A_441 : i32
      %dma_wait3A_443 = arith.constant 0 : i32
      %dma_wait3A_444 = tpu.memref_slice %arg6[%add3A_442, %dma_wait3A_443] : memref<80x125xi32, #tpu.memory_space<vmem>> -> memref<1x125xi32, #tpu.memory_space<vmem>>
      %dma_wait3A_445 = tpu.memref_squeeze %dma_wait3A_444 : memref<1x125xi32, #tpu.memory_space<vmem>> -> memref<125xi32, #tpu.memory_space<vmem>>
      %dma_wait3A_446 = arith.constant 0 : i32
      %dma_wait3A_447 = arith.constant 0 : i32
      %dma_wait3A_448 = tpu.memref_slice %arg2[%dma_wait3A_446, %dma_wait3A_447] : memref<10000x64xf32, #tpu.memory_space<hbm>> -> memref<10000x64xf32, #tpu.memory_space<hbm>>
      tpu.wait_indirect_dma semaphore(%arg18 : memref<!tpu.dma_semaphore, #tpu.memory_space<semaphore_mem>>) src(%dma_wait3A_448 : memref<10000x64xf32, #tpu.memory_space<hbm>>) dst(%arg10 : memref<125x64xf32, #tpu.memory_space<vmem>>)
      %add3A_449 = arith.constant 2 : i32
      %add3A_450 = arith.addi %mul3A_387, %add3A_449 : i32
      "tpu.region"() ({
        %run_scoped3A = tpu.sem_alloc : memref<!tpu.dma_semaphore, #tpu.memory_space<semaphore_mem>>
        %dma_start3A_507 = arith.constant 0 : i32
        %dma_start3A_508 = tpu.memref_slice %arg7[%add3A_450, %dma_start3A_507] : memref<80x125xi32, #tpu.memory_space<vmem>> -> memref<1x125xi32, #tpu.memory_space<vmem>>
        %dma_start3A_509 = tpu.memref_squeeze %dma_start3A_508 : memref<1x125xi32, #tpu.memory_space<vmem>> -> memref<125xi32, #tpu.memory_space<vmem>>
        %dma_start3A_510 = arith.constant 0 : i32
        %dma_start3A_511 = arith.constant 0 : i32
        %dma_start3A_512 = tpu.memref_slice %arg17[%dma_start3A_510, %dma_start3A_511] : memref<10000x64xf32, #tpu.memory_space<vmem_shared>> -> memref<10000x64xf32, #tpu.memory_space<vmem_shared>>
        tpu.enqueue_indirect_dma source(%arg10 : memref<125x64xf32, #tpu.memory_space<vmem>>) target(%dma_start3A_512 : memref<10000x64xf32, #tpu.memory_space<vmem_shared>>) offsets(%dma_start3A_509 : memref<125xi32, #tpu.memory_space<vmem>>) semaphore(%run_scoped3A : memref<!tpu.dma_semaphore, #tpu.memory_space<semaphore_mem>>) {add = true}
        %dma_wait3A_513 = arith.constant 0 : i32
        %dma_wait3A_514 = tpu.memref_slice %arg7[%add3A_450, %dma_wait3A_513] : memref<80x125xi32, #tpu.memory_space<vmem>> -> memref<1x125xi32, #tpu.memory_space<vmem>>
        %dma_wait3A_515 = tpu.memref_squeeze %dma_wait3A_514 : memref<1x125xi32, #tpu.memory_space<vmem>> -> memref<125xi32, #tpu.memory_space<vmem>>
        %dma_wait3A_516 = arith.constant 0 : i32
        %dma_wait3A_517 = arith.constant 0 : i32
        %dma_wait3A_518 = tpu.memref_slice %arg17[%dma_wait3A_516, %dma_wait3A_517] : memref<10000x64xf32, #tpu.memory_space<vmem_shared>> -> memref<10000x64xf32, #tpu.memory_space<vmem_shared>>
        tpu.wait_indirect_dma semaphore(%run_scoped3A : memref<!tpu.dma_semaphore, #tpu.memory_space<semaphore_mem>>) src(%arg10 : memref<125x64xf32, #tpu.memory_space<vmem>>) dst(%dma_wait3A_518 : memref<10000x64xf32, #tpu.memory_space<vmem_shared>>)
        tpu.yield
      }) : () -> ()
      %add3A_451 = arith.constant 3 : i32
      %add3A_452 = arith.addi %mul3A_387, %add3A_451 : i32
      %dma_wait3A_453 = arith.constant 0 : i32
      %dma_wait3A_454 = tpu.memref_slice %arg6[%add3A_452, %dma_wait3A_453] : memref<80x125xi32, #tpu.memory_space<vmem>> -> memref<1x125xi32, #tpu.memory_space<vmem>>
      %dma_wait3A_455 = tpu.memref_squeeze %dma_wait3A_454 : memref<1x125xi32, #tpu.memory_space<vmem>> -> memref<125xi32, #tpu.memory_space<vmem>>
      %dma_wait3A_456 = arith.constant 0 : i32
      %dma_wait3A_457 = arith.constant 0 : i32
      %dma_wait3A_458 = tpu.memref_slice %arg2[%dma_wait3A_456, %dma_wait3A_457] : memref<10000x64xf32, #tpu.memory_space<hbm>> -> memref<10000x64xf32, #tpu.memory_space<hbm>>
      tpu.wait_indirect_dma semaphore(%arg18 : memref<!tpu.dma_semaphore, #tpu.memory_space<semaphore_mem>>) src(%dma_wait3A_458 : memref<10000x64xf32, #tpu.memory_space<hbm>>) dst(%arg11 : memref<125x64xf32, #tpu.memory_space<vmem>>)
      %add3A_459 = arith.constant 3 : i32
      %add3A_460 = arith.addi %mul3A_387, %add3A_459 : i32
      "tpu.region"() ({
        %run_scoped3A = tpu.sem_alloc : memref<!tpu.dma_semaphore, #tpu.memory_space<semaphore_mem>>
        %dma_start3A_507 = arith.constant 0 : i32
        %dma_start3A_508 = tpu.memref_slice %arg7[%add3A_460, %dma_start3A_507] : memref<80x125xi32, #tpu.memory_space<vmem>> -> memref<1x125xi32, #tpu.memory_space<vmem>>
        %dma_start3A_509 = tpu.memref_squeeze %dma_start3A_508 : memref<1x125xi32, #tpu.memory_space<vmem>> -> memref<125xi32, #tpu.memory_space<vmem>>
        %dma_start3A_510 = arith.constant 0 : i32
        %dma_start3A_511 = arith.constant 0 : i32
        %dma_start3A_512 = tpu.memref_slice %arg17[%dma_start3A_510, %dma_start3A_511] : memref<10000x64xf32, #tpu.memory_space<vmem_shared>> -> memref<10000x64xf32, #tpu.memory_space<vmem_shared>>
        tpu.enqueue_indirect_dma source(%arg11 : memref<125x64xf32, #tpu.memory_space<vmem>>) target(%dma_start3A_512 : memref<10000x64xf32, #tpu.memory_space<vmem_shared>>) offsets(%dma_start3A_509 : memref<125xi32, #tpu.memory_space<vmem>>) semaphore(%run_scoped3A : memref<!tpu.dma_semaphore, #tpu.memory_space<semaphore_mem>>) {add = true}
        %dma_wait3A_513 = arith.constant 0 : i32
        %dma_wait3A_514 = tpu.memref_slice %arg7[%add3A_460, %dma_wait3A_513] : memref<80x125xi32, #tpu.memory_space<vmem>> -> memref<1x125xi32, #tpu.memory_space<vmem>>
        %dma_wait3A_515 = tpu.memref_squeeze %dma_wait3A_514 : memref<1x125xi32, #tpu.memory_space<vmem>> -> memref<125xi32, #tpu.memory_space<vmem>>
        %dma_wait3A_516 = arith.constant 0 : i32
        %dma_wait3A_517 = arith.constant 0 : i32
        %dma_wait3A_518 = tpu.memref_slice %arg17[%dma_wait3A_516, %dma_wait3A_517] : memref<10000x64xf32, #tpu.memory_space<vmem_shared>> -> memref<10000x64xf32, #tpu.memory_space<vmem_shared>>
        tpu.wait_indirect_dma semaphore(%run_scoped3A : memref<!tpu.dma_semaphore, #tpu.memory_space<semaphore_mem>>) src(%arg11 : memref<125x64xf32, #tpu.memory_space<vmem>>) dst(%dma_wait3A_518 : memref<10000x64xf32, #tpu.memory_space<vmem_shared>>)
        tpu.yield
      }) : () -> ()
      %add3A_461 = arith.constant 4 : i32
      %add3A_462 = arith.addi %add3A_389, %add3A_461 : i32
      %lt3A = arith.constant 80 : i32
      %lt3A_463 = arith.cmpi slt, %add3A_462, %lt3A : i32
      %convert_element_type3A_464 = arith.extui %lt3A_463 : i1 to i32
      %cond3A_465 = arith.constant 0 : i32
      %cond3A_466 = arith.cmpi ne, %convert_element_type3A_464, %cond3A_465 : i32
      scf.if %cond3A_466 {
        %add3A_507 = arith.constant 4 : i32
        %add3A_508 = arith.addi %add3A_389, %add3A_507 : i32
        %add3A_509 = arith.constant 0 : i32
        %add3A_510 = arith.addi %add3A_508, %add3A_509 : i32
        %dma_start3A_511 = arith.constant 0 : i32
        %dma_start3A_512 = tpu.memref_slice %arg6[%add3A_510, %dma_start3A_511] : memref<80x125xi32, #tpu.memory_space<vmem>> -> memref<1x125xi32, #tpu.memory_space<vmem>>
        %dma_start3A_513 = tpu.memref_squeeze %dma_start3A_512 : memref<1x125xi32, #tpu.memory_space<vmem>> -> memref<125xi32, #tpu.memory_space<vmem>>
        %dma_start3A_514 = arith.constant 0 : i32
        %dma_start3A_515 = arith.constant 0 : i32
        %dma_start3A_516 = tpu.memref_slice %arg2[%dma_start3A_514, %dma_start3A_515] : memref<10000x64xf32, #tpu.memory_space<hbm>> -> memref<10000x64xf32, #tpu.memory_space<hbm>>
        tpu.enqueue_indirect_dma source(%dma_start3A_516 : memref<10000x64xf32, #tpu.memory_space<hbm>>) target(%arg8 : memref<125x64xf32, #tpu.memory_space<vmem>>) offsets(%dma_start3A_513 : memref<125xi32, #tpu.memory_space<vmem>>) semaphore(%arg18 : memref<!tpu.dma_semaphore, #tpu.memory_space<semaphore_mem>>)
        %add3A_517 = arith.constant 1 : i32
        %add3A_518 = arith.addi %add3A_508, %add3A_517 : i32
        %dma_start3A_519 = arith.constant 0 : i32
        %dma_start3A_520 = tpu.memref_slice %arg6[%add3A_518, %dma_start3A_519] : memref<80x125xi32, #tpu.memory_space<vmem>> -> memref<1x125xi32, #tpu.memory_space<vmem>>
        %dma_start3A_521 = tpu.memref_squeeze %dma_start3A_520 : memref<1x125xi32, #tpu.memory_space<vmem>> -> memref<125xi32, #tpu.memory_space<vmem>>
        %dma_start3A_522 = arith.constant 0 : i32
        %dma_start3A_523 = arith.constant 0 : i32
        %dma_start3A_524 = tpu.memref_slice %arg2[%dma_start3A_522, %dma_start3A_523] : memref<10000x64xf32, #tpu.memory_space<hbm>> -> memref<10000x64xf32, #tpu.memory_space<hbm>>
        tpu.enqueue_indirect_dma source(%dma_start3A_524 : memref<10000x64xf32, #tpu.memory_space<hbm>>) target(%arg9 : memref<125x64xf32, #tpu.memory_space<vmem>>) offsets(%dma_start3A_521 : memref<125xi32, #tpu.memory_space<vmem>>) semaphore(%arg18 : memref<!tpu.dma_semaphore, #tpu.memory_space<semaphore_mem>>)
        %add3A_525 = arith.constant 2 : i32
        %add3A_526 = arith.addi %add3A_508, %add3A_525 : i32
        %dma_start3A_527 = arith.constant 0 : i32
        %dma_start3A_528 = tpu.memref_slice %arg6[%add3A_526, %dma_start3A_527] : memref<80x125xi32, #tpu.memory_space<vmem>> -> memref<1x125xi32, #tpu.memory_space<vmem>>
        %dma_start3A_529 = tpu.memref_squeeze %dma_start3A_528 : memref<1x125xi32, #tpu.memory_space<vmem>> -> memref<125xi32, #tpu.memory_space<vmem>>
        %dma_start3A_530 = arith.constant 0 : i32
        %dma_start3A_531 = arith.constant 0 : i32
        %dma_start3A_532 = tpu.memref_slice %arg2[%dma_start3A_530, %dma_start3A_531] : memref<10000x64xf32, #tpu.memory_space<hbm>> -> memref<10000x64xf32, #tpu.memory_space<hbm>>
        tpu.enqueue_indirect_dma source(%dma_start3A_532 : memref<10000x64xf32, #tpu.memory_space<hbm>>) target(%arg10 : memref<125x64xf32, #tpu.memory_space<vmem>>) offsets(%dma_start3A_529 : memref<125xi32, #tpu.memory_space<vmem>>) semaphore(%arg18 : memref<!tpu.dma_semaphore, #tpu.memory_space<semaphore_mem>>)
        %add3A_533 = arith.constant 3 : i32
        %add3A_534 = arith.addi %add3A_508, %add3A_533 : i32
        %dma_start3A_535 = arith.constant 0 : i32
        %dma_start3A_536 = tpu.memref_slice %arg6[%add3A_534, %dma_start3A_535] : memref<80x125xi32, #tpu.memory_space<vmem>> -> memref<1x125xi32, #tpu.memory_space<vmem>>
        %dma_start3A_537 = tpu.memref_squeeze %dma_start3A_536 : memref<1x125xi32, #tpu.memory_space<vmem>> -> memref<125xi32, #tpu.memory_space<vmem>>
        %dma_start3A_538 = arith.constant 0 : i32
        %dma_start3A_539 = arith.constant 0 : i32
        %dma_start3A_540 = tpu.memref_slice %arg2[%dma_start3A_538, %dma_start3A_539] : memref<10000x64xf32, #tpu.memory_space<hbm>> -> memref<10000x64xf32, #tpu.memory_space<hbm>>
        tpu.enqueue_indirect_dma source(%dma_start3A_540 : memref<10000x64xf32, #tpu.memory_space<hbm>>) target(%arg11 : memref<125x64xf32, #tpu.memory_space<vmem>>) offsets(%dma_start3A_537 : memref<125xi32, #tpu.memory_space<vmem>>) semaphore(%arg18 : memref<!tpu.dma_semaphore, #tpu.memory_space<semaphore_mem>>)
      } else {
      }
      %add3A_467 = arith.constant 0 : i32
      %add3A_468 = arith.addi %add3A_389, %add3A_467 : i32
      %dma_wait3A_469 = arith.constant 0 : i32
      %dma_wait3A_470 = tpu.memref_slice %arg6[%add3A_468, %dma_wait3A_469] : memref<80x125xi32, #tpu.memory_space<vmem>> -> memref<1x125xi32, #tpu.memory_space<vmem>>
      %dma_wait3A_471 = tpu.memref_squeeze %dma_wait3A_470 : memref<1x125xi32, #tpu.memory_space<vmem>> -> memref<125xi32, #tpu.memory_space<vmem>>
      %dma_wait3A_472 = arith.constant 0 : i32
      %dma_wait3A_473 = arith.constant 0 : i32
      %dma_wait3A_474 = tpu.memref_slice %arg2[%dma_wait3A_472, %dma_wait3A_473] : memref<10000x64xf32, #tpu.memory_space<hbm>> -> memref<10000x64xf32, #tpu.memory_space<hbm>>
      tpu.wait_indirect_dma semaphore(%arg19 : memref<!tpu.dma_semaphore, #tpu.memory_space<semaphore_mem>>) src(%dma_wait3A_474 : memref<10000x64xf32, #tpu.memory_space<hbm>>) dst(%arg12 : memref<125x64xf32, #tpu.memory_space<vmem>>)
      %add3A_475 = arith.constant 0 : i32
      %add3A_476 = arith.addi %add3A_389, %add3A_475 : i32
      "tpu.region"() ({
        %run_scoped3A = tpu.sem_alloc : memref<!tpu.dma_semaphore, #tpu.memory_space<semaphore_mem>>
        %dma_start3A_507 = arith.constant 0 : i32
        %dma_start3A_508 = tpu.memref_slice %arg7[%add3A_476, %dma_start3A_507] : memref<80x125xi32, #tpu.memory_space<vmem>> -> memref<1x125xi32, #tpu.memory_space<vmem>>
        %dma_start3A_509 = tpu.memref_squeeze %dma_start3A_508 : memref<1x125xi32, #tpu.memory_space<vmem>> -> memref<125xi32, #tpu.memory_space<vmem>>
        %dma_start3A_510 = arith.constant 0 : i32
        %dma_start3A_511 = arith.constant 0 : i32
        %dma_start3A_512 = tpu.memref_slice %arg17[%dma_start3A_510, %dma_start3A_511] : memref<10000x64xf32, #tpu.memory_space<vmem_shared>> -> memref<10000x64xf32, #tpu.memory_space<vmem_shared>>
        tpu.enqueue_indirect_dma source(%arg12 : memref<125x64xf32, #tpu.memory_space<vmem>>) target(%dma_start3A_512 : memref<10000x64xf32, #tpu.memory_space<vmem_shared>>) offsets(%dma_start3A_509 : memref<125xi32, #tpu.memory_space<vmem>>) semaphore(%run_scoped3A : memref<!tpu.dma_semaphore, #tpu.memory_space<semaphore_mem>>) {add = true}
        %dma_wait3A_513 = arith.constant 0 : i32
        %dma_wait3A_514 = tpu.memref_slice %arg7[%add3A_476, %dma_wait3A_513] : memref<80x125xi32, #tpu.memory_space<vmem>> -> memref<1x125xi32, #tpu.memory_space<vmem>>
        %dma_wait3A_515 = tpu.memref_squeeze %dma_wait3A_514 : memref<1x125xi32, #tpu.memory_space<vmem>> -> memref<125xi32, #tpu.memory_space<vmem>>
        %dma_wait3A_516 = arith.constant 0 : i32
        %dma_wait3A_517 = arith.constant 0 : i32
        %dma_wait3A_518 = tpu.memref_slice %arg17[%dma_wait3A_516, %dma_wait3A_517] : memref<10000x64xf32, #tpu.memory_space<vmem_shared>> -> memref<10000x64xf32, #tpu.memory_space<vmem_shared>>
        tpu.wait_indirect_dma semaphore(%run_scoped3A : memref<!tpu.dma_semaphore, #tpu.memory_space<semaphore_mem>>) src(%arg12 : memref<125x64xf32, #tpu.memory_space<vmem>>) dst(%dma_wait3A_518 : memref<10000x64xf32, #tpu.memory_space<vmem_shared>>)
        tpu.yield
      }) : () -> ()
      %add3A_477 = arith.constant 1 : i32
      %add3A_478 = arith.addi %add3A_389, %add3A_477 : i32
      %dma_wait3A_479 = arith.constant 0 : i32
      %dma_wait3A_480 = tpu.memref_slice %arg6[%add3A_478, %dma_wait3A_479] : memref<80x125xi32, #tpu.memory_space<vmem>> -> memref<1x125xi32, #tpu.memory_space<vmem>>
      %dma_wait3A_481 = tpu.memref_squeeze %dma_wait3A_480 : memref<1x125xi32, #tpu.memory_space<vmem>> -> memref<125xi32, #tpu.memory_space<vmem>>
      %dma_wait3A_482 = arith.constant 0 : i32
      %dma_wait3A_483 = arith.constant 0 : i32
      %dma_wait3A_484 = tpu.memref_slice %arg2[%dma_wait3A_482, %dma_wait3A_483] : memref<10000x64xf32, #tpu.memory_space<hbm>> -> memref<10000x64xf32, #tpu.memory_space<hbm>>
      tpu.wait_indirect_dma semaphore(%arg19 : memref<!tpu.dma_semaphore, #tpu.memory_space<semaphore_mem>>) src(%dma_wait3A_484 : memref<10000x64xf32, #tpu.memory_space<hbm>>) dst(%arg13 : memref<125x64xf32, #tpu.memory_space<vmem>>)
      %add3A_485 = arith.constant 1 : i32
      %add3A_486 = arith.addi %add3A_389, %add3A_485 : i32
      "tpu.region"() ({
        %run_scoped3A = tpu.sem_alloc : memref<!tpu.dma_semaphore, #tpu.memory_space<semaphore_mem>>
        %dma_start3A_507 = arith.constant 0 : i32
        %dma_start3A_508 = tpu.memref_slice %arg7[%add3A_486, %dma_start3A_507] : memref<80x125xi32, #tpu.memory_space<vmem>> -> memref<1x125xi32, #tpu.memory_space<vmem>>
        %dma_start3A_509 = tpu.memref_squeeze %dma_start3A_508 : memref<1x125xi32, #tpu.memory_space<vmem>> -> memref<125xi32, #tpu.memory_space<vmem>>
        %dma_start3A_510 = arith.constant 0 : i32
        %dma_start3A_511 = arith.constant 0 : i32
        %dma_start3A_512 = tpu.memref_slice %arg17[%dma_start3A_510, %dma_start3A_511] : memref<10000x64xf32, #tpu.memory_space<vmem_shared>> -> memref<10000x64xf32, #tpu.memory_space<vmem_shared>>
        tpu.enqueue_indirect_dma source(%arg13 : memref<125x64xf32, #tpu.memory_space<vmem>>) target(%dma_start3A_512 : memref<10000x64xf32, #tpu.memory_space<vmem_shared>>) offsets(%dma_start3A_509 : memref<125xi32, #tpu.memory_space<vmem>>) semaphore(%run_scoped3A : memref<!tpu.dma_semaphore, #tpu.memory_space<semaphore_mem>>) {add = true}
        %dma_wait3A_513 = arith.constant 0 : i32
        %dma_wait3A_514 = tpu.memref_slice %arg7[%add3A_486, %dma_wait3A_513] : memref<80x125xi32, #tpu.memory_space<vmem>> -> memref<1x125xi32, #tpu.memory_space<vmem>>
        %dma_wait3A_515 = tpu.memref_squeeze %dma_wait3A_514 : memref<1x125xi32, #tpu.memory_space<vmem>> -> memref<125xi32, #tpu.memory_space<vmem>>
        %dma_wait3A_516 = arith.constant 0 : i32
        %dma_wait3A_517 = arith.constant 0 : i32
        %dma_wait3A_518 = tpu.memref_slice %arg17[%dma_wait3A_516, %dma_wait3A_517] : memref<10000x64xf32, #tpu.memory_space<vmem_shared>> -> memref<10000x64xf32, #tpu.memory_space<vmem_shared>>
        tpu.wait_indirect_dma semaphore(%run_scoped3A : memref<!tpu.dma_semaphore, #tpu.memory_space<semaphore_mem>>) src(%arg13 : memref<125x64xf32, #tpu.memory_space<vmem>>) dst(%dma_wait3A_518 : memref<10000x64xf32, #tpu.memory_space<vmem_shared>>)
        tpu.yield
      }) : () -> ()
      %add3A_487 = arith.constant 2 : i32
      %add3A_488 = arith.addi %add3A_389, %add3A_487 : i32
      %dma_wait3A_489 = arith.constant 0 : i32
      %dma_wait3A_490 = tpu.memref_slice %arg6[%add3A_488, %dma_wait3A_489] : memref<80x125xi32, #tpu.memory_space<vmem>> -> memref<1x125xi32, #tpu.memory_space<vmem>>
      %dma_wait3A_491 = tpu.memref_squeeze %dma_wait3A_490 : memref<1x125xi32, #tpu.memory_space<vmem>> -> memref<125xi32, #tpu.memory_space<vmem>>
      %dma_wait3A_492 = arith.constant 0 : i32
      %dma_wait3A_493 = arith.constant 0 : i32
      %dma_wait3A_494 = tpu.memref_slice %arg2[%dma_wait3A_492, %dma_wait3A_493] : memref<10000x64xf32, #tpu.memory_space<hbm>> -> memref<10000x64xf32, #tpu.memory_space<hbm>>
      tpu.wait_indirect_dma semaphore(%arg19 : memref<!tpu.dma_semaphore, #tpu.memory_space<semaphore_mem>>) src(%dma_wait3A_494 : memref<10000x64xf32, #tpu.memory_space<hbm>>) dst(%arg14 : memref<125x64xf32, #tpu.memory_space<vmem>>)
      %add3A_495 = arith.constant 2 : i32
      %add3A_496 = arith.addi %add3A_389, %add3A_495 : i32
      "tpu.region"() ({
        %run_scoped3A = tpu.sem_alloc : memref<!tpu.dma_semaphore, #tpu.memory_space<semaphore_mem>>
        %dma_start3A_507 = arith.constant 0 : i32
        %dma_start3A_508 = tpu.memref_slice %arg7[%add3A_496, %dma_start3A_507] : memref<80x125xi32, #tpu.memory_space<vmem>> -> memref<1x125xi32, #tpu.memory_space<vmem>>
        %dma_start3A_509 = tpu.memref_squeeze %dma_start3A_508 : memref<1x125xi32, #tpu.memory_space<vmem>> -> memref<125xi32, #tpu.memory_space<vmem>>
        %dma_start3A_510 = arith.constant 0 : i32
        %dma_start3A_511 = arith.constant 0 : i32
        %dma_start3A_512 = tpu.memref_slice %arg17[%dma_start3A_510, %dma_start3A_511] : memref<10000x64xf32, #tpu.memory_space<vmem_shared>> -> memref<10000x64xf32, #tpu.memory_space<vmem_shared>>
        tpu.enqueue_indirect_dma source(%arg14 : memref<125x64xf32, #tpu.memory_space<vmem>>) target(%dma_start3A_512 : memref<10000x64xf32, #tpu.memory_space<vmem_shared>>) offsets(%dma_start3A_509 : memref<125xi32, #tpu.memory_space<vmem>>) semaphore(%run_scoped3A : memref<!tpu.dma_semaphore, #tpu.memory_space<semaphore_mem>>) {add = true}
        %dma_wait3A_513 = arith.constant 0 : i32
        %dma_wait3A_514 = tpu.memref_slice %arg7[%add3A_496, %dma_wait3A_513] : memref<80x125xi32, #tpu.memory_space<vmem>> -> memref<1x125xi32, #tpu.memory_space<vmem>>
        %dma_wait3A_515 = tpu.memref_squeeze %dma_wait3A_514 : memref<1x125xi32, #tpu.memory_space<vmem>> -> memref<125xi32, #tpu.memory_space<vmem>>
        %dma_wait3A_516 = arith.constant 0 : i32
        %dma_wait3A_517 = arith.constant 0 : i32
        %dma_wait3A_518 = tpu.memref_slice %arg17[%dma_wait3A_516, %dma_wait3A_517] : memref<10000x64xf32, #tpu.memory_space<vmem_shared>> -> memref<10000x64xf32, #tpu.memory_space<vmem_shared>>
        tpu.wait_indirect_dma semaphore(%run_scoped3A : memref<!tpu.dma_semaphore, #tpu.memory_space<semaphore_mem>>) src(%arg14 : memref<125x64xf32, #tpu.memory_space<vmem>>) dst(%dma_wait3A_518 : memref<10000x64xf32, #tpu.memory_space<vmem_shared>>)
        tpu.yield
      }) : () -> ()
      %add3A_497 = arith.constant 3 : i32
      %add3A_498 = arith.addi %add3A_389, %add3A_497 : i32
      %dma_wait3A_499 = arith.constant 0 : i32
      %dma_wait3A_500 = tpu.memref_slice %arg6[%add3A_498, %dma_wait3A_499] : memref<80x125xi32, #tpu.memory_space<vmem>> -> memref<1x125xi32, #tpu.memory_space<vmem>>
      %dma_wait3A_501 = tpu.memref_squeeze %dma_wait3A_500 : memref<1x125xi32, #tpu.memory_space<vmem>> -> memref<125xi32, #tpu.memory_space<vmem>>
      %dma_wait3A_502 = arith.constant 0 : i32
      %dma_wait3A_503 = arith.constant 0 : i32
      %dma_wait3A_504 = tpu.memref_slice %arg2[%dma_wait3A_502, %dma_wait3A_503] : memref<10000x64xf32, #tpu.memory_space<hbm>> -> memref<10000x64xf32, #tpu.memory_space<hbm>>
      tpu.wait_indirect_dma semaphore(%arg19 : memref<!tpu.dma_semaphore, #tpu.memory_space<semaphore_mem>>) src(%dma_wait3A_504 : memref<10000x64xf32, #tpu.memory_space<hbm>>) dst(%arg15 : memref<125x64xf32, #tpu.memory_space<vmem>>)
      %add3A_505 = arith.constant 3 : i32
      %add3A_506 = arith.addi %add3A_389, %add3A_505 : i32
      "tpu.region"() ({
        %run_scoped3A = tpu.sem_alloc : memref<!tpu.dma_semaphore, #tpu.memory_space<semaphore_mem>>
        %dma_start3A_507 = arith.constant 0 : i32
        %dma_start3A_508 = tpu.memref_slice %arg7[%add3A_506, %dma_start3A_507] : memref<80x125xi32, #tpu.memory_space<vmem>> -> memref<1x125xi32, #tpu.memory_space<vmem>>
        %dma_start3A_509 = tpu.memref_squeeze %dma_start3A_508 : memref<1x125xi32, #tpu.memory_space<vmem>> -> memref<125xi32, #tpu.memory_space<vmem>>
        %dma_start3A_510 = arith.constant 0 : i32
        %dma_start3A_511 = arith.constant 0 : i32
        %dma_start3A_512 = tpu.memref_slice %arg17[%dma_start3A_510, %dma_start3A_511] : memref<10000x64xf32, #tpu.memory_space<vmem_shared>> -> memref<10000x64xf32, #tpu.memory_space<vmem_shared>>
        tpu.enqueue_indirect_dma source(%arg15 : memref<125x64xf32, #tpu.memory_space<vmem>>) target(%dma_start3A_512 : memref<10000x64xf32, #tpu.memory_space<vmem_shared>>) offsets(%dma_start3A_509 : memref<125xi32, #tpu.memory_space<vmem>>) semaphore(%run_scoped3A : memref<!tpu.dma_semaphore, #tpu.memory_space<semaphore_mem>>) {add = true}
        %dma_wait3A_513 = arith.constant 0 : i32
        %dma_wait3A_514 = tpu.memref_slice %arg7[%add3A_506, %dma_wait3A_513] : memref<80x125xi32, #tpu.memory_space<vmem>> -> memref<1x125xi32, #tpu.memory_space<vmem>>
        %dma_wait3A_515 = tpu.memref_squeeze %dma_wait3A_514 : memref<1x125xi32, #tpu.memory_space<vmem>> -> memref<125xi32, #tpu.memory_space<vmem>>
        %dma_wait3A_516 = arith.constant 0 : i32
        %dma_wait3A_517 = arith.constant 0 : i32
        %dma_wait3A_518 = tpu.memref_slice %arg17[%dma_wait3A_516, %dma_wait3A_517] : memref<10000x64xf32, #tpu.memory_space<vmem_shared>> -> memref<10000x64xf32, #tpu.memory_space<vmem_shared>>
        tpu.wait_indirect_dma semaphore(%run_scoped3A : memref<!tpu.dma_semaphore, #tpu.memory_space<semaphore_mem>>) src(%arg15 : memref<125x64xf32, #tpu.memory_space<vmem>>) dst(%dma_wait3A_518 : memref<10000x64xf32, #tpu.memory_space<vmem_shared>>)
        tpu.yield
      }) : () -> ()
    }
    %scan3A_374 = arith.constant 10 : i32
    %barrier3A_375 = arith.constant 0 : index
    tpu.barrier barrier_id(%barrier3A_375)
    %mul3A_376 = arith.constant 624 : i32
    %mul3A_377 = arith.muli %arg1, %mul3A_376 : i32
    %mul3A_378 = arith.constant 624 : i32
    %mul3A_379 = arith.muli %arg1, %mul3A_378 : i32
    "tpu.region"() ({
      %run_scoped3A = tpu.sem_alloc : memref<!tpu.dma_semaphore, #tpu.memory_space<semaphore_mem>>
      %dma_start3A_385 = arith.constant 0 : i32
      %dma_start3A_386 = tpu.memref_slice %arg5[%arg0, %mul3A_379, %dma_start3A_385] : memref<2x10000x64xf32, #tpu.memory_space<hbm>> -> memref<1x624x64xf32, #tpu.memory_space<hbm>>
      %dma_start3A_387 = tpu.memref_squeeze %dma_start3A_386 : memref<1x624x64xf32, #tpu.memory_space<hbm>> -> memref<624x64xf32, #tpu.memory_space<hbm>>
      %dma_start3A_388 = arith.constant 0 : i32
      %dma_start3A_389 = tpu.memref_slice %arg17[%mul3A_377, %dma_start3A_388] : memref<10000x64xf32, #tpu.memory_space<vmem_shared>> -> memref<624x64xf32, #tpu.memory_space<vmem_shared>>
      tpu.enqueue_dma source(%dma_start3A_389 : memref<624x64xf32, #tpu.memory_space<vmem_shared>>) target(%dma_start3A_387 : memref<624x64xf32, #tpu.memory_space<hbm>>) target_semaphore(%run_scoped3A : memref<!tpu.dma_semaphore, #tpu.memory_space<semaphore_mem>>)
      %dma_wait3A = arith.constant 0 : i32
      %dma_wait3A_390 = tpu.memref_slice %arg5[%arg0, %mul3A_379, %dma_wait3A] : memref<2x10000x64xf32, #tpu.memory_space<hbm>> -> memref<1x624x64xf32, #tpu.memory_space<hbm>>
      %dma_wait3A_391 = tpu.memref_squeeze %dma_wait3A_390 : memref<1x624x64xf32, #tpu.memory_space<hbm>> -> memref<624x64xf32, #tpu.memory_space<hbm>>
      %dma_wait3A_392 = arith.constant 0 : i32
      %dma_wait3A_393 = tpu.memref_slice %arg17[%mul3A_377, %dma_wait3A_392] : memref<10000x64xf32, #tpu.memory_space<vmem_shared>> -> memref<624x64xf32, #tpu.memory_space<vmem_shared>>
      tpu.wait_dma2 semaphore(%run_scoped3A : memref<!tpu.dma_semaphore, #tpu.memory_space<semaphore_mem>>) src(%dma_wait3A_393 : memref<624x64xf32, #tpu.memory_space<vmem_shared>>) dst(%dma_wait3A_391 : memref<624x64xf32, #tpu.memory_space<hbm>>)
      tpu.yield
    }) : () -> ()
    %eq3A_380 = arith.constant 15 : i32
    %eq3A_381 = arith.cmpi eq, %arg1, %eq3A_380 : i32
    %convert_element_type3A_382 = arith.extui %eq3A_381 : i1 to i32
    %cond3A_383 = arith.constant 0 : i32
    %cond3A_384 = arith.cmpi ne, %convert_element_type3A_382, %cond3A_383 : i32
    scf.if %cond3A_384 {
      "tpu.region"() ({
        %run_scoped3A = tpu.sem_alloc : memref<!tpu.dma_semaphore, #tpu.memory_space<semaphore_mem>>
        %dma_start3A_385 = arith.constant 9984 : i32
        %dma_start3A_386 = arith.constant 0 : i32
        %dma_start3A_387 = tpu.memref_slice %arg5[%arg0, %dma_start3A_385, %dma_start3A_386] : memref<2x10000x64xf32, #tpu.memory_space<hbm>> -> memref<1x16x64xf32, #tpu.memory_space<hbm>>
        %dma_start3A_388 = tpu.memref_squeeze %dma_start3A_387 : memref<1x16x64xf32, #tpu.memory_space<hbm>> -> memref<16x64xf32, #tpu.memory_space<hbm>>
        %dma_start3A_389 = arith.constant 9984 : i32
        %dma_start3A_390 = arith.constant 0 : i32
        %dma_start3A_391 = tpu.memref_slice %arg17[%dma_start3A_389, %dma_start3A_390] : memref<10000x64xf32, #tpu.memory_space<vmem_shared>> -> memref<16x64xf32, #tpu.memory_space<vmem_shared>>
        tpu.enqueue_dma source(%dma_start3A_391 : memref<16x64xf32, #tpu.memory_space<vmem_shared>>) target(%dma_start3A_388 : memref<16x64xf32, #tpu.memory_space<hbm>>) target_semaphore(%run_scoped3A : memref<!tpu.dma_semaphore, #tpu.memory_space<semaphore_mem>>)
        %dma_wait3A = arith.constant 9984 : i32
        %dma_wait3A_392 = arith.constant 0 : i32
        %dma_wait3A_393 = tpu.memref_slice %arg5[%arg0, %dma_wait3A, %dma_wait3A_392] : memref<2x10000x64xf32, #tpu.memory_space<hbm>> -> memref<1x16x64xf32, #tpu.memory_space<hbm>>
        %dma_wait3A_394 = tpu.memref_squeeze %dma_wait3A_393 : memref<1x16x64xf32, #tpu.memory_space<hbm>> -> memref<16x64xf32, #tpu.memory_space<hbm>>
        %dma_wait3A_395 = arith.constant 9984 : i32
        %dma_wait3A_396 = arith.constant 0 : i32
        %dma_wait3A_397 = tpu.memref_slice %arg17[%dma_wait3A_395, %dma_wait3A_396] : memref<10000x64xf32, #tpu.memory_space<vmem_shared>> -> memref<16x64xf32, #tpu.memory_space<vmem_shared>>
        tpu.wait_dma2 semaphore(%run_scoped3A : memref<!tpu.dma_semaphore, #tpu.memory_space<semaphore_mem>>) src(%dma_wait3A_397 : memref<16x64xf32, #tpu.memory_space<vmem_shared>>) dst(%dma_wait3A_394 : memref<16x64xf32, #tpu.memory_space<hbm>>)
        tpu.yield
      }) : () -> ()
    } else {
    }
    return
  }
}

#map = affine_map<(d0, d1) -> (0, 0)>
#map1 = affine_map<(d0, d1) -> (0, 0, 0)>
module attributes {stable_mosaic.version = 14 : i64} {
  func.func @agg_kernel(%arg0: i32, %arg1: i32, %arg2: memref<10000x32xf32, #tpu.memory_space<hbm>>, %arg3: memref<2560x125xi32, #tpu.memory_space<hbm>>, %arg4: memref<2560x125xi32, #tpu.memory_space<hbm>>, %arg5: memref<2x10000x32xf32, #tpu.memory_space<hbm>>, %arg6: memref<80x125xi32, #tpu.memory_space<vmem>>, %arg7: memref<80x125xi32, #tpu.memory_space<vmem>>, %arg8: memref<125x32xf32, #tpu.memory_space<vmem>>, %arg9: memref<125x32xf32, #tpu.memory_space<vmem>>, %arg10: memref<125x32xf32, #tpu.memory_space<vmem>>, %arg11: memref<125x32xf32, #tpu.memory_space<vmem>>, %arg12: memref<125x32xf32, #tpu.memory_space<vmem>>, %arg13: memref<125x32xf32, #tpu.memory_space<vmem>>, %arg14: memref<125x32xf32, #tpu.memory_space<vmem>>, %arg15: memref<125x32xf32, #tpu.memory_space<vmem>>, %arg16: memref<125x32xf32, #tpu.memory_space<vmem>>, %arg17: memref<125x32xf32, #tpu.memory_space<vmem>>, %arg18: memref<125x32xf32, #tpu.memory_space<vmem>>, %arg19: memref<125x32xf32, #tpu.memory_space<vmem>>, %arg20: memref<125x32xf32, #tpu.memory_space<vmem>>, %arg21: memref<125x32xf32, #tpu.memory_space<vmem>>, %arg22: memref<125x32xf32, #tpu.memory_space<vmem>>, %arg23: memref<125x32xf32, #tpu.memory_space<vmem>>, %arg24: memref<16x32xf32, #tpu.memory_space<vmem>>, %arg25: memref<10000x32xf32, #tpu.memory_space<vmem_shared>>, %arg26: memref<!tpu.dma_semaphore, #tpu.memory_space<semaphore_mem>>, %arg27: memref<!tpu.dma_semaphore, #tpu.memory_space<semaphore_mem>>) attributes {dimension_semantics = [#tpu.dimension_semantics<core_parallel>, #tpu.dimension_semantics<subcore_parallel>], iteration_bounds = array<i64: 2, 16>, scalar_prefetch = 0 : i64, scratch_operands = 22 : i64, tpu.core_type = #tpu.core_type<sc_vector_subcore>, window_params = [{transform_indices = #map}, {transform_indices = #map}, {transform_indices = #map}, {transform_indices = #map1}]} {
    %mul3A = arith.constant 2 : i32
    %mul3A_0 = arith.muli %arg1, %mul3A : i32
    %add3A = arith.addi %mul3A_0, %arg0 : i32
    %broadcast_in_dim3A = arith.constant 0.000000e+00 : f32
    %broadcast_in_dim3A_1 = vector.broadcast %broadcast_in_dim3A : f32 to vector<16xf32>
    %swap3A = arith.constant 0 : i32
    %swap3A_2 = arith.index_cast %swap3A : i32 to index
    %swap3A_3 = arith.constant 0 : index
    %swap3A_4 = tpu.vector_load %arg24[%swap3A_2, %swap3A_3] {strides = array<i32>} : memref<16x32xf32, #tpu.memory_space<vmem>>, vector<16xf32>,
    tpu.vector_store %arg24[%swap3A_2, %swap3A_3], %broadcast_in_dim3A_1 {strides = array<i32>} : memref<16x32xf32, #tpu.memory_space<vmem>>, vector<16xf32>,
    %swap3A_5 = arith.constant 0 : i32
    %swap3A_6 = arith.index_cast %swap3A_5 : i32 to index
    %swap3A_7 = arith.constant 16 : index
    %swap3A_8 = tpu.vector_load %arg24[%swap3A_6, %swap3A_7] {strides = array<i32>} : memref<16x32xf32, #tpu.memory_space<vmem>>, vector<16xf32>,
    tpu.vector_store %arg24[%swap3A_6, %swap3A_7], %broadcast_in_dim3A_1 {strides = array<i32>} : memref<16x32xf32, #tpu.memory_space<vmem>>, vector<16xf32>,
    %swap3A_9 = arith.constant 1 : i32
    %swap3A_10 = arith.index_cast %swap3A_9 : i32 to index
    %swap3A_11 = arith.constant 0 : index
    %swap3A_12 = tpu.vector_load %arg24[%swap3A_10, %swap3A_11] {strides = array<i32>} : memref<16x32xf32, #tpu.memory_space<vmem>>, vector<16xf32>,
    tpu.vector_store %arg24[%swap3A_10, %swap3A_11], %broadcast_in_dim3A_1 {strides = array<i32>} : memref<16x32xf32, #tpu.memory_space<vmem>>, vector<16xf32>,
    %swap3A_13 = arith.constant 1 : i32
    %swap3A_14 = arith.index_cast %swap3A_13 : i32 to index
    %swap3A_15 = arith.constant 16 : index
    %swap3A_16 = tpu.vector_load %arg24[%swap3A_14, %swap3A_15] {strides = array<i32>} : memref<16x32xf32, #tpu.memory_space<vmem>>, vector<16xf32>,
    tpu.vector_store %arg24[%swap3A_14, %swap3A_15], %broadcast_in_dim3A_1 {strides = array<i32>} : memref<16x32xf32, #tpu.memory_space<vmem>>, vector<16xf32>,
    %swap3A_17 = arith.constant 2 : i32
    %swap3A_18 = arith.index_cast %swap3A_17 : i32 to index
    %swap3A_19 = arith.constant 0 : index
    %swap3A_20 = tpu.vector_load %arg24[%swap3A_18, %swap3A_19] {strides = array<i32>} : memref<16x32xf32, #tpu.memory_space<vmem>>, vector<16xf32>,
    tpu.vector_store %arg24[%swap3A_18, %swap3A_19], %broadcast_in_dim3A_1 {strides = array<i32>} : memref<16x32xf32, #tpu.memory_space<vmem>>, vector<16xf32>,
    %swap3A_21 = arith.constant 2 : i32
    %swap3A_22 = arith.index_cast %swap3A_21 : i32 to index
    %swap3A_23 = arith.constant 16 : index
    %swap3A_24 = tpu.vector_load %arg24[%swap3A_22, %swap3A_23] {strides = array<i32>} : memref<16x32xf32, #tpu.memory_space<vmem>>, vector<16xf32>,
    tpu.vector_store %arg24[%swap3A_22, %swap3A_23], %broadcast_in_dim3A_1 {strides = array<i32>} : memref<16x32xf32, #tpu.memory_space<vmem>>, vector<16xf32>,
    %swap3A_25 = arith.constant 3 : i32
    %swap3A_26 = arith.index_cast %swap3A_25 : i32 to index
    %swap3A_27 = arith.constant 0 : index
    %swap3A_28 = tpu.vector_load %arg24[%swap3A_26, %swap3A_27] {strides = array<i32>} : memref<16x32xf32, #tpu.memory_space<vmem>>, vector<16xf32>,
    tpu.vector_store %arg24[%swap3A_26, %swap3A_27], %broadcast_in_dim3A_1 {strides = array<i32>} : memref<16x32xf32, #tpu.memory_space<vmem>>, vector<16xf32>,
    %swap3A_29 = arith.constant 3 : i32
    %swap3A_30 = arith.index_cast %swap3A_29 : i32 to index
    %swap3A_31 = arith.constant 16 : index
    %swap3A_32 = tpu.vector_load %arg24[%swap3A_30, %swap3A_31] {strides = array<i32>} : memref<16x32xf32, #tpu.memory_space<vmem>>, vector<16xf32>,
    tpu.vector_store %arg24[%swap3A_30, %swap3A_31], %broadcast_in_dim3A_1 {strides = array<i32>} : memref<16x32xf32, #tpu.memory_space<vmem>>, vector<16xf32>,
    %swap3A_33 = arith.constant 4 : i32
    %swap3A_34 = arith.index_cast %swap3A_33 : i32 to index
    %swap3A_35 = arith.constant 0 : index
    %swap3A_36 = tpu.vector_load %arg24[%swap3A_34, %swap3A_35] {strides = array<i32>} : memref<16x32xf32, #tpu.memory_space<vmem>>, vector<16xf32>,
    tpu.vector_store %arg24[%swap3A_34, %swap3A_35], %broadcast_in_dim3A_1 {strides = array<i32>} : memref<16x32xf32, #tpu.memory_space<vmem>>, vector<16xf32>,
    %swap3A_37 = arith.constant 4 : i32
    %swap3A_38 = arith.index_cast %swap3A_37 : i32 to index
    %swap3A_39 = arith.constant 16 : index
    %swap3A_40 = tpu.vector_load %arg24[%swap3A_38, %swap3A_39] {strides = array<i32>} : memref<16x32xf32, #tpu.memory_space<vmem>>, vector<16xf32>,
    tpu.vector_store %arg24[%swap3A_38, %swap3A_39], %broadcast_in_dim3A_1 {strides = array<i32>} : memref<16x32xf32, #tpu.memory_space<vmem>>, vector<16xf32>,
    %swap3A_41 = arith.constant 5 : i32
    %swap3A_42 = arith.index_cast %swap3A_41 : i32 to index
    %swap3A_43 = arith.constant 0 : index
    %swap3A_44 = tpu.vector_load %arg24[%swap3A_42, %swap3A_43] {strides = array<i32>} : memref<16x32xf32, #tpu.memory_space<vmem>>, vector<16xf32>,
    tpu.vector_store %arg24[%swap3A_42, %swap3A_43], %broadcast_in_dim3A_1 {strides = array<i32>} : memref<16x32xf32, #tpu.memory_space<vmem>>, vector<16xf32>,
    %swap3A_45 = arith.constant 5 : i32
    %swap3A_46 = arith.index_cast %swap3A_45 : i32 to index
    %swap3A_47 = arith.constant 16 : index
    %swap3A_48 = tpu.vector_load %arg24[%swap3A_46, %swap3A_47] {strides = array<i32>} : memref<16x32xf32, #tpu.memory_space<vmem>>, vector<16xf32>,
    tpu.vector_store %arg24[%swap3A_46, %swap3A_47], %broadcast_in_dim3A_1 {strides = array<i32>} : memref<16x32xf32, #tpu.memory_space<vmem>>, vector<16xf32>,
    %swap3A_49 = arith.constant 6 : i32
    %swap3A_50 = arith.index_cast %swap3A_49 : i32 to index
    %swap3A_51 = arith.constant 0 : index
    %swap3A_52 = tpu.vector_load %arg24[%swap3A_50, %swap3A_51] {strides = array<i32>} : memref<16x32xf32, #tpu.memory_space<vmem>>, vector<16xf32>,
    tpu.vector_store %arg24[%swap3A_50, %swap3A_51], %broadcast_in_dim3A_1 {strides = array<i32>} : memref<16x32xf32, #tpu.memory_space<vmem>>, vector<16xf32>,
    %swap3A_53 = arith.constant 6 : i32
    %swap3A_54 = arith.index_cast %swap3A_53 : i32 to index
    %swap3A_55 = arith.constant 16 : index
    %swap3A_56 = tpu.vector_load %arg24[%swap3A_54, %swap3A_55] {strides = array<i32>} : memref<16x32xf32, #tpu.memory_space<vmem>>, vector<16xf32>,
    tpu.vector_store %arg24[%swap3A_54, %swap3A_55], %broadcast_in_dim3A_1 {strides = array<i32>} : memref<16x32xf32, #tpu.memory_space<vmem>>, vector<16xf32>,
    %swap3A_57 = arith.constant 7 : i32
    %swap3A_58 = arith.index_cast %swap3A_57 : i32 to index
    %swap3A_59 = arith.constant 0 : index
    %swap3A_60 = tpu.vector_load %arg24[%swap3A_58, %swap3A_59] {strides = array<i32>} : memref<16x32xf32, #tpu.memory_space<vmem>>, vector<16xf32>,
    tpu.vector_store %arg24[%swap3A_58, %swap3A_59], %broadcast_in_dim3A_1 {strides = array<i32>} : memref<16x32xf32, #tpu.memory_space<vmem>>, vector<16xf32>,
    %swap3A_61 = arith.constant 7 : i32
    %swap3A_62 = arith.index_cast %swap3A_61 : i32 to index
    %swap3A_63 = arith.constant 16 : index
    %swap3A_64 = tpu.vector_load %arg24[%swap3A_62, %swap3A_63] {strides = array<i32>} : memref<16x32xf32, #tpu.memory_space<vmem>>, vector<16xf32>,
    tpu.vector_store %arg24[%swap3A_62, %swap3A_63], %broadcast_in_dim3A_1 {strides = array<i32>} : memref<16x32xf32, #tpu.memory_space<vmem>>, vector<16xf32>,
    %swap3A_65 = arith.constant 8 : i32
    %swap3A_66 = arith.index_cast %swap3A_65 : i32 to index
    %swap3A_67 = arith.constant 0 : index
    %swap3A_68 = tpu.vector_load %arg24[%swap3A_66, %swap3A_67] {strides = array<i32>} : memref<16x32xf32, #tpu.memory_space<vmem>>, vector<16xf32>,
    tpu.vector_store %arg24[%swap3A_66, %swap3A_67], %broadcast_in_dim3A_1 {strides = array<i32>} : memref<16x32xf32, #tpu.memory_space<vmem>>, vector<16xf32>,
    %swap3A_69 = arith.constant 8 : i32
    %swap3A_70 = arith.index_cast %swap3A_69 : i32 to index
    %swap3A_71 = arith.constant 16 : index
    %swap3A_72 = tpu.vector_load %arg24[%swap3A_70, %swap3A_71] {strides = array<i32>} : memref<16x32xf32, #tpu.memory_space<vmem>>, vector<16xf32>,
    tpu.vector_store %arg24[%swap3A_70, %swap3A_71], %broadcast_in_dim3A_1 {strides = array<i32>} : memref<16x32xf32, #tpu.memory_space<vmem>>, vector<16xf32>,
    %swap3A_73 = arith.constant 9 : i32
    %swap3A_74 = arith.index_cast %swap3A_73 : i32 to index
    %swap3A_75 = arith.constant 0 : index
    %swap3A_76 = tpu.vector_load %arg24[%swap3A_74, %swap3A_75] {strides = array<i32>} : memref<16x32xf32, #tpu.memory_space<vmem>>, vector<16xf32>,
    tpu.vector_store %arg24[%swap3A_74, %swap3A_75], %broadcast_in_dim3A_1 {strides = array<i32>} : memref<16x32xf32, #tpu.memory_space<vmem>>, vector<16xf32>,
    %swap3A_77 = arith.constant 9 : i32
    %swap3A_78 = arith.index_cast %swap3A_77 : i32 to index
    %swap3A_79 = arith.constant 16 : index
    %swap3A_80 = tpu.vector_load %arg24[%swap3A_78, %swap3A_79] {strides = array<i32>} : memref<16x32xf32, #tpu.memory_space<vmem>>, vector<16xf32>,
    tpu.vector_store %arg24[%swap3A_78, %swap3A_79], %broadcast_in_dim3A_1 {strides = array<i32>} : memref<16x32xf32, #tpu.memory_space<vmem>>, vector<16xf32>,
    %swap3A_81 = arith.constant 10 : i32
    %swap3A_82 = arith.index_cast %swap3A_81 : i32 to index
    %swap3A_83 = arith.constant 0 : index
    %swap3A_84 = tpu.vector_load %arg24[%swap3A_82, %swap3A_83] {strides = array<i32>} : memref<16x32xf32, #tpu.memory_space<vmem>>, vector<16xf32>,
    tpu.vector_store %arg24[%swap3A_82, %swap3A_83], %broadcast_in_dim3A_1 {strides = array<i32>} : memref<16x32xf32, #tpu.memory_space<vmem>>, vector<16xf32>,
    %swap3A_85 = arith.constant 10 : i32
    %swap3A_86 = arith.index_cast %swap3A_85 : i32 to index
    %swap3A_87 = arith.constant 16 : index
    %swap3A_88 = tpu.vector_load %arg24[%swap3A_86, %swap3A_87] {strides = array<i32>} : memref<16x32xf32, #tpu.memory_space<vmem>>, vector<16xf32>,
    tpu.vector_store %arg24[%swap3A_86, %swap3A_87], %broadcast_in_dim3A_1 {strides = array<i32>} : memref<16x32xf32, #tpu.memory_space<vmem>>, vector<16xf32>,
    %swap3A_89 = arith.constant 11 : i32
    %swap3A_90 = arith.index_cast %swap3A_89 : i32 to index
    %swap3A_91 = arith.constant 0 : index
    %swap3A_92 = tpu.vector_load %arg24[%swap3A_90, %swap3A_91] {strides = array<i32>} : memref<16x32xf32, #tpu.memory_space<vmem>>, vector<16xf32>,
    tpu.vector_store %arg24[%swap3A_90, %swap3A_91], %broadcast_in_dim3A_1 {strides = array<i32>} : memref<16x32xf32, #tpu.memory_space<vmem>>, vector<16xf32>,
    %swap3A_93 = arith.constant 11 : i32
    %swap3A_94 = arith.index_cast %swap3A_93 : i32 to index
    %swap3A_95 = arith.constant 16 : index
    %swap3A_96 = tpu.vector_load %arg24[%swap3A_94, %swap3A_95] {strides = array<i32>} : memref<16x32xf32, #tpu.memory_space<vmem>>, vector<16xf32>,
    tpu.vector_store %arg24[%swap3A_94, %swap3A_95], %broadcast_in_dim3A_1 {strides = array<i32>} : memref<16x32xf32, #tpu.memory_space<vmem>>, vector<16xf32>,
    %swap3A_97 = arith.constant 12 : i32
    %swap3A_98 = arith.index_cast %swap3A_97 : i32 to index
    %swap3A_99 = arith.constant 0 : index
    %swap3A_100 = tpu.vector_load %arg24[%swap3A_98, %swap3A_99] {strides = array<i32>} : memref<16x32xf32, #tpu.memory_space<vmem>>, vector<16xf32>,
    tpu.vector_store %arg24[%swap3A_98, %swap3A_99], %broadcast_in_dim3A_1 {strides = array<i32>} : memref<16x32xf32, #tpu.memory_space<vmem>>, vector<16xf32>,
    %swap3A_101 = arith.constant 12 : i32
    %swap3A_102 = arith.index_cast %swap3A_101 : i32 to index
    %swap3A_103 = arith.constant 16 : index
    %swap3A_104 = tpu.vector_load %arg24[%swap3A_102, %swap3A_103] {strides = array<i32>} : memref<16x32xf32, #tpu.memory_space<vmem>>, vector<16xf32>,
    tpu.vector_store %arg24[%swap3A_102, %swap3A_103], %broadcast_in_dim3A_1 {strides = array<i32>} : memref<16x32xf32, #tpu.memory_space<vmem>>, vector<16xf32>,
    %swap3A_105 = arith.constant 13 : i32
    %swap3A_106 = arith.index_cast %swap3A_105 : i32 to index
    %swap3A_107 = arith.constant 0 : index
    %swap3A_108 = tpu.vector_load %arg24[%swap3A_106, %swap3A_107] {strides = array<i32>} : memref<16x32xf32, #tpu.memory_space<vmem>>, vector<16xf32>,
    tpu.vector_store %arg24[%swap3A_106, %swap3A_107], %broadcast_in_dim3A_1 {strides = array<i32>} : memref<16x32xf32, #tpu.memory_space<vmem>>, vector<16xf32>,
    %swap3A_109 = arith.constant 13 : i32
    %swap3A_110 = arith.index_cast %swap3A_109 : i32 to index
    %swap3A_111 = arith.constant 16 : index
    %swap3A_112 = tpu.vector_load %arg24[%swap3A_110, %swap3A_111] {strides = array<i32>} : memref<16x32xf32, #tpu.memory_space<vmem>>, vector<16xf32>,
    tpu.vector_store %arg24[%swap3A_110, %swap3A_111], %broadcast_in_dim3A_1 {strides = array<i32>} : memref<16x32xf32, #tpu.memory_space<vmem>>, vector<16xf32>,
    %swap3A_113 = arith.constant 14 : i32
    %swap3A_114 = arith.index_cast %swap3A_113 : i32 to index
    %swap3A_115 = arith.constant 0 : index
    %swap3A_116 = tpu.vector_load %arg24[%swap3A_114, %swap3A_115] {strides = array<i32>} : memref<16x32xf32, #tpu.memory_space<vmem>>, vector<16xf32>,
    tpu.vector_store %arg24[%swap3A_114, %swap3A_115], %broadcast_in_dim3A_1 {strides = array<i32>} : memref<16x32xf32, #tpu.memory_space<vmem>>, vector<16xf32>,
    %swap3A_117 = arith.constant 14 : i32
    %swap3A_118 = arith.index_cast %swap3A_117 : i32 to index
    %swap3A_119 = arith.constant 16 : index
    %swap3A_120 = tpu.vector_load %arg24[%swap3A_118, %swap3A_119] {strides = array<i32>} : memref<16x32xf32, #tpu.memory_space<vmem>>, vector<16xf32>,
    tpu.vector_store %arg24[%swap3A_118, %swap3A_119], %broadcast_in_dim3A_1 {strides = array<i32>} : memref<16x32xf32, #tpu.memory_space<vmem>>, vector<16xf32>,
    %swap3A_121 = arith.constant 15 : i32
    %swap3A_122 = arith.index_cast %swap3A_121 : i32 to index
    %swap3A_123 = arith.constant 0 : index
    %swap3A_124 = tpu.vector_load %arg24[%swap3A_122, %swap3A_123] {strides = array<i32>} : memref<16x32xf32, #tpu.memory_space<vmem>>, vector<16xf32>,
    tpu.vector_store %arg24[%swap3A_122, %swap3A_123], %broadcast_in_dim3A_1 {strides = array<i32>} : memref<16x32xf32, #tpu.memory_space<vmem>>, vector<16xf32>,
    %swap3A_125 = arith.constant 15 : i32
    %swap3A_126 = arith.index_cast %swap3A_125 : i32 to index
    %swap3A_127 = arith.constant 16 : index
    %swap3A_128 = tpu.vector_load %arg24[%swap3A_126, %swap3A_127] {strides = array<i32>} : memref<16x32xf32, #tpu.memory_space<vmem>>, vector<16xf32>,
    tpu.vector_store %arg24[%swap3A_126, %swap3A_127], %broadcast_in_dim3A_1 {strides = array<i32>} : memref<16x32xf32, #tpu.memory_space<vmem>>, vector<16xf32>,
    %mul3A_129 = arith.constant 624 : i32
    %mul3A_130 = arith.muli %arg1, %mul3A_129 : i32
    %add3A_131 = arith.constant 0 : i32
    %add3A_132 = arith.addi %mul3A_130, %add3A_131 : i32
    "tpu.region"() ({
      %run_scoped3A = tpu.sem_alloc : memref<!tpu.dma_semaphore, #tpu.memory_space<semaphore_mem>>
      %dma_start3A_285 = arith.constant 0 : i32
      %dma_start3A_286 = tpu.memref_slice %arg25[%add3A_132, %dma_start3A_285] : memref<10000x32xf32, #tpu.memory_space<vmem_shared>> -> memref<16x32xf32, #tpu.memory_space<vmem_shared>>
      %dma_start3A_287 = arith.constant 0 : i32
      %dma_start3A_288 = tpu.memref_slice %arg25[%add3A_132, %dma_start3A_287] : memref<10000x32xf32, #tpu.memory_space<vmem_shared>> -> memref<16x32xf32, #tpu.memory_space<vmem_shared>>
      tpu.enqueue_dma source(%arg24 : memref<16x32xf32, #tpu.memory_space<vmem>>) target(%dma_start3A_288 : memref<16x32xf32, #tpu.memory_space<vmem_shared>>) target_semaphore(%run_scoped3A : memref<!tpu.dma_semaphore, #tpu.memory_space<semaphore_mem>>)
      %dma_wait3A = arith.constant 0 : i32
      %dma_wait3A_289 = tpu.memref_slice %arg25[%add3A_132, %dma_wait3A] : memref<10000x32xf32, #tpu.memory_space<vmem_shared>> -> memref<16x32xf32, #tpu.memory_space<vmem_shared>>
      %dma_wait3A_290 = arith.constant 0 : i32
      %dma_wait3A_291 = tpu.memref_slice %arg25[%add3A_132, %dma_wait3A_290] : memref<10000x32xf32, #tpu.memory_space<vmem_shared>> -> memref<16x32xf32, #tpu.memory_space<vmem_shared>>
      tpu.wait_dma2 semaphore(%run_scoped3A : memref<!tpu.dma_semaphore, #tpu.memory_space<semaphore_mem>>) src(%arg24 : memref<16x32xf32, #tpu.memory_space<vmem>>) dst(%dma_wait3A_291 : memref<16x32xf32, #tpu.memory_space<vmem_shared>>)
      tpu.yield
    }) : () -> ()
    %add3A_133 = arith.constant 16 : i32
    %add3A_134 = arith.addi %mul3A_130, %add3A_133 : i32
    "tpu.region"() ({
      %run_scoped3A = tpu.sem_alloc : memref<!tpu.dma_semaphore, #tpu.memory_space<semaphore_mem>>
      %dma_start3A_285 = arith.constant 0 : i32
      %dma_start3A_286 = tpu.memref_slice %arg25[%add3A_134, %dma_start3A_285] : memref<10000x32xf32, #tpu.memory_space<vmem_shared>> -> memref<16x32xf32, #tpu.memory_space<vmem_shared>>
      %dma_start3A_287 = arith.constant 0 : i32
      %dma_start3A_288 = tpu.memref_slice %arg25[%add3A_134, %dma_start3A_287] : memref<10000x32xf32, #tpu.memory_space<vmem_shared>> -> memref<16x32xf32, #tpu.memory_space<vmem_shared>>
      tpu.enqueue_dma source(%arg24 : memref<16x32xf32, #tpu.memory_space<vmem>>) target(%dma_start3A_288 : memref<16x32xf32, #tpu.memory_space<vmem_shared>>) target_semaphore(%run_scoped3A : memref<!tpu.dma_semaphore, #tpu.memory_space<semaphore_mem>>)
      %dma_wait3A = arith.constant 0 : i32
      %dma_wait3A_289 = tpu.memref_slice %arg25[%add3A_134, %dma_wait3A] : memref<10000x32xf32, #tpu.memory_space<vmem_shared>> -> memref<16x32xf32, #tpu.memory_space<vmem_shared>>
      %dma_wait3A_290 = arith.constant 0 : i32
      %dma_wait3A_291 = tpu.memref_slice %arg25[%add3A_134, %dma_wait3A_290] : memref<10000x32xf32, #tpu.memory_space<vmem_shared>> -> memref<16x32xf32, #tpu.memory_space<vmem_shared>>
      tpu.wait_dma2 semaphore(%run_scoped3A : memref<!tpu.dma_semaphore, #tpu.memory_space<semaphore_mem>>) src(%arg24 : memref<16x32xf32, #tpu.memory_space<vmem>>) dst(%dma_wait3A_291 : memref<16x32xf32, #tpu.memory_space<vmem_shared>>)
      tpu.yield
    }) : () -> ()
    %add3A_135 = arith.constant 32 : i32
    %add3A_136 = arith.addi %mul3A_130, %add3A_135 : i32
    "tpu.region"() ({
      %run_scoped3A = tpu.sem_alloc : memref<!tpu.dma_semaphore, #tpu.memory_space<semaphore_mem>>
      %dma_start3A_285 = arith.constant 0 : i32
      %dma_start3A_286 = tpu.memref_slice %arg25[%add3A_136, %dma_start3A_285] : memref<10000x32xf32, #tpu.memory_space<vmem_shared>> -> memref<16x32xf32, #tpu.memory_space<vmem_shared>>
      %dma_start3A_287 = arith.constant 0 : i32
      %dma_start3A_288 = tpu.memref_slice %arg25[%add3A_136, %dma_start3A_287] : memref<10000x32xf32, #tpu.memory_space<vmem_shared>> -> memref<16x32xf32, #tpu.memory_space<vmem_shared>>
      tpu.enqueue_dma source(%arg24 : memref<16x32xf32, #tpu.memory_space<vmem>>) target(%dma_start3A_288 : memref<16x32xf32, #tpu.memory_space<vmem_shared>>) target_semaphore(%run_scoped3A : memref<!tpu.dma_semaphore, #tpu.memory_space<semaphore_mem>>)
      %dma_wait3A = arith.constant 0 : i32
      %dma_wait3A_289 = tpu.memref_slice %arg25[%add3A_136, %dma_wait3A] : memref<10000x32xf32, #tpu.memory_space<vmem_shared>> -> memref<16x32xf32, #tpu.memory_space<vmem_shared>>
      %dma_wait3A_290 = arith.constant 0 : i32
      %dma_wait3A_291 = tpu.memref_slice %arg25[%add3A_136, %dma_wait3A_290] : memref<10000x32xf32, #tpu.memory_space<vmem_shared>> -> memref<16x32xf32, #tpu.memory_space<vmem_shared>>
      tpu.wait_dma2 semaphore(%run_scoped3A : memref<!tpu.dma_semaphore, #tpu.memory_space<semaphore_mem>>) src(%arg24 : memref<16x32xf32, #tpu.memory_space<vmem>>) dst(%dma_wait3A_291 : memref<16x32xf32, #tpu.memory_space<vmem_shared>>)
      tpu.yield
    }) : () -> ()
    %add3A_137 = arith.constant 48 : i32
    %add3A_138 = arith.addi %mul3A_130, %add3A_137 : i32
    "tpu.region"() ({
      %run_scoped3A = tpu.sem_alloc : memref<!tpu.dma_semaphore, #tpu.memory_space<semaphore_mem>>
      %dma_start3A_285 = arith.constant 0 : i32
      %dma_start3A_286 = tpu.memref_slice %arg25[%add3A_138, %dma_start3A_285] : memref<10000x32xf32, #tpu.memory_space<vmem_shared>> -> memref<16x32xf32, #tpu.memory_space<vmem_shared>>
      %dma_start3A_287 = arith.constant 0 : i32
      %dma_start3A_288 = tpu.memref_slice %arg25[%add3A_138, %dma_start3A_287] : memref<10000x32xf32, #tpu.memory_space<vmem_shared>> -> memref<16x32xf32, #tpu.memory_space<vmem_shared>>
      tpu.enqueue_dma source(%arg24 : memref<16x32xf32, #tpu.memory_space<vmem>>) target(%dma_start3A_288 : memref<16x32xf32, #tpu.memory_space<vmem_shared>>) target_semaphore(%run_scoped3A : memref<!tpu.dma_semaphore, #tpu.memory_space<semaphore_mem>>)
      %dma_wait3A = arith.constant 0 : i32
      %dma_wait3A_289 = tpu.memref_slice %arg25[%add3A_138, %dma_wait3A] : memref<10000x32xf32, #tpu.memory_space<vmem_shared>> -> memref<16x32xf32, #tpu.memory_space<vmem_shared>>
      %dma_wait3A_290 = arith.constant 0 : i32
      %dma_wait3A_291 = tpu.memref_slice %arg25[%add3A_138, %dma_wait3A_290] : memref<10000x32xf32, #tpu.memory_space<vmem_shared>> -> memref<16x32xf32, #tpu.memory_space<vmem_shared>>
      tpu.wait_dma2 semaphore(%run_scoped3A : memref<!tpu.dma_semaphore, #tpu.memory_space<semaphore_mem>>) src(%arg24 : memref<16x32xf32, #tpu.memory_space<vmem>>) dst(%dma_wait3A_291 : memref<16x32xf32, #tpu.memory_space<vmem_shared>>)
      tpu.yield
    }) : () -> ()
    %add3A_139 = arith.constant 64 : i32
    %add3A_140 = arith.addi %mul3A_130, %add3A_139 : i32
    "tpu.region"() ({
      %run_scoped3A = tpu.sem_alloc : memref<!tpu.dma_semaphore, #tpu.memory_space<semaphore_mem>>
      %dma_start3A_285 = arith.constant 0 : i32
      %dma_start3A_286 = tpu.memref_slice %arg25[%add3A_140, %dma_start3A_285] : memref<10000x32xf32, #tpu.memory_space<vmem_shared>> -> memref<16x32xf32, #tpu.memory_space<vmem_shared>>
      %dma_start3A_287 = arith.constant 0 : i32
      %dma_start3A_288 = tpu.memref_slice %arg25[%add3A_140, %dma_start3A_287] : memref<10000x32xf32, #tpu.memory_space<vmem_shared>> -> memref<16x32xf32, #tpu.memory_space<vmem_shared>>
      tpu.enqueue_dma source(%arg24 : memref<16x32xf32, #tpu.memory_space<vmem>>) target(%dma_start3A_288 : memref<16x32xf32, #tpu.memory_space<vmem_shared>>) target_semaphore(%run_scoped3A : memref<!tpu.dma_semaphore, #tpu.memory_space<semaphore_mem>>)
      %dma_wait3A = arith.constant 0 : i32
      %dma_wait3A_289 = tpu.memref_slice %arg25[%add3A_140, %dma_wait3A] : memref<10000x32xf32, #tpu.memory_space<vmem_shared>> -> memref<16x32xf32, #tpu.memory_space<vmem_shared>>
      %dma_wait3A_290 = arith.constant 0 : i32
      %dma_wait3A_291 = tpu.memref_slice %arg25[%add3A_140, %dma_wait3A_290] : memref<10000x32xf32, #tpu.memory_space<vmem_shared>> -> memref<16x32xf32, #tpu.memory_space<vmem_shared>>
      tpu.wait_dma2 semaphore(%run_scoped3A : memref<!tpu.dma_semaphore, #tpu.memory_space<semaphore_mem>>) src(%arg24 : memref<16x32xf32, #tpu.memory_space<vmem>>) dst(%dma_wait3A_291 : memref<16x32xf32, #tpu.memory_space<vmem_shared>>)
      tpu.yield
    }) : () -> ()
    %add3A_141 = arith.constant 80 : i32
    %add3A_142 = arith.addi %mul3A_130, %add3A_141 : i32
    "tpu.region"() ({
      %run_scoped3A = tpu.sem_alloc : memref<!tpu.dma_semaphore, #tpu.memory_space<semaphore_mem>>
      %dma_start3A_285 = arith.constant 0 : i32
      %dma_start3A_286 = tpu.memref_slice %arg25[%add3A_142, %dma_start3A_285] : memref<10000x32xf32, #tpu.memory_space<vmem_shared>> -> memref<16x32xf32, #tpu.memory_space<vmem_shared>>
      %dma_start3A_287 = arith.constant 0 : i32
      %dma_start3A_288 = tpu.memref_slice %arg25[%add3A_142, %dma_start3A_287] : memref<10000x32xf32, #tpu.memory_space<vmem_shared>> -> memref<16x32xf32, #tpu.memory_space<vmem_shared>>
      tpu.enqueue_dma source(%arg24 : memref<16x32xf32, #tpu.memory_space<vmem>>) target(%dma_start3A_288 : memref<16x32xf32, #tpu.memory_space<vmem_shared>>) target_semaphore(%run_scoped3A : memref<!tpu.dma_semaphore, #tpu.memory_space<semaphore_mem>>)
      %dma_wait3A = arith.constant 0 : i32
      %dma_wait3A_289 = tpu.memref_slice %arg25[%add3A_142, %dma_wait3A] : memref<10000x32xf32, #tpu.memory_space<vmem_shared>> -> memref<16x32xf32, #tpu.memory_space<vmem_shared>>
      %dma_wait3A_290 = arith.constant 0 : i32
      %dma_wait3A_291 = tpu.memref_slice %arg25[%add3A_142, %dma_wait3A_290] : memref<10000x32xf32, #tpu.memory_space<vmem_shared>> -> memref<16x32xf32, #tpu.memory_space<vmem_shared>>
      tpu.wait_dma2 semaphore(%run_scoped3A : memref<!tpu.dma_semaphore, #tpu.memory_space<semaphore_mem>>) src(%arg24 : memref<16x32xf32, #tpu.memory_space<vmem>>) dst(%dma_wait3A_291 : memref<16x32xf32, #tpu.memory_space<vmem_shared>>)
      tpu.yield
    }) : () -> ()
    %add3A_143 = arith.constant 96 : i32
    %add3A_144 = arith.addi %mul3A_130, %add3A_143 : i32
    "tpu.region"() ({
      %run_scoped3A = tpu.sem_alloc : memref<!tpu.dma_semaphore, #tpu.memory_space<semaphore_mem>>
      %dma_start3A_285 = arith.constant 0 : i32
      %dma_start3A_286 = tpu.memref_slice %arg25[%add3A_144, %dma_start3A_285] : memref<10000x32xf32, #tpu.memory_space<vmem_shared>> -> memref<16x32xf32, #tpu.memory_space<vmem_shared>>
      %dma_start3A_287 = arith.constant 0 : i32
      %dma_start3A_288 = tpu.memref_slice %arg25[%add3A_144, %dma_start3A_287] : memref<10000x32xf32, #tpu.memory_space<vmem_shared>> -> memref<16x32xf32, #tpu.memory_space<vmem_shared>>
      tpu.enqueue_dma source(%arg24 : memref<16x32xf32, #tpu.memory_space<vmem>>) target(%dma_start3A_288 : memref<16x32xf32, #tpu.memory_space<vmem_shared>>) target_semaphore(%run_scoped3A : memref<!tpu.dma_semaphore, #tpu.memory_space<semaphore_mem>>)
      %dma_wait3A = arith.constant 0 : i32
      %dma_wait3A_289 = tpu.memref_slice %arg25[%add3A_144, %dma_wait3A] : memref<10000x32xf32, #tpu.memory_space<vmem_shared>> -> memref<16x32xf32, #tpu.memory_space<vmem_shared>>
      %dma_wait3A_290 = arith.constant 0 : i32
      %dma_wait3A_291 = tpu.memref_slice %arg25[%add3A_144, %dma_wait3A_290] : memref<10000x32xf32, #tpu.memory_space<vmem_shared>> -> memref<16x32xf32, #tpu.memory_space<vmem_shared>>
      tpu.wait_dma2 semaphore(%run_scoped3A : memref<!tpu.dma_semaphore, #tpu.memory_space<semaphore_mem>>) src(%arg24 : memref<16x32xf32, #tpu.memory_space<vmem>>) dst(%dma_wait3A_291 : memref<16x32xf32, #tpu.memory_space<vmem_shared>>)
      tpu.yield
    }) : () -> ()
    %add3A_145 = arith.constant 112 : i32
    %add3A_146 = arith.addi %mul3A_130, %add3A_145 : i32
    "tpu.region"() ({
      %run_scoped3A = tpu.sem_alloc : memref<!tpu.dma_semaphore, #tpu.memory_space<semaphore_mem>>
      %dma_start3A_285 = arith.constant 0 : i32
      %dma_start3A_286 = tpu.memref_slice %arg25[%add3A_146, %dma_start3A_285] : memref<10000x32xf32, #tpu.memory_space<vmem_shared>> -> memref<16x32xf32, #tpu.memory_space<vmem_shared>>
      %dma_start3A_287 = arith.constant 0 : i32
      %dma_start3A_288 = tpu.memref_slice %arg25[%add3A_146, %dma_start3A_287] : memref<10000x32xf32, #tpu.memory_space<vmem_shared>> -> memref<16x32xf32, #tpu.memory_space<vmem_shared>>
      tpu.enqueue_dma source(%arg24 : memref<16x32xf32, #tpu.memory_space<vmem>>) target(%dma_start3A_288 : memref<16x32xf32, #tpu.memory_space<vmem_shared>>) target_semaphore(%run_scoped3A : memref<!tpu.dma_semaphore, #tpu.memory_space<semaphore_mem>>)
      %dma_wait3A = arith.constant 0 : i32
      %dma_wait3A_289 = tpu.memref_slice %arg25[%add3A_146, %dma_wait3A] : memref<10000x32xf32, #tpu.memory_space<vmem_shared>> -> memref<16x32xf32, #tpu.memory_space<vmem_shared>>
      %dma_wait3A_290 = arith.constant 0 : i32
      %dma_wait3A_291 = tpu.memref_slice %arg25[%add3A_146, %dma_wait3A_290] : memref<10000x32xf32, #tpu.memory_space<vmem_shared>> -> memref<16x32xf32, #tpu.memory_space<vmem_shared>>
      tpu.wait_dma2 semaphore(%run_scoped3A : memref<!tpu.dma_semaphore, #tpu.memory_space<semaphore_mem>>) src(%arg24 : memref<16x32xf32, #tpu.memory_space<vmem>>) dst(%dma_wait3A_291 : memref<16x32xf32, #tpu.memory_space<vmem_shared>>)
      tpu.yield
    }) : () -> ()
    %add3A_147 = arith.constant 128 : i32
    %add3A_148 = arith.addi %mul3A_130, %add3A_147 : i32
    "tpu.region"() ({
      %run_scoped3A = tpu.sem_alloc : memref<!tpu.dma_semaphore, #tpu.memory_space<semaphore_mem>>
      %dma_start3A_285 = arith.constant 0 : i32
      %dma_start3A_286 = tpu.memref_slice %arg25[%add3A_148, %dma_start3A_285] : memref<10000x32xf32, #tpu.memory_space<vmem_shared>> -> memref<16x32xf32, #tpu.memory_space<vmem_shared>>
      %dma_start3A_287 = arith.constant 0 : i32
      %dma_start3A_288 = tpu.memref_slice %arg25[%add3A_148, %dma_start3A_287] : memref<10000x32xf32, #tpu.memory_space<vmem_shared>> -> memref<16x32xf32, #tpu.memory_space<vmem_shared>>
      tpu.enqueue_dma source(%arg24 : memref<16x32xf32, #tpu.memory_space<vmem>>) target(%dma_start3A_288 : memref<16x32xf32, #tpu.memory_space<vmem_shared>>) target_semaphore(%run_scoped3A : memref<!tpu.dma_semaphore, #tpu.memory_space<semaphore_mem>>)
      %dma_wait3A = arith.constant 0 : i32
      %dma_wait3A_289 = tpu.memref_slice %arg25[%add3A_148, %dma_wait3A] : memref<10000x32xf32, #tpu.memory_space<vmem_shared>> -> memref<16x32xf32, #tpu.memory_space<vmem_shared>>
      %dma_wait3A_290 = arith.constant 0 : i32
      %dma_wait3A_291 = tpu.memref_slice %arg25[%add3A_148, %dma_wait3A_290] : memref<10000x32xf32, #tpu.memory_space<vmem_shared>> -> memref<16x32xf32, #tpu.memory_space<vmem_shared>>
      tpu.wait_dma2 semaphore(%run_scoped3A : memref<!tpu.dma_semaphore, #tpu.memory_space<semaphore_mem>>) src(%arg24 : memref<16x32xf32, #tpu.memory_space<vmem>>) dst(%dma_wait3A_291 : memref<16x32xf32, #tpu.memory_space<vmem_shared>>)
      tpu.yield
    }) : () -> ()
    %add3A_149 = arith.constant 144 : i32
    %add3A_150 = arith.addi %mul3A_130, %add3A_149 : i32
    "tpu.region"() ({
      %run_scoped3A = tpu.sem_alloc : memref<!tpu.dma_semaphore, #tpu.memory_space<semaphore_mem>>
      %dma_start3A_285 = arith.constant 0 : i32
      %dma_start3A_286 = tpu.memref_slice %arg25[%add3A_150, %dma_start3A_285] : memref<10000x32xf32, #tpu.memory_space<vmem_shared>> -> memref<16x32xf32, #tpu.memory_space<vmem_shared>>
      %dma_start3A_287 = arith.constant 0 : i32
      %dma_start3A_288 = tpu.memref_slice %arg25[%add3A_150, %dma_start3A_287] : memref<10000x32xf32, #tpu.memory_space<vmem_shared>> -> memref<16x32xf32, #tpu.memory_space<vmem_shared>>
      tpu.enqueue_dma source(%arg24 : memref<16x32xf32, #tpu.memory_space<vmem>>) target(%dma_start3A_288 : memref<16x32xf32, #tpu.memory_space<vmem_shared>>) target_semaphore(%run_scoped3A : memref<!tpu.dma_semaphore, #tpu.memory_space<semaphore_mem>>)
      %dma_wait3A = arith.constant 0 : i32
      %dma_wait3A_289 = tpu.memref_slice %arg25[%add3A_150, %dma_wait3A] : memref<10000x32xf32, #tpu.memory_space<vmem_shared>> -> memref<16x32xf32, #tpu.memory_space<vmem_shared>>
      %dma_wait3A_290 = arith.constant 0 : i32
      %dma_wait3A_291 = tpu.memref_slice %arg25[%add3A_150, %dma_wait3A_290] : memref<10000x32xf32, #tpu.memory_space<vmem_shared>> -> memref<16x32xf32, #tpu.memory_space<vmem_shared>>
      tpu.wait_dma2 semaphore(%run_scoped3A : memref<!tpu.dma_semaphore, #tpu.memory_space<semaphore_mem>>) src(%arg24 : memref<16x32xf32, #tpu.memory_space<vmem>>) dst(%dma_wait3A_291 : memref<16x32xf32, #tpu.memory_space<vmem_shared>>)
      tpu.yield
    }) : () -> ()
    %add3A_151 = arith.constant 160 : i32
    %add3A_152 = arith.addi %mul3A_130, %add3A_151 : i32
    "tpu.region"() ({
      %run_scoped3A = tpu.sem_alloc : memref<!tpu.dma_semaphore, #tpu.memory_space<semaphore_mem>>
      %dma_start3A_285 = arith.constant 0 : i32
      %dma_start3A_286 = tpu.memref_slice %arg25[%add3A_152, %dma_start3A_285] : memref<10000x32xf32, #tpu.memory_space<vmem_shared>> -> memref<16x32xf32, #tpu.memory_space<vmem_shared>>
      %dma_start3A_287 = arith.constant 0 : i32
      %dma_start3A_288 = tpu.memref_slice %arg25[%add3A_152, %dma_start3A_287] : memref<10000x32xf32, #tpu.memory_space<vmem_shared>> -> memref<16x32xf32, #tpu.memory_space<vmem_shared>>
      tpu.enqueue_dma source(%arg24 : memref<16x32xf32, #tpu.memory_space<vmem>>) target(%dma_start3A_288 : memref<16x32xf32, #tpu.memory_space<vmem_shared>>) target_semaphore(%run_scoped3A : memref<!tpu.dma_semaphore, #tpu.memory_space<semaphore_mem>>)
      %dma_wait3A = arith.constant 0 : i32
      %dma_wait3A_289 = tpu.memref_slice %arg25[%add3A_152, %dma_wait3A] : memref<10000x32xf32, #tpu.memory_space<vmem_shared>> -> memref<16x32xf32, #tpu.memory_space<vmem_shared>>
      %dma_wait3A_290 = arith.constant 0 : i32
      %dma_wait3A_291 = tpu.memref_slice %arg25[%add3A_152, %dma_wait3A_290] : memref<10000x32xf32, #tpu.memory_space<vmem_shared>> -> memref<16x32xf32, #tpu.memory_space<vmem_shared>>
      tpu.wait_dma2 semaphore(%run_scoped3A : memref<!tpu.dma_semaphore, #tpu.memory_space<semaphore_mem>>) src(%arg24 : memref<16x32xf32, #tpu.memory_space<vmem>>) dst(%dma_wait3A_291 : memref<16x32xf32, #tpu.memory_space<vmem_shared>>)
      tpu.yield
    }) : () -> ()
    %add3A_153 = arith.constant 176 : i32
    %add3A_154 = arith.addi %mul3A_130, %add3A_153 : i32
    "tpu.region"() ({
      %run_scoped3A = tpu.sem_alloc : memref<!tpu.dma_semaphore, #tpu.memory_space<semaphore_mem>>
      %dma_start3A_285 = arith.constant 0 : i32
      %dma_start3A_286 = tpu.memref_slice %arg25[%add3A_154, %dma_start3A_285] : memref<10000x32xf32, #tpu.memory_space<vmem_shared>> -> memref<16x32xf32, #tpu.memory_space<vmem_shared>>
      %dma_start3A_287 = arith.constant 0 : i32
      %dma_start3A_288 = tpu.memref_slice %arg25[%add3A_154, %dma_start3A_287] : memref<10000x32xf32, #tpu.memory_space<vmem_shared>> -> memref<16x32xf32, #tpu.memory_space<vmem_shared>>
      tpu.enqueue_dma source(%arg24 : memref<16x32xf32, #tpu.memory_space<vmem>>) target(%dma_start3A_288 : memref<16x32xf32, #tpu.memory_space<vmem_shared>>) target_semaphore(%run_scoped3A : memref<!tpu.dma_semaphore, #tpu.memory_space<semaphore_mem>>)
      %dma_wait3A = arith.constant 0 : i32
      %dma_wait3A_289 = tpu.memref_slice %arg25[%add3A_154, %dma_wait3A] : memref<10000x32xf32, #tpu.memory_space<vmem_shared>> -> memref<16x32xf32, #tpu.memory_space<vmem_shared>>
      %dma_wait3A_290 = arith.constant 0 : i32
      %dma_wait3A_291 = tpu.memref_slice %arg25[%add3A_154, %dma_wait3A_290] : memref<10000x32xf32, #tpu.memory_space<vmem_shared>> -> memref<16x32xf32, #tpu.memory_space<vmem_shared>>
      tpu.wait_dma2 semaphore(%run_scoped3A : memref<!tpu.dma_semaphore, #tpu.memory_space<semaphore_mem>>) src(%arg24 : memref<16x32xf32, #tpu.memory_space<vmem>>) dst(%dma_wait3A_291 : memref<16x32xf32, #tpu.memory_space<vmem_shared>>)
      tpu.yield
    }) : () -> ()
    %add3A_155 = arith.constant 192 : i32
    %add3A_156 = arith.addi %mul3A_130, %add3A_155 : i32
    "tpu.region"() ({
      %run_scoped3A = tpu.sem_alloc : memref<!tpu.dma_semaphore, #tpu.memory_space<semaphore_mem>>
      %dma_start3A_285 = arith.constant 0 : i32
      %dma_start3A_286 = tpu.memref_slice %arg25[%add3A_156, %dma_start3A_285] : memref<10000x32xf32, #tpu.memory_space<vmem_shared>> -> memref<16x32xf32, #tpu.memory_space<vmem_shared>>
      %dma_start3A_287 = arith.constant 0 : i32
      %dma_start3A_288 = tpu.memref_slice %arg25[%add3A_156, %dma_start3A_287] : memref<10000x32xf32, #tpu.memory_space<vmem_shared>> -> memref<16x32xf32, #tpu.memory_space<vmem_shared>>
      tpu.enqueue_dma source(%arg24 : memref<16x32xf32, #tpu.memory_space<vmem>>) target(%dma_start3A_288 : memref<16x32xf32, #tpu.memory_space<vmem_shared>>) target_semaphore(%run_scoped3A : memref<!tpu.dma_semaphore, #tpu.memory_space<semaphore_mem>>)
      %dma_wait3A = arith.constant 0 : i32
      %dma_wait3A_289 = tpu.memref_slice %arg25[%add3A_156, %dma_wait3A] : memref<10000x32xf32, #tpu.memory_space<vmem_shared>> -> memref<16x32xf32, #tpu.memory_space<vmem_shared>>
      %dma_wait3A_290 = arith.constant 0 : i32
      %dma_wait3A_291 = tpu.memref_slice %arg25[%add3A_156, %dma_wait3A_290] : memref<10000x32xf32, #tpu.memory_space<vmem_shared>> -> memref<16x32xf32, #tpu.memory_space<vmem_shared>>
      tpu.wait_dma2 semaphore(%run_scoped3A : memref<!tpu.dma_semaphore, #tpu.memory_space<semaphore_mem>>) src(%arg24 : memref<16x32xf32, #tpu.memory_space<vmem>>) dst(%dma_wait3A_291 : memref<16x32xf32, #tpu.memory_space<vmem_shared>>)
      tpu.yield
    }) : () -> ()
    %add3A_157 = arith.constant 208 : i32
    %add3A_158 = arith.addi %mul3A_130, %add3A_157 : i32
    "tpu.region"() ({
      %run_scoped3A = tpu.sem_alloc : memref<!tpu.dma_semaphore, #tpu.memory_space<semaphore_mem>>
      %dma_start3A_285 = arith.constant 0 : i32
      %dma_start3A_286 = tpu.memref_slice %arg25[%add3A_158, %dma_start3A_285] : memref<10000x32xf32, #tpu.memory_space<vmem_shared>> -> memref<16x32xf32, #tpu.memory_space<vmem_shared>>
      %dma_start3A_287 = arith.constant 0 : i32
      %dma_start3A_288 = tpu.memref_slice %arg25[%add3A_158, %dma_start3A_287] : memref<10000x32xf32, #tpu.memory_space<vmem_shared>> -> memref<16x32xf32, #tpu.memory_space<vmem_shared>>
      tpu.enqueue_dma source(%arg24 : memref<16x32xf32, #tpu.memory_space<vmem>>) target(%dma_start3A_288 : memref<16x32xf32, #tpu.memory_space<vmem_shared>>) target_semaphore(%run_scoped3A : memref<!tpu.dma_semaphore, #tpu.memory_space<semaphore_mem>>)
      %dma_wait3A = arith.constant 0 : i32
      %dma_wait3A_289 = tpu.memref_slice %arg25[%add3A_158, %dma_wait3A] : memref<10000x32xf32, #tpu.memory_space<vmem_shared>> -> memref<16x32xf32, #tpu.memory_space<vmem_shared>>
      %dma_wait3A_290 = arith.constant 0 : i32
      %dma_wait3A_291 = tpu.memref_slice %arg25[%add3A_158, %dma_wait3A_290] : memref<10000x32xf32, #tpu.memory_space<vmem_shared>> -> memref<16x32xf32, #tpu.memory_space<vmem_shared>>
      tpu.wait_dma2 semaphore(%run_scoped3A : memref<!tpu.dma_semaphore, #tpu.memory_space<semaphore_mem>>) src(%arg24 : memref<16x32xf32, #tpu.memory_space<vmem>>) dst(%dma_wait3A_291 : memref<16x32xf32, #tpu.memory_space<vmem_shared>>)
      tpu.yield
    }) : () -> ()
    %add3A_159 = arith.constant 224 : i32
    %add3A_160 = arith.addi %mul3A_130, %add3A_159 : i32
    "tpu.region"() ({
      %run_scoped3A = tpu.sem_alloc : memref<!tpu.dma_semaphore, #tpu.memory_space<semaphore_mem>>
      %dma_start3A_285 = arith.constant 0 : i32
      %dma_start3A_286 = tpu.memref_slice %arg25[%add3A_160, %dma_start3A_285] : memref<10000x32xf32, #tpu.memory_space<vmem_shared>> -> memref<16x32xf32, #tpu.memory_space<vmem_shared>>
      %dma_start3A_287 = arith.constant 0 : i32
      %dma_start3A_288 = tpu.memref_slice %arg25[%add3A_160, %dma_start3A_287] : memref<10000x32xf32, #tpu.memory_space<vmem_shared>> -> memref<16x32xf32, #tpu.memory_space<vmem_shared>>
      tpu.enqueue_dma source(%arg24 : memref<16x32xf32, #tpu.memory_space<vmem>>) target(%dma_start3A_288 : memref<16x32xf32, #tpu.memory_space<vmem_shared>>) target_semaphore(%run_scoped3A : memref<!tpu.dma_semaphore, #tpu.memory_space<semaphore_mem>>)
      %dma_wait3A = arith.constant 0 : i32
      %dma_wait3A_289 = tpu.memref_slice %arg25[%add3A_160, %dma_wait3A] : memref<10000x32xf32, #tpu.memory_space<vmem_shared>> -> memref<16x32xf32, #tpu.memory_space<vmem_shared>>
      %dma_wait3A_290 = arith.constant 0 : i32
      %dma_wait3A_291 = tpu.memref_slice %arg25[%add3A_160, %dma_wait3A_290] : memref<10000x32xf32, #tpu.memory_space<vmem_shared>> -> memref<16x32xf32, #tpu.memory_space<vmem_shared>>
      tpu.wait_dma2 semaphore(%run_scoped3A : memref<!tpu.dma_semaphore, #tpu.memory_space<semaphore_mem>>) src(%arg24 : memref<16x32xf32, #tpu.memory_space<vmem>>) dst(%dma_wait3A_291 : memref<16x32xf32, #tpu.memory_space<vmem_shared>>)
      tpu.yield
    }) : () -> ()
    %add3A_161 = arith.constant 240 : i32
    %add3A_162 = arith.addi %mul3A_130, %add3A_161 : i32
    "tpu.region"() ({
      %run_scoped3A = tpu.sem_alloc : memref<!tpu.dma_semaphore, #tpu.memory_space<semaphore_mem>>
      %dma_start3A_285 = arith.constant 0 : i32
      %dma_start3A_286 = tpu.memref_slice %arg25[%add3A_162, %dma_start3A_285] : memref<10000x32xf32, #tpu.memory_space<vmem_shared>> -> memref<16x32xf32, #tpu.memory_space<vmem_shared>>
      %dma_start3A_287 = arith.constant 0 : i32
      %dma_start3A_288 = tpu.memref_slice %arg25[%add3A_162, %dma_start3A_287] : memref<10000x32xf32, #tpu.memory_space<vmem_shared>> -> memref<16x32xf32, #tpu.memory_space<vmem_shared>>
      tpu.enqueue_dma source(%arg24 : memref<16x32xf32, #tpu.memory_space<vmem>>) target(%dma_start3A_288 : memref<16x32xf32, #tpu.memory_space<vmem_shared>>) target_semaphore(%run_scoped3A : memref<!tpu.dma_semaphore, #tpu.memory_space<semaphore_mem>>)
      %dma_wait3A = arith.constant 0 : i32
      %dma_wait3A_289 = tpu.memref_slice %arg25[%add3A_162, %dma_wait3A] : memref<10000x32xf32, #tpu.memory_space<vmem_shared>> -> memref<16x32xf32, #tpu.memory_space<vmem_shared>>
      %dma_wait3A_290 = arith.constant 0 : i32
      %dma_wait3A_291 = tpu.memref_slice %arg25[%add3A_162, %dma_wait3A_290] : memref<10000x32xf32, #tpu.memory_space<vmem_shared>> -> memref<16x32xf32, #tpu.memory_space<vmem_shared>>
      tpu.wait_dma2 semaphore(%run_scoped3A : memref<!tpu.dma_semaphore, #tpu.memory_space<semaphore_mem>>) src(%arg24 : memref<16x32xf32, #tpu.memory_space<vmem>>) dst(%dma_wait3A_291 : memref<16x32xf32, #tpu.memory_space<vmem_shared>>)
      tpu.yield
    }) : () -> ()
    %add3A_163 = arith.constant 256 : i32
    %add3A_164 = arith.addi %mul3A_130, %add3A_163 : i32
    "tpu.region"() ({
      %run_scoped3A = tpu.sem_alloc : memref<!tpu.dma_semaphore, #tpu.memory_space<semaphore_mem>>
      %dma_start3A_285 = arith.constant 0 : i32
      %dma_start3A_286 = tpu.memref_slice %arg25[%add3A_164, %dma_start3A_285] : memref<10000x32xf32, #tpu.memory_space<vmem_shared>> -> memref<16x32xf32, #tpu.memory_space<vmem_shared>>
      %dma_start3A_287 = arith.constant 0 : i32
      %dma_start3A_288 = tpu.memref_slice %arg25[%add3A_164, %dma_start3A_287] : memref<10000x32xf32, #tpu.memory_space<vmem_shared>> -> memref<16x32xf32, #tpu.memory_space<vmem_shared>>
      tpu.enqueue_dma source(%arg24 : memref<16x32xf32, #tpu.memory_space<vmem>>) target(%dma_start3A_288 : memref<16x32xf32, #tpu.memory_space<vmem_shared>>) target_semaphore(%run_scoped3A : memref<!tpu.dma_semaphore, #tpu.memory_space<semaphore_mem>>)
      %dma_wait3A = arith.constant 0 : i32
      %dma_wait3A_289 = tpu.memref_slice %arg25[%add3A_164, %dma_wait3A] : memref<10000x32xf32, #tpu.memory_space<vmem_shared>> -> memref<16x32xf32, #tpu.memory_space<vmem_shared>>
      %dma_wait3A_290 = arith.constant 0 : i32
      %dma_wait3A_291 = tpu.memref_slice %arg25[%add3A_164, %dma_wait3A_290] : memref<10000x32xf32, #tpu.memory_space<vmem_shared>> -> memref<16x32xf32, #tpu.memory_space<vmem_shared>>
      tpu.wait_dma2 semaphore(%run_scoped3A : memref<!tpu.dma_semaphore, #tpu.memory_space<semaphore_mem>>) src(%arg24 : memref<16x32xf32, #tpu.memory_space<vmem>>) dst(%dma_wait3A_291 : memref<16x32xf32, #tpu.memory_space<vmem_shared>>)
      tpu.yield
    }) : () -> ()
    %add3A_165 = arith.constant 272 : i32
    %add3A_166 = arith.addi %mul3A_130, %add3A_165 : i32
    "tpu.region"() ({
      %run_scoped3A = tpu.sem_alloc : memref<!tpu.dma_semaphore, #tpu.memory_space<semaphore_mem>>
      %dma_start3A_285 = arith.constant 0 : i32
      %dma_start3A_286 = tpu.memref_slice %arg25[%add3A_166, %dma_start3A_285] : memref<10000x32xf32, #tpu.memory_space<vmem_shared>> -> memref<16x32xf32, #tpu.memory_space<vmem_shared>>
      %dma_start3A_287 = arith.constant 0 : i32
      %dma_start3A_288 = tpu.memref_slice %arg25[%add3A_166, %dma_start3A_287] : memref<10000x32xf32, #tpu.memory_space<vmem_shared>> -> memref<16x32xf32, #tpu.memory_space<vmem_shared>>
      tpu.enqueue_dma source(%arg24 : memref<16x32xf32, #tpu.memory_space<vmem>>) target(%dma_start3A_288 : memref<16x32xf32, #tpu.memory_space<vmem_shared>>) target_semaphore(%run_scoped3A : memref<!tpu.dma_semaphore, #tpu.memory_space<semaphore_mem>>)
      %dma_wait3A = arith.constant 0 : i32
      %dma_wait3A_289 = tpu.memref_slice %arg25[%add3A_166, %dma_wait3A] : memref<10000x32xf32, #tpu.memory_space<vmem_shared>> -> memref<16x32xf32, #tpu.memory_space<vmem_shared>>
      %dma_wait3A_290 = arith.constant 0 : i32
      %dma_wait3A_291 = tpu.memref_slice %arg25[%add3A_166, %dma_wait3A_290] : memref<10000x32xf32, #tpu.memory_space<vmem_shared>> -> memref<16x32xf32, #tpu.memory_space<vmem_shared>>
      tpu.wait_dma2 semaphore(%run_scoped3A : memref<!tpu.dma_semaphore, #tpu.memory_space<semaphore_mem>>) src(%arg24 : memref<16x32xf32, #tpu.memory_space<vmem>>) dst(%dma_wait3A_291 : memref<16x32xf32, #tpu.memory_space<vmem_shared>>)
      tpu.yield
    }) : () -> ()
    %add3A_167 = arith.constant 288 : i32
    %add3A_168 = arith.addi %mul3A_130, %add3A_167 : i32
    "tpu.region"() ({
      %run_scoped3A = tpu.sem_alloc : memref<!tpu.dma_semaphore, #tpu.memory_space<semaphore_mem>>
      %dma_start3A_285 = arith.constant 0 : i32
      %dma_start3A_286 = tpu.memref_slice %arg25[%add3A_168, %dma_start3A_285] : memref<10000x32xf32, #tpu.memory_space<vmem_shared>> -> memref<16x32xf32, #tpu.memory_space<vmem_shared>>
      %dma_start3A_287 = arith.constant 0 : i32
      %dma_start3A_288 = tpu.memref_slice %arg25[%add3A_168, %dma_start3A_287] : memref<10000x32xf32, #tpu.memory_space<vmem_shared>> -> memref<16x32xf32, #tpu.memory_space<vmem_shared>>
      tpu.enqueue_dma source(%arg24 : memref<16x32xf32, #tpu.memory_space<vmem>>) target(%dma_start3A_288 : memref<16x32xf32, #tpu.memory_space<vmem_shared>>) target_semaphore(%run_scoped3A : memref<!tpu.dma_semaphore, #tpu.memory_space<semaphore_mem>>)
      %dma_wait3A = arith.constant 0 : i32
      %dma_wait3A_289 = tpu.memref_slice %arg25[%add3A_168, %dma_wait3A] : memref<10000x32xf32, #tpu.memory_space<vmem_shared>> -> memref<16x32xf32, #tpu.memory_space<vmem_shared>>
      %dma_wait3A_290 = arith.constant 0 : i32
      %dma_wait3A_291 = tpu.memref_slice %arg25[%add3A_168, %dma_wait3A_290] : memref<10000x32xf32, #tpu.memory_space<vmem_shared>> -> memref<16x32xf32, #tpu.memory_space<vmem_shared>>
      tpu.wait_dma2 semaphore(%run_scoped3A : memref<!tpu.dma_semaphore, #tpu.memory_space<semaphore_mem>>) src(%arg24 : memref<16x32xf32, #tpu.memory_space<vmem>>) dst(%dma_wait3A_291 : memref<16x32xf32, #tpu.memory_space<vmem_shared>>)
      tpu.yield
    }) : () -> ()
    %add3A_169 = arith.constant 304 : i32
    %add3A_170 = arith.addi %mul3A_130, %add3A_169 : i32
    "tpu.region"() ({
      %run_scoped3A = tpu.sem_alloc : memref<!tpu.dma_semaphore, #tpu.memory_space<semaphore_mem>>
      %dma_start3A_285 = arith.constant 0 : i32
      %dma_start3A_286 = tpu.memref_slice %arg25[%add3A_170, %dma_start3A_285] : memref<10000x32xf32, #tpu.memory_space<vmem_shared>> -> memref<16x32xf32, #tpu.memory_space<vmem_shared>>
      %dma_start3A_287 = arith.constant 0 : i32
      %dma_start3A_288 = tpu.memref_slice %arg25[%add3A_170, %dma_start3A_287] : memref<10000x32xf32, #tpu.memory_space<vmem_shared>> -> memref<16x32xf32, #tpu.memory_space<vmem_shared>>
      tpu.enqueue_dma source(%arg24 : memref<16x32xf32, #tpu.memory_space<vmem>>) target(%dma_start3A_288 : memref<16x32xf32, #tpu.memory_space<vmem_shared>>) target_semaphore(%run_scoped3A : memref<!tpu.dma_semaphore, #tpu.memory_space<semaphore_mem>>)
      %dma_wait3A = arith.constant 0 : i32
      %dma_wait3A_289 = tpu.memref_slice %arg25[%add3A_170, %dma_wait3A] : memref<10000x32xf32, #tpu.memory_space<vmem_shared>> -> memref<16x32xf32, #tpu.memory_space<vmem_shared>>
      %dma_wait3A_290 = arith.constant 0 : i32
      %dma_wait3A_291 = tpu.memref_slice %arg25[%add3A_170, %dma_wait3A_290] : memref<10000x32xf32, #tpu.memory_space<vmem_shared>> -> memref<16x32xf32, #tpu.memory_space<vmem_shared>>
      tpu.wait_dma2 semaphore(%run_scoped3A : memref<!tpu.dma_semaphore, #tpu.memory_space<semaphore_mem>>) src(%arg24 : memref<16x32xf32, #tpu.memory_space<vmem>>) dst(%dma_wait3A_291 : memref<16x32xf32, #tpu.memory_space<vmem_shared>>)
      tpu.yield
    }) : () -> ()
    %add3A_171 = arith.constant 320 : i32
    %add3A_172 = arith.addi %mul3A_130, %add3A_171 : i32
    "tpu.region"() ({
      %run_scoped3A = tpu.sem_alloc : memref<!tpu.dma_semaphore, #tpu.memory_space<semaphore_mem>>
      %dma_start3A_285 = arith.constant 0 : i32
      %dma_start3A_286 = tpu.memref_slice %arg25[%add3A_172, %dma_start3A_285] : memref<10000x32xf32, #tpu.memory_space<vmem_shared>> -> memref<16x32xf32, #tpu.memory_space<vmem_shared>>
      %dma_start3A_287 = arith.constant 0 : i32
      %dma_start3A_288 = tpu.memref_slice %arg25[%add3A_172, %dma_start3A_287] : memref<10000x32xf32, #tpu.memory_space<vmem_shared>> -> memref<16x32xf32, #tpu.memory_space<vmem_shared>>
      tpu.enqueue_dma source(%arg24 : memref<16x32xf32, #tpu.memory_space<vmem>>) target(%dma_start3A_288 : memref<16x32xf32, #tpu.memory_space<vmem_shared>>) target_semaphore(%run_scoped3A : memref<!tpu.dma_semaphore, #tpu.memory_space<semaphore_mem>>)
      %dma_wait3A = arith.constant 0 : i32
      %dma_wait3A_289 = tpu.memref_slice %arg25[%add3A_172, %dma_wait3A] : memref<10000x32xf32, #tpu.memory_space<vmem_shared>> -> memref<16x32xf32, #tpu.memory_space<vmem_shared>>
      %dma_wait3A_290 = arith.constant 0 : i32
      %dma_wait3A_291 = tpu.memref_slice %arg25[%add3A_172, %dma_wait3A_290] : memref<10000x32xf32, #tpu.memory_space<vmem_shared>> -> memref<16x32xf32, #tpu.memory_space<vmem_shared>>
      tpu.wait_dma2 semaphore(%run_scoped3A : memref<!tpu.dma_semaphore, #tpu.memory_space<semaphore_mem>>) src(%arg24 : memref<16x32xf32, #tpu.memory_space<vmem>>) dst(%dma_wait3A_291 : memref<16x32xf32, #tpu.memory_space<vmem_shared>>)
      tpu.yield
    }) : () -> ()
    %add3A_173 = arith.constant 336 : i32
    %add3A_174 = arith.addi %mul3A_130, %add3A_173 : i32
    "tpu.region"() ({
      %run_scoped3A = tpu.sem_alloc : memref<!tpu.dma_semaphore, #tpu.memory_space<semaphore_mem>>
      %dma_start3A_285 = arith.constant 0 : i32
      %dma_start3A_286 = tpu.memref_slice %arg25[%add3A_174, %dma_start3A_285] : memref<10000x32xf32, #tpu.memory_space<vmem_shared>> -> memref<16x32xf32, #tpu.memory_space<vmem_shared>>
      %dma_start3A_287 = arith.constant 0 : i32
      %dma_start3A_288 = tpu.memref_slice %arg25[%add3A_174, %dma_start3A_287] : memref<10000x32xf32, #tpu.memory_space<vmem_shared>> -> memref<16x32xf32, #tpu.memory_space<vmem_shared>>
      tpu.enqueue_dma source(%arg24 : memref<16x32xf32, #tpu.memory_space<vmem>>) target(%dma_start3A_288 : memref<16x32xf32, #tpu.memory_space<vmem_shared>>) target_semaphore(%run_scoped3A : memref<!tpu.dma_semaphore, #tpu.memory_space<semaphore_mem>>)
      %dma_wait3A = arith.constant 0 : i32
      %dma_wait3A_289 = tpu.memref_slice %arg25[%add3A_174, %dma_wait3A] : memref<10000x32xf32, #tpu.memory_space<vmem_shared>> -> memref<16x32xf32, #tpu.memory_space<vmem_shared>>
      %dma_wait3A_290 = arith.constant 0 : i32
      %dma_wait3A_291 = tpu.memref_slice %arg25[%add3A_174, %dma_wait3A_290] : memref<10000x32xf32, #tpu.memory_space<vmem_shared>> -> memref<16x32xf32, #tpu.memory_space<vmem_shared>>
      tpu.wait_dma2 semaphore(%run_scoped3A : memref<!tpu.dma_semaphore, #tpu.memory_space<semaphore_mem>>) src(%arg24 : memref<16x32xf32, #tpu.memory_space<vmem>>) dst(%dma_wait3A_291 : memref<16x32xf32, #tpu.memory_space<vmem_shared>>)
      tpu.yield
    }) : () -> ()
    %add3A_175 = arith.constant 352 : i32
    %add3A_176 = arith.addi %mul3A_130, %add3A_175 : i32
    "tpu.region"() ({
      %run_scoped3A = tpu.sem_alloc : memref<!tpu.dma_semaphore, #tpu.memory_space<semaphore_mem>>
      %dma_start3A_285 = arith.constant 0 : i32
      %dma_start3A_286 = tpu.memref_slice %arg25[%add3A_176, %dma_start3A_285] : memref<10000x32xf32, #tpu.memory_space<vmem_shared>> -> memref<16x32xf32, #tpu.memory_space<vmem_shared>>
      %dma_start3A_287 = arith.constant 0 : i32
      %dma_start3A_288 = tpu.memref_slice %arg25[%add3A_176, %dma_start3A_287] : memref<10000x32xf32, #tpu.memory_space<vmem_shared>> -> memref<16x32xf32, #tpu.memory_space<vmem_shared>>
      tpu.enqueue_dma source(%arg24 : memref<16x32xf32, #tpu.memory_space<vmem>>) target(%dma_start3A_288 : memref<16x32xf32, #tpu.memory_space<vmem_shared>>) target_semaphore(%run_scoped3A : memref<!tpu.dma_semaphore, #tpu.memory_space<semaphore_mem>>)
      %dma_wait3A = arith.constant 0 : i32
      %dma_wait3A_289 = tpu.memref_slice %arg25[%add3A_176, %dma_wait3A] : memref<10000x32xf32, #tpu.memory_space<vmem_shared>> -> memref<16x32xf32, #tpu.memory_space<vmem_shared>>
      %dma_wait3A_290 = arith.constant 0 : i32
      %dma_wait3A_291 = tpu.memref_slice %arg25[%add3A_176, %dma_wait3A_290] : memref<10000x32xf32, #tpu.memory_space<vmem_shared>> -> memref<16x32xf32, #tpu.memory_space<vmem_shared>>
      tpu.wait_dma2 semaphore(%run_scoped3A : memref<!tpu.dma_semaphore, #tpu.memory_space<semaphore_mem>>) src(%arg24 : memref<16x32xf32, #tpu.memory_space<vmem>>) dst(%dma_wait3A_291 : memref<16x32xf32, #tpu.memory_space<vmem_shared>>)
      tpu.yield
    }) : () -> ()
    %add3A_177 = arith.constant 368 : i32
    %add3A_178 = arith.addi %mul3A_130, %add3A_177 : i32
    "tpu.region"() ({
      %run_scoped3A = tpu.sem_alloc : memref<!tpu.dma_semaphore, #tpu.memory_space<semaphore_mem>>
      %dma_start3A_285 = arith.constant 0 : i32
      %dma_start3A_286 = tpu.memref_slice %arg25[%add3A_178, %dma_start3A_285] : memref<10000x32xf32, #tpu.memory_space<vmem_shared>> -> memref<16x32xf32, #tpu.memory_space<vmem_shared>>
      %dma_start3A_287 = arith.constant 0 : i32
      %dma_start3A_288 = tpu.memref_slice %arg25[%add3A_178, %dma_start3A_287] : memref<10000x32xf32, #tpu.memory_space<vmem_shared>> -> memref<16x32xf32, #tpu.memory_space<vmem_shared>>
      tpu.enqueue_dma source(%arg24 : memref<16x32xf32, #tpu.memory_space<vmem>>) target(%dma_start3A_288 : memref<16x32xf32, #tpu.memory_space<vmem_shared>>) target_semaphore(%run_scoped3A : memref<!tpu.dma_semaphore, #tpu.memory_space<semaphore_mem>>)
      %dma_wait3A = arith.constant 0 : i32
      %dma_wait3A_289 = tpu.memref_slice %arg25[%add3A_178, %dma_wait3A] : memref<10000x32xf32, #tpu.memory_space<vmem_shared>> -> memref<16x32xf32, #tpu.memory_space<vmem_shared>>
      %dma_wait3A_290 = arith.constant 0 : i32
      %dma_wait3A_291 = tpu.memref_slice %arg25[%add3A_178, %dma_wait3A_290] : memref<10000x32xf32, #tpu.memory_space<vmem_shared>> -> memref<16x32xf32, #tpu.memory_space<vmem_shared>>
      tpu.wait_dma2 semaphore(%run_scoped3A : memref<!tpu.dma_semaphore, #tpu.memory_space<semaphore_mem>>) src(%arg24 : memref<16x32xf32, #tpu.memory_space<vmem>>) dst(%dma_wait3A_291 : memref<16x32xf32, #tpu.memory_space<vmem_shared>>)
      tpu.yield
    }) : () -> ()
    %add3A_179 = arith.constant 384 : i32
    %add3A_180 = arith.addi %mul3A_130, %add3A_179 : i32
    "tpu.region"() ({
      %run_scoped3A = tpu.sem_alloc : memref<!tpu.dma_semaphore, #tpu.memory_space<semaphore_mem>>
      %dma_start3A_285 = arith.constant 0 : i32
      %dma_start3A_286 = tpu.memref_slice %arg25[%add3A_180, %dma_start3A_285] : memref<10000x32xf32, #tpu.memory_space<vmem_shared>> -> memref<16x32xf32, #tpu.memory_space<vmem_shared>>
      %dma_start3A_287 = arith.constant 0 : i32
      %dma_start3A_288 = tpu.memref_slice %arg25[%add3A_180, %dma_start3A_287] : memref<10000x32xf32, #tpu.memory_space<vmem_shared>> -> memref<16x32xf32, #tpu.memory_space<vmem_shared>>
      tpu.enqueue_dma source(%arg24 : memref<16x32xf32, #tpu.memory_space<vmem>>) target(%dma_start3A_288 : memref<16x32xf32, #tpu.memory_space<vmem_shared>>) target_semaphore(%run_scoped3A : memref<!tpu.dma_semaphore, #tpu.memory_space<semaphore_mem>>)
      %dma_wait3A = arith.constant 0 : i32
      %dma_wait3A_289 = tpu.memref_slice %arg25[%add3A_180, %dma_wait3A] : memref<10000x32xf32, #tpu.memory_space<vmem_shared>> -> memref<16x32xf32, #tpu.memory_space<vmem_shared>>
      %dma_wait3A_290 = arith.constant 0 : i32
      %dma_wait3A_291 = tpu.memref_slice %arg25[%add3A_180, %dma_wait3A_290] : memref<10000x32xf32, #tpu.memory_space<vmem_shared>> -> memref<16x32xf32, #tpu.memory_space<vmem_shared>>
      tpu.wait_dma2 semaphore(%run_scoped3A : memref<!tpu.dma_semaphore, #tpu.memory_space<semaphore_mem>>) src(%arg24 : memref<16x32xf32, #tpu.memory_space<vmem>>) dst(%dma_wait3A_291 : memref<16x32xf32, #tpu.memory_space<vmem_shared>>)
      tpu.yield
    }) : () -> ()
    %add3A_181 = arith.constant 400 : i32
    %add3A_182 = arith.addi %mul3A_130, %add3A_181 : i32
    "tpu.region"() ({
      %run_scoped3A = tpu.sem_alloc : memref<!tpu.dma_semaphore, #tpu.memory_space<semaphore_mem>>
      %dma_start3A_285 = arith.constant 0 : i32
      %dma_start3A_286 = tpu.memref_slice %arg25[%add3A_182, %dma_start3A_285] : memref<10000x32xf32, #tpu.memory_space<vmem_shared>> -> memref<16x32xf32, #tpu.memory_space<vmem_shared>>
      %dma_start3A_287 = arith.constant 0 : i32
      %dma_start3A_288 = tpu.memref_slice %arg25[%add3A_182, %dma_start3A_287] : memref<10000x32xf32, #tpu.memory_space<vmem_shared>> -> memref<16x32xf32, #tpu.memory_space<vmem_shared>>
      tpu.enqueue_dma source(%arg24 : memref<16x32xf32, #tpu.memory_space<vmem>>) target(%dma_start3A_288 : memref<16x32xf32, #tpu.memory_space<vmem_shared>>) target_semaphore(%run_scoped3A : memref<!tpu.dma_semaphore, #tpu.memory_space<semaphore_mem>>)
      %dma_wait3A = arith.constant 0 : i32
      %dma_wait3A_289 = tpu.memref_slice %arg25[%add3A_182, %dma_wait3A] : memref<10000x32xf32, #tpu.memory_space<vmem_shared>> -> memref<16x32xf32, #tpu.memory_space<vmem_shared>>
      %dma_wait3A_290 = arith.constant 0 : i32
      %dma_wait3A_291 = tpu.memref_slice %arg25[%add3A_182, %dma_wait3A_290] : memref<10000x32xf32, #tpu.memory_space<vmem_shared>> -> memref<16x32xf32, #tpu.memory_space<vmem_shared>>
      tpu.wait_dma2 semaphore(%run_scoped3A : memref<!tpu.dma_semaphore, #tpu.memory_space<semaphore_mem>>) src(%arg24 : memref<16x32xf32, #tpu.memory_space<vmem>>) dst(%dma_wait3A_291 : memref<16x32xf32, #tpu.memory_space<vmem_shared>>)
      tpu.yield
    }) : () -> ()
    %add3A_183 = arith.constant 416 : i32
    %add3A_184 = arith.addi %mul3A_130, %add3A_183 : i32
    "tpu.region"() ({
      %run_scoped3A = tpu.sem_alloc : memref<!tpu.dma_semaphore, #tpu.memory_space<semaphore_mem>>
      %dma_start3A_285 = arith.constant 0 : i32
      %dma_start3A_286 = tpu.memref_slice %arg25[%add3A_184, %dma_start3A_285] : memref<10000x32xf32, #tpu.memory_space<vmem_shared>> -> memref<16x32xf32, #tpu.memory_space<vmem_shared>>
      %dma_start3A_287 = arith.constant 0 : i32
      %dma_start3A_288 = tpu.memref_slice %arg25[%add3A_184, %dma_start3A_287] : memref<10000x32xf32, #tpu.memory_space<vmem_shared>> -> memref<16x32xf32, #tpu.memory_space<vmem_shared>>
      tpu.enqueue_dma source(%arg24 : memref<16x32xf32, #tpu.memory_space<vmem>>) target(%dma_start3A_288 : memref<16x32xf32, #tpu.memory_space<vmem_shared>>) target_semaphore(%run_scoped3A : memref<!tpu.dma_semaphore, #tpu.memory_space<semaphore_mem>>)
      %dma_wait3A = arith.constant 0 : i32
      %dma_wait3A_289 = tpu.memref_slice %arg25[%add3A_184, %dma_wait3A] : memref<10000x32xf32, #tpu.memory_space<vmem_shared>> -> memref<16x32xf32, #tpu.memory_space<vmem_shared>>
      %dma_wait3A_290 = arith.constant 0 : i32
      %dma_wait3A_291 = tpu.memref_slice %arg25[%add3A_184, %dma_wait3A_290] : memref<10000x32xf32, #tpu.memory_space<vmem_shared>> -> memref<16x32xf32, #tpu.memory_space<vmem_shared>>
      tpu.wait_dma2 semaphore(%run_scoped3A : memref<!tpu.dma_semaphore, #tpu.memory_space<semaphore_mem>>) src(%arg24 : memref<16x32xf32, #tpu.memory_space<vmem>>) dst(%dma_wait3A_291 : memref<16x32xf32, #tpu.memory_space<vmem_shared>>)
      tpu.yield
    }) : () -> ()
    %add3A_185 = arith.constant 432 : i32
    %add3A_186 = arith.addi %mul3A_130, %add3A_185 : i32
    "tpu.region"() ({
      %run_scoped3A = tpu.sem_alloc : memref<!tpu.dma_semaphore, #tpu.memory_space<semaphore_mem>>
      %dma_start3A_285 = arith.constant 0 : i32
      %dma_start3A_286 = tpu.memref_slice %arg25[%add3A_186, %dma_start3A_285] : memref<10000x32xf32, #tpu.memory_space<vmem_shared>> -> memref<16x32xf32, #tpu.memory_space<vmem_shared>>
      %dma_start3A_287 = arith.constant 0 : i32
      %dma_start3A_288 = tpu.memref_slice %arg25[%add3A_186, %dma_start3A_287] : memref<10000x32xf32, #tpu.memory_space<vmem_shared>> -> memref<16x32xf32, #tpu.memory_space<vmem_shared>>
      tpu.enqueue_dma source(%arg24 : memref<16x32xf32, #tpu.memory_space<vmem>>) target(%dma_start3A_288 : memref<16x32xf32, #tpu.memory_space<vmem_shared>>) target_semaphore(%run_scoped3A : memref<!tpu.dma_semaphore, #tpu.memory_space<semaphore_mem>>)
      %dma_wait3A = arith.constant 0 : i32
      %dma_wait3A_289 = tpu.memref_slice %arg25[%add3A_186, %dma_wait3A] : memref<10000x32xf32, #tpu.memory_space<vmem_shared>> -> memref<16x32xf32, #tpu.memory_space<vmem_shared>>
      %dma_wait3A_290 = arith.constant 0 : i32
      %dma_wait3A_291 = tpu.memref_slice %arg25[%add3A_186, %dma_wait3A_290] : memref<10000x32xf32, #tpu.memory_space<vmem_shared>> -> memref<16x32xf32, #tpu.memory_space<vmem_shared>>
      tpu.wait_dma2 semaphore(%run_scoped3A : memref<!tpu.dma_semaphore, #tpu.memory_space<semaphore_mem>>) src(%arg24 : memref<16x32xf32, #tpu.memory_space<vmem>>) dst(%dma_wait3A_291 : memref<16x32xf32, #tpu.memory_space<vmem_shared>>)
      tpu.yield
    }) : () -> ()
    %add3A_187 = arith.constant 448 : i32
    %add3A_188 = arith.addi %mul3A_130, %add3A_187 : i32
    "tpu.region"() ({
      %run_scoped3A = tpu.sem_alloc : memref<!tpu.dma_semaphore, #tpu.memory_space<semaphore_mem>>
      %dma_start3A_285 = arith.constant 0 : i32
      %dma_start3A_286 = tpu.memref_slice %arg25[%add3A_188, %dma_start3A_285] : memref<10000x32xf32, #tpu.memory_space<vmem_shared>> -> memref<16x32xf32, #tpu.memory_space<vmem_shared>>
      %dma_start3A_287 = arith.constant 0 : i32
      %dma_start3A_288 = tpu.memref_slice %arg25[%add3A_188, %dma_start3A_287] : memref<10000x32xf32, #tpu.memory_space<vmem_shared>> -> memref<16x32xf32, #tpu.memory_space<vmem_shared>>
      tpu.enqueue_dma source(%arg24 : memref<16x32xf32, #tpu.memory_space<vmem>>) target(%dma_start3A_288 : memref<16x32xf32, #tpu.memory_space<vmem_shared>>) target_semaphore(%run_scoped3A : memref<!tpu.dma_semaphore, #tpu.memory_space<semaphore_mem>>)
      %dma_wait3A = arith.constant 0 : i32
      %dma_wait3A_289 = tpu.memref_slice %arg25[%add3A_188, %dma_wait3A] : memref<10000x32xf32, #tpu.memory_space<vmem_shared>> -> memref<16x32xf32, #tpu.memory_space<vmem_shared>>
      %dma_wait3A_290 = arith.constant 0 : i32
      %dma_wait3A_291 = tpu.memref_slice %arg25[%add3A_188, %dma_wait3A_290] : memref<10000x32xf32, #tpu.memory_space<vmem_shared>> -> memref<16x32xf32, #tpu.memory_space<vmem_shared>>
      tpu.wait_dma2 semaphore(%run_scoped3A : memref<!tpu.dma_semaphore, #tpu.memory_space<semaphore_mem>>) src(%arg24 : memref<16x32xf32, #tpu.memory_space<vmem>>) dst(%dma_wait3A_291 : memref<16x32xf32, #tpu.memory_space<vmem_shared>>)
      tpu.yield
    }) : () -> ()
    %add3A_189 = arith.constant 464 : i32
    %add3A_190 = arith.addi %mul3A_130, %add3A_189 : i32
    "tpu.region"() ({
      %run_scoped3A = tpu.sem_alloc : memref<!tpu.dma_semaphore, #tpu.memory_space<semaphore_mem>>
      %dma_start3A_285 = arith.constant 0 : i32
      %dma_start3A_286 = tpu.memref_slice %arg25[%add3A_190, %dma_start3A_285] : memref<10000x32xf32, #tpu.memory_space<vmem_shared>> -> memref<16x32xf32, #tpu.memory_space<vmem_shared>>
      %dma_start3A_287 = arith.constant 0 : i32
      %dma_start3A_288 = tpu.memref_slice %arg25[%add3A_190, %dma_start3A_287] : memref<10000x32xf32, #tpu.memory_space<vmem_shared>> -> memref<16x32xf32, #tpu.memory_space<vmem_shared>>
      tpu.enqueue_dma source(%arg24 : memref<16x32xf32, #tpu.memory_space<vmem>>) target(%dma_start3A_288 : memref<16x32xf32, #tpu.memory_space<vmem_shared>>) target_semaphore(%run_scoped3A : memref<!tpu.dma_semaphore, #tpu.memory_space<semaphore_mem>>)
      %dma_wait3A = arith.constant 0 : i32
      %dma_wait3A_289 = tpu.memref_slice %arg25[%add3A_190, %dma_wait3A] : memref<10000x32xf32, #tpu.memory_space<vmem_shared>> -> memref<16x32xf32, #tpu.memory_space<vmem_shared>>
      %dma_wait3A_290 = arith.constant 0 : i32
      %dma_wait3A_291 = tpu.memref_slice %arg25[%add3A_190, %dma_wait3A_290] : memref<10000x32xf32, #tpu.memory_space<vmem_shared>> -> memref<16x32xf32, #tpu.memory_space<vmem_shared>>
      tpu.wait_dma2 semaphore(%run_scoped3A : memref<!tpu.dma_semaphore, #tpu.memory_space<semaphore_mem>>) src(%arg24 : memref<16x32xf32, #tpu.memory_space<vmem>>) dst(%dma_wait3A_291 : memref<16x32xf32, #tpu.memory_space<vmem_shared>>)
      tpu.yield
    }) : () -> ()
    %add3A_191 = arith.constant 480 : i32
    %add3A_192 = arith.addi %mul3A_130, %add3A_191 : i32
    "tpu.region"() ({
      %run_scoped3A = tpu.sem_alloc : memref<!tpu.dma_semaphore, #tpu.memory_space<semaphore_mem>>
      %dma_start3A_285 = arith.constant 0 : i32
      %dma_start3A_286 = tpu.memref_slice %arg25[%add3A_192, %dma_start3A_285] : memref<10000x32xf32, #tpu.memory_space<vmem_shared>> -> memref<16x32xf32, #tpu.memory_space<vmem_shared>>
      %dma_start3A_287 = arith.constant 0 : i32
      %dma_start3A_288 = tpu.memref_slice %arg25[%add3A_192, %dma_start3A_287] : memref<10000x32xf32, #tpu.memory_space<vmem_shared>> -> memref<16x32xf32, #tpu.memory_space<vmem_shared>>
      tpu.enqueue_dma source(%arg24 : memref<16x32xf32, #tpu.memory_space<vmem>>) target(%dma_start3A_288 : memref<16x32xf32, #tpu.memory_space<vmem_shared>>) target_semaphore(%run_scoped3A : memref<!tpu.dma_semaphore, #tpu.memory_space<semaphore_mem>>)
      %dma_wait3A = arith.constant 0 : i32
      %dma_wait3A_289 = tpu.memref_slice %arg25[%add3A_192, %dma_wait3A] : memref<10000x32xf32, #tpu.memory_space<vmem_shared>> -> memref<16x32xf32, #tpu.memory_space<vmem_shared>>
      %dma_wait3A_290 = arith.constant 0 : i32
      %dma_wait3A_291 = tpu.memref_slice %arg25[%add3A_192, %dma_wait3A_290] : memref<10000x32xf32, #tpu.memory_space<vmem_shared>> -> memref<16x32xf32, #tpu.memory_space<vmem_shared>>
      tpu.wait_dma2 semaphore(%run_scoped3A : memref<!tpu.dma_semaphore, #tpu.memory_space<semaphore_mem>>) src(%arg24 : memref<16x32xf32, #tpu.memory_space<vmem>>) dst(%dma_wait3A_291 : memref<16x32xf32, #tpu.memory_space<vmem_shared>>)
      tpu.yield
    }) : () -> ()
    %add3A_193 = arith.constant 496 : i32
    %add3A_194 = arith.addi %mul3A_130, %add3A_193 : i32
    "tpu.region"() ({
      %run_scoped3A = tpu.sem_alloc : memref<!tpu.dma_semaphore, #tpu.memory_space<semaphore_mem>>
      %dma_start3A_285 = arith.constant 0 : i32
      %dma_start3A_286 = tpu.memref_slice %arg25[%add3A_194, %dma_start3A_285] : memref<10000x32xf32, #tpu.memory_space<vmem_shared>> -> memref<16x32xf32, #tpu.memory_space<vmem_shared>>
      %dma_start3A_287 = arith.constant 0 : i32
      %dma_start3A_288 = tpu.memref_slice %arg25[%add3A_194, %dma_start3A_287] : memref<10000x32xf32, #tpu.memory_space<vmem_shared>> -> memref<16x32xf32, #tpu.memory_space<vmem_shared>>
      tpu.enqueue_dma source(%arg24 : memref<16x32xf32, #tpu.memory_space<vmem>>) target(%dma_start3A_288 : memref<16x32xf32, #tpu.memory_space<vmem_shared>>) target_semaphore(%run_scoped3A : memref<!tpu.dma_semaphore, #tpu.memory_space<semaphore_mem>>)
      %dma_wait3A = arith.constant 0 : i32
      %dma_wait3A_289 = tpu.memref_slice %arg25[%add3A_194, %dma_wait3A] : memref<10000x32xf32, #tpu.memory_space<vmem_shared>> -> memref<16x32xf32, #tpu.memory_space<vmem_shared>>
      %dma_wait3A_290 = arith.constant 0 : i32
      %dma_wait3A_291 = tpu.memref_slice %arg25[%add3A_194, %dma_wait3A_290] : memref<10000x32xf32, #tpu.memory_space<vmem_shared>> -> memref<16x32xf32, #tpu.memory_space<vmem_shared>>
      tpu.wait_dma2 semaphore(%run_scoped3A : memref<!tpu.dma_semaphore, #tpu.memory_space<semaphore_mem>>) src(%arg24 : memref<16x32xf32, #tpu.memory_space<vmem>>) dst(%dma_wait3A_291 : memref<16x32xf32, #tpu.memory_space<vmem_shared>>)
      tpu.yield
    }) : () -> ()
    %add3A_195 = arith.constant 512 : i32
    %add3A_196 = arith.addi %mul3A_130, %add3A_195 : i32
    "tpu.region"() ({
      %run_scoped3A = tpu.sem_alloc : memref<!tpu.dma_semaphore, #tpu.memory_space<semaphore_mem>>
      %dma_start3A_285 = arith.constant 0 : i32
      %dma_start3A_286 = tpu.memref_slice %arg25[%add3A_196, %dma_start3A_285] : memref<10000x32xf32, #tpu.memory_space<vmem_shared>> -> memref<16x32xf32, #tpu.memory_space<vmem_shared>>
      %dma_start3A_287 = arith.constant 0 : i32
      %dma_start3A_288 = tpu.memref_slice %arg25[%add3A_196, %dma_start3A_287] : memref<10000x32xf32, #tpu.memory_space<vmem_shared>> -> memref<16x32xf32, #tpu.memory_space<vmem_shared>>
      tpu.enqueue_dma source(%arg24 : memref<16x32xf32, #tpu.memory_space<vmem>>) target(%dma_start3A_288 : memref<16x32xf32, #tpu.memory_space<vmem_shared>>) target_semaphore(%run_scoped3A : memref<!tpu.dma_semaphore, #tpu.memory_space<semaphore_mem>>)
      %dma_wait3A = arith.constant 0 : i32
      %dma_wait3A_289 = tpu.memref_slice %arg25[%add3A_196, %dma_wait3A] : memref<10000x32xf32, #tpu.memory_space<vmem_shared>> -> memref<16x32xf32, #tpu.memory_space<vmem_shared>>
      %dma_wait3A_290 = arith.constant 0 : i32
      %dma_wait3A_291 = tpu.memref_slice %arg25[%add3A_196, %dma_wait3A_290] : memref<10000x32xf32, #tpu.memory_space<vmem_shared>> -> memref<16x32xf32, #tpu.memory_space<vmem_shared>>
      tpu.wait_dma2 semaphore(%run_scoped3A : memref<!tpu.dma_semaphore, #tpu.memory_space<semaphore_mem>>) src(%arg24 : memref<16x32xf32, #tpu.memory_space<vmem>>) dst(%dma_wait3A_291 : memref<16x32xf32, #tpu.memory_space<vmem_shared>>)
      tpu.yield
    }) : () -> ()
    %add3A_197 = arith.constant 528 : i32
    %add3A_198 = arith.addi %mul3A_130, %add3A_197 : i32
    "tpu.region"() ({
      %run_scoped3A = tpu.sem_alloc : memref<!tpu.dma_semaphore, #tpu.memory_space<semaphore_mem>>
      %dma_start3A_285 = arith.constant 0 : i32
      %dma_start3A_286 = tpu.memref_slice %arg25[%add3A_198, %dma_start3A_285] : memref<10000x32xf32, #tpu.memory_space<vmem_shared>> -> memref<16x32xf32, #tpu.memory_space<vmem_shared>>
      %dma_start3A_287 = arith.constant 0 : i32
      %dma_start3A_288 = tpu.memref_slice %arg25[%add3A_198, %dma_start3A_287] : memref<10000x32xf32, #tpu.memory_space<vmem_shared>> -> memref<16x32xf32, #tpu.memory_space<vmem_shared>>
      tpu.enqueue_dma source(%arg24 : memref<16x32xf32, #tpu.memory_space<vmem>>) target(%dma_start3A_288 : memref<16x32xf32, #tpu.memory_space<vmem_shared>>) target_semaphore(%run_scoped3A : memref<!tpu.dma_semaphore, #tpu.memory_space<semaphore_mem>>)
      %dma_wait3A = arith.constant 0 : i32
      %dma_wait3A_289 = tpu.memref_slice %arg25[%add3A_198, %dma_wait3A] : memref<10000x32xf32, #tpu.memory_space<vmem_shared>> -> memref<16x32xf32, #tpu.memory_space<vmem_shared>>
      %dma_wait3A_290 = arith.constant 0 : i32
      %dma_wait3A_291 = tpu.memref_slice %arg25[%add3A_198, %dma_wait3A_290] : memref<10000x32xf32, #tpu.memory_space<vmem_shared>> -> memref<16x32xf32, #tpu.memory_space<vmem_shared>>
      tpu.wait_dma2 semaphore(%run_scoped3A : memref<!tpu.dma_semaphore, #tpu.memory_space<semaphore_mem>>) src(%arg24 : memref<16x32xf32, #tpu.memory_space<vmem>>) dst(%dma_wait3A_291 : memref<16x32xf32, #tpu.memory_space<vmem_shared>>)
      tpu.yield
    }) : () -> ()
    %add3A_199 = arith.constant 544 : i32
    %add3A_200 = arith.addi %mul3A_130, %add3A_199 : i32
    "tpu.region"() ({
      %run_scoped3A = tpu.sem_alloc : memref<!tpu.dma_semaphore, #tpu.memory_space<semaphore_mem>>
      %dma_start3A_285 = arith.constant 0 : i32
      %dma_start3A_286 = tpu.memref_slice %arg25[%add3A_200, %dma_start3A_285] : memref<10000x32xf32, #tpu.memory_space<vmem_shared>> -> memref<16x32xf32, #tpu.memory_space<vmem_shared>>
      %dma_start3A_287 = arith.constant 0 : i32
      %dma_start3A_288 = tpu.memref_slice %arg25[%add3A_200, %dma_start3A_287] : memref<10000x32xf32, #tpu.memory_space<vmem_shared>> -> memref<16x32xf32, #tpu.memory_space<vmem_shared>>
      tpu.enqueue_dma source(%arg24 : memref<16x32xf32, #tpu.memory_space<vmem>>) target(%dma_start3A_288 : memref<16x32xf32, #tpu.memory_space<vmem_shared>>) target_semaphore(%run_scoped3A : memref<!tpu.dma_semaphore, #tpu.memory_space<semaphore_mem>>)
      %dma_wait3A = arith.constant 0 : i32
      %dma_wait3A_289 = tpu.memref_slice %arg25[%add3A_200, %dma_wait3A] : memref<10000x32xf32, #tpu.memory_space<vmem_shared>> -> memref<16x32xf32, #tpu.memory_space<vmem_shared>>
      %dma_wait3A_290 = arith.constant 0 : i32
      %dma_wait3A_291 = tpu.memref_slice %arg25[%add3A_200, %dma_wait3A_290] : memref<10000x32xf32, #tpu.memory_space<vmem_shared>> -> memref<16x32xf32, #tpu.memory_space<vmem_shared>>
      tpu.wait_dma2 semaphore(%run_scoped3A : memref<!tpu.dma_semaphore, #tpu.memory_space<semaphore_mem>>) src(%arg24 : memref<16x32xf32, #tpu.memory_space<vmem>>) dst(%dma_wait3A_291 : memref<16x32xf32, #tpu.memory_space<vmem_shared>>)
      tpu.yield
    }) : () -> ()
    %add3A_201 = arith.constant 560 : i32
    %add3A_202 = arith.addi %mul3A_130, %add3A_201 : i32
    "tpu.region"() ({
      %run_scoped3A = tpu.sem_alloc : memref<!tpu.dma_semaphore, #tpu.memory_space<semaphore_mem>>
      %dma_start3A_285 = arith.constant 0 : i32
      %dma_start3A_286 = tpu.memref_slice %arg25[%add3A_202, %dma_start3A_285] : memref<10000x32xf32, #tpu.memory_space<vmem_shared>> -> memref<16x32xf32, #tpu.memory_space<vmem_shared>>
      %dma_start3A_287 = arith.constant 0 : i32
      %dma_start3A_288 = tpu.memref_slice %arg25[%add3A_202, %dma_start3A_287] : memref<10000x32xf32, #tpu.memory_space<vmem_shared>> -> memref<16x32xf32, #tpu.memory_space<vmem_shared>>
      tpu.enqueue_dma source(%arg24 : memref<16x32xf32, #tpu.memory_space<vmem>>) target(%dma_start3A_288 : memref<16x32xf32, #tpu.memory_space<vmem_shared>>) target_semaphore(%run_scoped3A : memref<!tpu.dma_semaphore, #tpu.memory_space<semaphore_mem>>)
      %dma_wait3A = arith.constant 0 : i32
      %dma_wait3A_289 = tpu.memref_slice %arg25[%add3A_202, %dma_wait3A] : memref<10000x32xf32, #tpu.memory_space<vmem_shared>> -> memref<16x32xf32, #tpu.memory_space<vmem_shared>>
      %dma_wait3A_290 = arith.constant 0 : i32
      %dma_wait3A_291 = tpu.memref_slice %arg25[%add3A_202, %dma_wait3A_290] : memref<10000x32xf32, #tpu.memory_space<vmem_shared>> -> memref<16x32xf32, #tpu.memory_space<vmem_shared>>
      tpu.wait_dma2 semaphore(%run_scoped3A : memref<!tpu.dma_semaphore, #tpu.memory_space<semaphore_mem>>) src(%arg24 : memref<16x32xf32, #tpu.memory_space<vmem>>) dst(%dma_wait3A_291 : memref<16x32xf32, #tpu.memory_space<vmem_shared>>)
      tpu.yield
    }) : () -> ()
    %add3A_203 = arith.constant 576 : i32
    %add3A_204 = arith.addi %mul3A_130, %add3A_203 : i32
    "tpu.region"() ({
      %run_scoped3A = tpu.sem_alloc : memref<!tpu.dma_semaphore, #tpu.memory_space<semaphore_mem>>
      %dma_start3A_285 = arith.constant 0 : i32
      %dma_start3A_286 = tpu.memref_slice %arg25[%add3A_204, %dma_start3A_285] : memref<10000x32xf32, #tpu.memory_space<vmem_shared>> -> memref<16x32xf32, #tpu.memory_space<vmem_shared>>
      %dma_start3A_287 = arith.constant 0 : i32
      %dma_start3A_288 = tpu.memref_slice %arg25[%add3A_204, %dma_start3A_287] : memref<10000x32xf32, #tpu.memory_space<vmem_shared>> -> memref<16x32xf32, #tpu.memory_space<vmem_shared>>
      tpu.enqueue_dma source(%arg24 : memref<16x32xf32, #tpu.memory_space<vmem>>) target(%dma_start3A_288 : memref<16x32xf32, #tpu.memory_space<vmem_shared>>) target_semaphore(%run_scoped3A : memref<!tpu.dma_semaphore, #tpu.memory_space<semaphore_mem>>)
      %dma_wait3A = arith.constant 0 : i32
      %dma_wait3A_289 = tpu.memref_slice %arg25[%add3A_204, %dma_wait3A] : memref<10000x32xf32, #tpu.memory_space<vmem_shared>> -> memref<16x32xf32, #tpu.memory_space<vmem_shared>>
      %dma_wait3A_290 = arith.constant 0 : i32
      %dma_wait3A_291 = tpu.memref_slice %arg25[%add3A_204, %dma_wait3A_290] : memref<10000x32xf32, #tpu.memory_space<vmem_shared>> -> memref<16x32xf32, #tpu.memory_space<vmem_shared>>
      tpu.wait_dma2 semaphore(%run_scoped3A : memref<!tpu.dma_semaphore, #tpu.memory_space<semaphore_mem>>) src(%arg24 : memref<16x32xf32, #tpu.memory_space<vmem>>) dst(%dma_wait3A_291 : memref<16x32xf32, #tpu.memory_space<vmem_shared>>)
      tpu.yield
    }) : () -> ()
    %add3A_205 = arith.constant 592 : i32
    %add3A_206 = arith.addi %mul3A_130, %add3A_205 : i32
    "tpu.region"() ({
      %run_scoped3A = tpu.sem_alloc : memref<!tpu.dma_semaphore, #tpu.memory_space<semaphore_mem>>
      %dma_start3A_285 = arith.constant 0 : i32
      %dma_start3A_286 = tpu.memref_slice %arg25[%add3A_206, %dma_start3A_285] : memref<10000x32xf32, #tpu.memory_space<vmem_shared>> -> memref<16x32xf32, #tpu.memory_space<vmem_shared>>
      %dma_start3A_287 = arith.constant 0 : i32
      %dma_start3A_288 = tpu.memref_slice %arg25[%add3A_206, %dma_start3A_287] : memref<10000x32xf32, #tpu.memory_space<vmem_shared>> -> memref<16x32xf32, #tpu.memory_space<vmem_shared>>
      tpu.enqueue_dma source(%arg24 : memref<16x32xf32, #tpu.memory_space<vmem>>) target(%dma_start3A_288 : memref<16x32xf32, #tpu.memory_space<vmem_shared>>) target_semaphore(%run_scoped3A : memref<!tpu.dma_semaphore, #tpu.memory_space<semaphore_mem>>)
      %dma_wait3A = arith.constant 0 : i32
      %dma_wait3A_289 = tpu.memref_slice %arg25[%add3A_206, %dma_wait3A] : memref<10000x32xf32, #tpu.memory_space<vmem_shared>> -> memref<16x32xf32, #tpu.memory_space<vmem_shared>>
      %dma_wait3A_290 = arith.constant 0 : i32
      %dma_wait3A_291 = tpu.memref_slice %arg25[%add3A_206, %dma_wait3A_290] : memref<10000x32xf32, #tpu.memory_space<vmem_shared>> -> memref<16x32xf32, #tpu.memory_space<vmem_shared>>
      tpu.wait_dma2 semaphore(%run_scoped3A : memref<!tpu.dma_semaphore, #tpu.memory_space<semaphore_mem>>) src(%arg24 : memref<16x32xf32, #tpu.memory_space<vmem>>) dst(%dma_wait3A_291 : memref<16x32xf32, #tpu.memory_space<vmem_shared>>)
      tpu.yield
    }) : () -> ()
    %add3A_207 = arith.constant 608 : i32
    %add3A_208 = arith.addi %mul3A_130, %add3A_207 : i32
    "tpu.region"() ({
      %run_scoped3A = tpu.sem_alloc : memref<!tpu.dma_semaphore, #tpu.memory_space<semaphore_mem>>
      %dma_start3A_285 = arith.constant 0 : i32
      %dma_start3A_286 = tpu.memref_slice %arg25[%add3A_208, %dma_start3A_285] : memref<10000x32xf32, #tpu.memory_space<vmem_shared>> -> memref<16x32xf32, #tpu.memory_space<vmem_shared>>
      %dma_start3A_287 = arith.constant 0 : i32
      %dma_start3A_288 = tpu.memref_slice %arg25[%add3A_208, %dma_start3A_287] : memref<10000x32xf32, #tpu.memory_space<vmem_shared>> -> memref<16x32xf32, #tpu.memory_space<vmem_shared>>
      tpu.enqueue_dma source(%arg24 : memref<16x32xf32, #tpu.memory_space<vmem>>) target(%dma_start3A_288 : memref<16x32xf32, #tpu.memory_space<vmem_shared>>) target_semaphore(%run_scoped3A : memref<!tpu.dma_semaphore, #tpu.memory_space<semaphore_mem>>)
      %dma_wait3A = arith.constant 0 : i32
      %dma_wait3A_289 = tpu.memref_slice %arg25[%add3A_208, %dma_wait3A] : memref<10000x32xf32, #tpu.memory_space<vmem_shared>> -> memref<16x32xf32, #tpu.memory_space<vmem_shared>>
      %dma_wait3A_290 = arith.constant 0 : i32
      %dma_wait3A_291 = tpu.memref_slice %arg25[%add3A_208, %dma_wait3A_290] : memref<10000x32xf32, #tpu.memory_space<vmem_shared>> -> memref<16x32xf32, #tpu.memory_space<vmem_shared>>
      tpu.wait_dma2 semaphore(%run_scoped3A : memref<!tpu.dma_semaphore, #tpu.memory_space<semaphore_mem>>) src(%arg24 : memref<16x32xf32, #tpu.memory_space<vmem>>) dst(%dma_wait3A_291 : memref<16x32xf32, #tpu.memory_space<vmem_shared>>)
      tpu.yield
    }) : () -> ()
    %eq3A = arith.constant 15 : i32
    %eq3A_209 = arith.cmpi eq, %arg1, %eq3A : i32
    %convert_element_type3A = arith.extui %eq3A_209 : i1 to i32
    %cond3A = arith.constant 0 : i32
    %cond3A_210 = arith.cmpi ne, %convert_element_type3A, %cond3A : i32
    scf.if %cond3A_210 {
      "tpu.region"() ({
        %run_scoped3A = tpu.sem_alloc : memref<!tpu.dma_semaphore, #tpu.memory_space<semaphore_mem>>
        %dma_start3A_285 = arith.constant 9984 : i32
        %dma_start3A_286 = arith.constant 0 : i32
        %dma_start3A_287 = tpu.memref_slice %arg25[%dma_start3A_285, %dma_start3A_286] : memref<10000x32xf32, #tpu.memory_space<vmem_shared>> -> memref<16x32xf32, #tpu.memory_space<vmem_shared>>
        %dma_start3A_288 = arith.constant 9984 : i32
        %dma_start3A_289 = arith.constant 0 : i32
        %dma_start3A_290 = tpu.memref_slice %arg25[%dma_start3A_288, %dma_start3A_289] : memref<10000x32xf32, #tpu.memory_space<vmem_shared>> -> memref<16x32xf32, #tpu.memory_space<vmem_shared>>
        tpu.enqueue_dma source(%arg24 : memref<16x32xf32, #tpu.memory_space<vmem>>) target(%dma_start3A_290 : memref<16x32xf32, #tpu.memory_space<vmem_shared>>) target_semaphore(%run_scoped3A : memref<!tpu.dma_semaphore, #tpu.memory_space<semaphore_mem>>)
        %dma_wait3A = arith.constant 9984 : i32
        %dma_wait3A_291 = arith.constant 0 : i32
        %dma_wait3A_292 = tpu.memref_slice %arg25[%dma_wait3A, %dma_wait3A_291] : memref<10000x32xf32, #tpu.memory_space<vmem_shared>> -> memref<16x32xf32, #tpu.memory_space<vmem_shared>>
        %dma_wait3A_293 = arith.constant 9984 : i32
        %dma_wait3A_294 = arith.constant 0 : i32
        %dma_wait3A_295 = tpu.memref_slice %arg25[%dma_wait3A_293, %dma_wait3A_294] : memref<10000x32xf32, #tpu.memory_space<vmem_shared>> -> memref<16x32xf32, #tpu.memory_space<vmem_shared>>
        tpu.wait_dma2 semaphore(%run_scoped3A : memref<!tpu.dma_semaphore, #tpu.memory_space<semaphore_mem>>) src(%arg24 : memref<16x32xf32, #tpu.memory_space<vmem>>) dst(%dma_wait3A_295 : memref<16x32xf32, #tpu.memory_space<vmem_shared>>)
        tpu.yield
      }) : () -> ()
    } else {
    }
    %mul3A_211 = arith.constant 80 : i32
    %mul3A_212 = arith.muli %add3A, %mul3A_211 : i32
    "tpu.region"() ({
      %run_scoped3A = tpu.sem_alloc : memref<!tpu.dma_semaphore, #tpu.memory_space<semaphore_mem>>
      %dma_start3A_285 = arith.constant 0 : i32
      %dma_start3A_286 = tpu.memref_slice %arg3[%mul3A_212, %dma_start3A_285] : memref<2560x125xi32, #tpu.memory_space<hbm>> -> memref<80x125xi32, #tpu.memory_space<hbm>>
      %dma_start3A_287 = arith.constant 0 : i32
      %dma_start3A_288 = tpu.memref_slice %arg3[%mul3A_212, %dma_start3A_287] : memref<2560x125xi32, #tpu.memory_space<hbm>> -> memref<80x125xi32, #tpu.memory_space<hbm>>
      tpu.enqueue_dma source(%dma_start3A_288 : memref<80x125xi32, #tpu.memory_space<hbm>>) target(%arg6 : memref<80x125xi32, #tpu.memory_space<vmem>>) target_semaphore(%run_scoped3A : memref<!tpu.dma_semaphore, #tpu.memory_space<semaphore_mem>>)
      %dma_wait3A = arith.constant 0 : i32
      %dma_wait3A_289 = tpu.memref_slice %arg3[%mul3A_212, %dma_wait3A] : memref<2560x125xi32, #tpu.memory_space<hbm>> -> memref<80x125xi32, #tpu.memory_space<hbm>>
      %dma_wait3A_290 = arith.constant 0 : i32
      %dma_wait3A_291 = tpu.memref_slice %arg3[%mul3A_212, %dma_wait3A_290] : memref<2560x125xi32, #tpu.memory_space<hbm>> -> memref<80x125xi32, #tpu.memory_space<hbm>>
      tpu.wait_dma2 semaphore(%run_scoped3A : memref<!tpu.dma_semaphore, #tpu.memory_space<semaphore_mem>>) src(%dma_wait3A_291 : memref<80x125xi32, #tpu.memory_space<hbm>>) dst(%arg6 : memref<80x125xi32, #tpu.memory_space<vmem>>)
      tpu.yield
    }) : () -> ()
    %mul3A_213 = arith.constant 80 : i32
    %mul3A_214 = arith.muli %add3A, %mul3A_213 : i32
    "tpu.region"() ({
      %run_scoped3A = tpu.sem_alloc : memref<!tpu.dma_semaphore, #tpu.memory_space<semaphore_mem>>
      %dma_start3A_285 = arith.constant 0 : i32
      %dma_start3A_286 = tpu.memref_slice %arg4[%mul3A_214, %dma_start3A_285] : memref<2560x125xi32, #tpu.memory_space<hbm>> -> memref<80x125xi32, #tpu.memory_space<hbm>>
      %dma_start3A_287 = arith.constant 0 : i32
      %dma_start3A_288 = tpu.memref_slice %arg4[%mul3A_214, %dma_start3A_287] : memref<2560x125xi32, #tpu.memory_space<hbm>> -> memref<80x125xi32, #tpu.memory_space<hbm>>
      tpu.enqueue_dma source(%dma_start3A_288 : memref<80x125xi32, #tpu.memory_space<hbm>>) target(%arg7 : memref<80x125xi32, #tpu.memory_space<vmem>>) target_semaphore(%run_scoped3A : memref<!tpu.dma_semaphore, #tpu.memory_space<semaphore_mem>>)
      %dma_wait3A = arith.constant 0 : i32
      %dma_wait3A_289 = tpu.memref_slice %arg4[%mul3A_214, %dma_wait3A] : memref<2560x125xi32, #tpu.memory_space<hbm>> -> memref<80x125xi32, #tpu.memory_space<hbm>>
      %dma_wait3A_290 = arith.constant 0 : i32
      %dma_wait3A_291 = tpu.memref_slice %arg4[%mul3A_214, %dma_wait3A_290] : memref<2560x125xi32, #tpu.memory_space<hbm>> -> memref<80x125xi32, #tpu.memory_space<hbm>>
      tpu.wait_dma2 semaphore(%run_scoped3A : memref<!tpu.dma_semaphore, #tpu.memory_space<semaphore_mem>>) src(%dma_wait3A_291 : memref<80x125xi32, #tpu.memory_space<hbm>>) dst(%arg7 : memref<80x125xi32, #tpu.memory_space<vmem>>)
      tpu.yield
    }) : () -> ()
    %barrier3A = arith.constant 0 : index
    tpu.barrier barrier_id(%barrier3A)
    %dma_start3A = arith.constant 0 : i32
    %dma_start3A_215 = arith.constant 0 : i32
    %dma_start3A_216 = tpu.memref_slice %arg6[%dma_start3A, %dma_start3A_215] : memref<80x125xi32, #tpu.memory_space<vmem>> -> memref<1x125xi32, #tpu.memory_space<vmem>>
    %dma_start3A_217 = tpu.memref_squeeze %dma_start3A_216 : memref<1x125xi32, #tpu.memory_space<vmem>> -> memref<125xi32, #tpu.memory_space<vmem>>
    %dma_start3A_218 = arith.constant 0 : i32
    %dma_start3A_219 = arith.constant 0 : i32
    %dma_start3A_220 = tpu.memref_slice %arg2[%dma_start3A_218, %dma_start3A_219] : memref<10000x32xf32, #tpu.memory_space<hbm>> -> memref<10000x32xf32, #tpu.memory_space<hbm>>
    tpu.enqueue_indirect_dma source(%dma_start3A_220 : memref<10000x32xf32, #tpu.memory_space<hbm>>) target(%arg8 : memref<125x32xf32, #tpu.memory_space<vmem>>) offsets(%dma_start3A_217 : memref<125xi32, #tpu.memory_space<vmem>>) semaphore(%arg26 : memref<!tpu.dma_semaphore, #tpu.memory_space<semaphore_mem>>)
    %dma_start3A_221 = arith.constant 1 : i32
    %dma_start3A_222 = arith.constant 0 : i32
    %dma_start3A_223 = tpu.memref_slice %arg6[%dma_start3A_221, %dma_start3A_222] : memref<80x125xi32, #tpu.memory_space<vmem>> -> memref<1x125xi32, #tpu.memory_space<vmem>>
    %dma_start3A_224 = tpu.memref_squeeze %dma_start3A_223 : memref<1x125xi32, #tpu.memory_space<vmem>> -> memref<125xi32, #tpu.memory_space<vmem>>
    %dma_start3A_225 = arith.constant 0 : i32
    %dma_start3A_226 = arith.constant 0 : i32
    %dma_start3A_227 = tpu.memref_slice %arg2[%dma_start3A_225, %dma_start3A_226] : memref<10000x32xf32, #tpu.memory_space<hbm>> -> memref<10000x32xf32, #tpu.memory_space<hbm>>
    tpu.enqueue_indirect_dma source(%dma_start3A_227 : memref<10000x32xf32, #tpu.memory_space<hbm>>) target(%arg9 : memref<125x32xf32, #tpu.memory_space<vmem>>) offsets(%dma_start3A_224 : memref<125xi32, #tpu.memory_space<vmem>>) semaphore(%arg26 : memref<!tpu.dma_semaphore, #tpu.memory_space<semaphore_mem>>)
    %dma_start3A_228 = arith.constant 2 : i32
    %dma_start3A_229 = arith.constant 0 : i32
    %dma_start3A_230 = tpu.memref_slice %arg6[%dma_start3A_228, %dma_start3A_229] : memref<80x125xi32, #tpu.memory_space<vmem>> -> memref<1x125xi32, #tpu.memory_space<vmem>>
    %dma_start3A_231 = tpu.memref_squeeze %dma_start3A_230 : memref<1x125xi32, #tpu.memory_space<vmem>> -> memref<125xi32, #tpu.memory_space<vmem>>
    %dma_start3A_232 = arith.constant 0 : i32
    %dma_start3A_233 = arith.constant 0 : i32
    %dma_start3A_234 = tpu.memref_slice %arg2[%dma_start3A_232, %dma_start3A_233] : memref<10000x32xf32, #tpu.memory_space<hbm>> -> memref<10000x32xf32, #tpu.memory_space<hbm>>
    tpu.enqueue_indirect_dma source(%dma_start3A_234 : memref<10000x32xf32, #tpu.memory_space<hbm>>) target(%arg10 : memref<125x32xf32, #tpu.memory_space<vmem>>) offsets(%dma_start3A_231 : memref<125xi32, #tpu.memory_space<vmem>>) semaphore(%arg26 : memref<!tpu.dma_semaphore, #tpu.memory_space<semaphore_mem>>)
    %dma_start3A_235 = arith.constant 3 : i32
    %dma_start3A_236 = arith.constant 0 : i32
    %dma_start3A_237 = tpu.memref_slice %arg6[%dma_start3A_235, %dma_start3A_236] : memref<80x125xi32, #tpu.memory_space<vmem>> -> memref<1x125xi32, #tpu.memory_space<vmem>>
    %dma_start3A_238 = tpu.memref_squeeze %dma_start3A_237 : memref<1x125xi32, #tpu.memory_space<vmem>> -> memref<125xi32, #tpu.memory_space<vmem>>
    %dma_start3A_239 = arith.constant 0 : i32
    %dma_start3A_240 = arith.constant 0 : i32
    %dma_start3A_241 = tpu.memref_slice %arg2[%dma_start3A_239, %dma_start3A_240] : memref<10000x32xf32, #tpu.memory_space<hbm>> -> memref<10000x32xf32, #tpu.memory_space<hbm>>
    tpu.enqueue_indirect_dma source(%dma_start3A_241 : memref<10000x32xf32, #tpu.memory_space<hbm>>) target(%arg11 : memref<125x32xf32, #tpu.memory_space<vmem>>) offsets(%dma_start3A_238 : memref<125xi32, #tpu.memory_space<vmem>>) semaphore(%arg26 : memref<!tpu.dma_semaphore, #tpu.memory_space<semaphore_mem>>)
    %dma_start3A_242 = arith.constant 4 : i32
    %dma_start3A_243 = arith.constant 0 : i32
    %dma_start3A_244 = tpu.memref_slice %arg6[%dma_start3A_242, %dma_start3A_243] : memref<80x125xi32, #tpu.memory_space<vmem>> -> memref<1x125xi32, #tpu.memory_space<vmem>>
    %dma_start3A_245 = tpu.memref_squeeze %dma_start3A_244 : memref<1x125xi32, #tpu.memory_space<vmem>> -> memref<125xi32, #tpu.memory_space<vmem>>
    %dma_start3A_246 = arith.constant 0 : i32
    %dma_start3A_247 = arith.constant 0 : i32
    %dma_start3A_248 = tpu.memref_slice %arg2[%dma_start3A_246, %dma_start3A_247] : memref<10000x32xf32, #tpu.memory_space<hbm>> -> memref<10000x32xf32, #tpu.memory_space<hbm>>
    tpu.enqueue_indirect_dma source(%dma_start3A_248 : memref<10000x32xf32, #tpu.memory_space<hbm>>) target(%arg12 : memref<125x32xf32, #tpu.memory_space<vmem>>) offsets(%dma_start3A_245 : memref<125xi32, #tpu.memory_space<vmem>>) semaphore(%arg26 : memref<!tpu.dma_semaphore, #tpu.memory_space<semaphore_mem>>)
    %dma_start3A_249 = arith.constant 5 : i32
    %dma_start3A_250 = arith.constant 0 : i32
    %dma_start3A_251 = tpu.memref_slice %arg6[%dma_start3A_249, %dma_start3A_250] : memref<80x125xi32, #tpu.memory_space<vmem>> -> memref<1x125xi32, #tpu.memory_space<vmem>>
    %dma_start3A_252 = tpu.memref_squeeze %dma_start3A_251 : memref<1x125xi32, #tpu.memory_space<vmem>> -> memref<125xi32, #tpu.memory_space<vmem>>
    %dma_start3A_253 = arith.constant 0 : i32
    %dma_start3A_254 = arith.constant 0 : i32
    %dma_start3A_255 = tpu.memref_slice %arg2[%dma_start3A_253, %dma_start3A_254] : memref<10000x32xf32, #tpu.memory_space<hbm>> -> memref<10000x32xf32, #tpu.memory_space<hbm>>
    tpu.enqueue_indirect_dma source(%dma_start3A_255 : memref<10000x32xf32, #tpu.memory_space<hbm>>) target(%arg13 : memref<125x32xf32, #tpu.memory_space<vmem>>) offsets(%dma_start3A_252 : memref<125xi32, #tpu.memory_space<vmem>>) semaphore(%arg26 : memref<!tpu.dma_semaphore, #tpu.memory_space<semaphore_mem>>)
    %dma_start3A_256 = arith.constant 6 : i32
    %dma_start3A_257 = arith.constant 0 : i32
    %dma_start3A_258 = tpu.memref_slice %arg6[%dma_start3A_256, %dma_start3A_257] : memref<80x125xi32, #tpu.memory_space<vmem>> -> memref<1x125xi32, #tpu.memory_space<vmem>>
    %dma_start3A_259 = tpu.memref_squeeze %dma_start3A_258 : memref<1x125xi32, #tpu.memory_space<vmem>> -> memref<125xi32, #tpu.memory_space<vmem>>
    %dma_start3A_260 = arith.constant 0 : i32
    %dma_start3A_261 = arith.constant 0 : i32
    %dma_start3A_262 = tpu.memref_slice %arg2[%dma_start3A_260, %dma_start3A_261] : memref<10000x32xf32, #tpu.memory_space<hbm>> -> memref<10000x32xf32, #tpu.memory_space<hbm>>
    tpu.enqueue_indirect_dma source(%dma_start3A_262 : memref<10000x32xf32, #tpu.memory_space<hbm>>) target(%arg14 : memref<125x32xf32, #tpu.memory_space<vmem>>) offsets(%dma_start3A_259 : memref<125xi32, #tpu.memory_space<vmem>>) semaphore(%arg26 : memref<!tpu.dma_semaphore, #tpu.memory_space<semaphore_mem>>)
    %dma_start3A_263 = arith.constant 7 : i32
    %dma_start3A_264 = arith.constant 0 : i32
    %dma_start3A_265 = tpu.memref_slice %arg6[%dma_start3A_263, %dma_start3A_264] : memref<80x125xi32, #tpu.memory_space<vmem>> -> memref<1x125xi32, #tpu.memory_space<vmem>>
    %dma_start3A_266 = tpu.memref_squeeze %dma_start3A_265 : memref<1x125xi32, #tpu.memory_space<vmem>> -> memref<125xi32, #tpu.memory_space<vmem>>
    %dma_start3A_267 = arith.constant 0 : i32
    %dma_start3A_268 = arith.constant 0 : i32
    %dma_start3A_269 = tpu.memref_slice %arg2[%dma_start3A_267, %dma_start3A_268] : memref<10000x32xf32, #tpu.memory_space<hbm>> -> memref<10000x32xf32, #tpu.memory_space<hbm>>
    tpu.enqueue_indirect_dma source(%dma_start3A_269 : memref<10000x32xf32, #tpu.memory_space<hbm>>) target(%arg15 : memref<125x32xf32, #tpu.memory_space<vmem>>) offsets(%dma_start3A_266 : memref<125xi32, #tpu.memory_space<vmem>>) semaphore(%arg26 : memref<!tpu.dma_semaphore, #tpu.memory_space<semaphore_mem>>)
    %scan3A = arith.constant 0 : i32
    %scan3A_270 = arith.constant 0 : i32
    %scan3A_271 = arith.constant 5 : i32
    %scan3A_272 = arith.addi %scan3A_270, %scan3A_271 : i32
    %scan3A_273 = arith.constant 1 : i32
    scf.for %scan3A_285 = %scan3A_270 to %scan3A_272 step %scan3A_273  : i32 {
      %mul3A_286 = arith.constant 16 : i32
      %mul3A_287 = arith.muli %mul3A_286, %scan3A_285 : i32
      %add3A_288 = arith.constant 8 : i32
      %add3A_289 = arith.addi %mul3A_287, %add3A_288 : i32
      %add3A_290 = arith.constant 0 : i32
      %add3A_291 = arith.addi %add3A_289, %add3A_290 : i32
      %dma_start3A_292 = arith.constant 0 : i32
      %dma_start3A_293 = tpu.memref_slice %arg6[%add3A_291, %dma_start3A_292] : memref<80x125xi32, #tpu.memory_space<vmem>> -> memref<1x125xi32, #tpu.memory_space<vmem>>
      %dma_start3A_294 = tpu.memref_squeeze %dma_start3A_293 : memref<1x125xi32, #tpu.memory_space<vmem>> -> memref<125xi32, #tpu.memory_space<vmem>>
      %dma_start3A_295 = arith.constant 0 : i32
      %dma_start3A_296 = arith.constant 0 : i32
      %dma_start3A_297 = tpu.memref_slice %arg2[%dma_start3A_295, %dma_start3A_296] : memref<10000x32xf32, #tpu.memory_space<hbm>> -> memref<10000x32xf32, #tpu.memory_space<hbm>>
      tpu.enqueue_indirect_dma source(%dma_start3A_297 : memref<10000x32xf32, #tpu.memory_space<hbm>>) target(%arg16 : memref<125x32xf32, #tpu.memory_space<vmem>>) offsets(%dma_start3A_294 : memref<125xi32, #tpu.memory_space<vmem>>) semaphore(%arg27 : memref<!tpu.dma_semaphore, #tpu.memory_space<semaphore_mem>>)
      %add3A_298 = arith.constant 1 : i32
      %add3A_299 = arith.addi %add3A_289, %add3A_298 : i32
      %dma_start3A_300 = arith.constant 0 : i32
      %dma_start3A_301 = tpu.memref_slice %arg6[%add3A_299, %dma_start3A_300] : memref<80x125xi32, #tpu.memory_space<vmem>> -> memref<1x125xi32, #tpu.memory_space<vmem>>
      %dma_start3A_302 = tpu.memref_squeeze %dma_start3A_301 : memref<1x125xi32, #tpu.memory_space<vmem>> -> memref<125xi32, #tpu.memory_space<vmem>>
      %dma_start3A_303 = arith.constant 0 : i32
      %dma_start3A_304 = arith.constant 0 : i32
      %dma_start3A_305 = tpu.memref_slice %arg2[%dma_start3A_303, %dma_start3A_304] : memref<10000x32xf32, #tpu.memory_space<hbm>> -> memref<10000x32xf32, #tpu.memory_space<hbm>>
      tpu.enqueue_indirect_dma source(%dma_start3A_305 : memref<10000x32xf32, #tpu.memory_space<hbm>>) target(%arg17 : memref<125x32xf32, #tpu.memory_space<vmem>>) offsets(%dma_start3A_302 : memref<125xi32, #tpu.memory_space<vmem>>) semaphore(%arg27 : memref<!tpu.dma_semaphore, #tpu.memory_space<semaphore_mem>>)
      %add3A_306 = arith.constant 2 : i32
      %add3A_307 = arith.addi %add3A_289, %add3A_306 : i32
      %dma_start3A_308 = arith.constant 0 : i32
      %dma_start3A_309 = tpu.memref_slice %arg6[%add3A_307, %dma_start3A_308] : memref<80x125xi32, #tpu.memory_space<vmem>> -> memref<1x125xi32, #tpu.memory_space<vmem>>
      %dma_start3A_310 = tpu.memref_squeeze %dma_start3A_309 : memref<1x125xi32, #tpu.memory_space<vmem>> -> memref<125xi32, #tpu.memory_space<vmem>>
      %dma_start3A_311 = arith.constant 0 : i32
      %dma_start3A_312 = arith.constant 0 : i32
      %dma_start3A_313 = tpu.memref_slice %arg2[%dma_start3A_311, %dma_start3A_312] : memref<10000x32xf32, #tpu.memory_space<hbm>> -> memref<10000x32xf32, #tpu.memory_space<hbm>>
      tpu.enqueue_indirect_dma source(%dma_start3A_313 : memref<10000x32xf32, #tpu.memory_space<hbm>>) target(%arg18 : memref<125x32xf32, #tpu.memory_space<vmem>>) offsets(%dma_start3A_310 : memref<125xi32, #tpu.memory_space<vmem>>) semaphore(%arg27 : memref<!tpu.dma_semaphore, #tpu.memory_space<semaphore_mem>>)
      %add3A_314 = arith.constant 3 : i32
      %add3A_315 = arith.addi %add3A_289, %add3A_314 : i32
      %dma_start3A_316 = arith.constant 0 : i32
      %dma_start3A_317 = tpu.memref_slice %arg6[%add3A_315, %dma_start3A_316] : memref<80x125xi32, #tpu.memory_space<vmem>> -> memref<1x125xi32, #tpu.memory_space<vmem>>
      %dma_start3A_318 = tpu.memref_squeeze %dma_start3A_317 : memref<1x125xi32, #tpu.memory_space<vmem>> -> memref<125xi32, #tpu.memory_space<vmem>>
      %dma_start3A_319 = arith.constant 0 : i32
      %dma_start3A_320 = arith.constant 0 : i32
      %dma_start3A_321 = tpu.memref_slice %arg2[%dma_start3A_319, %dma_start3A_320] : memref<10000x32xf32, #tpu.memory_space<hbm>> -> memref<10000x32xf32, #tpu.memory_space<hbm>>
      tpu.enqueue_indirect_dma source(%dma_start3A_321 : memref<10000x32xf32, #tpu.memory_space<hbm>>) target(%arg19 : memref<125x32xf32, #tpu.memory_space<vmem>>) offsets(%dma_start3A_318 : memref<125xi32, #tpu.memory_space<vmem>>) semaphore(%arg27 : memref<!tpu.dma_semaphore, #tpu.memory_space<semaphore_mem>>)
      %add3A_322 = arith.constant 4 : i32
      %add3A_323 = arith.addi %add3A_289, %add3A_322 : i32
      %dma_start3A_324 = arith.constant 0 : i32
      %dma_start3A_325 = tpu.memref_slice %arg6[%add3A_323, %dma_start3A_324] : memref<80x125xi32, #tpu.memory_space<vmem>> -> memref<1x125xi32, #tpu.memory_space<vmem>>
      %dma_start3A_326 = tpu.memref_squeeze %dma_start3A_325 : memref<1x125xi32, #tpu.memory_space<vmem>> -> memref<125xi32, #tpu.memory_space<vmem>>
      %dma_start3A_327 = arith.constant 0 : i32
      %dma_start3A_328 = arith.constant 0 : i32
      %dma_start3A_329 = tpu.memref_slice %arg2[%dma_start3A_327, %dma_start3A_328] : memref<10000x32xf32, #tpu.memory_space<hbm>> -> memref<10000x32xf32, #tpu.memory_space<hbm>>
      tpu.enqueue_indirect_dma source(%dma_start3A_329 : memref<10000x32xf32, #tpu.memory_space<hbm>>) target(%arg20 : memref<125x32xf32, #tpu.memory_space<vmem>>) offsets(%dma_start3A_326 : memref<125xi32, #tpu.memory_space<vmem>>) semaphore(%arg27 : memref<!tpu.dma_semaphore, #tpu.memory_space<semaphore_mem>>)
      %add3A_330 = arith.constant 5 : i32
      %add3A_331 = arith.addi %add3A_289, %add3A_330 : i32
      %dma_start3A_332 = arith.constant 0 : i32
      %dma_start3A_333 = tpu.memref_slice %arg6[%add3A_331, %dma_start3A_332] : memref<80x125xi32, #tpu.memory_space<vmem>> -> memref<1x125xi32, #tpu.memory_space<vmem>>
      %dma_start3A_334 = tpu.memref_squeeze %dma_start3A_333 : memref<1x125xi32, #tpu.memory_space<vmem>> -> memref<125xi32, #tpu.memory_space<vmem>>
      %dma_start3A_335 = arith.constant 0 : i32
      %dma_start3A_336 = arith.constant 0 : i32
      %dma_start3A_337 = tpu.memref_slice %arg2[%dma_start3A_335, %dma_start3A_336] : memref<10000x32xf32, #tpu.memory_space<hbm>> -> memref<10000x32xf32, #tpu.memory_space<hbm>>
      tpu.enqueue_indirect_dma source(%dma_start3A_337 : memref<10000x32xf32, #tpu.memory_space<hbm>>) target(%arg21 : memref<125x32xf32, #tpu.memory_space<vmem>>) offsets(%dma_start3A_334 : memref<125xi32, #tpu.memory_space<vmem>>) semaphore(%arg27 : memref<!tpu.dma_semaphore, #tpu.memory_space<semaphore_mem>>)
      %add3A_338 = arith.constant 6 : i32
      %add3A_339 = arith.addi %add3A_289, %add3A_338 : i32
      %dma_start3A_340 = arith.constant 0 : i32
      %dma_start3A_341 = tpu.memref_slice %arg6[%add3A_339, %dma_start3A_340] : memref<80x125xi32, #tpu.memory_space<vmem>> -> memref<1x125xi32, #tpu.memory_space<vmem>>
      %dma_start3A_342 = tpu.memref_squeeze %dma_start3A_341 : memref<1x125xi32, #tpu.memory_space<vmem>> -> memref<125xi32, #tpu.memory_space<vmem>>
      %dma_start3A_343 = arith.constant 0 : i32
      %dma_start3A_344 = arith.constant 0 : i32
      %dma_start3A_345 = tpu.memref_slice %arg2[%dma_start3A_343, %dma_start3A_344] : memref<10000x32xf32, #tpu.memory_space<hbm>> -> memref<10000x32xf32, #tpu.memory_space<hbm>>
      tpu.enqueue_indirect_dma source(%dma_start3A_345 : memref<10000x32xf32, #tpu.memory_space<hbm>>) target(%arg22 : memref<125x32xf32, #tpu.memory_space<vmem>>) offsets(%dma_start3A_342 : memref<125xi32, #tpu.memory_space<vmem>>) semaphore(%arg27 : memref<!tpu.dma_semaphore, #tpu.memory_space<semaphore_mem>>)
      %add3A_346 = arith.constant 7 : i32
      %add3A_347 = arith.addi %add3A_289, %add3A_346 : i32
      %dma_start3A_348 = arith.constant 0 : i32
      %dma_start3A_349 = tpu.memref_slice %arg6[%add3A_347, %dma_start3A_348] : memref<80x125xi32, #tpu.memory_space<vmem>> -> memref<1x125xi32, #tpu.memory_space<vmem>>
      %dma_start3A_350 = tpu.memref_squeeze %dma_start3A_349 : memref<1x125xi32, #tpu.memory_space<vmem>> -> memref<125xi32, #tpu.memory_space<vmem>>
      %dma_start3A_351 = arith.constant 0 : i32
      %dma_start3A_352 = arith.constant 0 : i32
      %dma_start3A_353 = tpu.memref_slice %arg2[%dma_start3A_351, %dma_start3A_352] : memref<10000x32xf32, #tpu.memory_space<hbm>> -> memref<10000x32xf32, #tpu.memory_space<hbm>>
      tpu.enqueue_indirect_dma source(%dma_start3A_353 : memref<10000x32xf32, #tpu.memory_space<hbm>>) target(%arg23 : memref<125x32xf32, #tpu.memory_space<vmem>>) offsets(%dma_start3A_350 : memref<125xi32, #tpu.memory_space<vmem>>) semaphore(%arg27 : memref<!tpu.dma_semaphore, #tpu.memory_space<semaphore_mem>>)
      %add3A_354 = arith.constant 0 : i32
      %add3A_355 = arith.addi %mul3A_287, %add3A_354 : i32
      %dma_wait3A = arith.constant 0 : i32
      %dma_wait3A_356 = tpu.memref_slice %arg6[%add3A_355, %dma_wait3A] : memref<80x125xi32, #tpu.memory_space<vmem>> -> memref<1x125xi32, #tpu.memory_space<vmem>>
      %dma_wait3A_357 = tpu.memref_squeeze %dma_wait3A_356 : memref<1x125xi32, #tpu.memory_space<vmem>> -> memref<125xi32, #tpu.memory_space<vmem>>
      %dma_wait3A_358 = arith.constant 0 : i32
      %dma_wait3A_359 = arith.constant 0 : i32
      %dma_wait3A_360 = tpu.memref_slice %arg2[%dma_wait3A_358, %dma_wait3A_359] : memref<10000x32xf32, #tpu.memory_space<hbm>> -> memref<10000x32xf32, #tpu.memory_space<hbm>>
      tpu.wait_indirect_dma semaphore(%arg26 : memref<!tpu.dma_semaphore, #tpu.memory_space<semaphore_mem>>) src(%dma_wait3A_360 : memref<10000x32xf32, #tpu.memory_space<hbm>>) dst(%arg8 : memref<125x32xf32, #tpu.memory_space<vmem>>)
      %add3A_361 = arith.constant 0 : i32
      %add3A_362 = arith.addi %mul3A_287, %add3A_361 : i32
      "tpu.region"() ({
        %run_scoped3A = tpu.sem_alloc : memref<!tpu.dma_semaphore, #tpu.memory_space<semaphore_mem>>
        %dma_start3A_519 = arith.constant 0 : i32
        %dma_start3A_520 = tpu.memref_slice %arg7[%add3A_362, %dma_start3A_519] : memref<80x125xi32, #tpu.memory_space<vmem>> -> memref<1x125xi32, #tpu.memory_space<vmem>>
        %dma_start3A_521 = tpu.memref_squeeze %dma_start3A_520 : memref<1x125xi32, #tpu.memory_space<vmem>> -> memref<125xi32, #tpu.memory_space<vmem>>
        %dma_start3A_522 = arith.constant 0 : i32
        %dma_start3A_523 = arith.constant 0 : i32
        %dma_start3A_524 = tpu.memref_slice %arg25[%dma_start3A_522, %dma_start3A_523] : memref<10000x32xf32, #tpu.memory_space<vmem_shared>> -> memref<10000x32xf32, #tpu.memory_space<vmem_shared>>
        tpu.enqueue_indirect_dma source(%arg8 : memref<125x32xf32, #tpu.memory_space<vmem>>) target(%dma_start3A_524 : memref<10000x32xf32, #tpu.memory_space<vmem_shared>>) offsets(%dma_start3A_521 : memref<125xi32, #tpu.memory_space<vmem>>) semaphore(%run_scoped3A : memref<!tpu.dma_semaphore, #tpu.memory_space<semaphore_mem>>) {add = true}
        %dma_wait3A_525 = arith.constant 0 : i32
        %dma_wait3A_526 = tpu.memref_slice %arg7[%add3A_362, %dma_wait3A_525] : memref<80x125xi32, #tpu.memory_space<vmem>> -> memref<1x125xi32, #tpu.memory_space<vmem>>
        %dma_wait3A_527 = tpu.memref_squeeze %dma_wait3A_526 : memref<1x125xi32, #tpu.memory_space<vmem>> -> memref<125xi32, #tpu.memory_space<vmem>>
        %dma_wait3A_528 = arith.constant 0 : i32
        %dma_wait3A_529 = arith.constant 0 : i32
        %dma_wait3A_530 = tpu.memref_slice %arg25[%dma_wait3A_528, %dma_wait3A_529] : memref<10000x32xf32, #tpu.memory_space<vmem_shared>> -> memref<10000x32xf32, #tpu.memory_space<vmem_shared>>
        tpu.wait_indirect_dma semaphore(%run_scoped3A : memref<!tpu.dma_semaphore, #tpu.memory_space<semaphore_mem>>) src(%arg8 : memref<125x32xf32, #tpu.memory_space<vmem>>) dst(%dma_wait3A_530 : memref<10000x32xf32, #tpu.memory_space<vmem_shared>>)
        tpu.yield
      }) : () -> ()
      %add3A_363 = arith.constant 1 : i32
      %add3A_364 = arith.addi %mul3A_287, %add3A_363 : i32
      %dma_wait3A_365 = arith.constant 0 : i32
      %dma_wait3A_366 = tpu.memref_slice %arg6[%add3A_364, %dma_wait3A_365] : memref<80x125xi32, #tpu.memory_space<vmem>> -> memref<1x125xi32, #tpu.memory_space<vmem>>
      %dma_wait3A_367 = tpu.memref_squeeze %dma_wait3A_366 : memref<1x125xi32, #tpu.memory_space<vmem>> -> memref<125xi32, #tpu.memory_space<vmem>>
      %dma_wait3A_368 = arith.constant 0 : i32
      %dma_wait3A_369 = arith.constant 0 : i32
      %dma_wait3A_370 = tpu.memref_slice %arg2[%dma_wait3A_368, %dma_wait3A_369] : memref<10000x32xf32, #tpu.memory_space<hbm>> -> memref<10000x32xf32, #tpu.memory_space<hbm>>
      tpu.wait_indirect_dma semaphore(%arg26 : memref<!tpu.dma_semaphore, #tpu.memory_space<semaphore_mem>>) src(%dma_wait3A_370 : memref<10000x32xf32, #tpu.memory_space<hbm>>) dst(%arg9 : memref<125x32xf32, #tpu.memory_space<vmem>>)
      %add3A_371 = arith.constant 1 : i32
      %add3A_372 = arith.addi %mul3A_287, %add3A_371 : i32
      "tpu.region"() ({
        %run_scoped3A = tpu.sem_alloc : memref<!tpu.dma_semaphore, #tpu.memory_space<semaphore_mem>>
        %dma_start3A_519 = arith.constant 0 : i32
        %dma_start3A_520 = tpu.memref_slice %arg7[%add3A_372, %dma_start3A_519] : memref<80x125xi32, #tpu.memory_space<vmem>> -> memref<1x125xi32, #tpu.memory_space<vmem>>
        %dma_start3A_521 = tpu.memref_squeeze %dma_start3A_520 : memref<1x125xi32, #tpu.memory_space<vmem>> -> memref<125xi32, #tpu.memory_space<vmem>>
        %dma_start3A_522 = arith.constant 0 : i32
        %dma_start3A_523 = arith.constant 0 : i32
        %dma_start3A_524 = tpu.memref_slice %arg25[%dma_start3A_522, %dma_start3A_523] : memref<10000x32xf32, #tpu.memory_space<vmem_shared>> -> memref<10000x32xf32, #tpu.memory_space<vmem_shared>>
        tpu.enqueue_indirect_dma source(%arg9 : memref<125x32xf32, #tpu.memory_space<vmem>>) target(%dma_start3A_524 : memref<10000x32xf32, #tpu.memory_space<vmem_shared>>) offsets(%dma_start3A_521 : memref<125xi32, #tpu.memory_space<vmem>>) semaphore(%run_scoped3A : memref<!tpu.dma_semaphore, #tpu.memory_space<semaphore_mem>>) {add = true}
        %dma_wait3A_525 = arith.constant 0 : i32
        %dma_wait3A_526 = tpu.memref_slice %arg7[%add3A_372, %dma_wait3A_525] : memref<80x125xi32, #tpu.memory_space<vmem>> -> memref<1x125xi32, #tpu.memory_space<vmem>>
        %dma_wait3A_527 = tpu.memref_squeeze %dma_wait3A_526 : memref<1x125xi32, #tpu.memory_space<vmem>> -> memref<125xi32, #tpu.memory_space<vmem>>
        %dma_wait3A_528 = arith.constant 0 : i32
        %dma_wait3A_529 = arith.constant 0 : i32
        %dma_wait3A_530 = tpu.memref_slice %arg25[%dma_wait3A_528, %dma_wait3A_529] : memref<10000x32xf32, #tpu.memory_space<vmem_shared>> -> memref<10000x32xf32, #tpu.memory_space<vmem_shared>>
        tpu.wait_indirect_dma semaphore(%run_scoped3A : memref<!tpu.dma_semaphore, #tpu.memory_space<semaphore_mem>>) src(%arg9 : memref<125x32xf32, #tpu.memory_space<vmem>>) dst(%dma_wait3A_530 : memref<10000x32xf32, #tpu.memory_space<vmem_shared>>)
        tpu.yield
      }) : () -> ()
      %add3A_373 = arith.constant 2 : i32
      %add3A_374 = arith.addi %mul3A_287, %add3A_373 : i32
      %dma_wait3A_375 = arith.constant 0 : i32
      %dma_wait3A_376 = tpu.memref_slice %arg6[%add3A_374, %dma_wait3A_375] : memref<80x125xi32, #tpu.memory_space<vmem>> -> memref<1x125xi32, #tpu.memory_space<vmem>>
      %dma_wait3A_377 = tpu.memref_squeeze %dma_wait3A_376 : memref<1x125xi32, #tpu.memory_space<vmem>> -> memref<125xi32, #tpu.memory_space<vmem>>
      %dma_wait3A_378 = arith.constant 0 : i32
      %dma_wait3A_379 = arith.constant 0 : i32
      %dma_wait3A_380 = tpu.memref_slice %arg2[%dma_wait3A_378, %dma_wait3A_379] : memref<10000x32xf32, #tpu.memory_space<hbm>> -> memref<10000x32xf32, #tpu.memory_space<hbm>>
      tpu.wait_indirect_dma semaphore(%arg26 : memref<!tpu.dma_semaphore, #tpu.memory_space<semaphore_mem>>) src(%dma_wait3A_380 : memref<10000x32xf32, #tpu.memory_space<hbm>>) dst(%arg10 : memref<125x32xf32, #tpu.memory_space<vmem>>)
      %add3A_381 = arith.constant 2 : i32
      %add3A_382 = arith.addi %mul3A_287, %add3A_381 : i32
      "tpu.region"() ({
        %run_scoped3A = tpu.sem_alloc : memref<!tpu.dma_semaphore, #tpu.memory_space<semaphore_mem>>
        %dma_start3A_519 = arith.constant 0 : i32
        %dma_start3A_520 = tpu.memref_slice %arg7[%add3A_382, %dma_start3A_519] : memref<80x125xi32, #tpu.memory_space<vmem>> -> memref<1x125xi32, #tpu.memory_space<vmem>>
        %dma_start3A_521 = tpu.memref_squeeze %dma_start3A_520 : memref<1x125xi32, #tpu.memory_space<vmem>> -> memref<125xi32, #tpu.memory_space<vmem>>
        %dma_start3A_522 = arith.constant 0 : i32
        %dma_start3A_523 = arith.constant 0 : i32
        %dma_start3A_524 = tpu.memref_slice %arg25[%dma_start3A_522, %dma_start3A_523] : memref<10000x32xf32, #tpu.memory_space<vmem_shared>> -> memref<10000x32xf32, #tpu.memory_space<vmem_shared>>
        tpu.enqueue_indirect_dma source(%arg10 : memref<125x32xf32, #tpu.memory_space<vmem>>) target(%dma_start3A_524 : memref<10000x32xf32, #tpu.memory_space<vmem_shared>>) offsets(%dma_start3A_521 : memref<125xi32, #tpu.memory_space<vmem>>) semaphore(%run_scoped3A : memref<!tpu.dma_semaphore, #tpu.memory_space<semaphore_mem>>) {add = true}
        %dma_wait3A_525 = arith.constant 0 : i32
        %dma_wait3A_526 = tpu.memref_slice %arg7[%add3A_382, %dma_wait3A_525] : memref<80x125xi32, #tpu.memory_space<vmem>> -> memref<1x125xi32, #tpu.memory_space<vmem>>
        %dma_wait3A_527 = tpu.memref_squeeze %dma_wait3A_526 : memref<1x125xi32, #tpu.memory_space<vmem>> -> memref<125xi32, #tpu.memory_space<vmem>>
        %dma_wait3A_528 = arith.constant 0 : i32
        %dma_wait3A_529 = arith.constant 0 : i32
        %dma_wait3A_530 = tpu.memref_slice %arg25[%dma_wait3A_528, %dma_wait3A_529] : memref<10000x32xf32, #tpu.memory_space<vmem_shared>> -> memref<10000x32xf32, #tpu.memory_space<vmem_shared>>
        tpu.wait_indirect_dma semaphore(%run_scoped3A : memref<!tpu.dma_semaphore, #tpu.memory_space<semaphore_mem>>) src(%arg10 : memref<125x32xf32, #tpu.memory_space<vmem>>) dst(%dma_wait3A_530 : memref<10000x32xf32, #tpu.memory_space<vmem_shared>>)
        tpu.yield
      }) : () -> ()
      %add3A_383 = arith.constant 3 : i32
      %add3A_384 = arith.addi %mul3A_287, %add3A_383 : i32
      %dma_wait3A_385 = arith.constant 0 : i32
      %dma_wait3A_386 = tpu.memref_slice %arg6[%add3A_384, %dma_wait3A_385] : memref<80x125xi32, #tpu.memory_space<vmem>> -> memref<1x125xi32, #tpu.memory_space<vmem>>
      %dma_wait3A_387 = tpu.memref_squeeze %dma_wait3A_386 : memref<1x125xi32, #tpu.memory_space<vmem>> -> memref<125xi32, #tpu.memory_space<vmem>>
      %dma_wait3A_388 = arith.constant 0 : i32
      %dma_wait3A_389 = arith.constant 0 : i32
      %dma_wait3A_390 = tpu.memref_slice %arg2[%dma_wait3A_388, %dma_wait3A_389] : memref<10000x32xf32, #tpu.memory_space<hbm>> -> memref<10000x32xf32, #tpu.memory_space<hbm>>
      tpu.wait_indirect_dma semaphore(%arg26 : memref<!tpu.dma_semaphore, #tpu.memory_space<semaphore_mem>>) src(%dma_wait3A_390 : memref<10000x32xf32, #tpu.memory_space<hbm>>) dst(%arg11 : memref<125x32xf32, #tpu.memory_space<vmem>>)
      %add3A_391 = arith.constant 3 : i32
      %add3A_392 = arith.addi %mul3A_287, %add3A_391 : i32
      "tpu.region"() ({
        %run_scoped3A = tpu.sem_alloc : memref<!tpu.dma_semaphore, #tpu.memory_space<semaphore_mem>>
        %dma_start3A_519 = arith.constant 0 : i32
        %dma_start3A_520 = tpu.memref_slice %arg7[%add3A_392, %dma_start3A_519] : memref<80x125xi32, #tpu.memory_space<vmem>> -> memref<1x125xi32, #tpu.memory_space<vmem>>
        %dma_start3A_521 = tpu.memref_squeeze %dma_start3A_520 : memref<1x125xi32, #tpu.memory_space<vmem>> -> memref<125xi32, #tpu.memory_space<vmem>>
        %dma_start3A_522 = arith.constant 0 : i32
        %dma_start3A_523 = arith.constant 0 : i32
        %dma_start3A_524 = tpu.memref_slice %arg25[%dma_start3A_522, %dma_start3A_523] : memref<10000x32xf32, #tpu.memory_space<vmem_shared>> -> memref<10000x32xf32, #tpu.memory_space<vmem_shared>>
        tpu.enqueue_indirect_dma source(%arg11 : memref<125x32xf32, #tpu.memory_space<vmem>>) target(%dma_start3A_524 : memref<10000x32xf32, #tpu.memory_space<vmem_shared>>) offsets(%dma_start3A_521 : memref<125xi32, #tpu.memory_space<vmem>>) semaphore(%run_scoped3A : memref<!tpu.dma_semaphore, #tpu.memory_space<semaphore_mem>>) {add = true}
        %dma_wait3A_525 = arith.constant 0 : i32
        %dma_wait3A_526 = tpu.memref_slice %arg7[%add3A_392, %dma_wait3A_525] : memref<80x125xi32, #tpu.memory_space<vmem>> -> memref<1x125xi32, #tpu.memory_space<vmem>>
        %dma_wait3A_527 = tpu.memref_squeeze %dma_wait3A_526 : memref<1x125xi32, #tpu.memory_space<vmem>> -> memref<125xi32, #tpu.memory_space<vmem>>
        %dma_wait3A_528 = arith.constant 0 : i32
        %dma_wait3A_529 = arith.constant 0 : i32
        %dma_wait3A_530 = tpu.memref_slice %arg25[%dma_wait3A_528, %dma_wait3A_529] : memref<10000x32xf32, #tpu.memory_space<vmem_shared>> -> memref<10000x32xf32, #tpu.memory_space<vmem_shared>>
        tpu.wait_indirect_dma semaphore(%run_scoped3A : memref<!tpu.dma_semaphore, #tpu.memory_space<semaphore_mem>>) src(%arg11 : memref<125x32xf32, #tpu.memory_space<vmem>>) dst(%dma_wait3A_530 : memref<10000x32xf32, #tpu.memory_space<vmem_shared>>)
        tpu.yield
      }) : () -> ()
      %add3A_393 = arith.constant 4 : i32
      %add3A_394 = arith.addi %mul3A_287, %add3A_393 : i32
      %dma_wait3A_395 = arith.constant 0 : i32
      %dma_wait3A_396 = tpu.memref_slice %arg6[%add3A_394, %dma_wait3A_395] : memref<80x125xi32, #tpu.memory_space<vmem>> -> memref<1x125xi32, #tpu.memory_space<vmem>>
      %dma_wait3A_397 = tpu.memref_squeeze %dma_wait3A_396 : memref<1x125xi32, #tpu.memory_space<vmem>> -> memref<125xi32, #tpu.memory_space<vmem>>
      %dma_wait3A_398 = arith.constant 0 : i32
      %dma_wait3A_399 = arith.constant 0 : i32
      %dma_wait3A_400 = tpu.memref_slice %arg2[%dma_wait3A_398, %dma_wait3A_399] : memref<10000x32xf32, #tpu.memory_space<hbm>> -> memref<10000x32xf32, #tpu.memory_space<hbm>>
      tpu.wait_indirect_dma semaphore(%arg26 : memref<!tpu.dma_semaphore, #tpu.memory_space<semaphore_mem>>) src(%dma_wait3A_400 : memref<10000x32xf32, #tpu.memory_space<hbm>>) dst(%arg12 : memref<125x32xf32, #tpu.memory_space<vmem>>)
      %add3A_401 = arith.constant 4 : i32
      %add3A_402 = arith.addi %mul3A_287, %add3A_401 : i32
      "tpu.region"() ({
        %run_scoped3A = tpu.sem_alloc : memref<!tpu.dma_semaphore, #tpu.memory_space<semaphore_mem>>
        %dma_start3A_519 = arith.constant 0 : i32
        %dma_start3A_520 = tpu.memref_slice %arg7[%add3A_402, %dma_start3A_519] : memref<80x125xi32, #tpu.memory_space<vmem>> -> memref<1x125xi32, #tpu.memory_space<vmem>>
        %dma_start3A_521 = tpu.memref_squeeze %dma_start3A_520 : memref<1x125xi32, #tpu.memory_space<vmem>> -> memref<125xi32, #tpu.memory_space<vmem>>
        %dma_start3A_522 = arith.constant 0 : i32
        %dma_start3A_523 = arith.constant 0 : i32
        %dma_start3A_524 = tpu.memref_slice %arg25[%dma_start3A_522, %dma_start3A_523] : memref<10000x32xf32, #tpu.memory_space<vmem_shared>> -> memref<10000x32xf32, #tpu.memory_space<vmem_shared>>
        tpu.enqueue_indirect_dma source(%arg12 : memref<125x32xf32, #tpu.memory_space<vmem>>) target(%dma_start3A_524 : memref<10000x32xf32, #tpu.memory_space<vmem_shared>>) offsets(%dma_start3A_521 : memref<125xi32, #tpu.memory_space<vmem>>) semaphore(%run_scoped3A : memref<!tpu.dma_semaphore, #tpu.memory_space<semaphore_mem>>) {add = true}
        %dma_wait3A_525 = arith.constant 0 : i32
        %dma_wait3A_526 = tpu.memref_slice %arg7[%add3A_402, %dma_wait3A_525] : memref<80x125xi32, #tpu.memory_space<vmem>> -> memref<1x125xi32, #tpu.memory_space<vmem>>
        %dma_wait3A_527 = tpu.memref_squeeze %dma_wait3A_526 : memref<1x125xi32, #tpu.memory_space<vmem>> -> memref<125xi32, #tpu.memory_space<vmem>>
        %dma_wait3A_528 = arith.constant 0 : i32
        %dma_wait3A_529 = arith.constant 0 : i32
        %dma_wait3A_530 = tpu.memref_slice %arg25[%dma_wait3A_528, %dma_wait3A_529] : memref<10000x32xf32, #tpu.memory_space<vmem_shared>> -> memref<10000x32xf32, #tpu.memory_space<vmem_shared>>
        tpu.wait_indirect_dma semaphore(%run_scoped3A : memref<!tpu.dma_semaphore, #tpu.memory_space<semaphore_mem>>) src(%arg12 : memref<125x32xf32, #tpu.memory_space<vmem>>) dst(%dma_wait3A_530 : memref<10000x32xf32, #tpu.memory_space<vmem_shared>>)
        tpu.yield
      }) : () -> ()
      %add3A_403 = arith.constant 5 : i32
      %add3A_404 = arith.addi %mul3A_287, %add3A_403 : i32
      %dma_wait3A_405 = arith.constant 0 : i32
      %dma_wait3A_406 = tpu.memref_slice %arg6[%add3A_404, %dma_wait3A_405] : memref<80x125xi32, #tpu.memory_space<vmem>> -> memref<1x125xi32, #tpu.memory_space<vmem>>
      %dma_wait3A_407 = tpu.memref_squeeze %dma_wait3A_406 : memref<1x125xi32, #tpu.memory_space<vmem>> -> memref<125xi32, #tpu.memory_space<vmem>>
      %dma_wait3A_408 = arith.constant 0 : i32
      %dma_wait3A_409 = arith.constant 0 : i32
      %dma_wait3A_410 = tpu.memref_slice %arg2[%dma_wait3A_408, %dma_wait3A_409] : memref<10000x32xf32, #tpu.memory_space<hbm>> -> memref<10000x32xf32, #tpu.memory_space<hbm>>
      tpu.wait_indirect_dma semaphore(%arg26 : memref<!tpu.dma_semaphore, #tpu.memory_space<semaphore_mem>>) src(%dma_wait3A_410 : memref<10000x32xf32, #tpu.memory_space<hbm>>) dst(%arg13 : memref<125x32xf32, #tpu.memory_space<vmem>>)
      %add3A_411 = arith.constant 5 : i32
      %add3A_412 = arith.addi %mul3A_287, %add3A_411 : i32
      "tpu.region"() ({
        %run_scoped3A = tpu.sem_alloc : memref<!tpu.dma_semaphore, #tpu.memory_space<semaphore_mem>>
        %dma_start3A_519 = arith.constant 0 : i32
        %dma_start3A_520 = tpu.memref_slice %arg7[%add3A_412, %dma_start3A_519] : memref<80x125xi32, #tpu.memory_space<vmem>> -> memref<1x125xi32, #tpu.memory_space<vmem>>
        %dma_start3A_521 = tpu.memref_squeeze %dma_start3A_520 : memref<1x125xi32, #tpu.memory_space<vmem>> -> memref<125xi32, #tpu.memory_space<vmem>>
        %dma_start3A_522 = arith.constant 0 : i32
        %dma_start3A_523 = arith.constant 0 : i32
        %dma_start3A_524 = tpu.memref_slice %arg25[%dma_start3A_522, %dma_start3A_523] : memref<10000x32xf32, #tpu.memory_space<vmem_shared>> -> memref<10000x32xf32, #tpu.memory_space<vmem_shared>>
        tpu.enqueue_indirect_dma source(%arg13 : memref<125x32xf32, #tpu.memory_space<vmem>>) target(%dma_start3A_524 : memref<10000x32xf32, #tpu.memory_space<vmem_shared>>) offsets(%dma_start3A_521 : memref<125xi32, #tpu.memory_space<vmem>>) semaphore(%run_scoped3A : memref<!tpu.dma_semaphore, #tpu.memory_space<semaphore_mem>>) {add = true}
        %dma_wait3A_525 = arith.constant 0 : i32
        %dma_wait3A_526 = tpu.memref_slice %arg7[%add3A_412, %dma_wait3A_525] : memref<80x125xi32, #tpu.memory_space<vmem>> -> memref<1x125xi32, #tpu.memory_space<vmem>>
        %dma_wait3A_527 = tpu.memref_squeeze %dma_wait3A_526 : memref<1x125xi32, #tpu.memory_space<vmem>> -> memref<125xi32, #tpu.memory_space<vmem>>
        %dma_wait3A_528 = arith.constant 0 : i32
        %dma_wait3A_529 = arith.constant 0 : i32
        %dma_wait3A_530 = tpu.memref_slice %arg25[%dma_wait3A_528, %dma_wait3A_529] : memref<10000x32xf32, #tpu.memory_space<vmem_shared>> -> memref<10000x32xf32, #tpu.memory_space<vmem_shared>>
        tpu.wait_indirect_dma semaphore(%run_scoped3A : memref<!tpu.dma_semaphore, #tpu.memory_space<semaphore_mem>>) src(%arg13 : memref<125x32xf32, #tpu.memory_space<vmem>>) dst(%dma_wait3A_530 : memref<10000x32xf32, #tpu.memory_space<vmem_shared>>)
        tpu.yield
      }) : () -> ()
      %add3A_413 = arith.constant 6 : i32
      %add3A_414 = arith.addi %mul3A_287, %add3A_413 : i32
      %dma_wait3A_415 = arith.constant 0 : i32
      %dma_wait3A_416 = tpu.memref_slice %arg6[%add3A_414, %dma_wait3A_415] : memref<80x125xi32, #tpu.memory_space<vmem>> -> memref<1x125xi32, #tpu.memory_space<vmem>>
      %dma_wait3A_417 = tpu.memref_squeeze %dma_wait3A_416 : memref<1x125xi32, #tpu.memory_space<vmem>> -> memref<125xi32, #tpu.memory_space<vmem>>
      %dma_wait3A_418 = arith.constant 0 : i32
      %dma_wait3A_419 = arith.constant 0 : i32
      %dma_wait3A_420 = tpu.memref_slice %arg2[%dma_wait3A_418, %dma_wait3A_419] : memref<10000x32xf32, #tpu.memory_space<hbm>> -> memref<10000x32xf32, #tpu.memory_space<hbm>>
      tpu.wait_indirect_dma semaphore(%arg26 : memref<!tpu.dma_semaphore, #tpu.memory_space<semaphore_mem>>) src(%dma_wait3A_420 : memref<10000x32xf32, #tpu.memory_space<hbm>>) dst(%arg14 : memref<125x32xf32, #tpu.memory_space<vmem>>)
      %add3A_421 = arith.constant 6 : i32
      %add3A_422 = arith.addi %mul3A_287, %add3A_421 : i32
      "tpu.region"() ({
        %run_scoped3A = tpu.sem_alloc : memref<!tpu.dma_semaphore, #tpu.memory_space<semaphore_mem>>
        %dma_start3A_519 = arith.constant 0 : i32
        %dma_start3A_520 = tpu.memref_slice %arg7[%add3A_422, %dma_start3A_519] : memref<80x125xi32, #tpu.memory_space<vmem>> -> memref<1x125xi32, #tpu.memory_space<vmem>>
        %dma_start3A_521 = tpu.memref_squeeze %dma_start3A_520 : memref<1x125xi32, #tpu.memory_space<vmem>> -> memref<125xi32, #tpu.memory_space<vmem>>
        %dma_start3A_522 = arith.constant 0 : i32
        %dma_start3A_523 = arith.constant 0 : i32
        %dma_start3A_524 = tpu.memref_slice %arg25[%dma_start3A_522, %dma_start3A_523] : memref<10000x32xf32, #tpu.memory_space<vmem_shared>> -> memref<10000x32xf32, #tpu.memory_space<vmem_shared>>
        tpu.enqueue_indirect_dma source(%arg14 : memref<125x32xf32, #tpu.memory_space<vmem>>) target(%dma_start3A_524 : memref<10000x32xf32, #tpu.memory_space<vmem_shared>>) offsets(%dma_start3A_521 : memref<125xi32, #tpu.memory_space<vmem>>) semaphore(%run_scoped3A : memref<!tpu.dma_semaphore, #tpu.memory_space<semaphore_mem>>) {add = true}
        %dma_wait3A_525 = arith.constant 0 : i32
        %dma_wait3A_526 = tpu.memref_slice %arg7[%add3A_422, %dma_wait3A_525] : memref<80x125xi32, #tpu.memory_space<vmem>> -> memref<1x125xi32, #tpu.memory_space<vmem>>
        %dma_wait3A_527 = tpu.memref_squeeze %dma_wait3A_526 : memref<1x125xi32, #tpu.memory_space<vmem>> -> memref<125xi32, #tpu.memory_space<vmem>>
        %dma_wait3A_528 = arith.constant 0 : i32
        %dma_wait3A_529 = arith.constant 0 : i32
        %dma_wait3A_530 = tpu.memref_slice %arg25[%dma_wait3A_528, %dma_wait3A_529] : memref<10000x32xf32, #tpu.memory_space<vmem_shared>> -> memref<10000x32xf32, #tpu.memory_space<vmem_shared>>
        tpu.wait_indirect_dma semaphore(%run_scoped3A : memref<!tpu.dma_semaphore, #tpu.memory_space<semaphore_mem>>) src(%arg14 : memref<125x32xf32, #tpu.memory_space<vmem>>) dst(%dma_wait3A_530 : memref<10000x32xf32, #tpu.memory_space<vmem_shared>>)
        tpu.yield
      }) : () -> ()
      %add3A_423 = arith.constant 7 : i32
      %add3A_424 = arith.addi %mul3A_287, %add3A_423 : i32
      %dma_wait3A_425 = arith.constant 0 : i32
      %dma_wait3A_426 = tpu.memref_slice %arg6[%add3A_424, %dma_wait3A_425] : memref<80x125xi32, #tpu.memory_space<vmem>> -> memref<1x125xi32, #tpu.memory_space<vmem>>
      %dma_wait3A_427 = tpu.memref_squeeze %dma_wait3A_426 : memref<1x125xi32, #tpu.memory_space<vmem>> -> memref<125xi32, #tpu.memory_space<vmem>>
      %dma_wait3A_428 = arith.constant 0 : i32
      %dma_wait3A_429 = arith.constant 0 : i32
      %dma_wait3A_430 = tpu.memref_slice %arg2[%dma_wait3A_428, %dma_wait3A_429] : memref<10000x32xf32, #tpu.memory_space<hbm>> -> memref<10000x32xf32, #tpu.memory_space<hbm>>
      tpu.wait_indirect_dma semaphore(%arg26 : memref<!tpu.dma_semaphore, #tpu.memory_space<semaphore_mem>>) src(%dma_wait3A_430 : memref<10000x32xf32, #tpu.memory_space<hbm>>) dst(%arg15 : memref<125x32xf32, #tpu.memory_space<vmem>>)
      %add3A_431 = arith.constant 7 : i32
      %add3A_432 = arith.addi %mul3A_287, %add3A_431 : i32
      "tpu.region"() ({
        %run_scoped3A = tpu.sem_alloc : memref<!tpu.dma_semaphore, #tpu.memory_space<semaphore_mem>>
        %dma_start3A_519 = arith.constant 0 : i32
        %dma_start3A_520 = tpu.memref_slice %arg7[%add3A_432, %dma_start3A_519] : memref<80x125xi32, #tpu.memory_space<vmem>> -> memref<1x125xi32, #tpu.memory_space<vmem>>
        %dma_start3A_521 = tpu.memref_squeeze %dma_start3A_520 : memref<1x125xi32, #tpu.memory_space<vmem>> -> memref<125xi32, #tpu.memory_space<vmem>>
        %dma_start3A_522 = arith.constant 0 : i32
        %dma_start3A_523 = arith.constant 0 : i32
        %dma_start3A_524 = tpu.memref_slice %arg25[%dma_start3A_522, %dma_start3A_523] : memref<10000x32xf32, #tpu.memory_space<vmem_shared>> -> memref<10000x32xf32, #tpu.memory_space<vmem_shared>>
        tpu.enqueue_indirect_dma source(%arg15 : memref<125x32xf32, #tpu.memory_space<vmem>>) target(%dma_start3A_524 : memref<10000x32xf32, #tpu.memory_space<vmem_shared>>) offsets(%dma_start3A_521 : memref<125xi32, #tpu.memory_space<vmem>>) semaphore(%run_scoped3A : memref<!tpu.dma_semaphore, #tpu.memory_space<semaphore_mem>>) {add = true}
        %dma_wait3A_525 = arith.constant 0 : i32
        %dma_wait3A_526 = tpu.memref_slice %arg7[%add3A_432, %dma_wait3A_525] : memref<80x125xi32, #tpu.memory_space<vmem>> -> memref<1x125xi32, #tpu.memory_space<vmem>>
        %dma_wait3A_527 = tpu.memref_squeeze %dma_wait3A_526 : memref<1x125xi32, #tpu.memory_space<vmem>> -> memref<125xi32, #tpu.memory_space<vmem>>
        %dma_wait3A_528 = arith.constant 0 : i32
        %dma_wait3A_529 = arith.constant 0 : i32
        %dma_wait3A_530 = tpu.memref_slice %arg25[%dma_wait3A_528, %dma_wait3A_529] : memref<10000x32xf32, #tpu.memory_space<vmem_shared>> -> memref<10000x32xf32, #tpu.memory_space<vmem_shared>>
        tpu.wait_indirect_dma semaphore(%run_scoped3A : memref<!tpu.dma_semaphore, #tpu.memory_space<semaphore_mem>>) src(%arg15 : memref<125x32xf32, #tpu.memory_space<vmem>>) dst(%dma_wait3A_530 : memref<10000x32xf32, #tpu.memory_space<vmem_shared>>)
        tpu.yield
      }) : () -> ()
      %add3A_433 = arith.constant 8 : i32
      %add3A_434 = arith.addi %add3A_289, %add3A_433 : i32
      %lt3A = arith.constant 80 : i32
      %lt3A_435 = arith.cmpi slt, %add3A_434, %lt3A : i32
      %convert_element_type3A_436 = arith.extui %lt3A_435 : i1 to i32
      %cond3A_437 = arith.constant 0 : i32
      %cond3A_438 = arith.cmpi ne, %convert_element_type3A_436, %cond3A_437 : i32
      scf.if %cond3A_438 {
        %add3A_519 = arith.constant 8 : i32
        %add3A_520 = arith.addi %add3A_289, %add3A_519 : i32
        %add3A_521 = arith.constant 0 : i32
        %add3A_522 = arith.addi %add3A_520, %add3A_521 : i32
        %dma_start3A_523 = arith.constant 0 : i32
        %dma_start3A_524 = tpu.memref_slice %arg6[%add3A_522, %dma_start3A_523] : memref<80x125xi32, #tpu.memory_space<vmem>> -> memref<1x125xi32, #tpu.memory_space<vmem>>
        %dma_start3A_525 = tpu.memref_squeeze %dma_start3A_524 : memref<1x125xi32, #tpu.memory_space<vmem>> -> memref<125xi32, #tpu.memory_space<vmem>>
        %dma_start3A_526 = arith.constant 0 : i32
        %dma_start3A_527 = arith.constant 0 : i32
        %dma_start3A_528 = tpu.memref_slice %arg2[%dma_start3A_526, %dma_start3A_527] : memref<10000x32xf32, #tpu.memory_space<hbm>> -> memref<10000x32xf32, #tpu.memory_space<hbm>>
        tpu.enqueue_indirect_dma source(%dma_start3A_528 : memref<10000x32xf32, #tpu.memory_space<hbm>>) target(%arg8 : memref<125x32xf32, #tpu.memory_space<vmem>>) offsets(%dma_start3A_525 : memref<125xi32, #tpu.memory_space<vmem>>) semaphore(%arg26 : memref<!tpu.dma_semaphore, #tpu.memory_space<semaphore_mem>>)
        %add3A_529 = arith.constant 1 : i32
        %add3A_530 = arith.addi %add3A_520, %add3A_529 : i32
        %dma_start3A_531 = arith.constant 0 : i32
        %dma_start3A_532 = tpu.memref_slice %arg6[%add3A_530, %dma_start3A_531] : memref<80x125xi32, #tpu.memory_space<vmem>> -> memref<1x125xi32, #tpu.memory_space<vmem>>
        %dma_start3A_533 = tpu.memref_squeeze %dma_start3A_532 : memref<1x125xi32, #tpu.memory_space<vmem>> -> memref<125xi32, #tpu.memory_space<vmem>>
        %dma_start3A_534 = arith.constant 0 : i32
        %dma_start3A_535 = arith.constant 0 : i32
        %dma_start3A_536 = tpu.memref_slice %arg2[%dma_start3A_534, %dma_start3A_535] : memref<10000x32xf32, #tpu.memory_space<hbm>> -> memref<10000x32xf32, #tpu.memory_space<hbm>>
        tpu.enqueue_indirect_dma source(%dma_start3A_536 : memref<10000x32xf32, #tpu.memory_space<hbm>>) target(%arg9 : memref<125x32xf32, #tpu.memory_space<vmem>>) offsets(%dma_start3A_533 : memref<125xi32, #tpu.memory_space<vmem>>) semaphore(%arg26 : memref<!tpu.dma_semaphore, #tpu.memory_space<semaphore_mem>>)
        %add3A_537 = arith.constant 2 : i32
        %add3A_538 = arith.addi %add3A_520, %add3A_537 : i32
        %dma_start3A_539 = arith.constant 0 : i32
        %dma_start3A_540 = tpu.memref_slice %arg6[%add3A_538, %dma_start3A_539] : memref<80x125xi32, #tpu.memory_space<vmem>> -> memref<1x125xi32, #tpu.memory_space<vmem>>
        %dma_start3A_541 = tpu.memref_squeeze %dma_start3A_540 : memref<1x125xi32, #tpu.memory_space<vmem>> -> memref<125xi32, #tpu.memory_space<vmem>>
        %dma_start3A_542 = arith.constant 0 : i32
        %dma_start3A_543 = arith.constant 0 : i32
        %dma_start3A_544 = tpu.memref_slice %arg2[%dma_start3A_542, %dma_start3A_543] : memref<10000x32xf32, #tpu.memory_space<hbm>> -> memref<10000x32xf32, #tpu.memory_space<hbm>>
        tpu.enqueue_indirect_dma source(%dma_start3A_544 : memref<10000x32xf32, #tpu.memory_space<hbm>>) target(%arg10 : memref<125x32xf32, #tpu.memory_space<vmem>>) offsets(%dma_start3A_541 : memref<125xi32, #tpu.memory_space<vmem>>) semaphore(%arg26 : memref<!tpu.dma_semaphore, #tpu.memory_space<semaphore_mem>>)
        %add3A_545 = arith.constant 3 : i32
        %add3A_546 = arith.addi %add3A_520, %add3A_545 : i32
        %dma_start3A_547 = arith.constant 0 : i32
        %dma_start3A_548 = tpu.memref_slice %arg6[%add3A_546, %dma_start3A_547] : memref<80x125xi32, #tpu.memory_space<vmem>> -> memref<1x125xi32, #tpu.memory_space<vmem>>
        %dma_start3A_549 = tpu.memref_squeeze %dma_start3A_548 : memref<1x125xi32, #tpu.memory_space<vmem>> -> memref<125xi32, #tpu.memory_space<vmem>>
        %dma_start3A_550 = arith.constant 0 : i32
        %dma_start3A_551 = arith.constant 0 : i32
        %dma_start3A_552 = tpu.memref_slice %arg2[%dma_start3A_550, %dma_start3A_551] : memref<10000x32xf32, #tpu.memory_space<hbm>> -> memref<10000x32xf32, #tpu.memory_space<hbm>>
        tpu.enqueue_indirect_dma source(%dma_start3A_552 : memref<10000x32xf32, #tpu.memory_space<hbm>>) target(%arg11 : memref<125x32xf32, #tpu.memory_space<vmem>>) offsets(%dma_start3A_549 : memref<125xi32, #tpu.memory_space<vmem>>) semaphore(%arg26 : memref<!tpu.dma_semaphore, #tpu.memory_space<semaphore_mem>>)
        %add3A_553 = arith.constant 4 : i32
        %add3A_554 = arith.addi %add3A_520, %add3A_553 : i32
        %dma_start3A_555 = arith.constant 0 : i32
        %dma_start3A_556 = tpu.memref_slice %arg6[%add3A_554, %dma_start3A_555] : memref<80x125xi32, #tpu.memory_space<vmem>> -> memref<1x125xi32, #tpu.memory_space<vmem>>
        %dma_start3A_557 = tpu.memref_squeeze %dma_start3A_556 : memref<1x125xi32, #tpu.memory_space<vmem>> -> memref<125xi32, #tpu.memory_space<vmem>>
        %dma_start3A_558 = arith.constant 0 : i32
        %dma_start3A_559 = arith.constant 0 : i32
        %dma_start3A_560 = tpu.memref_slice %arg2[%dma_start3A_558, %dma_start3A_559] : memref<10000x32xf32, #tpu.memory_space<hbm>> -> memref<10000x32xf32, #tpu.memory_space<hbm>>
        tpu.enqueue_indirect_dma source(%dma_start3A_560 : memref<10000x32xf32, #tpu.memory_space<hbm>>) target(%arg12 : memref<125x32xf32, #tpu.memory_space<vmem>>) offsets(%dma_start3A_557 : memref<125xi32, #tpu.memory_space<vmem>>) semaphore(%arg26 : memref<!tpu.dma_semaphore, #tpu.memory_space<semaphore_mem>>)
        %add3A_561 = arith.constant 5 : i32
        %add3A_562 = arith.addi %add3A_520, %add3A_561 : i32
        %dma_start3A_563 = arith.constant 0 : i32
        %dma_start3A_564 = tpu.memref_slice %arg6[%add3A_562, %dma_start3A_563] : memref<80x125xi32, #tpu.memory_space<vmem>> -> memref<1x125xi32, #tpu.memory_space<vmem>>
        %dma_start3A_565 = tpu.memref_squeeze %dma_start3A_564 : memref<1x125xi32, #tpu.memory_space<vmem>> -> memref<125xi32, #tpu.memory_space<vmem>>
        %dma_start3A_566 = arith.constant 0 : i32
        %dma_start3A_567 = arith.constant 0 : i32
        %dma_start3A_568 = tpu.memref_slice %arg2[%dma_start3A_566, %dma_start3A_567] : memref<10000x32xf32, #tpu.memory_space<hbm>> -> memref<10000x32xf32, #tpu.memory_space<hbm>>
        tpu.enqueue_indirect_dma source(%dma_start3A_568 : memref<10000x32xf32, #tpu.memory_space<hbm>>) target(%arg13 : memref<125x32xf32, #tpu.memory_space<vmem>>) offsets(%dma_start3A_565 : memref<125xi32, #tpu.memory_space<vmem>>) semaphore(%arg26 : memref<!tpu.dma_semaphore, #tpu.memory_space<semaphore_mem>>)
        %add3A_569 = arith.constant 6 : i32
        %add3A_570 = arith.addi %add3A_520, %add3A_569 : i32
        %dma_start3A_571 = arith.constant 0 : i32
        %dma_start3A_572 = tpu.memref_slice %arg6[%add3A_570, %dma_start3A_571] : memref<80x125xi32, #tpu.memory_space<vmem>> -> memref<1x125xi32, #tpu.memory_space<vmem>>
        %dma_start3A_573 = tpu.memref_squeeze %dma_start3A_572 : memref<1x125xi32, #tpu.memory_space<vmem>> -> memref<125xi32, #tpu.memory_space<vmem>>
        %dma_start3A_574 = arith.constant 0 : i32
        %dma_start3A_575 = arith.constant 0 : i32
        %dma_start3A_576 = tpu.memref_slice %arg2[%dma_start3A_574, %dma_start3A_575] : memref<10000x32xf32, #tpu.memory_space<hbm>> -> memref<10000x32xf32, #tpu.memory_space<hbm>>
        tpu.enqueue_indirect_dma source(%dma_start3A_576 : memref<10000x32xf32, #tpu.memory_space<hbm>>) target(%arg14 : memref<125x32xf32, #tpu.memory_space<vmem>>) offsets(%dma_start3A_573 : memref<125xi32, #tpu.memory_space<vmem>>) semaphore(%arg26 : memref<!tpu.dma_semaphore, #tpu.memory_space<semaphore_mem>>)
        %add3A_577 = arith.constant 7 : i32
        %add3A_578 = arith.addi %add3A_520, %add3A_577 : i32
        %dma_start3A_579 = arith.constant 0 : i32
        %dma_start3A_580 = tpu.memref_slice %arg6[%add3A_578, %dma_start3A_579] : memref<80x125xi32, #tpu.memory_space<vmem>> -> memref<1x125xi32, #tpu.memory_space<vmem>>
        %dma_start3A_581 = tpu.memref_squeeze %dma_start3A_580 : memref<1x125xi32, #tpu.memory_space<vmem>> -> memref<125xi32, #tpu.memory_space<vmem>>
        %dma_start3A_582 = arith.constant 0 : i32
        %dma_start3A_583 = arith.constant 0 : i32
        %dma_start3A_584 = tpu.memref_slice %arg2[%dma_start3A_582, %dma_start3A_583] : memref<10000x32xf32, #tpu.memory_space<hbm>> -> memref<10000x32xf32, #tpu.memory_space<hbm>>
        tpu.enqueue_indirect_dma source(%dma_start3A_584 : memref<10000x32xf32, #tpu.memory_space<hbm>>) target(%arg15 : memref<125x32xf32, #tpu.memory_space<vmem>>) offsets(%dma_start3A_581 : memref<125xi32, #tpu.memory_space<vmem>>) semaphore(%arg26 : memref<!tpu.dma_semaphore, #tpu.memory_space<semaphore_mem>>)
      } else {
      }
      %add3A_439 = arith.constant 0 : i32
      %add3A_440 = arith.addi %add3A_289, %add3A_439 : i32
      %dma_wait3A_441 = arith.constant 0 : i32
      %dma_wait3A_442 = tpu.memref_slice %arg6[%add3A_440, %dma_wait3A_441] : memref<80x125xi32, #tpu.memory_space<vmem>> -> memref<1x125xi32, #tpu.memory_space<vmem>>
      %dma_wait3A_443 = tpu.memref_squeeze %dma_wait3A_442 : memref<1x125xi32, #tpu.memory_space<vmem>> -> memref<125xi32, #tpu.memory_space<vmem>>
      %dma_wait3A_444 = arith.constant 0 : i32
      %dma_wait3A_445 = arith.constant 0 : i32
      %dma_wait3A_446 = tpu.memref_slice %arg2[%dma_wait3A_444, %dma_wait3A_445] : memref<10000x32xf32, #tpu.memory_space<hbm>> -> memref<10000x32xf32, #tpu.memory_space<hbm>>
      tpu.wait_indirect_dma semaphore(%arg27 : memref<!tpu.dma_semaphore, #tpu.memory_space<semaphore_mem>>) src(%dma_wait3A_446 : memref<10000x32xf32, #tpu.memory_space<hbm>>) dst(%arg16 : memref<125x32xf32, #tpu.memory_space<vmem>>)
      %add3A_447 = arith.constant 0 : i32
      %add3A_448 = arith.addi %add3A_289, %add3A_447 : i32
      "tpu.region"() ({
        %run_scoped3A = tpu.sem_alloc : memref<!tpu.dma_semaphore, #tpu.memory_space<semaphore_mem>>
        %dma_start3A_519 = arith.constant 0 : i32
        %dma_start3A_520 = tpu.memref_slice %arg7[%add3A_448, %dma_start3A_519] : memref<80x125xi32, #tpu.memory_space<vmem>> -> memref<1x125xi32, #tpu.memory_space<vmem>>
        %dma_start3A_521 = tpu.memref_squeeze %dma_start3A_520 : memref<1x125xi32, #tpu.memory_space<vmem>> -> memref<125xi32, #tpu.memory_space<vmem>>
        %dma_start3A_522 = arith.constant 0 : i32
        %dma_start3A_523 = arith.constant 0 : i32
        %dma_start3A_524 = tpu.memref_slice %arg25[%dma_start3A_522, %dma_start3A_523] : memref<10000x32xf32, #tpu.memory_space<vmem_shared>> -> memref<10000x32xf32, #tpu.memory_space<vmem_shared>>
        tpu.enqueue_indirect_dma source(%arg16 : memref<125x32xf32, #tpu.memory_space<vmem>>) target(%dma_start3A_524 : memref<10000x32xf32, #tpu.memory_space<vmem_shared>>) offsets(%dma_start3A_521 : memref<125xi32, #tpu.memory_space<vmem>>) semaphore(%run_scoped3A : memref<!tpu.dma_semaphore, #tpu.memory_space<semaphore_mem>>) {add = true}
        %dma_wait3A_525 = arith.constant 0 : i32
        %dma_wait3A_526 = tpu.memref_slice %arg7[%add3A_448, %dma_wait3A_525] : memref<80x125xi32, #tpu.memory_space<vmem>> -> memref<1x125xi32, #tpu.memory_space<vmem>>
        %dma_wait3A_527 = tpu.memref_squeeze %dma_wait3A_526 : memref<1x125xi32, #tpu.memory_space<vmem>> -> memref<125xi32, #tpu.memory_space<vmem>>
        %dma_wait3A_528 = arith.constant 0 : i32
        %dma_wait3A_529 = arith.constant 0 : i32
        %dma_wait3A_530 = tpu.memref_slice %arg25[%dma_wait3A_528, %dma_wait3A_529] : memref<10000x32xf32, #tpu.memory_space<vmem_shared>> -> memref<10000x32xf32, #tpu.memory_space<vmem_shared>>
        tpu.wait_indirect_dma semaphore(%run_scoped3A : memref<!tpu.dma_semaphore, #tpu.memory_space<semaphore_mem>>) src(%arg16 : memref<125x32xf32, #tpu.memory_space<vmem>>) dst(%dma_wait3A_530 : memref<10000x32xf32, #tpu.memory_space<vmem_shared>>)
        tpu.yield
      }) : () -> ()
      %add3A_449 = arith.constant 1 : i32
      %add3A_450 = arith.addi %add3A_289, %add3A_449 : i32
      %dma_wait3A_451 = arith.constant 0 : i32
      %dma_wait3A_452 = tpu.memref_slice %arg6[%add3A_450, %dma_wait3A_451] : memref<80x125xi32, #tpu.memory_space<vmem>> -> memref<1x125xi32, #tpu.memory_space<vmem>>
      %dma_wait3A_453 = tpu.memref_squeeze %dma_wait3A_452 : memref<1x125xi32, #tpu.memory_space<vmem>> -> memref<125xi32, #tpu.memory_space<vmem>>
      %dma_wait3A_454 = arith.constant 0 : i32
      %dma_wait3A_455 = arith.constant 0 : i32
      %dma_wait3A_456 = tpu.memref_slice %arg2[%dma_wait3A_454, %dma_wait3A_455] : memref<10000x32xf32, #tpu.memory_space<hbm>> -> memref<10000x32xf32, #tpu.memory_space<hbm>>
      tpu.wait_indirect_dma semaphore(%arg27 : memref<!tpu.dma_semaphore, #tpu.memory_space<semaphore_mem>>) src(%dma_wait3A_456 : memref<10000x32xf32, #tpu.memory_space<hbm>>) dst(%arg17 : memref<125x32xf32, #tpu.memory_space<vmem>>)
      %add3A_457 = arith.constant 1 : i32
      %add3A_458 = arith.addi %add3A_289, %add3A_457 : i32
      "tpu.region"() ({
        %run_scoped3A = tpu.sem_alloc : memref<!tpu.dma_semaphore, #tpu.memory_space<semaphore_mem>>
        %dma_start3A_519 = arith.constant 0 : i32
        %dma_start3A_520 = tpu.memref_slice %arg7[%add3A_458, %dma_start3A_519] : memref<80x125xi32, #tpu.memory_space<vmem>> -> memref<1x125xi32, #tpu.memory_space<vmem>>
        %dma_start3A_521 = tpu.memref_squeeze %dma_start3A_520 : memref<1x125xi32, #tpu.memory_space<vmem>> -> memref<125xi32, #tpu.memory_space<vmem>>
        %dma_start3A_522 = arith.constant 0 : i32
        %dma_start3A_523 = arith.constant 0 : i32
        %dma_start3A_524 = tpu.memref_slice %arg25[%dma_start3A_522, %dma_start3A_523] : memref<10000x32xf32, #tpu.memory_space<vmem_shared>> -> memref<10000x32xf32, #tpu.memory_space<vmem_shared>>
        tpu.enqueue_indirect_dma source(%arg17 : memref<125x32xf32, #tpu.memory_space<vmem>>) target(%dma_start3A_524 : memref<10000x32xf32, #tpu.memory_space<vmem_shared>>) offsets(%dma_start3A_521 : memref<125xi32, #tpu.memory_space<vmem>>) semaphore(%run_scoped3A : memref<!tpu.dma_semaphore, #tpu.memory_space<semaphore_mem>>) {add = true}
        %dma_wait3A_525 = arith.constant 0 : i32
        %dma_wait3A_526 = tpu.memref_slice %arg7[%add3A_458, %dma_wait3A_525] : memref<80x125xi32, #tpu.memory_space<vmem>> -> memref<1x125xi32, #tpu.memory_space<vmem>>
        %dma_wait3A_527 = tpu.memref_squeeze %dma_wait3A_526 : memref<1x125xi32, #tpu.memory_space<vmem>> -> memref<125xi32, #tpu.memory_space<vmem>>
        %dma_wait3A_528 = arith.constant 0 : i32
        %dma_wait3A_529 = arith.constant 0 : i32
        %dma_wait3A_530 = tpu.memref_slice %arg25[%dma_wait3A_528, %dma_wait3A_529] : memref<10000x32xf32, #tpu.memory_space<vmem_shared>> -> memref<10000x32xf32, #tpu.memory_space<vmem_shared>>
        tpu.wait_indirect_dma semaphore(%run_scoped3A : memref<!tpu.dma_semaphore, #tpu.memory_space<semaphore_mem>>) src(%arg17 : memref<125x32xf32, #tpu.memory_space<vmem>>) dst(%dma_wait3A_530 : memref<10000x32xf32, #tpu.memory_space<vmem_shared>>)
        tpu.yield
      }) : () -> ()
      %add3A_459 = arith.constant 2 : i32
      %add3A_460 = arith.addi %add3A_289, %add3A_459 : i32
      %dma_wait3A_461 = arith.constant 0 : i32
      %dma_wait3A_462 = tpu.memref_slice %arg6[%add3A_460, %dma_wait3A_461] : memref<80x125xi32, #tpu.memory_space<vmem>> -> memref<1x125xi32, #tpu.memory_space<vmem>>
      %dma_wait3A_463 = tpu.memref_squeeze %dma_wait3A_462 : memref<1x125xi32, #tpu.memory_space<vmem>> -> memref<125xi32, #tpu.memory_space<vmem>>
      %dma_wait3A_464 = arith.constant 0 : i32
      %dma_wait3A_465 = arith.constant 0 : i32
      %dma_wait3A_466 = tpu.memref_slice %arg2[%dma_wait3A_464, %dma_wait3A_465] : memref<10000x32xf32, #tpu.memory_space<hbm>> -> memref<10000x32xf32, #tpu.memory_space<hbm>>
      tpu.wait_indirect_dma semaphore(%arg27 : memref<!tpu.dma_semaphore, #tpu.memory_space<semaphore_mem>>) src(%dma_wait3A_466 : memref<10000x32xf32, #tpu.memory_space<hbm>>) dst(%arg18 : memref<125x32xf32, #tpu.memory_space<vmem>>)
      %add3A_467 = arith.constant 2 : i32
      %add3A_468 = arith.addi %add3A_289, %add3A_467 : i32
      "tpu.region"() ({
        %run_scoped3A = tpu.sem_alloc : memref<!tpu.dma_semaphore, #tpu.memory_space<semaphore_mem>>
        %dma_start3A_519 = arith.constant 0 : i32
        %dma_start3A_520 = tpu.memref_slice %arg7[%add3A_468, %dma_start3A_519] : memref<80x125xi32, #tpu.memory_space<vmem>> -> memref<1x125xi32, #tpu.memory_space<vmem>>
        %dma_start3A_521 = tpu.memref_squeeze %dma_start3A_520 : memref<1x125xi32, #tpu.memory_space<vmem>> -> memref<125xi32, #tpu.memory_space<vmem>>
        %dma_start3A_522 = arith.constant 0 : i32
        %dma_start3A_523 = arith.constant 0 : i32
        %dma_start3A_524 = tpu.memref_slice %arg25[%dma_start3A_522, %dma_start3A_523] : memref<10000x32xf32, #tpu.memory_space<vmem_shared>> -> memref<10000x32xf32, #tpu.memory_space<vmem_shared>>
        tpu.enqueue_indirect_dma source(%arg18 : memref<125x32xf32, #tpu.memory_space<vmem>>) target(%dma_start3A_524 : memref<10000x32xf32, #tpu.memory_space<vmem_shared>>) offsets(%dma_start3A_521 : memref<125xi32, #tpu.memory_space<vmem>>) semaphore(%run_scoped3A : memref<!tpu.dma_semaphore, #tpu.memory_space<semaphore_mem>>) {add = true}
        %dma_wait3A_525 = arith.constant 0 : i32
        %dma_wait3A_526 = tpu.memref_slice %arg7[%add3A_468, %dma_wait3A_525] : memref<80x125xi32, #tpu.memory_space<vmem>> -> memref<1x125xi32, #tpu.memory_space<vmem>>
        %dma_wait3A_527 = tpu.memref_squeeze %dma_wait3A_526 : memref<1x125xi32, #tpu.memory_space<vmem>> -> memref<125xi32, #tpu.memory_space<vmem>>
        %dma_wait3A_528 = arith.constant 0 : i32
        %dma_wait3A_529 = arith.constant 0 : i32
        %dma_wait3A_530 = tpu.memref_slice %arg25[%dma_wait3A_528, %dma_wait3A_529] : memref<10000x32xf32, #tpu.memory_space<vmem_shared>> -> memref<10000x32xf32, #tpu.memory_space<vmem_shared>>
        tpu.wait_indirect_dma semaphore(%run_scoped3A : memref<!tpu.dma_semaphore, #tpu.memory_space<semaphore_mem>>) src(%arg18 : memref<125x32xf32, #tpu.memory_space<vmem>>) dst(%dma_wait3A_530 : memref<10000x32xf32, #tpu.memory_space<vmem_shared>>)
        tpu.yield
      }) : () -> ()
      %add3A_469 = arith.constant 3 : i32
      %add3A_470 = arith.addi %add3A_289, %add3A_469 : i32
      %dma_wait3A_471 = arith.constant 0 : i32
      %dma_wait3A_472 = tpu.memref_slice %arg6[%add3A_470, %dma_wait3A_471] : memref<80x125xi32, #tpu.memory_space<vmem>> -> memref<1x125xi32, #tpu.memory_space<vmem>>
      %dma_wait3A_473 = tpu.memref_squeeze %dma_wait3A_472 : memref<1x125xi32, #tpu.memory_space<vmem>> -> memref<125xi32, #tpu.memory_space<vmem>>
      %dma_wait3A_474 = arith.constant 0 : i32
      %dma_wait3A_475 = arith.constant 0 : i32
      %dma_wait3A_476 = tpu.memref_slice %arg2[%dma_wait3A_474, %dma_wait3A_475] : memref<10000x32xf32, #tpu.memory_space<hbm>> -> memref<10000x32xf32, #tpu.memory_space<hbm>>
      tpu.wait_indirect_dma semaphore(%arg27 : memref<!tpu.dma_semaphore, #tpu.memory_space<semaphore_mem>>) src(%dma_wait3A_476 : memref<10000x32xf32, #tpu.memory_space<hbm>>) dst(%arg19 : memref<125x32xf32, #tpu.memory_space<vmem>>)
      %add3A_477 = arith.constant 3 : i32
      %add3A_478 = arith.addi %add3A_289, %add3A_477 : i32
      "tpu.region"() ({
        %run_scoped3A = tpu.sem_alloc : memref<!tpu.dma_semaphore, #tpu.memory_space<semaphore_mem>>
        %dma_start3A_519 = arith.constant 0 : i32
        %dma_start3A_520 = tpu.memref_slice %arg7[%add3A_478, %dma_start3A_519] : memref<80x125xi32, #tpu.memory_space<vmem>> -> memref<1x125xi32, #tpu.memory_space<vmem>>
        %dma_start3A_521 = tpu.memref_squeeze %dma_start3A_520 : memref<1x125xi32, #tpu.memory_space<vmem>> -> memref<125xi32, #tpu.memory_space<vmem>>
        %dma_start3A_522 = arith.constant 0 : i32
        %dma_start3A_523 = arith.constant 0 : i32
        %dma_start3A_524 = tpu.memref_slice %arg25[%dma_start3A_522, %dma_start3A_523] : memref<10000x32xf32, #tpu.memory_space<vmem_shared>> -> memref<10000x32xf32, #tpu.memory_space<vmem_shared>>
        tpu.enqueue_indirect_dma source(%arg19 : memref<125x32xf32, #tpu.memory_space<vmem>>) target(%dma_start3A_524 : memref<10000x32xf32, #tpu.memory_space<vmem_shared>>) offsets(%dma_start3A_521 : memref<125xi32, #tpu.memory_space<vmem>>) semaphore(%run_scoped3A : memref<!tpu.dma_semaphore, #tpu.memory_space<semaphore_mem>>) {add = true}
        %dma_wait3A_525 = arith.constant 0 : i32
        %dma_wait3A_526 = tpu.memref_slice %arg7[%add3A_478, %dma_wait3A_525] : memref<80x125xi32, #tpu.memory_space<vmem>> -> memref<1x125xi32, #tpu.memory_space<vmem>>
        %dma_wait3A_527 = tpu.memref_squeeze %dma_wait3A_526 : memref<1x125xi32, #tpu.memory_space<vmem>> -> memref<125xi32, #tpu.memory_space<vmem>>
        %dma_wait3A_528 = arith.constant 0 : i32
        %dma_wait3A_529 = arith.constant 0 : i32
        %dma_wait3A_530 = tpu.memref_slice %arg25[%dma_wait3A_528, %dma_wait3A_529] : memref<10000x32xf32, #tpu.memory_space<vmem_shared>> -> memref<10000x32xf32, #tpu.memory_space<vmem_shared>>
        tpu.wait_indirect_dma semaphore(%run_scoped3A : memref<!tpu.dma_semaphore, #tpu.memory_space<semaphore_mem>>) src(%arg19 : memref<125x32xf32, #tpu.memory_space<vmem>>) dst(%dma_wait3A_530 : memref<10000x32xf32, #tpu.memory_space<vmem_shared>>)
        tpu.yield
      }) : () -> ()
      %add3A_479 = arith.constant 4 : i32
      %add3A_480 = arith.addi %add3A_289, %add3A_479 : i32
      %dma_wait3A_481 = arith.constant 0 : i32
      %dma_wait3A_482 = tpu.memref_slice %arg6[%add3A_480, %dma_wait3A_481] : memref<80x125xi32, #tpu.memory_space<vmem>> -> memref<1x125xi32, #tpu.memory_space<vmem>>
      %dma_wait3A_483 = tpu.memref_squeeze %dma_wait3A_482 : memref<1x125xi32, #tpu.memory_space<vmem>> -> memref<125xi32, #tpu.memory_space<vmem>>
      %dma_wait3A_484 = arith.constant 0 : i32
      %dma_wait3A_485 = arith.constant 0 : i32
      %dma_wait3A_486 = tpu.memref_slice %arg2[%dma_wait3A_484, %dma_wait3A_485] : memref<10000x32xf32, #tpu.memory_space<hbm>> -> memref<10000x32xf32, #tpu.memory_space<hbm>>
      tpu.wait_indirect_dma semaphore(%arg27 : memref<!tpu.dma_semaphore, #tpu.memory_space<semaphore_mem>>) src(%dma_wait3A_486 : memref<10000x32xf32, #tpu.memory_space<hbm>>) dst(%arg20 : memref<125x32xf32, #tpu.memory_space<vmem>>)
      %add3A_487 = arith.constant 4 : i32
      %add3A_488 = arith.addi %add3A_289, %add3A_487 : i32
      "tpu.region"() ({
        %run_scoped3A = tpu.sem_alloc : memref<!tpu.dma_semaphore, #tpu.memory_space<semaphore_mem>>
        %dma_start3A_519 = arith.constant 0 : i32
        %dma_start3A_520 = tpu.memref_slice %arg7[%add3A_488, %dma_start3A_519] : memref<80x125xi32, #tpu.memory_space<vmem>> -> memref<1x125xi32, #tpu.memory_space<vmem>>
        %dma_start3A_521 = tpu.memref_squeeze %dma_start3A_520 : memref<1x125xi32, #tpu.memory_space<vmem>> -> memref<125xi32, #tpu.memory_space<vmem>>
        %dma_start3A_522 = arith.constant 0 : i32
        %dma_start3A_523 = arith.constant 0 : i32
        %dma_start3A_524 = tpu.memref_slice %arg25[%dma_start3A_522, %dma_start3A_523] : memref<10000x32xf32, #tpu.memory_space<vmem_shared>> -> memref<10000x32xf32, #tpu.memory_space<vmem_shared>>
        tpu.enqueue_indirect_dma source(%arg20 : memref<125x32xf32, #tpu.memory_space<vmem>>) target(%dma_start3A_524 : memref<10000x32xf32, #tpu.memory_space<vmem_shared>>) offsets(%dma_start3A_521 : memref<125xi32, #tpu.memory_space<vmem>>) semaphore(%run_scoped3A : memref<!tpu.dma_semaphore, #tpu.memory_space<semaphore_mem>>) {add = true}
        %dma_wait3A_525 = arith.constant 0 : i32
        %dma_wait3A_526 = tpu.memref_slice %arg7[%add3A_488, %dma_wait3A_525] : memref<80x125xi32, #tpu.memory_space<vmem>> -> memref<1x125xi32, #tpu.memory_space<vmem>>
        %dma_wait3A_527 = tpu.memref_squeeze %dma_wait3A_526 : memref<1x125xi32, #tpu.memory_space<vmem>> -> memref<125xi32, #tpu.memory_space<vmem>>
        %dma_wait3A_528 = arith.constant 0 : i32
        %dma_wait3A_529 = arith.constant 0 : i32
        %dma_wait3A_530 = tpu.memref_slice %arg25[%dma_wait3A_528, %dma_wait3A_529] : memref<10000x32xf32, #tpu.memory_space<vmem_shared>> -> memref<10000x32xf32, #tpu.memory_space<vmem_shared>>
        tpu.wait_indirect_dma semaphore(%run_scoped3A : memref<!tpu.dma_semaphore, #tpu.memory_space<semaphore_mem>>) src(%arg20 : memref<125x32xf32, #tpu.memory_space<vmem>>) dst(%dma_wait3A_530 : memref<10000x32xf32, #tpu.memory_space<vmem_shared>>)
        tpu.yield
      }) : () -> ()
      %add3A_489 = arith.constant 5 : i32
      %add3A_490 = arith.addi %add3A_289, %add3A_489 : i32
      %dma_wait3A_491 = arith.constant 0 : i32
      %dma_wait3A_492 = tpu.memref_slice %arg6[%add3A_490, %dma_wait3A_491] : memref<80x125xi32, #tpu.memory_space<vmem>> -> memref<1x125xi32, #tpu.memory_space<vmem>>
      %dma_wait3A_493 = tpu.memref_squeeze %dma_wait3A_492 : memref<1x125xi32, #tpu.memory_space<vmem>> -> memref<125xi32, #tpu.memory_space<vmem>>
      %dma_wait3A_494 = arith.constant 0 : i32
      %dma_wait3A_495 = arith.constant 0 : i32
      %dma_wait3A_496 = tpu.memref_slice %arg2[%dma_wait3A_494, %dma_wait3A_495] : memref<10000x32xf32, #tpu.memory_space<hbm>> -> memref<10000x32xf32, #tpu.memory_space<hbm>>
      tpu.wait_indirect_dma semaphore(%arg27 : memref<!tpu.dma_semaphore, #tpu.memory_space<semaphore_mem>>) src(%dma_wait3A_496 : memref<10000x32xf32, #tpu.memory_space<hbm>>) dst(%arg21 : memref<125x32xf32, #tpu.memory_space<vmem>>)
      %add3A_497 = arith.constant 5 : i32
      %add3A_498 = arith.addi %add3A_289, %add3A_497 : i32
      "tpu.region"() ({
        %run_scoped3A = tpu.sem_alloc : memref<!tpu.dma_semaphore, #tpu.memory_space<semaphore_mem>>
        %dma_start3A_519 = arith.constant 0 : i32
        %dma_start3A_520 = tpu.memref_slice %arg7[%add3A_498, %dma_start3A_519] : memref<80x125xi32, #tpu.memory_space<vmem>> -> memref<1x125xi32, #tpu.memory_space<vmem>>
        %dma_start3A_521 = tpu.memref_squeeze %dma_start3A_520 : memref<1x125xi32, #tpu.memory_space<vmem>> -> memref<125xi32, #tpu.memory_space<vmem>>
        %dma_start3A_522 = arith.constant 0 : i32
        %dma_start3A_523 = arith.constant 0 : i32
        %dma_start3A_524 = tpu.memref_slice %arg25[%dma_start3A_522, %dma_start3A_523] : memref<10000x32xf32, #tpu.memory_space<vmem_shared>> -> memref<10000x32xf32, #tpu.memory_space<vmem_shared>>
        tpu.enqueue_indirect_dma source(%arg21 : memref<125x32xf32, #tpu.memory_space<vmem>>) target(%dma_start3A_524 : memref<10000x32xf32, #tpu.memory_space<vmem_shared>>) offsets(%dma_start3A_521 : memref<125xi32, #tpu.memory_space<vmem>>) semaphore(%run_scoped3A : memref<!tpu.dma_semaphore, #tpu.memory_space<semaphore_mem>>) {add = true}
        %dma_wait3A_525 = arith.constant 0 : i32
        %dma_wait3A_526 = tpu.memref_slice %arg7[%add3A_498, %dma_wait3A_525] : memref<80x125xi32, #tpu.memory_space<vmem>> -> memref<1x125xi32, #tpu.memory_space<vmem>>
        %dma_wait3A_527 = tpu.memref_squeeze %dma_wait3A_526 : memref<1x125xi32, #tpu.memory_space<vmem>> -> memref<125xi32, #tpu.memory_space<vmem>>
        %dma_wait3A_528 = arith.constant 0 : i32
        %dma_wait3A_529 = arith.constant 0 : i32
        %dma_wait3A_530 = tpu.memref_slice %arg25[%dma_wait3A_528, %dma_wait3A_529] : memref<10000x32xf32, #tpu.memory_space<vmem_shared>> -> memref<10000x32xf32, #tpu.memory_space<vmem_shared>>
        tpu.wait_indirect_dma semaphore(%run_scoped3A : memref<!tpu.dma_semaphore, #tpu.memory_space<semaphore_mem>>) src(%arg21 : memref<125x32xf32, #tpu.memory_space<vmem>>) dst(%dma_wait3A_530 : memref<10000x32xf32, #tpu.memory_space<vmem_shared>>)
        tpu.yield
      }) : () -> ()
      %add3A_499 = arith.constant 6 : i32
      %add3A_500 = arith.addi %add3A_289, %add3A_499 : i32
      %dma_wait3A_501 = arith.constant 0 : i32
      %dma_wait3A_502 = tpu.memref_slice %arg6[%add3A_500, %dma_wait3A_501] : memref<80x125xi32, #tpu.memory_space<vmem>> -> memref<1x125xi32, #tpu.memory_space<vmem>>
      %dma_wait3A_503 = tpu.memref_squeeze %dma_wait3A_502 : memref<1x125xi32, #tpu.memory_space<vmem>> -> memref<125xi32, #tpu.memory_space<vmem>>
      %dma_wait3A_504 = arith.constant 0 : i32
      %dma_wait3A_505 = arith.constant 0 : i32
      %dma_wait3A_506 = tpu.memref_slice %arg2[%dma_wait3A_504, %dma_wait3A_505] : memref<10000x32xf32, #tpu.memory_space<hbm>> -> memref<10000x32xf32, #tpu.memory_space<hbm>>
      tpu.wait_indirect_dma semaphore(%arg27 : memref<!tpu.dma_semaphore, #tpu.memory_space<semaphore_mem>>) src(%dma_wait3A_506 : memref<10000x32xf32, #tpu.memory_space<hbm>>) dst(%arg22 : memref<125x32xf32, #tpu.memory_space<vmem>>)
      %add3A_507 = arith.constant 6 : i32
      %add3A_508 = arith.addi %add3A_289, %add3A_507 : i32
      "tpu.region"() ({
        %run_scoped3A = tpu.sem_alloc : memref<!tpu.dma_semaphore, #tpu.memory_space<semaphore_mem>>
        %dma_start3A_519 = arith.constant 0 : i32
        %dma_start3A_520 = tpu.memref_slice %arg7[%add3A_508, %dma_start3A_519] : memref<80x125xi32, #tpu.memory_space<vmem>> -> memref<1x125xi32, #tpu.memory_space<vmem>>
        %dma_start3A_521 = tpu.memref_squeeze %dma_start3A_520 : memref<1x125xi32, #tpu.memory_space<vmem>> -> memref<125xi32, #tpu.memory_space<vmem>>
        %dma_start3A_522 = arith.constant 0 : i32
        %dma_start3A_523 = arith.constant 0 : i32
        %dma_start3A_524 = tpu.memref_slice %arg25[%dma_start3A_522, %dma_start3A_523] : memref<10000x32xf32, #tpu.memory_space<vmem_shared>> -> memref<10000x32xf32, #tpu.memory_space<vmem_shared>>
        tpu.enqueue_indirect_dma source(%arg22 : memref<125x32xf32, #tpu.memory_space<vmem>>) target(%dma_start3A_524 : memref<10000x32xf32, #tpu.memory_space<vmem_shared>>) offsets(%dma_start3A_521 : memref<125xi32, #tpu.memory_space<vmem>>) semaphore(%run_scoped3A : memref<!tpu.dma_semaphore, #tpu.memory_space<semaphore_mem>>) {add = true}
        %dma_wait3A_525 = arith.constant 0 : i32
        %dma_wait3A_526 = tpu.memref_slice %arg7[%add3A_508, %dma_wait3A_525] : memref<80x125xi32, #tpu.memory_space<vmem>> -> memref<1x125xi32, #tpu.memory_space<vmem>>
        %dma_wait3A_527 = tpu.memref_squeeze %dma_wait3A_526 : memref<1x125xi32, #tpu.memory_space<vmem>> -> memref<125xi32, #tpu.memory_space<vmem>>
        %dma_wait3A_528 = arith.constant 0 : i32
        %dma_wait3A_529 = arith.constant 0 : i32
        %dma_wait3A_530 = tpu.memref_slice %arg25[%dma_wait3A_528, %dma_wait3A_529] : memref<10000x32xf32, #tpu.memory_space<vmem_shared>> -> memref<10000x32xf32, #tpu.memory_space<vmem_shared>>
        tpu.wait_indirect_dma semaphore(%run_scoped3A : memref<!tpu.dma_semaphore, #tpu.memory_space<semaphore_mem>>) src(%arg22 : memref<125x32xf32, #tpu.memory_space<vmem>>) dst(%dma_wait3A_530 : memref<10000x32xf32, #tpu.memory_space<vmem_shared>>)
        tpu.yield
      }) : () -> ()
      %add3A_509 = arith.constant 7 : i32
      %add3A_510 = arith.addi %add3A_289, %add3A_509 : i32
      %dma_wait3A_511 = arith.constant 0 : i32
      %dma_wait3A_512 = tpu.memref_slice %arg6[%add3A_510, %dma_wait3A_511] : memref<80x125xi32, #tpu.memory_space<vmem>> -> memref<1x125xi32, #tpu.memory_space<vmem>>
      %dma_wait3A_513 = tpu.memref_squeeze %dma_wait3A_512 : memref<1x125xi32, #tpu.memory_space<vmem>> -> memref<125xi32, #tpu.memory_space<vmem>>
      %dma_wait3A_514 = arith.constant 0 : i32
      %dma_wait3A_515 = arith.constant 0 : i32
      %dma_wait3A_516 = tpu.memref_slice %arg2[%dma_wait3A_514, %dma_wait3A_515] : memref<10000x32xf32, #tpu.memory_space<hbm>> -> memref<10000x32xf32, #tpu.memory_space<hbm>>
      tpu.wait_indirect_dma semaphore(%arg27 : memref<!tpu.dma_semaphore, #tpu.memory_space<semaphore_mem>>) src(%dma_wait3A_516 : memref<10000x32xf32, #tpu.memory_space<hbm>>) dst(%arg23 : memref<125x32xf32, #tpu.memory_space<vmem>>)
      %add3A_517 = arith.constant 7 : i32
      %add3A_518 = arith.addi %add3A_289, %add3A_517 : i32
      "tpu.region"() ({
        %run_scoped3A = tpu.sem_alloc : memref<!tpu.dma_semaphore, #tpu.memory_space<semaphore_mem>>
        %dma_start3A_519 = arith.constant 0 : i32
        %dma_start3A_520 = tpu.memref_slice %arg7[%add3A_518, %dma_start3A_519] : memref<80x125xi32, #tpu.memory_space<vmem>> -> memref<1x125xi32, #tpu.memory_space<vmem>>
        %dma_start3A_521 = tpu.memref_squeeze %dma_start3A_520 : memref<1x125xi32, #tpu.memory_space<vmem>> -> memref<125xi32, #tpu.memory_space<vmem>>
        %dma_start3A_522 = arith.constant 0 : i32
        %dma_start3A_523 = arith.constant 0 : i32
        %dma_start3A_524 = tpu.memref_slice %arg25[%dma_start3A_522, %dma_start3A_523] : memref<10000x32xf32, #tpu.memory_space<vmem_shared>> -> memref<10000x32xf32, #tpu.memory_space<vmem_shared>>
        tpu.enqueue_indirect_dma source(%arg23 : memref<125x32xf32, #tpu.memory_space<vmem>>) target(%dma_start3A_524 : memref<10000x32xf32, #tpu.memory_space<vmem_shared>>) offsets(%dma_start3A_521 : memref<125xi32, #tpu.memory_space<vmem>>) semaphore(%run_scoped3A : memref<!tpu.dma_semaphore, #tpu.memory_space<semaphore_mem>>) {add = true}
        %dma_wait3A_525 = arith.constant 0 : i32
        %dma_wait3A_526 = tpu.memref_slice %arg7[%add3A_518, %dma_wait3A_525] : memref<80x125xi32, #tpu.memory_space<vmem>> -> memref<1x125xi32, #tpu.memory_space<vmem>>
        %dma_wait3A_527 = tpu.memref_squeeze %dma_wait3A_526 : memref<1x125xi32, #tpu.memory_space<vmem>> -> memref<125xi32, #tpu.memory_space<vmem>>
        %dma_wait3A_528 = arith.constant 0 : i32
        %dma_wait3A_529 = arith.constant 0 : i32
        %dma_wait3A_530 = tpu.memref_slice %arg25[%dma_wait3A_528, %dma_wait3A_529] : memref<10000x32xf32, #tpu.memory_space<vmem_shared>> -> memref<10000x32xf32, #tpu.memory_space<vmem_shared>>
        tpu.wait_indirect_dma semaphore(%run_scoped3A : memref<!tpu.dma_semaphore, #tpu.memory_space<semaphore_mem>>) src(%arg23 : memref<125x32xf32, #tpu.memory_space<vmem>>) dst(%dma_wait3A_530 : memref<10000x32xf32, #tpu.memory_space<vmem_shared>>)
        tpu.yield
      }) : () -> ()
    }
    %scan3A_274 = arith.constant 5 : i32
    %barrier3A_275 = arith.constant 0 : index
    tpu.barrier barrier_id(%barrier3A_275)
    %mul3A_276 = arith.constant 624 : i32
    %mul3A_277 = arith.muli %arg1, %mul3A_276 : i32
    %mul3A_278 = arith.constant 624 : i32
    %mul3A_279 = arith.muli %arg1, %mul3A_278 : i32
    "tpu.region"() ({
      %run_scoped3A = tpu.sem_alloc : memref<!tpu.dma_semaphore, #tpu.memory_space<semaphore_mem>>
      %dma_start3A_285 = arith.constant 0 : i32
      %dma_start3A_286 = tpu.memref_slice %arg5[%arg0, %mul3A_279, %dma_start3A_285] : memref<2x10000x32xf32, #tpu.memory_space<hbm>> -> memref<1x624x32xf32, #tpu.memory_space<hbm>>
      %dma_start3A_287 = tpu.memref_squeeze %dma_start3A_286 : memref<1x624x32xf32, #tpu.memory_space<hbm>> -> memref<624x32xf32, #tpu.memory_space<hbm>>
      %dma_start3A_288 = arith.constant 0 : i32
      %dma_start3A_289 = tpu.memref_slice %arg25[%mul3A_277, %dma_start3A_288] : memref<10000x32xf32, #tpu.memory_space<vmem_shared>> -> memref<624x32xf32, #tpu.memory_space<vmem_shared>>
      tpu.enqueue_dma source(%dma_start3A_289 : memref<624x32xf32, #tpu.memory_space<vmem_shared>>) target(%dma_start3A_287 : memref<624x32xf32, #tpu.memory_space<hbm>>) target_semaphore(%run_scoped3A : memref<!tpu.dma_semaphore, #tpu.memory_space<semaphore_mem>>)
      %dma_wait3A = arith.constant 0 : i32
      %dma_wait3A_290 = tpu.memref_slice %arg5[%arg0, %mul3A_279, %dma_wait3A] : memref<2x10000x32xf32, #tpu.memory_space<hbm>> -> memref<1x624x32xf32, #tpu.memory_space<hbm>>
      %dma_wait3A_291 = tpu.memref_squeeze %dma_wait3A_290 : memref<1x624x32xf32, #tpu.memory_space<hbm>> -> memref<624x32xf32, #tpu.memory_space<hbm>>
      %dma_wait3A_292 = arith.constant 0 : i32
      %dma_wait3A_293 = tpu.memref_slice %arg25[%mul3A_277, %dma_wait3A_292] : memref<10000x32xf32, #tpu.memory_space<vmem_shared>> -> memref<624x32xf32, #tpu.memory_space<vmem_shared>>
      tpu.wait_dma2 semaphore(%run_scoped3A : memref<!tpu.dma_semaphore, #tpu.memory_space<semaphore_mem>>) src(%dma_wait3A_293 : memref<624x32xf32, #tpu.memory_space<vmem_shared>>) dst(%dma_wait3A_291 : memref<624x32xf32, #tpu.memory_space<hbm>>)
      tpu.yield
    }) : () -> ()
    %eq3A_280 = arith.constant 15 : i32
    %eq3A_281 = arith.cmpi eq, %arg1, %eq3A_280 : i32
    %convert_element_type3A_282 = arith.extui %eq3A_281 : i1 to i32
    %cond3A_283 = arith.constant 0 : i32
    %cond3A_284 = arith.cmpi ne, %convert_element_type3A_282, %cond3A_283 : i32
    scf.if %cond3A_284 {
      "tpu.region"() ({
        %run_scoped3A = tpu.sem_alloc : memref<!tpu.dma_semaphore, #tpu.memory_space<semaphore_mem>>
        %dma_start3A_285 = arith.constant 9984 : i32
        %dma_start3A_286 = arith.constant 0 : i32
        %dma_start3A_287 = tpu.memref_slice %arg5[%arg0, %dma_start3A_285, %dma_start3A_286] : memref<2x10000x32xf32, #tpu.memory_space<hbm>> -> memref<1x16x32xf32, #tpu.memory_space<hbm>>
        %dma_start3A_288 = tpu.memref_squeeze %dma_start3A_287 : memref<1x16x32xf32, #tpu.memory_space<hbm>> -> memref<16x32xf32, #tpu.memory_space<hbm>>
        %dma_start3A_289 = arith.constant 9984 : i32
        %dma_start3A_290 = arith.constant 0 : i32
        %dma_start3A_291 = tpu.memref_slice %arg25[%dma_start3A_289, %dma_start3A_290] : memref<10000x32xf32, #tpu.memory_space<vmem_shared>> -> memref<16x32xf32, #tpu.memory_space<vmem_shared>>
        tpu.enqueue_dma source(%dma_start3A_291 : memref<16x32xf32, #tpu.memory_space<vmem_shared>>) target(%dma_start3A_288 : memref<16x32xf32, #tpu.memory_space<hbm>>) target_semaphore(%run_scoped3A : memref<!tpu.dma_semaphore, #tpu.memory_space<semaphore_mem>>)
        %dma_wait3A = arith.constant 9984 : i32
        %dma_wait3A_292 = arith.constant 0 : i32
        %dma_wait3A_293 = tpu.memref_slice %arg5[%arg0, %dma_wait3A, %dma_wait3A_292] : memref<2x10000x32xf32, #tpu.memory_space<hbm>> -> memref<1x16x32xf32, #tpu.memory_space<hbm>>
        %dma_wait3A_294 = tpu.memref_squeeze %dma_wait3A_293 : memref<1x16x32xf32, #tpu.memory_space<hbm>> -> memref<16x32xf32, #tpu.memory_space<hbm>>
        %dma_wait3A_295 = arith.constant 9984 : i32
        %dma_wait3A_296 = arith.constant 0 : i32
        %dma_wait3A_297 = tpu.memref_slice %arg25[%dma_wait3A_295, %dma_wait3A_296] : memref<10000x32xf32, #tpu.memory_space<vmem_shared>> -> memref<16x32xf32, #tpu.memory_space<vmem_shared>>
        tpu.wait_dma2 semaphore(%run_scoped3A : memref<!tpu.dma_semaphore, #tpu.memory_space<semaphore_mem>>) src(%dma_wait3A_297 : memref<16x32xf32, #tpu.memory_space<vmem_shared>>) dst(%dma_wait3A_294 : memref<16x32xf32, #tpu.memory_space<hbm>>)
        tpu.yield
      }) : () -> ()
    } else {
    }
    return
  }
}

module attributes {stable_mosaic.version = 14 : i64} {
  func.func @body(%arg0: memref<10000x128xf32, #tpu.memory_space<vmem>>, %arg1: memref<32x10000xf32, #tpu.memory_space<vmem>>, %arg2: memref<128x64xf32, #tpu.memory_space<vmem>>, %arg3: memref<128x64xf32, #tpu.memory_space<vmem>>, %arg4: memref<1x64xf32, #tpu.memory_space<vmem>>, %arg5: memref<10000x64xf32, #tpu.memory_space<vmem>>, %arg6: memref<10000x64xf32, #tpu.memory_space<vmem>>) attributes {dimension_semantics = [], scalar_prefetch = 0 : i64, scratch_operands = 0 : i64, tpu.core_type = #tpu.core_type<tc>} {
    %get3A = arith.constant 0 : index
    %get3A_0 = arith.constant 0 : index
    %get3A_1 = vector.load %arg1[%get3A, %get3A_0] : memref<32x10000xf32, #tpu.memory_space<vmem>>, vector<32x10000xf32>
    %broadcast_in_dim3A = arith.constant 1.000000e+00 : f32
    %broadcast_in_dim3A_2 = vector.broadcast %broadcast_in_dim3A : f32 to vector<32x1xf32>
    %dot_general3A = arith.constant dense<0.000000e+00> : vector<10000x1xf32>
    %dot_general3A_3 = tpu.matmul %get3A_1, %broadcast_in_dim3A_2, %dot_general3A {dimension_numbers = #tpu.dot_dimension_numbers<[0], [0], [1], [1], [0, 1, 1, 1], [], []>, precision = #tpu.contract_precision<fp32>, transpose_lhs_hint = false} : vector<32x10000xf32>, vector<32x1xf32>, vector<10000x1xf32> -> vector<10000x1xf32>
    %gt3A = arith.constant 0.000000e+00 : f32
    %gt3A_4 = vector.broadcast %gt3A : f32 to vector<10000x1xf32>
    %gt3A_5 = arith.cmpf ogt, %dot_general3A_3, %gt3A_4 : vector<10000x1xf32>
    %max3A = arith.constant 1.000000e-30 : f32
    %max3A_6 = vector.broadcast %max3A : f32 to vector<10000x1xf32>
    %max3A_7 = arith.maximumf %dot_general3A_3, %max3A_6 : vector<10000x1xf32>
    %rsqrt3A = math.rsqrt %max3A_7 : vector<10000x1xf32>
    %jit3A = arith.constant 0.000000e+00 : f32
    %broadcast_in_dim3A_8 = vector.broadcast %jit3A : f32 to vector<10000x1xf32>
    %select_n3A = arith.select %gt3A_5, %rsqrt3A, %broadcast_in_dim3A_8 : vector<10000x1xi1>, vector<10000x1xf32>
    %get3A_9 = arith.constant 0 : index
    %get3A_10 = arith.constant 0 : index
    %get3A_11 = vector.load %arg0[%get3A_9, %get3A_10] : memref<10000x128xf32, #tpu.memory_space<vmem>>, vector<10000x128xf32>
    %get3A_12 = arith.constant 0 : index
    %get3A_13 = arith.constant 0 : index
    %get3A_14 = vector.load %arg2[%get3A_12, %get3A_13] : memref<128x64xf32, #tpu.memory_space<vmem>>, vector<128x64xf32>
    %dot_general3A_15 = arith.constant dense<0.000000e+00> : vector<10000x64xf32>
    %dot_general3A_16 = tpu.matmul %get3A_11, %get3A_14, %dot_general3A_15 {dimension_numbers = #tpu.dot_dimension_numbers<[1], [0], [0], [1], [0, 0, 1, 1], [], []>, transpose_lhs_hint = false} : vector<10000x128xf32>, vector<128x64xf32>, vector<10000x64xf32> -> vector<10000x64xf32>
    %get3A_17 = arith.constant 0 : index
    %get3A_18 = arith.constant 0 : index
    %get3A_19 = vector.load %arg4[%get3A_17, %get3A_18] : memref<1x64xf32, #tpu.memory_space<vmem>>, vector<1x64xf32>
    %add3A = vector.broadcast %get3A_19 : vector<1x64xf32> to vector<10000x64xf32>
    %add3A_20 = arith.addf %dot_general3A_16, %add3A : vector<10000x64xf32>
    %swap3A = arith.constant 0 : index
    %swap3A_21 = arith.constant 0 : index
    %swap3A_22 = vector.load %arg5[%swap3A, %swap3A_21] : memref<10000x64xf32, #tpu.memory_space<vmem>>, vector<10000x64xf32>
    tpu.vector_store %arg5[%swap3A, %swap3A_21], %add3A_20 {strides = array<i32>} : memref<10000x64xf32, #tpu.memory_space<vmem>>, vector<10000x64xf32>,
    %get3A_23 = arith.constant 0 : index
    %get3A_24 = arith.constant 0 : index
    %get3A_25 = vector.load %arg3[%get3A_23, %get3A_24] : memref<128x64xf32, #tpu.memory_space<vmem>>, vector<128x64xf32>
    %dot_general3A_26 = arith.constant dense<0.000000e+00> : vector<10000x64xf32>
    %dot_general3A_27 = tpu.matmul %get3A_11, %get3A_25, %dot_general3A_26 {dimension_numbers = #tpu.dot_dimension_numbers<[1], [0], [0], [1], [0, 0, 1, 1], [], []>, transpose_lhs_hint = false} : vector<10000x128xf32>, vector<128x64xf32>, vector<10000x64xf32> -> vector<10000x64xf32>
    %mul3A = vector.broadcast %select_n3A : vector<10000x1xf32> to vector<10000x64xf32>
    %mul3A_28 = arith.mulf %dot_general3A_27, %mul3A : vector<10000x64xf32>
    %swap3A_29 = arith.constant 0 : index
    %swap3A_30 = arith.constant 0 : index
    %swap3A_31 = vector.load %arg6[%swap3A_29, %swap3A_30] : memref<10000x64xf32, #tpu.memory_space<vmem>>, vector<10000x64xf32>
    tpu.vector_store %arg6[%swap3A_29, %swap3A_30], %mul3A_28 {strides = array<i32>} : memref<10000x64xf32, #tpu.memory_space<vmem>>, vector<10000x64xf32>,
    return
  }
}

module attributes {stable_mosaic.version = 14 : i64} {
  func.func @body(%arg0: memref<10000x64xf32, #tpu.memory_space<vmem>>, %arg1: memref<2x10000x64xf32, #tpu.memory_space<vmem>>, %arg2: memref<32x10000xf32, #tpu.memory_space<vmem>>, %arg3: memref<64x32xf32, #tpu.memory_space<vmem>>, %arg4: memref<64x32xf32, #tpu.memory_space<vmem>>, %arg5: memref<1x32xf32, #tpu.memory_space<vmem>>, %arg6: memref<10000x32xf32, #tpu.memory_space<vmem>>, %arg7: memref<10000x32xf32, #tpu.memory_space<vmem>>) attributes {dimension_semantics = [], scalar_prefetch = 0 : i64, scratch_operands = 0 : i64, tpu.core_type = #tpu.core_type<tc>} {
    %get3A = arith.constant 0 : index
    %get3A_0 = arith.constant 0 : index
    %get3A_1 = vector.load %arg2[%get3A, %get3A_0] : memref<32x10000xf32, #tpu.memory_space<vmem>>, vector<32x10000xf32>
    %broadcast_in_dim3A = arith.constant 1.000000e+00 : f32
    %broadcast_in_dim3A_2 = vector.broadcast %broadcast_in_dim3A : f32 to vector<32x1xf32>
    %dot_general3A = arith.constant dense<0.000000e+00> : vector<10000x1xf32>
    %dot_general3A_3 = tpu.matmul %get3A_1, %broadcast_in_dim3A_2, %dot_general3A {dimension_numbers = #tpu.dot_dimension_numbers<[0], [0], [1], [1], [0, 1, 1, 1], [], []>, precision = #tpu.contract_precision<fp32>, transpose_lhs_hint = false} : vector<32x10000xf32>, vector<32x1xf32>, vector<10000x1xf32> -> vector<10000x1xf32>
    %gt3A = arith.constant 0.000000e+00 : f32
    %gt3A_4 = vector.broadcast %gt3A : f32 to vector<10000x1xf32>
    %gt3A_5 = arith.cmpf ogt, %dot_general3A_3, %gt3A_4 : vector<10000x1xf32>
    %max3A = arith.constant 1.000000e-30 : f32
    %max3A_6 = vector.broadcast %max3A : f32 to vector<10000x1xf32>
    %max3A_7 = arith.maximumf %dot_general3A_3, %max3A_6 : vector<10000x1xf32>
    %rsqrt3A = math.rsqrt %max3A_7 : vector<10000x1xf32>
    %jit3A = arith.constant 0.000000e+00 : f32
    %broadcast_in_dim3A_8 = vector.broadcast %jit3A : f32 to vector<10000x1xf32>
    %select_n3A = arith.select %gt3A_5, %rsqrt3A, %broadcast_in_dim3A_8 : vector<10000x1xi1>, vector<10000x1xf32>
    %get3A_9 = arith.constant 0 : index
    %get3A_10 = arith.constant 0 : index
    %get3A_11 = arith.constant 0 : index
    %get3A_12 = vector.load %arg1[%get3A_9, %get3A_10, %get3A_11] : memref<2x10000x64xf32, #tpu.memory_space<vmem>>, vector<1x10000x64xf32>
    %get3A_13 = vector.shape_cast %get3A_12 : vector<1x10000x64xf32> to vector<10000x64xf32>
    %get3A_14 = arith.constant 1 : index
    %get3A_15 = arith.constant 0 : index
    %get3A_16 = arith.constant 0 : index
    %get3A_17 = vector.load %arg1[%get3A_14, %get3A_15, %get3A_16] : memref<2x10000x64xf32, #tpu.memory_space<vmem>>, vector<1x10000x64xf32>
    %get3A_18 = vector.shape_cast %get3A_17 : vector<1x10000x64xf32> to vector<10000x64xf32>
    %add3A = arith.addf %get3A_13, %get3A_18 : vector<10000x64xf32>
    %mul3A = vector.broadcast %select_n3A : vector<10000x1xf32> to vector<10000x64xf32>
    %mul3A_19 = arith.mulf %add3A, %mul3A : vector<10000x64xf32>
    %get3A_20 = arith.constant 0 : index
    %get3A_21 = arith.constant 0 : index
    %get3A_22 = vector.load %arg0[%get3A_20, %get3A_21] : memref<10000x64xf32, #tpu.memory_space<vmem>>, vector<10000x64xf32>
    %sub3A = arith.subf %get3A_22, %mul3A_19 : vector<10000x64xf32>
    %max3A_23 = arith.constant 0.000000e+00 : f32
    %max3A_24 = vector.broadcast %max3A_23 : f32 to vector<10000x64xf32>
    %max3A_25 = arith.maximumf %sub3A, %max3A_24 : vector<10000x64xf32>
    %get3A_26 = arith.constant 0 : index
    %get3A_27 = arith.constant 0 : index
    %get3A_28 = vector.load %arg3[%get3A_26, %get3A_27] : memref<64x32xf32, #tpu.memory_space<vmem>>, vector<64x32xf32>
    %dot_general3A_29 = arith.constant dense<0.000000e+00> : vector<10000x32xf32>
    %dot_general3A_30 = tpu.matmul %max3A_25, %get3A_28, %dot_general3A_29 {dimension_numbers = #tpu.dot_dimension_numbers<[1], [0], [0], [1], [0, 0, 1, 1], [], []>, transpose_lhs_hint = false} : vector<10000x64xf32>, vector<64x32xf32>, vector<10000x32xf32> -> vector<10000x32xf32>
    %get3A_31 = arith.constant 0 : index
    %get3A_32 = arith.constant 0 : index
    %get3A_33 = vector.load %arg5[%get3A_31, %get3A_32] : memref<1x32xf32, #tpu.memory_space<vmem>>, vector<1x32xf32>
    %add3A_34 = vector.broadcast %get3A_33 : vector<1x32xf32> to vector<10000x32xf32>
    %add3A_35 = arith.addf %dot_general3A_30, %add3A_34 : vector<10000x32xf32>
    %swap3A = arith.constant 0 : index
    %swap3A_36 = arith.constant 0 : index
    %swap3A_37 = vector.load %arg6[%swap3A, %swap3A_36] : memref<10000x32xf32, #tpu.memory_space<vmem>>, vector<10000x32xf32>
    tpu.vector_store %arg6[%swap3A, %swap3A_36], %add3A_35 {strides = array<i32>} : memref<10000x32xf32, #tpu.memory_space<vmem>>, vector<10000x32xf32>,
    %get3A_38 = arith.constant 0 : index
    %get3A_39 = arith.constant 0 : index
    %get3A_40 = vector.load %arg4[%get3A_38, %get3A_39] : memref<64x32xf32, #tpu.memory_space<vmem>>, vector<64x32xf32>
    %dot_general3A_41 = arith.constant dense<0.000000e+00> : vector<10000x32xf32>
    %dot_general3A_42 = tpu.matmul %max3A_25, %get3A_40, %dot_general3A_41 {dimension_numbers = #tpu.dot_dimension_numbers<[1], [0], [0], [1], [0, 0, 1, 1], [], []>, transpose_lhs_hint = false} : vector<10000x64xf32>, vector<64x32xf32>, vector<10000x32xf32> -> vector<10000x32xf32>
    %mul3A_43 = vector.broadcast %select_n3A : vector<10000x1xf32> to vector<10000x32xf32>
    %mul3A_44 = arith.mulf %dot_general3A_42, %mul3A_43 : vector<10000x32xf32>
    %swap3A_45 = arith.constant 0 : index
    %swap3A_46 = arith.constant 0 : index
    %swap3A_47 = vector.load %arg7[%swap3A_45, %swap3A_46] : memref<10000x32xf32, #tpu.memory_space<vmem>>, vector<10000x32xf32>
    tpu.vector_store %arg7[%swap3A_45, %swap3A_46], %mul3A_44 {strides = array<i32>} : memref<10000x32xf32, #tpu.memory_space<vmem>>, vector<10000x32xf32>,
    return
  }
}

module attributes {stable_mosaic.version = 14 : i64} {
  func.func @body(%arg0: memref<10000x32xf32, #tpu.memory_space<vmem>>, %arg1: memref<2x10000x32xf32, #tpu.memory_space<vmem>>, %arg2: memref<32x10000xf32, #tpu.memory_space<vmem>>, %arg3: memref<10000x32xf32, #tpu.memory_space<vmem>>) attributes {dimension_semantics = [], scalar_prefetch = 0 : i64, scratch_operands = 0 : i64, tpu.core_type = #tpu.core_type<tc>} {
    %get3A = arith.constant 0 : index
    %get3A_0 = arith.constant 0 : index
    %get3A_1 = vector.load %arg2[%get3A, %get3A_0] : memref<32x10000xf32, #tpu.memory_space<vmem>>, vector<32x10000xf32>
    %broadcast_in_dim3A = arith.constant 1.000000e+00 : f32
    %broadcast_in_dim3A_2 = vector.broadcast %broadcast_in_dim3A : f32 to vector<32x1xf32>
    %dot_general3A = arith.constant dense<0.000000e+00> : vector<10000x1xf32>
    %dot_general3A_3 = tpu.matmul %get3A_1, %broadcast_in_dim3A_2, %dot_general3A {dimension_numbers = #tpu.dot_dimension_numbers<[0], [0], [1], [1], [0, 1, 1, 1], [], []>, precision = #tpu.contract_precision<fp32>, transpose_lhs_hint = false} : vector<32x10000xf32>, vector<32x1xf32>, vector<10000x1xf32> -> vector<10000x1xf32>
    %gt3A = arith.constant 0.000000e+00 : f32
    %gt3A_4 = vector.broadcast %gt3A : f32 to vector<10000x1xf32>
    %gt3A_5 = arith.cmpf ogt, %dot_general3A_3, %gt3A_4 : vector<10000x1xf32>
    %max3A = arith.constant 1.000000e-30 : f32
    %max3A_6 = vector.broadcast %max3A : f32 to vector<10000x1xf32>
    %max3A_7 = arith.maximumf %dot_general3A_3, %max3A_6 : vector<10000x1xf32>
    %rsqrt3A = math.rsqrt %max3A_7 : vector<10000x1xf32>
    %jit3A = arith.constant 0.000000e+00 : f32
    %broadcast_in_dim3A_8 = vector.broadcast %jit3A : f32 to vector<10000x1xf32>
    %select_n3A = arith.select %gt3A_5, %rsqrt3A, %broadcast_in_dim3A_8 : vector<10000x1xi1>, vector<10000x1xf32>
    %get3A_9 = arith.constant 0 : index
    %get3A_10 = arith.constant 0 : index
    %get3A_11 = vector.load %arg0[%get3A_9, %get3A_10] : memref<10000x32xf32, #tpu.memory_space<vmem>>, vector<10000x32xf32>
    %get3A_12 = arith.constant 0 : index
    %get3A_13 = arith.constant 0 : index
    %get3A_14 = arith.constant 0 : index
    %get3A_15 = vector.load %arg1[%get3A_12, %get3A_13, %get3A_14] : memref<2x10000x32xf32, #tpu.memory_space<vmem>>, vector<1x10000x32xf32>
    %get3A_16 = vector.shape_cast %get3A_15 : vector<1x10000x32xf32> to vector<10000x32xf32>
    %get3A_17 = arith.constant 1 : index
    %get3A_18 = arith.constant 0 : index
    %get3A_19 = arith.constant 0 : index
    %get3A_20 = vector.load %arg1[%get3A_17, %get3A_18, %get3A_19] : memref<2x10000x32xf32, #tpu.memory_space<vmem>>, vector<1x10000x32xf32>
    %get3A_21 = vector.shape_cast %get3A_20 : vector<1x10000x32xf32> to vector<10000x32xf32>
    %add3A = arith.addf %get3A_16, %get3A_21 : vector<10000x32xf32>
    %mul3A = vector.broadcast %select_n3A : vector<10000x1xf32> to vector<10000x32xf32>
    %mul3A_22 = arith.mulf %add3A, %mul3A : vector<10000x32xf32>
    %sub3A = arith.subf %get3A_11, %mul3A_22 : vector<10000x32xf32>
    %swap3A = arith.constant 0 : index
    %swap3A_23 = arith.constant 0 : index
    %swap3A_24 = vector.load %arg3[%swap3A, %swap3A_23] : memref<10000x32xf32, #tpu.memory_space<vmem>>, vector<10000x32xf32>
    tpu.vector_store %arg3[%swap3A, %swap3A_23], %sub3A {strides = array<i32>} : memref<10000x32xf32, #tpu.memory_space<vmem>>, vector<10000x32xf32>,
    return
  }
}

</mosaic_0001>

<sc_bundles>
// kernel: kernel.11.cloned.1.call-start
scs
__scs_entry_jumppad:
0x0: {  	(pc) =	sbr.rel $0x88, $3  }
0x1: {  	(tag) =	ssettag $0x0;
	lr =	simm.s32 $0x1  }
0x2: {  	[smem:$0x3F99] =	sst lr;
	_ =	strace $0xD0000000  }
0x3: {  	_ = 	snop  }
0x4: {  	_ = 	snop  }
0x5: {  	_ = 	snop  }
0x6: {  	_ = 	snop  }
0x7: {  	_ = 	snop  }
__scs_overlays_trampoline_lowered:
0x8: {  	[smem:$0x3FA8] =	sst s0  }
0x9: {  	[smem:$0x3FA9] =	sst s1  }
0xa: {  	[smem:$0x3FAA] =	sst s2  }
0xb: {  	[smem:$0x3FAB] =	sst s3  }
0xc: {  	[smem:$0x3FAC] =	sst s4  }
0xd: {  	[smem:$0x3FAD] =	sst s5  }
0xe: {  	[smem:$0x3FAE] =	sst s6  }
0xf: {  	[smem:$0x3FAF] =	sst s7  }
0x10: {  	[smem:$0x3FB0] =	sst s8  }
0x11: {  	[smem:$0x3FB1] =	sst s9;
	s0 =	simm.s32 @!p0 $0x0  }
0x12: {  	s1 =	sld [smem:$0x3F97];
	s0 =	simm.s32 @p0 $0x1  }
0x13: {  	[smem:$0x3FB2] =	sst s0;
	s0 =	simm.s32 @!p1 $0x0  }
0x14: {  	s2 =	sld [smem:$0x3F96];
	s0 =	simm.s32 @p1 $0x1  }
0x15: {  	[smem:$0x3FB3] =	sst s0;
	s0 =	simm.s32 @!p2 $0x0  }
0x16: {  	s3 =	sld [smem:$0x3FDB];
	s0 =	simm.s32 @p2 $0x1  }
0x17: {  	s4 =	simm.s32 $0x1BF5;
	[smem:$0x3FB5] =	sst s0  }
0x18: {  	s0 =	sld [smem:$0x3F98];
	_ =	swait.ge [sflag:s4], $0x0  }
0x19: {  	s7 =	sld [smem:$0x3F99]  }
0x1a: {  	s8 =	sadd.s32 $0xFFFFE003, lr  }
0x1b: {  	s9 =	sadd.s32 $0xFFFFFEF7, lr;
	s5 =	simm.s32 $0xFFFFFFFF;
	p2 =	slt.u32 s8, $0xFFFFF086  }
0x1c: {  	p1 =	slt.u32 s9, $0xF7A;
	s5 =	simm.s32 @!p2 $0x0  }
0x1d: {  	s5 =	simm.s32 @p1 $0x1;
	p0 =	seq.s32 s7, s2  }
0x1e: {  	s7 =	smul.u32 @!p0 $0xF7A, s2;
	p2 =	seq.s32 @!p0 s5, $0x0  }
0x1f: {  	s9 =	smul.u32 $0xF7A, s1;
	s8 =	simm.s32 @!p0 $0x1BF5;
	p2 =	por !p2, p0  }
0x20: {  	[sflag:s8] =	ssyncset.s32 @!p0 $0xFFFFF086;
	s6 =	sadd.s32 @!p0 s3, s7;
	s7 =	simm.s32 @!p0 $0x108  }
0x21: {  	s3 =	sadd.s32 s3, s9;
	s6 =	sadd.s32 @!p0 $0x88, s6;
	s7 =	simm.s32 @p2 $0x1082  }
0x22: {  	[simem:s7], [sflag:s8] =	dma.local @!p0 [hbm:s6], $0xF7A  }
0x23: {  	s9 =	sor.u32 $0xD0000000, s2;
	s6 =	simm.s32 $0x108;
	_ =	swait.ge @!p0 [sflag:s8], $0x0  }
0x24: {  	s3 =	sadd.s32 $0x88, s3;
	s6 =	simm.s32 @!p1 $0x1082;
	[sflag:s4] =	ssyncset.s32 $0xFFFFF086  }
0x25: {  	[simem:s6], [sflag:s4] =	dma.local [hbm:s3], $0xF7A  }
0x26: {  	[smem:$0x3F99] =	sst s1;
	(tag) =	ssettag s2;
	_ =	strace s9  }
0x27: {  	s1 =	sld [smem:$0x3FA9]  }
0x28: {  	s2 =	sld [smem:$0x3FAA]  }
0x29: {  	s4 =	sld [smem:$0x3FAC]  }
0x2a: {  	p0 =	seq.s32 s5, $0x0;
	s5 =	sld [smem:$0x3FAD]  }
0x2b: {  	s6 =	sld [smem:$0x3FAE]  }
0x2c: {  	s7 =	sld [smem:$0x3FAF]  }
0x2d: {  	s3 =	simm.s32 $0x108;
	s8 =	sld [smem:$0x3FB0]  }
0x2e: {  	s3 =	simm.s32 @!p0 $0x1082;
	s9 =	sld [smem:$0x3FB1]  }
0x2f: {  	lr =	sadd.s32 s0, s3;
	s0 =	sld [smem:$0x3FA8]  }
0x30: {  	s3 =	sld [smem:$0x3FAB]  }
0x31: {  	[smem:$0x3FB4] =	sst s10  }
0x32: {  	s10 =	sld [smem:$0x3FB2];
	_ =	sdelay $0x3  }
0x33: {  	p0 =	seq.s32 s10, $0x1;
	s10 =	sld [smem:$0x3FB4];
	_ =	sdelay $0x3  }
0x34: {  	[smem:$0x3FB4] =	sst s10  }
0x35: {  	s10 =	sld [smem:$0x3FB3];
	_ =	sdelay $0x3  }
0x36: {  	p1 =	seq.s32 s10, $0x1;
	s10 =	sld [smem:$0x3FB4];
	_ =	sdelay $0x3  }
0x37: {  	[smem:$0x3FB4] =	sst s10  }
0x38: {  	s10 =	sld [smem:$0x3FB5]  }
0x39: {  	_ = 	snop;
	(pc) =	sbr.ind lr, $3  }
0x3a: {  	_ = 	snop  }
0x3b: {  	_ = 	snop  }
0x3c: {  	p2 =	seq.s32 s10, $0x1;
	s10 =	sld [smem:$0x3FB4]  }
0x3d: {  	_ =	shalt  }
0x3e: {  	_ =	shalt  }
0x3f: {  	_ =	shalt  }
0x40: {  	_ =	shalt  }
0x41: {  	_ =	shalt  }
0x42: {  	_ =	shalt  }
0x43: {  	_ =	shalt  }
0x44: {  	_ =	shalt  }
0x45: {  	_ =	shalt  }
0x46: {  	_ =	shalt  }
0x47: {  	_ =	shalt  }
0x48: {  	_ =	shalt  }
0x49: {  	_ =	shalt  }
0x4a: {  	_ =	shalt  }
0x4b: {  	_ =	shalt  }
0x4c: {  	_ =	shalt  }
0x4d: {  	_ =	shalt  }
0x4e: {  	_ =	shalt  }
0x4f: {  	_ =	shalt  }
0x50: {  	_ =	shalt  }
0x51: {  	_ =	shalt  }
0x52: {  	_ =	shalt  }
0x53: {  	_ =	shalt  }
0x54: {  	_ =	shalt  }
0x55: {  	_ =	shalt  }
0x56: {  	_ =	shalt  }
0x57: {  	_ =	shalt  }
0x58: {  	_ =	shalt  }
0x59: {  	_ =	shalt  }
0x5a: {  	_ =	shalt  }
0x5b: {  	_ =	shalt  }
0x5c: {  	_ =	shalt  }
0x5d: {  	_ =	shalt  }
0x5e: {  	_ =	shalt  }
0x5f: {  	_ =	shalt  }
0x60: {  	_ =	shalt  }
0x61: {  	_ =	shalt  }
0x62: {  	_ =	shalt  }
0x63: {  	_ =	shalt  }
0x64: {  	_ =	shalt  }
0x65: {  	_ =	shalt  }
0x66: {  	_ =	shalt  }
0x67: {  	_ =	shalt  }
0x68: {  	_ =	shalt  }
0x69: {  	_ =	shalt  }
0x6a: {  	_ =	shalt  }
0x6b: {  	_ =	shalt  }
0x6c: {  	_ =	shalt  }
0x6d: {  	_ =	shalt  }
0x6e: {  	_ =	shalt  }
0x6f: {  	_ =	shalt  }
0x70: {  	_ =	shalt  }
0x71: {  	_ =	shalt  }
0x72: {  	_ =	shalt  }
0x73: {  	_ =	shalt  }
0x74: {  	_ =	shalt  }
0x75: {  	_ =	shalt  }
0x76: {  	_ =	shalt  }
0x77: {  	_ =	shalt  }
0x78: {  	_ =	shalt  }
0x79: {  	_ =	shalt  }
0x7a: {  	_ =	shalt  }
0x7b: {  	_ =	shalt  }
0x7c: {  	_ =	shalt  }
0x7d: {  	_ =	shalt  }
0x7e: {  	_ =	shalt  }
0x7f: {  	_ =	shalt  }
0x80: {  	_ =	shalt  }
0x81: {  	_ =	shalt  }
0x82: {  	_ =	shalt  }
0x83: {  	_ =	shalt  }
0x84: {  	_ =	shalt  }
0x85: {  	_ =	shalt  }
0x86: {  	_ =	shalt  }
0x87: {  	_ =	shalt  }
.Lfunc_end0:
.L_simem_size_0:
called_computation.1_lowered:
.L_overlay_start_0:
0x88: {  	s2 =	sld [smem:$0x3FD9]  }
0x89: {  	s3 =	sld [smem:$0x3FFE];
	_ =	sdelay $0x1  }
0x8a: {  	s1 =	srdreg.scid  }
0x8b: {  	s0 =	sand.u32 $0x1, s1  }
0x8c: {  	s16 =	sshll.u32 s0, $0xA;
	s2 =	sadd.s32 s3, s2  }
0x8d: {  	s2 =	sadd.s32 s2, s16  }
0x8e: {  	[smem:$0x3FC0] =	sst s2  }
0x8f: {  	_ = 	snop  }
0x90: {  	(tm) =	ssettm $0x1  }
0x91: {  	s17 =	sld [smem:$0x3FFB];
	_ =	sdelay $0x3  }
0x92: {  	_ =	strace s17  }
0x93: {  	s2 =	sld [smem:$0x3FFC];
	_ =	sdelay $0x3  }
0x94: {  	_ =	strace s2  }
0x95: {  	s2 =	sld [smem:$0x3FFD];
	_ =	sdelay $0x3  }
0x96: {  	_ =	strace s2  }
0x97: {  	_ =	strace $0x8FFFFFFF  }
0x98: {  	s18 =	sld [smem:$0x3FDB];
	_ =	sdelay $0x1  }
0x99: {  	s19 =	simm.s32 $_scs_section_size  }
0x9a: {  	s4 =	simm.s32 $_size__tile_overlayer_lowered;
	s5 =	simm.s32 $_tile_overlayer_lowered  }
0x9b: {  	s22 =	simm.s32 $0x1BFF;
	s21 =	sshll.u32 s5, $0x1;
	s2 =	sadd.s32 s19, s18  }
0x9c: {  	s6 =	simm.s32 $0x0;
	s20 =	sshll.u32 s4, $0x1;
	s4 =	sadd.s32 s21, s2  }
0x9d: {  	[timem:s6], [sflag:s22] =	dma.local [hbm:s4], s20  }
0x9e: {  	_ =	swait.ge [sflag:s22], s20  }
0x9f: {  	s3 =	ssub.s32 $0x0, s20;
	[sflag:s22] =	ssyncset.done $0x0  }
0xa0: {  	[sflag:s22] =	ssyncadd.s32 s3;
	_ =	sdelay $0x1  }
0xa1: {  	s23 =	simm.s32 $0x1B8B  }
0xa2: {  	_ =	swait.ge [sflag:s23], $0x1  }
0xa3: {  	[sflag:s23] =	ssyncset.done $0x0  }
0xa4: {  	s25 =	simm.s32 $0x1B8E;
	s24 =	sld [smem:$0x3FFE];
	[sflag:s23] =	ssyncadd.s32 $0xFFFFFFFF  }
0xa5: {  	s26 =	simm.s32 $execute0_lowered;
	[smem:$0x3FD2] =	sst s25  }
0xa6: {  	s4 =	sshll.u32 s26, $0x1;
	_ =	strace $0x80000049;
	[dreg:$0x1] =	wrdreg $0xFFFFFFFF  }
0xa7: {  	s28 =	simm.s32 $_size_execute0_lowered;
	s2 =	sadd.s32 s2, s4;
	[dreg:$0x0] =	wrdreg $0x0  }
0xa8: {  	s4 =	sshll.u32 s28, $0x1;
	[dreg:$0x2] =	wrdreg s2  }
0xa9: {  	[dreg:$0x3] =	wrdreg s4  }
0xaa: {  	[dreg:$0x4] =	wrdreg $0xC0  }
0xab: {  	_ =	task [dreg:s6], $0x5FFFF  }
0xac: {  	[dreg:$0x1] =	wrdreg $0xFFFFFFFF  }
0xad: {  	[dreg:$0x0] =	wrdreg $0x60  }
0xae: {  	[dreg:$0x2] =	wrdreg s24  }
0xaf: {  	[dreg:$0x3] =	wrdreg $0x14E000  }
0xb0: {  	[dreg:$0x4] =	wrdreg $0x9  }
0xb1: {  	_ =	task.clear_ibuf [dreg:s6], $0x5FFFF;
	_ =	strace $0x90000049  }
0xb2: {  	s29 =	simm.s32 $0x9;
	_ =	strace $0x8000004B  }
0xb3: {  	_ =	swait.ge [sflag:s29], $0x1  }
0xb4: {  	[sflag:s29] =	ssyncadd.s32 $0xFFFFFFFF  }
0xb5: {  	_ =	strace $0x9000004B  }
0xb6: {  	_ =	sfence  }
0xb7: {  	s30 =	sld [smem:$0x0];
	_ =	sdelay $0x2  }
0xb8: {  	s31 =	sshll.u32 s1, $0xD;
	s1 =	sshrl.u32 s1, $0x2  }
0xb9: {  	s3 =	sand.u32 $0x4000, s31;
	s1 =	sadd.s32 s1, s30  }
0xba: {  	s0 =	sor.u32 s3, s0;
	s1 =	sshll.u32 s1, $0x11  }
0xbb: {  	s0 =	sor.u32 s1, s0  }
0xbc: {  	s0 =	sadd.s32 $0x8F2B, s0  }
0xbd: {  	[sflag:s0] =	ssyncadd.remote.s32 $0x1  }
0xbe: {  	_ =	sfence.sel $0xFFFF  }
0xbf: {  	[dreg:$0x0] =	wrdreg $0xFFFFFFFF;
	(pc) =	sbr.abs _section_cstart, $3  }
0xc0: {  	[dreg:$0x1] =	wrdreg $0xFFFFFFFF  }
0xc1: {  	_ =	task.clear_ibuf [dreg:s6], $0x2FFFF;
	_ =	strace $0x9FFFFFFF  }
0xc2: {  	(tm) =	ssettm $0x7FFFFFFF  }
0xc3: {  	_ =	shalt  }
tec
execute0_lowered:
.L_overlay_start_1:
0x0: {  	(tag) =	ssettag $0x1  }
0x1: {  	s10 =	stileid.u32  }
0x2: {  	s6 =	smul.u32 $0x27000, s10;
	_ =	sdelay $0x1  }
0x3: {  	s2 =	rddreg [dreg:$0x1];
	s6 =	sshrl.u32 s6, $0x2  }
0x4: {  	s0 =	rddreg [dreg:$0x0];
	s3 =	simm.s32 $0x0;
	s6 =	sadd.s32 s6, s2  }
0x5: {  	[smem:$0x7FF] =	sst s3;
	s11 =	sadd.s32 $0x400, s6  }
0x6: {  	_ =	strace $0x8000004A;
	s22 =	sadd.s32 $0x800, s6;
	[dreg:$0x3] =	wrdreg s11  }
0x7: {  	s23 =	sadd.s32 $0xC00, s6;
	[dreg:$0x4] =	wrdreg s22  }
0x8: {  	s24 =	sadd.s32 $0x1000, s6;
	[dreg:$0x5] =	wrdreg s23  }
0x9: {  	s25 =	sadd.s32 $0x1400, s6;
	[dreg:$0x6] =	wrdreg s24  }
0xa: {  	s26 =	sadd.s32 $0x1800, s6;
	[dreg:$0x7] =	wrdreg s25  }
0xb: {  	s12 =	sadd.s32 $0x1C00, s6;
	[dreg:$0x8] =	wrdreg s26  }
0xc: {  	s13 =	sadd.s32 $0x2000, s6;
	[dreg:$0x9] =	wrdreg s12  }
0xd: {  	s14 =	sadd.s32 $0x2400, s6;
	[dreg:$0xa] =	wrdreg s13  }
0xe: {  	s1 =	srdreg.scid;
	s15 =	sadd.s32 $0x2800, s6;
	[dreg:$0xb] =	wrdreg s14  }
0xf: {  	s28 =	simm.s32 $0x6F40;
	s16 =	sadd.s32 $0x2C00, s6;
	[dreg:$0xc] =	wrdreg s15  }
0x10: {  	s29 =	simm.s32 $0x8E80;
	s17 =	sadd.s32 $0x3000, s6;
	[dreg:$0xd] =	wrdreg s16  }
0x11: {  	s1 =	sand.u32 $0x1, s1;
	s18 =	sadd.s32 $0x3400, s6;
	[dreg:$0xe] =	wrdreg s17  }
0x12: {  	s21 =	ssub.s32 $0x2, s1;
	s19 =	sadd.s32 $0x3800, s6;
	[dreg:$0xf] =	wrdreg s18  }
0x13: {  	s8 =	sshrl.u32 s21, $0x1;
	s20 =	sadd.s32 $0x3C00, s6;
	[dreg:$0x10] =	wrdreg s19  }
0x14: {  	s8 =	ssub.s32 s21, s8;
	s21 =	sadd.s32 $0x4000, s6;
	[dreg:$0x12] =	wrdreg s20  }
0x15: {  	s30 =	simm.s32 $0xADC0;
	[dreg:$0x13] =	wrdreg s21;
	s22 =	sadd.s32 $0x4400, s6  }
0x16: {  	s31 =	simm.s32 $0xCD00;
	s23 =	sadd.s32 $0x4800, s6;
	[dreg:$0x14] =	wrdreg s22  }
0x17: {  	s4 =	sshll.u32 s10, $0x1;
	s24 =	sadd.s32 $0x4C00, s6;
	[dreg:$0x15] =	wrdreg s23  }
0x18: {  	s9 =	smul.u32 $0x9C00, s10;
	s25 =	sadd.s32 $0x5000, s6;
	[dreg:$0x16] =	wrdreg s24  }
0x19: {  	p0 =	sne.s32 s10, $0xF;
	s26 =	sadd.s32 $0x5400, s6;
	[dreg:$0x17] =	wrdreg s25  }
0x1a: {  	s4 =	sor.u32 s1, s4;
	s11 =	sadd.s32 $0x5C00, s6;
	[dreg:$0x18] =	wrdreg s26  }
0x1b: {  	s1 =	smul.u32 $0x9C400, s1;
	s12 =	sadd.s32 $0x6000, s6;
	[dreg:$0x1a] =	wrdreg s11  }
0x1c: {  	s5 =	smul.u32 $0x500, s4;
	s13 =	sadd.s32 $0x6400, s6;
	[dreg:$0x1b] =	wrdreg s12  }
0x1d: {  	s4 =	sadd.s32 $0x15C00, s0;
	s14 =	sadd.s32 $0x6800, s6;
	[dreg:$0x1c] =	wrdreg s13  }
0x1e: {  	s7 =	sadd.s32 s5, s0;
	s15 =	sadd.s32 $0x6C00, s6;
	[dreg:$0x1d] =	wrdreg s14  }
0x1f: {  	s0 =	sadd.s32 $0x29600, s0;
	s16 =	sadd.s32 $0x7000, s6;
	[dreg:$0x1e] =	wrdreg s15  }
0x20: {  	s5 =	sadd.s32 s9, s2;
	s17 =	sadd.s32 $0x7400, s6;
	[dreg:$0x1f] =	wrdreg s16  }
0x21: {  	s9 =	sadd.s32 s9, s1;
	s18 =	sadd.s32 $0x7800, s6;
	[smem:$0x7F4] =	sst s17  }
0x22: {  	s1 =	sshrl.u32 s1, $0x3;
	s19 =	sadd.s32 $0x7C00, s6;
	[smem:$0x7F5] =	sst s18  }
0x23: {  	s9 =	sshrl.u32 s9, $0x3;
	s20 =	sadd.s32 $0x8000, s6;
	[smem:$0x7F6] =	sst s19  }
0x24: {  	s21 =	sadd.s32 $0x8400, s6;
	s9 =	sadd.s32 s0, s9;
	[smem:$0x7F7] =	sst s20  }
0x25: {  	s0 =	sadd.s32 s0, s1;
	[smem:$0x7F8] =	sst s21;
	s22 =	sadd.s32 $0x8800, s6  }
0x26: {  	s23 =	sadd.s32 $0x8C00, s6;
	s24 =	sadd.s32 $0x9000, s6;
	[dreg:$0x11] =	wrdreg s9  }
0x27: {  	s25 =	sadd.s32 $0x9400, s6;
	s26 =	sadd.s32 $0x9800, s6;
	[smem:$0x7F9] =	sst s22  }
0x28: {  	s18 =	sadd.s32 $0xBC00, s7;
	s19 =	sadd.s32 $0x1C00, s7;
	[smem:$0x7FA] =	sst s23  }
0x29: {  	s21 =	smax.u32 s8, $0x1;
	s1 =	simm.s32 $0xEC40;
	[smem:$0x7FB] =	sst s24  }
0x2a: {  	s7 =	simm.s32 $0x1;
	s8 =	simm.s32 $0x2;
	[smem:$0x7FC] =	sst s25  }
0x2b: {  	s9 =	sadd.s32 $0x5800, s6;
	[smem:$0x7FD] =	sst s26;
	s20 =	sadd.s32 $0x13800, s0  }
0x2c: {  	s22 =	sadd.s32 $0x9C000, s2;
	s23 =	simm.s32 $0x14A00;
	s24 =	simm.s32 $0x3  }
0x2d: {  	s25 =	simm.s32 $0x7D;
	s26 =	simm.s32 $0x5000;
	s0 =	simm.s32 $0x10B80  }
0x2e: {  	v0 =	vimm.f32 $0.0e+00;
	s6 =	simm.s32 $0x12AC0;
	[dreg:$0x19] =	wrdreg s9;
	s9 =	simm.s32 $0x0  }
.LBB2_1:
0x2f: {  	[tilespmem:$0x14A00] =	vst v0  }
0x30: {  	[tilespmem:$0x14A10] =	vst v0  }
0x31: {  	[tilespmem:$0x14A20] =	vst v0  }
0x32: {  	[tilespmem:$0x14A30] =	vst v0  }
0x33: {  	[tilespmem:$0x14A40] =	vst v0  }
0x34: {  	[tilespmem:$0x14A50] =	vst v0  }
0x35: {  	[tilespmem:$0x14A60] =	vst v0  }
0x36: {  	[tilespmem:$0x14A70] =	vst v0  }
0x37: {  	[tilespmem:$0x14A80] =	vst v0  }
0x38: {  	[tilespmem:$0x14A90] =	vst v0  }
0x39: {  	[tilespmem:$0x14AA0] =	vst v0  }
0x3a: {  	[tilespmem:$0x14AB0] =	vst v0  }
0x3b: {  	[tilespmem:$0x14AC0] =	vst v0  }
0x3c: {  	[tilespmem:$0x14AD0] =	vst v0  }
0x3d: {  	[tilespmem:$0x14AE0] =	vst v0  }
0x3e: {  	[tilespmem:$0x14AF0] =	vst v0  }
0x3f: {  	[tilespmem:$0x14B00] =	vst v0  }
0x40: {  	[tilespmem:$0x14B10] =	vst v0  }
0x41: {  	[tilespmem:$0x14B20] =	vst v0  }
0x42: {  	[tilespmem:$0x14B30] =	vst v0  }
0x43: {  	[tilespmem:$0x14B40] =	vst v0  }
0x44: {  	[tilespmem:$0x14B50] =	vst v0  }
0x45: {  	[tilespmem:$0x14B60] =	vst v0  }
0x46: {  	[tilespmem:$0x14B70] =	vst v0  }
0x47: {  	[tilespmem:$0x14B80] =	vst v0  }
0x48: {  	[tilespmem:$0x14B90] =	vst v0  }
0x49: {  	[tilespmem:$0x14BA0] =	vst v0  }
0x4a: {  	[tilespmem:$0x14BB0] =	vst v0  }
0x4b: {  	[tilespmem:$0x14BC0] =	vst v0  }
0x4c: {  	[tilespmem:$0x14BD0] =	vst v0  }
0x4d: {  	[tilespmem:$0x14BE0] =	vst v0  }
0x4e: {  	[tilespmem:$0x14BF0] =	vst v0  }
0x4f: {  	[tilespmem:$0x14C00] =	vst v0  }
0x50: {  	[tilespmem:$0x14C10] =	vst v0  }
0x51: {  	[tilespmem:$0x14C20] =	vst v0  }
0x52: {  	[tilespmem:$0x14C30] =	vst v0  }
0x53: {  	[tilespmem:$0x14C40] =	vst v0  }
0x54: {  	[tilespmem:$0x14C50] =	vst v0  }
0x55: {  	[tilespmem:$0x14C60] =	vst v0  }
0x56: {  	[tilespmem:$0x14C70] =	vst v0  }
0x57: {  	[tilespmem:$0x14C80] =	vst v0  }
0x58: {  	[tilespmem:$0x14C90] =	vst v0  }
0x59: {  	[tilespmem:$0x14CA0] =	vst v0  }
0x5a: {  	[tilespmem:$0x14CB0] =	vst v0  }
0x5b: {  	[tilespmem:$0x14CC0] =	vst v0  }
0x5c: {  	[tilespmem:$0x14CD0] =	vst v0  }
0x5d: {  	[tilespmem:$0x14CE0] =	vst v0  }
0x5e: {  	[tilespmem:$0x14CF0] =	vst v0  }
0x5f: {  	[tilespmem:$0x14D00] =	vst v0  }
0x60: {  	[tilespmem:$0x14D10] =	vst v0  }
0x61: {  	[tilespmem:$0x14D20] =	vst v0  }
0x62: {  	[tilespmem:$0x14D30] =	vst v0  }
0x63: {  	[tilespmem:$0x14D40] =	vst v0  }
0x64: {  	[tilespmem:$0x14D50] =	vst v0  }
0x65: {  	[tilespmem:$0x14D60] =	vst v0  }
0x66: {  	[tilespmem:$0x14D70] =	vst v0  }
0x67: {  	[tilespmem:$0x14D80] =	vst v0  }
0x68: {  	[tilespmem:$0x14D90] =	vst v0  }
0x69: {  	[tilespmem:$0x14DA0] =	vst v0  }
0x6a: {  	[tilespmem:$0x14DB0] =	vst v0  }
0x6b: {  	[tilespmem:$0x14DC0] =	vst v0  }
0x6c: {  	[tilespmem:$0x14DD0] =	vst v0  }
0x6d: {  	[tilespmem:$0x14DE0] =	vst v0  }
0x6e: {  	[tilespmem:$0x14DF0] =	vst v0  }
0x6f: {  	[spmem:s5] =	stream.linear.scatter [tilespmem:s23], [sflag:$0x3], $0x400, $0x38;
	[tilespmem:$0x1EA40] =	vst v63  }
0x70: {  	_ =	swait.ge [sflag:s24], $0x400  }
0x71: {  	[sflag:s24] =	ssyncset.done $0x0  }
0x72: {  	s10 =	rddreg [dreg:$0x3];
	[sflag:s24] =	ssyncadd.s32 $0xFFFFFC00  }
0x73: {  	[spmem:s10] =	stream.linear.scatter [tilespmem:s23], [sflag:$0x3], $0x400, $0x38;
	[tilespmem:$0x1EA40] =	vst v63  }
0x74: {  	_ =	swait.ge [sflag:s24], $0x400  }
0x75: {  	[sflag:s24] =	ssyncset.done $0x0  }
0x76: {  	s14 =	rddreg [dreg:$0x4];
	[sflag:s24] =	ssyncadd.s32 $0xFFFFFC00  }
0x77: {  	[spmem:s14] =	stream.linear.scatter [tilespmem:s23], [sflag:$0x3], $0x400, $0x38;
	[tilespmem:$0x1EA40] =	vst v63  }
0x78: {  	_ =	swait.ge [sflag:s24], $0x400  }
0x79: {  	[sflag:s24] =	ssyncset.done $0x0  }
0x7a: {  	s15 =	rddreg [dreg:$0x5];
	[sflag:s24] =	ssyncadd.s32 $0xFFFFFC00  }
0x7b: {  	[spmem:s15] =	stream.linear.scatter [tilespmem:s23], [sflag:$0x3], $0x400, $0x38;
	[tilespmem:$0x1EA40] =	vst v63  }
0x7c: {  	_ =	swait.ge [sflag:s24], $0x400  }
0x7d: {  	[sflag:s24] =	ssyncset.done $0x0  }
0x7e: {  	s16 =	rddreg [dreg:$0x6];
	[sflag:s24] =	ssyncadd.s32 $0xFFFFFC00  }
0x7f: {  	[spmem:s16] =	stream.linear.scatter [tilespmem:s23], [sflag:$0x3], $0x400, $0x38;
	[tilespmem:$0x1EA40] =	vst v63  }
0x80: {  	_ =	swait.ge [sflag:s24], $0x400  }
0x81: {  	[sflag:s24] =	ssyncset.done $0x0  }
0x82: {  	s17 =	rddreg [dreg:$0x7];
	[sflag:s24] =	ssyncadd.s32 $0xFFFFFC00  }
0x83: {  	[spmem:s17] =	stream.linear.scatter [tilespmem:s23], [sflag:$0x3], $0x400, $0x38;
	[tilespmem:$0x1EA40] =	vst v63  }
0x84: {  	_ =	swait.ge [sflag:s24], $0x400  }
0x85: {  	[sflag:s24] =	ssyncset.done $0x0  }
0x86: {  	s11 =	rddreg [dreg:$0x8];
	[sflag:s24] =	ssyncadd.s32 $0xFFFFFC00  }
0x87: {  	[spmem:s11] =	stream.linear.scatter [tilespmem:s23], [sflag:$0x3], $0x400, $0x38;
	[tilespmem:$0x1EA40] =	vst v63  }
0x88: {  	_ =	swait.ge [sflag:s24], $0x400  }
0x89: {  	[sflag:s24] =	ssyncset.done $0x0  }
0x8a: {  	s12 =	rddreg [dreg:$0x9];
	[sflag:s24] =	ssyncadd.s32 $0xFFFFFC00  }
0x8b: {  	[spmem:s12] =	stream.linear.scatter [tilespmem:s23], [sflag:$0x3], $0x400, $0x38;
	[tilespmem:$0x1EA40] =	vst v63  }
0x8c: {  	_ =	swait.ge [sflag:s24], $0x400  }
0x8d: {  	[sflag:s24] =	ssyncset.done $0x0  }
0x8e: {  	s13 =	rddreg [dreg:$0xa];
	[sflag:s24] =	ssyncadd.s32 $0xFFFFFC00  }
0x8f: {  	[spmem:s13] =	stream.linear.scatter [tilespmem:s23], [sflag:$0x3], $0x400, $0x38;
	[tilespmem:$0x1EA40] =	vst v63  }
0x90: {  	_ =	swait.ge [sflag:s24], $0x400  }
0x91: {  	[sflag:s24] =	ssyncset.done $0x0  }
0x92: {  	s14 =	rddreg [dreg:$0xb];
	[sflag:s24] =	ssyncadd.s32 $0xFFFFFC00  }
0x93: {  	[spmem:s14] =	stream.linear.scatter [tilespmem:s23], [sflag:$0x3], $0x400, $0x38;
	[tilespmem:$0x1EA40] =	vst v63  }
0x94: {  	_ =	swait.ge [sflag:s24], $0x400  }
0x95: {  	[sflag:s24] =	ssyncset.done $0x0  }
0x96: {  	s15 =	rddreg [dreg:$0xc];
	[sflag:s24] =	ssyncadd.s32 $0xFFFFFC00  }
0x97: {  	[spmem:s15] =	stream.linear.scatter [tilespmem:s23], [sflag:$0x3], $0x400, $0x38;
	[tilespmem:$0x1EA40] =	vst v63  }
0x98: {  	_ =	swait.ge [sflag:s24], $0x400  }
0x99: {  	[sflag:s24] =	ssyncset.done $0x0  }
0x9a: {  	s16 =	rddreg [dreg:$0xd];
	[sflag:s24] =	ssyncadd.s32 $0xFFFFFC00  }
0x9b: {  	[spmem:s16] =	stream.linear.scatter [tilespmem:s23], [sflag:$0x3], $0x400, $0x38;
	[tilespmem:$0x1EA40] =	vst v63  }
0x9c: {  	_ =	swait.ge [sflag:s24], $0x400  }
0x9d: {  	[sflag:s24] =	ssyncset.done $0x0  }
0x9e: {  	s17 =	rddreg [dreg:$0xe];
	[sflag:s24] =	ssyncadd.s32 $0xFFFFFC00  }
0x9f: {  	[spmem:s17] =	stream.linear.scatter [tilespmem:s23], [sflag:$0x3], $0x400, $0x38;
	[tilespmem:$0x1EA40] =	vst v63  }
0xa0: {  	_ =	swait.ge [sflag:s24], $0x400  }
0xa1: {  	[sflag:s24] =	ssyncset.done $0x0  }
0xa2: {  	s11 =	rddreg [dreg:$0xf];
	[sflag:s24] =	ssyncadd.s32 $0xFFFFFC00  }
0xa3: {  	[spmem:s11] =	stream.linear.scatter [tilespmem:s23], [sflag:$0x3], $0x400, $0x38;
	[tilespmem:$0x1EA40] =	vst v63  }
0xa4: {  	_ =	swait.ge [sflag:s24], $0x400  }
0xa5: {  	[sflag:s24] =	ssyncset.done $0x0  }
0xa6: {  	s12 =	rddreg [dreg:$0x10];
	[sflag:s24] =	ssyncadd.s32 $0xFFFFFC00  }
0xa7: {  	[spmem:s12] =	stream.linear.scatter [tilespmem:s23], [sflag:$0x3], $0x400, $0x38;
	[tilespmem:$0x1EA40] =	vst v63  }
0xa8: {  	_ =	swait.ge [sflag:s24], $0x400  }
0xa9: {  	[sflag:s24] =	ssyncset.done $0x0  }
0xaa: {  	s13 =	rddreg [dreg:$0x12];
	[sflag:s24] =	ssyncadd.s32 $0xFFFFFC00  }
0xab: {  	[spmem:s13] =	stream.linear.scatter [tilespmem:s23], [sflag:$0x3], $0x400, $0x38;
	[tilespmem:$0x1EA40] =	vst v63  }
0xac: {  	_ =	swait.ge [sflag:s24], $0x400  }
0xad: {  	[sflag:s24] =	ssyncset.done $0x0  }
0xae: {  	s14 =	rddreg [dreg:$0x13];
	[sflag:s24] =	ssyncadd.s32 $0xFFFFFC00  }
0xaf: {  	[spmem:s14] =	stream.linear.scatter [tilespmem:s23], [sflag:$0x3], $0x400, $0x38;
	[tilespmem:$0x1EA40] =	vst v63  }
0xb0: {  	_ =	swait.ge [sflag:s24], $0x400  }
0xb1: {  	[sflag:s24] =	ssyncset.done $0x0  }
0xb2: {  	s15 =	rddreg [dreg:$0x14];
	[sflag:s24] =	ssyncadd.s32 $0xFFFFFC00  }
0xb3: {  	[spmem:s15] =	stream.linear.scatter [tilespmem:s23], [sflag:$0x3], $0x400, $0x38;
	[tilespmem:$0x1EA40] =	vst v63  }
0xb4: {  	_ =	swait.ge [sflag:s24], $0x400  }
0xb5: {  	[sflag:s24] =	ssyncset.done $0x0  }
0xb6: {  	s16 =	rddreg [dreg:$0x15];
	[sflag:s24] =	ssyncadd.s32 $0xFFFFFC00  }
0xb7: {  	[spmem:s16] =	stream.linear.scatter [tilespmem:s23], [sflag:$0x3], $0x400, $0x38;
	[tilespmem:$0x1EA40] =	vst v63  }
0xb8: {  	_ =	swait.ge [sflag:s24], $0x400  }
0xb9: {  	[sflag:s24] =	ssyncset.done $0x0  }
0xba: {  	s17 =	rddreg [dreg:$0x16];
	[sflag:s24] =	ssyncadd.s32 $0xFFFFFC00  }
0xbb: {  	[spmem:s17] =	stream.linear.scatter [tilespmem:s23], [sflag:$0x3], $0x400, $0x38;
	[tilespmem:$0x1EA40] =	vst v63  }
0xbc: {  	_ =	swait.ge [sflag:s24], $0x400  }
0xbd: {  	[sflag:s24] =	ssyncset.done $0x0  }
0xbe: {  	s11 =	rddreg [dreg:$0x17];
	[sflag:s24] =	ssyncadd.s32 $0xFFFFFC00  }
0xbf: {  	[spmem:s11] =	stream.linear.scatter [tilespmem:s23], [sflag:$0x3], $0x400, $0x38;
	[tilespmem:$0x1EA40] =	vst v63  }
0xc0: {  	_ =	swait.ge [sflag:s24], $0x400  }
0xc1: {  	[sflag:s24] =	ssyncset.done $0x0  }
0xc2: {  	s12 =	rddreg [dreg:$0x18];
	[sflag:s24] =	ssyncadd.s32 $0xFFFFFC00  }
0xc3: {  	[spmem:s12] =	stream.linear.scatter [tilespmem:s23], [sflag:$0x3], $0x400, $0x38;
	[tilespmem:$0x1EA40] =	vst v63  }
0xc4: {  	_ =	swait.ge [sflag:s24], $0x400  }
0xc5: {  	[sflag:s24] =	ssyncset.done $0x0  }
0xc6: {  	s13 =	rddreg [dreg:$0x19];
	[sflag:s24] =	ssyncadd.s32 $0xFFFFFC00  }
0xc7: {  	[spmem:s13] =	stream.linear.scatter [tilespmem:s23], [sflag:$0x3], $0x400, $0x38;
	[tilespmem:$0x1EA40] =	vst v63  }
0xc8: {  	_ =	swait.ge [sflag:s24], $0x400  }
0xc9: {  	[sflag:s24] =	ssyncset.done $0x0  }
0xca: {  	s14 =	rddreg [dreg:$0x1a];
	[sflag:s24] =	ssyncadd.s32 $0xFFFFFC00  }
0xcb: {  	[spmem:s14] =	stream.linear.scatter [tilespmem:s23], [sflag:$0x3], $0x400, $0x38;
	[tilespmem:$0x1EA40] =	vst v63  }
0xcc: {  	_ =	swait.ge [sflag:s24], $0x400  }
0xcd: {  	[sflag:s24] =	ssyncset.done $0x0  }
0xce: {  	s15 =	rddreg [dreg:$0x1b];
	[sflag:s24] =	ssyncadd.s32 $0xFFFFFC00  }
0xcf: {  	[spmem:s15] =	stream.linear.scatter [tilespmem:s23], [sflag:$0x3], $0x400, $0x38;
	[tilespmem:$0x1EA40] =	vst v63  }
0xd0: {  	_ =	swait.ge [sflag:s24], $0x400  }
0xd1: {  	[sflag:s24] =	ssyncset.done $0x0  }
0xd2: {  	s16 =	rddreg [dreg:$0x1c];
	[sflag:s24] =	ssyncadd.s32 $0xFFFFFC00  }
0xd3: {  	[spmem:s16] =	stream.linear.scatter [tilespmem:s23], [sflag:$0x3], $0x400, $0x38;
	[tilespmem:$0x1EA40] =	vst v63  }
0xd4: {  	_ =	swait.ge [sflag:s24], $0x400  }
0xd5: {  	[sflag:s24] =	ssyncset.done $0x0  }
0xd6: {  	s17 =	rddreg [dreg:$0x1d];
	[sflag:s24] =	ssyncadd.s32 $0xFFFFFC00  }
0xd7: {  	[spmem:s17] =	stream.linear.scatter [tilespmem:s23], [sflag:$0x3], $0x400, $0x38;
	[tilespmem:$0x1EA40] =	vst v63  }
0xd8: {  	_ =	swait.ge [sflag:s24], $0x400  }
0xd9: {  	[sflag:s24] =	ssyncset.done $0x0  }
0xda: {  	s11 =	rddreg [dreg:$0x1e];
	[sflag:s24] =	ssyncadd.s32 $0xFFFFFC00  }
0xdb: {  	[spmem:s11] =	stream.linear.scatter [tilespmem:s23], [sflag:$0x3], $0x400, $0x38;
	[tilespmem:$0x1EA40] =	vst v63  }
0xdc: {  	_ =	swait.ge [sflag:s24], $0x400  }
0xdd: {  	[sflag:s24] =	ssyncset.done $0x0  }
0xde: {  	s12 =	rddreg [dreg:$0x1f];
	[sflag:s24] =	ssyncadd.s32 $0xFFFFFC00  }
0xdf: {  	[spmem:s12] =	stream.linear.scatter [tilespmem:s23], [sflag:$0x3], $0x400, $0x38;
	[tilespmem:$0x1EA40] =	vst v63  }
0xe0: {  	_ =	swait.ge [sflag:s24], $0x400  }
0xe1: {  	s13 =	sld [smem:$0x7F4]  }
0xe2: {  	[sflag:s24] =	ssyncset.done $0x0  }
0xe3: {  	[sflag:s24] =	ssyncadd.s32 $0xFFFFFC00  }
0xe4: {  	[spmem:s13] =	stream.linear.scatter [tilespmem:s23], [sflag:$0x3], $0x400, $0x38;
	[tilespmem:$0x1EA40] =	vst v63  }
0xe5: {  	_ =	swait.ge [sflag:s24], $0x400  }
0xe6: {  	s14 =	sld [smem:$0x7F5]  }
0xe7: {  	[sflag:s24] =	ssyncset.done $0x0  }
0xe8: {  	[sflag:s24] =	ssyncadd.s32 $0xFFFFFC00  }
0xe9: {  	[spmem:s14] =	stream.linear.scatter [tilespmem:s23], [sflag:$0x3], $0x400, $0x38;
	[tilespmem:$0x1EA40] =	vst v63  }
0xea: {  	_ =	swait.ge [sflag:s24], $0x400  }
0xeb: {  	s15 =	sld [smem:$0x7F6]  }
0xec: {  	[sflag:s24] =	ssyncset.done $0x0  }
0xed: {  	[sflag:s24] =	ssyncadd.s32 $0xFFFFFC00  }
0xee: {  	[spmem:s15] =	stream.linear.scatter [tilespmem:s23], [sflag:$0x3], $0x400, $0x38;
	[tilespmem:$0x1EA40] =	vst v63  }
0xef: {  	_ =	swait.ge [sflag:s24], $0x400  }
0xf0: {  	s16 =	sld [smem:$0x7F7]  }
0xf1: {  	[sflag:s24] =	ssyncset.done $0x0  }
0xf2: {  	[sflag:s24] =	ssyncadd.s32 $0xFFFFFC00  }
0xf3: {  	[spmem:s16] =	stream.linear.scatter [tilespmem:s23], [sflag:$0x3], $0x400, $0x38;
	[tilespmem:$0x1EA40] =	vst v63  }
0xf4: {  	_ =	swait.ge [sflag:s24], $0x400  }
0xf5: {  	s17 =	sld [smem:$0x7F8]  }
0xf6: {  	[sflag:s24] =	ssyncset.done $0x0  }
0xf7: {  	[sflag:s24] =	ssyncadd.s32 $0xFFFFFC00  }
0xf8: {  	[spmem:s17] =	stream.linear.scatter [tilespmem:s23], [sflag:$0x3], $0x400, $0x38;
	[tilespmem:$0x1EA40] =	vst v63  }
0xf9: {  	_ =	swait.ge [sflag:s24], $0x400  }
0xfa: {  	s11 =	sld [smem:$0x7F9]  }
0xfb: {  	[sflag:s24] =	ssyncset.done $0x0  }
0xfc: {  	[sflag:s24] =	ssyncadd.s32 $0xFFFFFC00  }
0xfd: {  	[spmem:s11] =	stream.linear.scatter [tilespmem:s23], [sflag:$0x3], $0x400, $0x38;
	[tilespmem:$0x1EA40] =	vst v63  }
0xfe: {  	_ =	swait.ge [sflag:s24], $0x400  }
0xff: {  	s12 =	sld [smem:$0x7FA]  }
0x100: {  	[sflag:s24] =	ssyncset.done $0x0  }
0x101: {  	[sflag:s24] =	ssyncadd.s32 $0xFFFFFC00  }
0x102: {  	[spmem:s12] =	stream.linear.scatter [tilespmem:s23], [sflag:$0x3], $0x400, $0x38;
	[tilespmem:$0x1EA40] =	vst v63  }
0x103: {  	_ =	swait.ge [sflag:s24], $0x400  }
0x104: {  	s13 =	sld [smem:$0x7FB]  }
0x105: {  	[sflag:s24] =	ssyncset.done $0x0  }
0x106: {  	[sflag:s24] =	ssyncadd.s32 $0xFFFFFC00  }
0x107: {  	[spmem:s13] =	stream.linear.scatter [tilespmem:s23], [sflag:$0x3], $0x400, $0x38;
	[tilespmem:$0x1EA40] =	vst v63  }
0x108: {  	_ =	swait.ge [sflag:s24], $0x400  }
0x109: {  	s14 =	sld [smem:$0x7FC]  }
0x10a: {  	[sflag:s24] =	ssyncset.done $0x0  }
0x10b: {  	[sflag:s24] =	ssyncadd.s32 $0xFFFFFC00  }
0x10c: {  	[spmem:s14] =	stream.linear.scatter [tilespmem:s23], [sflag:$0x3], $0x400, $0x38;
	[tilespmem:$0x1EA40] =	vst v63  }
0x10d: {  	_ =	swait.ge [sflag:s24], $0x400  }
0x10e: {  	s15 =	sld [smem:$0x7FD]  }
0x10f: {  	[sflag:s24] =	ssyncset.done $0x0  }
0x110: {  	[sflag:s24] =	ssyncadd.s32 $0xFFFFFC00  }
0x111: {  	[spmem:s15] =	stream.linear.scatter [tilespmem:s23], [sflag:$0x3], $0x400, $0x38;
	[tilespmem:$0x1EA40] =	vst v63  }
0x112: {  	_ =	swait.ge [sflag:s24], $0x400  }
0x113: {  	[sflag:s24] =	ssyncset.done $0x0  }
0x114: {  	s10 =	simm.s32 @!p0 $0x14A00;
	[sflag:s24] =	ssyncadd.s32 $0xFFFFFC00  }
0x115: {  	[spmem:s22] =	stream.linear.scatter @!p0 [tilespmem:s10], [sflag:$0x3], $0x400, $0x38;
	[tilespmem:$0x1EA40] =	vst v63  }
0x116: {  	s10 =	simm.s32 @!p0 $0x3  }
0x117: {  	_ =	swait.ge @!p0 [sflag:s10], $0x400  }
0x118: {  	[sflag:s10] =	ssyncset.done @!p0 $0x0  }
0x119: {  	[sflag:s10] =	ssyncadd.s32 @!p0 $0xFFFFFC00  }
0x11a: {  	[tilespmem:s3], [sflag:$0x3] =	stream.linear.gather [hbm4b:s18+s3], $0x2800, $0x38;
	[tilespmem:$0x1EA40] =	vst v63  }
0x11b: {  	_ =	swait.ge [sflag:s24], $0x2800  }
0x11c: {  	[sflag:s24] =	ssyncset.done $0x0  }
0x11d: {  	s16 =	simm.s32 $0x2800;
	[sflag:s24] =	ssyncadd.s32 $0xFFFFD800  }
0x11e: {  	[tilespmem:s16], [sflag:$0x3] =	stream.linear.gather [hbm4b:s19+s3], $0x2800, $0x38;
	[tilespmem:$0x1EA40] =	vst v63  }
0x11f: {  	_ =	swait.ge [sflag:s24], $0x2800  }
0x120: {  	[sflag:s24] =	ssyncset.done $0x0  }
0x121: {  	[sflag:s24] =	ssyncadd.s32 $0xFFFFD800  }
0x122: {  	[bflag:$0x0] =	sbarrier.arrive $0xFFFF  }
0x123: {  	[tilespmem:s26], [sflag:$0x1] =	stream.indirect.gather [hbm4b:s4+s25], $0x40, s3, s25, $0xb8;
	[tilespmem:$0x1EA40] =	vst v63  }
0x124: {  	s17 =	simm.s32 $0x80  }
0x125: {  	[tilespmem:s28], [sflag:$0x1] =	stream.indirect.gather [hbm4b:s4+s25], $0x40, s17, s25, $0xb8;
	[tilespmem:$0x1EA40] =	vst v63  }
0x126: {  	s11 =	simm.s32 $0x100  }
0x127: {  	[tilespmem:s29], [sflag:$0x1] =	stream.indirect.gather [hbm4b:s4+s25], $0x40, s11, s25, $0xb8;
	[tilespmem:$0x1EA40] =	vst v63  }
0x128: {  	s12 =	simm.s32 $0x180  }
0x129: {  	[tilespmem:s30], [sflag:$0x1] =	stream.indirect.gather [hbm4b:s4+s25], $0x40, s12, s25, $0xb8;
	[tilespmem:$0x1EA40] =	vst v63  }
0x12a: {  	s13 =	simm.s32 $0x200  }
0x12b: {  	[tilespmem:s31], [sflag:$0x2] =	stream.indirect.gather [hbm4b:s4+s25], $0x40, s13, s25, $0xb8;
	[tilespmem:$0x1EA40] =	vst v63  }
0x12c: {  	s14 =	simm.s32 $0x280  }
0x12d: {  	[tilespmem:s1], [sflag:$0x2] =	stream.indirect.gather [hbm4b:s4+s25], $0x40, s14, s25, $0xb8;
	[tilespmem:$0x1EA40] =	vst v63  }
0x12e: {  	s15 =	simm.s32 $0x300  }
0x12f: {  	[tilespmem:s0], [sflag:$0x2] =	stream.indirect.gather [hbm4b:s4+s25], $0x40, s15, s25, $0xb8;
	[tilespmem:$0x1EA40] =	vst v63  }
0x130: {  	s16 =	simm.s32 $0x380  }
0x131: {  	[tilespmem:s6], [sflag:$0x2] =	stream.indirect.gather [hbm4b:s4+s25], $0x40, s16, s25, $0xb8;
	[tilespmem:$0x1EA40] =	vst v63  }
0x132: {  	_ =	swait.ge [sflag:s7], $0x1F40  }
0x133: {  	[sflag:s7] =	ssyncset.done $0x0  }
0x134: {  	s17 =	simm.s32 $0x2800;
	[sflag:s7] =	ssyncadd.s32 $0xFFFFE0C0  }
0x135: {  	[spmem:s2] =	stream.indirect.scatter.add.f32 [tilespmem:s26], [sflag:$0x3], $0x40, s17, s25, $0xb8;
	[tilespmem:$0x1EA40] =	vst v63  }
0x136: {  	_ =	swait.ge [sflag:s24], $0x1F40  }
0x137: {  	[sflag:s24] =	ssyncset.done $0x0  }
0x138: {  	[sflag:s24] =	ssyncadd.s32 $0xFFFFE0C0  }
0x139: {  	_ =	swait.ge [sflag:s7], $0x1F40  }
0x13a: {  	[sflag:s7] =	ssyncset.done $0x0  }
0x13b: {  	s11 =	simm.s32 $0x2880;
	[sflag:s7] =	ssyncadd.s32 $0xFFFFE0C0  }
0x13c: {  	[spmem:s2] =	stream.indirect.scatter.add.f32 [tilespmem:s28], [sflag:$0x3], $0x40, s11, s25, $0xb8;
	[tilespmem:$0x1EA40] =	vst v63  }
0x13d: {  	_ =	swait.ge [sflag:s24], $0x1F40  }
0x13e: {  	[sflag:s24] =	ssyncset.done $0x0  }
0x13f: {  	[sflag:s24] =	ssyncadd.s32 $0xFFFFE0C0  }
0x140: {  	_ =	swait.ge [sflag:s7], $0x1F40  }
0x141: {  	[sflag:s7] =	ssyncset.done $0x0  }
0x142: {  	s12 =	simm.s32 $0x2900;
	[sflag:s7] =	ssyncadd.s32 $0xFFFFE0C0  }
0x143: {  	[spmem:s2] =	stream.indirect.scatter.add.f32 [tilespmem:s29], [sflag:$0x3], $0x40, s12, s25, $0xb8;
	[tilespmem:$0x1EA40] =	vst v63  }
0x144: {  	_ =	swait.ge [sflag:s24], $0x1F40  }
0x145: {  	[sflag:s24] =	ssyncset.done $0x0  }
0x146: {  	[sflag:s24] =	ssyncadd.s32 $0xFFFFE0C0  }
0x147: {  	_ =	swait.ge [sflag:s7], $0x1F40  }
0x148: {  	[sflag:s7] =	ssyncset.done $0x0  }
0x149: {  	s13 =	simm.s32 $0x2980;
	[sflag:s7] =	ssyncadd.s32 $0xFFFFE0C0  }
0x14a: {  	[spmem:s2] =	stream.indirect.scatter.add.f32 [tilespmem:s30], [sflag:$0x3], $0x40, s13, s25, $0xb8;
	[tilespmem:$0x1EA40] =	vst v63  }
0x14b: {  	p1 =	por $0x0, $0x0;
	_ =	swait.ge [sflag:s24], $0x1F40  }
0x14c: {  	s10 =	simm.s32 @!p1 $0x5000;
	[sflag:s24] =	ssyncset.done $0x0  }
0x14d: {  	s11 =	simm.s32 @!p1 $0x400;
	s12 =	simm.s32 @!p1 $0x7D;
	[sflag:s24] =	ssyncadd.s32 $0xFFFFE0C0  }
0x14e: {  	[tilespmem:s10], [sflag:$0x1] =	stream.indirect.gather @!p1 [hbm4b:s4+s12], $0x40, s11, s12, $0xb8;
	[tilespmem:$0x1EA40] =	vst v63  }
0x14f: {  	s10 =	simm.s32 @!p1 $0x480;
	s11 =	simm.s32 @!p1 $0x6F40  }
0x150: {  	[tilespmem:s11], [sflag:$0x1] =	stream.indirect.gather @!p1 [hbm4b:s4+s12], $0x40, s10, s12, $0xb8;
	[tilespmem:$0x1EA40] =	vst v63  }
0x151: {  	s10 =	simm.s32 @!p1 $0x500;
	s11 =	simm.s32 @!p1 $0x8E80  }
0x152: {  	[tilespmem:s11], [sflag:$0x1] =	stream.indirect.gather @!p1 [hbm4b:s4+s12], $0x40, s10, s12, $0xb8;
	[tilespmem:$0x1EA40] =	vst v63  }
0x153: {  	s10 =	simm.s32 @!p1 $0x580;
	s11 =	simm.s32 @!p1 $0xADC0  }
0x154: {  	[tilespmem:s11], [sflag:$0x1] =	stream.indirect.gather @!p1 [hbm4b:s4+s12], $0x40, s10, s12, $0xb8;
	[tilespmem:$0x1EA40] =	vst v63  }
0x155: {  	_ =	swait.ge [sflag:s8], $0x1F40  }
0x156: {  	[sflag:s8] =	ssyncset.done $0x0  }
0x157: {  	s14 =	simm.s32 $0x2A00;
	[sflag:s8] =	ssyncadd.s32 $0xFFFFE0C0  }
0x158: {  	[spmem:s2] =	stream.indirect.scatter.add.f32 [tilespmem:s31], [sflag:$0x3], $0x40, s14, s25, $0xb8;
	[tilespmem:$0x1EA40] =	vst v63  }
0x159: {  	_ =	swait.ge [sflag:s24], $0x1F40  }
0x15a: {  	[sflag:s24] =	ssyncset.done $0x0  }
0x15b: {  	[sflag:s24] =	ssyncadd.s32 $0xFFFFE0C0  }
0x15c: {  	_ =	swait.ge [sflag:s8], $0x1F40  }
0x15d: {  	[sflag:s8] =	ssyncset.done $0x0  }
0x15e: {  	s15 =	simm.s32 $0x2A80;
	[sflag:s8] =	ssyncadd.s32 $0xFFFFE0C0  }
0x15f: {  	[spmem:s2] =	stream.indirect.scatter.add.f32 [tilespmem:s1], [sflag:$0x3], $0x40, s15, s25, $0xb8;
	[tilespmem:$0x1EA40] =	vst v63  }
0x160: {  	_ =	swait.ge [sflag:s24], $0x1F40  }
0x161: {  	[sflag:s24] =	ssyncset.done $0x0  }
0x162: {  	[sflag:s24] =	ssyncadd.s32 $0xFFFFE0C0  }
0x163: {  	_ =	swait.ge [sflag:s8], $0x1F40  }
0x164: {  	[sflag:s8] =	ssyncset.done $0x0  }
0x165: {  	s16 =	simm.s32 $0x2B00;
	[sflag:s8] =	ssyncadd.s32 $0xFFFFE0C0  }
0x166: {  	[spmem:s2] =	stream.indirect.scatter.add.f32 [tilespmem:s0], [sflag:$0x3], $0x40, s16, s25, $0xb8;
	[tilespmem:$0x1EA40] =	vst v63  }
0x167: {  	_ =	swait.ge [sflag:s24], $0x1F40  }
0x168: {  	[sflag:s24] =	ssyncset.done $0x0  }
0x169: {  	[sflag:s24] =	ssyncadd.s32 $0xFFFFE0C0  }
0x16a: {  	_ =	swait.ge [sflag:s8], $0x1F40  }
0x16b: {  	[sflag:s8] =	ssyncset.done $0x0  }
0x16c: {  	s17 =	simm.s32 $0x2B80;
	[sflag:s8] =	ssyncadd.s32 $0xFFFFE0C0  }
0x16d: {  	[spmem:s2] =	stream.indirect.scatter.add.f32 [tilespmem:s6], [sflag:$0x3], $0x40, s17, s25, $0xb8;
	[tilespmem:$0x1EA40] =	vst v63  }
0x16e: {  	s11 =	simm.s32 $0x1000;
	_ =	swait.ge [sflag:s24], $0x1F40  }
0x16f: {  	s12 =	simm.s32 $0x2000;
	s10 =	simm.s32 $0x400;
	[sflag:s24] =	ssyncset.done $0x0  }
.LBB2_2:
0x170: {  	s14 =	sadd.s32 $0x200, s10  }
0x171: {  	[sflag:s24] =	ssyncadd.s32 $0xFFFFE0C0;
	s13 =	smov.u32 s12;
	s12 =	sadd.s32 $0x1000, s12  }
0x172: {  	[tilespmem:s31], [sflag:$0x2] =	stream.indirect.gather [hbm4b:s4+s25], $0x40, s14, s25, $0xb8;
	[tilespmem:$0x1EA40] =	vst v63  }
0x173: {  	p1 =	sne.s32 s12, $0xA000;
	s14 =	sadd.s32 $0x280, s10  }
0x174: {  	[tilespmem:s1], [sflag:$0x2] =	stream.indirect.gather [hbm4b:s4+s25], $0x40, s14, s25, $0xb8;
	[tilespmem:$0x1EA40] =	vst v63  }
0x175: {  	s14 =	sadd.s32 $0x300, s10  }
0x176: {  	[tilespmem:s0], [sflag:$0x2] =	stream.indirect.gather [hbm4b:s4+s25], $0x40, s14, s25, $0xb8;
	[tilespmem:$0x1EA40] =	vst v63  }
0x177: {  	s14 =	sadd.s32 $0x380, s10  }
0x178: {  	[tilespmem:s6], [sflag:$0x2] =	stream.indirect.gather [hbm4b:s4+s25], $0x40, s14, s25, $0xb8;
	[tilespmem:$0x1EA40] =	vst v63  }
0x179: {  	_ =	swait.ge [sflag:s7], $0x1F40  }
0x17a: {  	[sflag:s7] =	ssyncset.done $0x0  }
0x17b: {  	s14 =	sadd.s32 $0x2800, s10;
	[sflag:s7] =	ssyncadd.s32 $0xFFFFE0C0  }
0x17c: {  	[spmem:s2] =	stream.indirect.scatter.add.f32 [tilespmem:s26], [sflag:$0x3], $0x40, s14, s25, $0xb8;
	[tilespmem:$0x1EA40] =	vst v63  }
0x17d: {  	_ =	swait.ge [sflag:s24], $0x1F40  }
0x17e: {  	[sflag:s24] =	ssyncset.done $0x0  }
0x17f: {  	[sflag:s24] =	ssyncadd.s32 $0xFFFFE0C0  }
0x180: {  	_ =	swait.ge [sflag:s7], $0x1F40  }
0x181: {  	[sflag:s7] =	ssyncset.done $0x0  }
0x182: {  	s14 =	sadd.s32 $0x2880, s10;
	[sflag:s7] =	ssyncadd.s32 $0xFFFFE0C0  }
0x183: {  	[spmem:s2] =	stream.indirect.scatter.add.f32 [tilespmem:s28], [sflag:$0x3], $0x40, s14, s25, $0xb8;
	[tilespmem:$0x1EA40] =	vst v63  }
0x184: {  	_ =	swait.ge [sflag:s24], $0x1F40  }
0x185: {  	[sflag:s24] =	ssyncset.done $0x0  }
0x186: {  	[sflag:s24] =	ssyncadd.s32 $0xFFFFE0C0  }
0x187: {  	_ =	swait.ge [sflag:s7], $0x1F40  }
0x188: {  	[sflag:s7] =	ssyncset.done $0x0  }
0x189: {  	s14 =	sadd.s32 $0x2900, s10;
	[sflag:s7] =	ssyncadd.s32 $0xFFFFE0C0  }
0x18a: {  	[spmem:s2] =	stream.indirect.scatter.add.f32 [tilespmem:s29], [sflag:$0x3], $0x40, s14, s25, $0xb8;
	[tilespmem:$0x1EA40] =	vst v63  }
0x18b: {  	_ =	swait.ge [sflag:s24], $0x1F40  }
0x18c: {  	[sflag:s24] =	ssyncset.done $0x0  }
0x18d: {  	[sflag:s24] =	ssyncadd.s32 $0xFFFFE0C0  }
0x18e: {  	_ =	swait.ge [sflag:s7], $0x1F40  }
0x18f: {  	[sflag:s7] =	ssyncset.done $0x0  }
0x190: {  	s14 =	sadd.s32 $0x2980, s10;
	[sflag:s7] =	ssyncadd.s32 $0xFFFFE0C0  }
0x191: {  	[spmem:s2] =	stream.indirect.scatter.add.f32 [tilespmem:s30], [sflag:$0x3], $0x40, s14, s25, $0xb8;
	[tilespmem:$0x1EA40] =	vst v63  }
0x192: {  	p2 =	seq.s32 s11, $0x9000;
	_ =	swait.ge [sflag:s24], $0x1F40  }
0x193: {  	s11 =	sshra.s32 @!p2 s11, $0x2;
	s14 =	simm.s32 @!p2 $0x5000;
	[sflag:s24] =	ssyncset.done $0x0  }
0x194: {  	s16 =	simm.s32 @!p2 $0x7D;
	s15 =	sadd.s32 @!p2 $0x400, s11;
	[sflag:s24] =	ssyncadd.s32 $0xFFFFE0C0  }
0x195: {  	[tilespmem:s14], [sflag:$0x1] =	stream.indirect.gather @!p2 [hbm4b:s4+s16], $0x40, s15, s16, $0xb8;
	[tilespmem:$0x1EA40] =	vst v63  }
0x196: {  	s17 =	sadd.s32 @!p2 $0x500, s11;
	s14 =	sadd.s32 @!p2 $0x480, s11;
	s15 =	simm.s32 @!p2 $0x6F40  }
0x197: {  	[tilespmem:s15], [sflag:$0x1] =	stream.indirect.gather @!p2 [hbm4b:s4+s16], $0x40, s14, s16, $0xb8;
	[tilespmem:$0x1EA40] =	vst v63  }
0x198: {  	s14 =	simm.s32 @!p2 $0x8E80;
	s15 =	sadd.s32 @!p2 $0x580, s11;
	s11 =	smov.u32 s13  }
0x199: {  	[tilespmem:s14], [sflag:$0x1] =	stream.indirect.gather @!p2 [hbm4b:s4+s16], $0x40, s17, s16, $0xb8;
	[tilespmem:$0x1EA40] =	vst v63  }
0x19a: {  	s13 =	simm.s32 @!p2 $0xADC0  }
0x19b: {  	[tilespmem:s13], [sflag:$0x1] =	stream.indirect.gather @!p2 [hbm4b:s4+s16], $0x40, s15, s16, $0xb8;
	[tilespmem:$0x1EA40] =	vst v63  }
0x19c: {  	_ =	swait.ge [sflag:s8], $0x1F40  }
0x19d: {  	[sflag:s8] =	ssyncset.done $0x0  }
0x19e: {  	s13 =	sadd.s32 $0x2A00, s10;
	[sflag:s8] =	ssyncadd.s32 $0xFFFFE0C0  }
0x19f: {  	[spmem:s2] =	stream.indirect.scatter.add.f32 [tilespmem:s31], [sflag:$0x3], $0x40, s13, s25, $0xb8;
	[tilespmem:$0x1EA40] =	vst v63  }
0x1a0: {  	_ =	swait.ge [sflag:s24], $0x1F40  }
0x1a1: {  	[sflag:s24] =	ssyncset.done $0x0  }
0x1a2: {  	[sflag:s24] =	ssyncadd.s32 $0xFFFFE0C0  }
0x1a3: {  	_ =	swait.ge [sflag:s8], $0x1F40  }
0x1a4: {  	[sflag:s8] =	ssyncset.done $0x0  }
0x1a5: {  	s13 =	sadd.s32 $0x2A80, s10;
	[sflag:s8] =	ssyncadd.s32 $0xFFFFE0C0  }
0x1a6: {  	[spmem:s2] =	stream.indirect.scatter.add.f32 [tilespmem:s1], [sflag:$0x3], $0x40, s13, s25, $0xb8;
	[tilespmem:$0x1EA40] =	vst v63  }
0x1a7: {  	_ =	swait.ge [sflag:s24], $0x1F40  }
0x1a8: {  	[sflag:s24] =	ssyncset.done $0x0  }
0x1a9: {  	[sflag:s24] =	ssyncadd.s32 $0xFFFFE0C0  }
0x1aa: {  	_ =	swait.ge [sflag:s8], $0x1F40  }
0x1ab: {  	[sflag:s8] =	ssyncset.done $0x0  }
0x1ac: {  	s13 =	sadd.s32 $0x2B00, s10;
	[sflag:s8] =	ssyncadd.s32 $0xFFFFE0C0  }
0x1ad: {  	[spmem:s2] =	stream.indirect.scatter.add.f32 [tilespmem:s0], [sflag:$0x3], $0x40, s13, s25, $0xb8;
	[tilespmem:$0x1EA40] =	vst v63  }
0x1ae: {  	_ =	swait.ge [sflag:s24], $0x1F40  }
0x1af: {  	[sflag:s24] =	ssyncset.done $0x0  }
0x1b0: {  	[sflag:s24] =	ssyncadd.s32 $0xFFFFE0C0  }
0x1b1: {  	_ =	swait.ge [sflag:s8], $0x1F40  }
.Ltmp0:
0x1b2: {  	[sflag:s8] =	ssyncset.done $0x0;
	(pc) =	sbr.rel @p1 .LBB2_2-.Ltmp0, $4  }
0x1b3: {  	s10 =	sadd.s32 $0x2B80, s10;
	[sflag:s8] =	ssyncadd.s32 $0xFFFFE0C0  }
0x1b4: {  	[spmem:s2] =	stream.indirect.scatter.add.f32 [tilespmem:s6], [sflag:$0x3], $0x40, s10, s25, $0xb8;
	[tilespmem:$0x1EA40] =	vst v63  }
0x1b5: {  	_ =	swait.ge [sflag:s24], $0x1F40  }
0x1b6: {  	s10 =	sshra.s32 s11, $0x2;
	[sflag:s24] =	ssyncset.done $0x0  }
0x1b7: {  	s12 =	sadd.s32 $0x200, s10;
	[sflag:s24] =	ssyncadd.s32 $0xFFFFE0C0  }
0x1b8: {  	[tilespmem:s31], [sflag:$0x2] =	stream.indirect.gather [hbm4b:s4+s25], $0x40, s12, s25, $0xb8;
	[tilespmem:$0x1EA40] =	vst v63  }
0x1b9: {  	s15 =	sadd.s32 $0x280, s10  }
0x1ba: {  	[tilespmem:s1], [sflag:$0x2] =	stream.indirect.gather [hbm4b:s4+s25], $0x40, s15, s25, $0xb8;
	[tilespmem:$0x1EA40] =	vst v63  }
0x1bb: {  	s16 =	sadd.s32 $0x300, s10  }
0x1bc: {  	[tilespmem:s0], [sflag:$0x2] =	stream.indirect.gather [hbm4b:s4+s25], $0x40, s16, s25, $0xb8;
	[tilespmem:$0x1EA40] =	vst v63  }
0x1bd: {  	s17 =	sadd.s32 $0x380, s10  }
0x1be: {  	[tilespmem:s6], [sflag:$0x2] =	stream.indirect.gather [hbm4b:s4+s25], $0x40, s17, s25, $0xb8;
	[tilespmem:$0x1EA40] =	vst v63  }
0x1bf: {  	_ =	swait.ge [sflag:s7], $0x1F40  }
0x1c0: {  	[sflag:s7] =	ssyncset.done $0x0  }
0x1c1: {  	s13 =	sadd.s32 $0x2800, s10;
	[sflag:s7] =	ssyncadd.s32 $0xFFFFE0C0  }
0x1c2: {  	[spmem:s2] =	stream.indirect.scatter.add.f32 [tilespmem:s26], [sflag:$0x3], $0x40, s13, s25, $0xb8;
	[tilespmem:$0x1EA40] =	vst v63  }
0x1c3: {  	_ =	swait.ge [sflag:s24], $0x1F40  }
0x1c4: {  	[sflag:s24] =	ssyncset.done $0x0  }
0x1c5: {  	[sflag:s24] =	ssyncadd.s32 $0xFFFFE0C0  }
0x1c6: {  	_ =	swait.ge [sflag:s7], $0x1F40  }
0x1c7: {  	[sflag:s7] =	ssyncset.done $0x0  }
0x1c8: {  	s14 =	sadd.s32 $0x2880, s10;
	[sflag:s7] =	ssyncadd.s32 $0xFFFFE0C0  }
0x1c9: {  	[spmem:s2] =	stream.indirect.scatter.add.f32 [tilespmem:s28], [sflag:$0x3], $0x40, s14, s25, $0xb8;
	[tilespmem:$0x1EA40] =	vst v63  }
0x1ca: {  	_ =	swait.ge [sflag:s24], $0x1F40  }
0x1cb: {  	[sflag:s24] =	ssyncset.done $0x0  }
0x1cc: {  	[sflag:s24] =	ssyncadd.s32 $0xFFFFE0C0  }
0x1cd: {  	_ =	swait.ge [sflag:s7], $0x1F40  }
0x1ce: {  	[sflag:s7] =	ssyncset.done $0x0  }
0x1cf: {  	s15 =	sadd.s32 $0x2900, s10;
	[sflag:s7] =	ssyncadd.s32 $0xFFFFE0C0  }
0x1d0: {  	[spmem:s2] =	stream.indirect.scatter.add.f32 [tilespmem:s29], [sflag:$0x3], $0x40, s15, s25, $0xb8;
	[tilespmem:$0x1EA40] =	vst v63  }
0x1d1: {  	_ =	swait.ge [sflag:s24], $0x1F40  }
0x1d2: {  	[sflag:s24] =	ssyncset.done $0x0  }
0x1d3: {  	[sflag:s24] =	ssyncadd.s32 $0xFFFFE0C0  }
0x1d4: {  	_ =	swait.ge [sflag:s7], $0x1F40  }
0x1d5: {  	[sflag:s7] =	ssyncset.done $0x0  }
0x1d6: {  	s16 =	sadd.s32 $0x2980, s10;
	[sflag:s7] =	ssyncadd.s32 $0xFFFFE0C0  }
0x1d7: {  	[spmem:s2] =	stream.indirect.scatter.add.f32 [tilespmem:s30], [sflag:$0x3], $0x40, s16, s25, $0xb8;
	[tilespmem:$0x1EA40] =	vst v63  }
0x1d8: {  	p1 =	seq.s32 s11, $0x9000;
	_ =	swait.ge [sflag:s24], $0x1F40  }
0x1d9: {  	s11 =	sshra.s32 @!p1 s11, $0x2;
	s12 =	simm.s32 @!p1 $0x5000;
	[sflag:s24] =	ssyncset.done $0x0  }
0x1da: {  	s13 =	sadd.s32 @!p1 $0x400, s11;
	s14 =	simm.s32 @!p1 $0x7D;
	[sflag:s24] =	ssyncadd.s32 $0xFFFFE0C0  }
0x1db: {  	[tilespmem:s12], [sflag:$0x1] =	stream.indirect.gather @!p1 [hbm4b:s4+s14], $0x40, s13, s14, $0xb8;
	[tilespmem:$0x1EA40] =	vst v63  }
0x1dc: {  	s12 =	sadd.s32 @!p1 $0x480, s11;
	s13 =	simm.s32 @!p1 $0x6F40  }
0x1dd: {  	[tilespmem:s13], [sflag:$0x1] =	stream.indirect.gather @!p1 [hbm4b:s4+s14], $0x40, s12, s14, $0xb8;
	[tilespmem:$0x1EA40] =	vst v63  }
0x1de: {  	s12 =	sadd.s32 @!p1 $0x500, s11;
	s13 =	simm.s32 @!p1 $0x8E80  }
0x1df: {  	[tilespmem:s13], [sflag:$0x1] =	stream.indirect.gather @!p1 [hbm4b:s4+s14], $0x40, s12, s14, $0xb8;
	[tilespmem:$0x1EA40] =	vst v63  }
0x1e0: {  	s11 =	sadd.s32 @!p1 $0x580, s11;
	s12 =	simm.s32 @!p1 $0xADC0  }
0x1e1: {  	[tilespmem:s12], [sflag:$0x1] =	stream.indirect.gather @!p1 [hbm4b:s4+s14], $0x40, s11, s14, $0xb8;
	[tilespmem:$0x1EA40] =	vst v63  }
0x1e2: {  	_ =	swait.ge [sflag:s8], $0x1F40  }
0x1e3: {  	[sflag:s8] =	ssyncset.done $0x0  }
0x1e4: {  	s17 =	sadd.s32 $0x2A00, s10;
	[sflag:s8] =	ssyncadd.s32 $0xFFFFE0C0  }
0x1e5: {  	[spmem:s2] =	stream.indirect.scatter.add.f32 [tilespmem:s31], [sflag:$0x3], $0x40, s17, s25, $0xb8;
	[tilespmem:$0x1EA40] =	vst v63  }
0x1e6: {  	_ =	swait.ge [sflag:s24], $0x1F40  }
0x1e7: {  	[sflag:s24] =	ssyncset.done $0x0  }
0x1e8: {  	[sflag:s24] =	ssyncadd.s32 $0xFFFFE0C0  }
0x1e9: {  	_ =	swait.ge [sflag:s8], $0x1F40  }
0x1ea: {  	[sflag:s8] =	ssyncset.done $0x0  }
0x1eb: {  	s12 =	sadd.s32 $0x2A80, s10;
	[sflag:s8] =	ssyncadd.s32 $0xFFFFE0C0  }
0x1ec: {  	[spmem:s2] =	stream.indirect.scatter.add.f32 [tilespmem:s1], [sflag:$0x3], $0x40, s12, s25, $0xb8;
	[tilespmem:$0x1EA40] =	vst v63  }
0x1ed: {  	_ =	swait.ge [sflag:s24], $0x1F40  }
0x1ee: {  	[sflag:s24] =	ssyncset.done $0x0  }
0x1ef: {  	[sflag:s24] =	ssyncadd.s32 $0xFFFFE0C0  }
0x1f0: {  	_ =	swait.ge [sflag:s8], $0x1F40  }
0x1f1: {  	[sflag:s8] =	ssyncset.done $0x0  }
0x1f2: {  	s13 =	sadd.s32 $0x2B00, s10;
	[sflag:s8] =	ssyncadd.s32 $0xFFFFE0C0  }
0x1f3: {  	[spmem:s2] =	stream.indirect.scatter.add.f32 [tilespmem:s0], [sflag:$0x3], $0x40, s13, s25, $0xb8;
	[tilespmem:$0x1EA40] =	vst v63  }
0x1f4: {  	_ =	swait.ge [sflag:s24], $0x1F40  }
0x1f5: {  	[sflag:s24] =	ssyncset.done $0x0  }
0x1f6: {  	[sflag:s24] =	ssyncadd.s32 $0xFFFFE0C0  }
0x1f7: {  	_ =	swait.ge [sflag:s8], $0x1F40  }
0x1f8: {  	[sflag:s8] =	ssyncset.done $0x0  }
0x1f9: {  	s14 =	sadd.s32 $0x2B80, s10;
	[sflag:s8] =	ssyncadd.s32 $0xFFFFE0C0  }
0x1fa: {  	[spmem:s2] =	stream.indirect.scatter.add.f32 [tilespmem:s6], [sflag:$0x3], $0x40, s14, s25, $0xb8;
	[tilespmem:$0x1EA40] =	vst v63  }
0x1fb: {  	_ =	swait.ge [sflag:s24], $0x1F40  }
0x1fc: {  	[sflag:s24] =	ssyncset.done $0x0  }
0x1fd: {  	s15 =	stileid.u32;
	[sflag:s24] =	ssyncadd.s32 $0xFFFFE0C0  }
0x1fe: {  	s10 =	sshll.u32 s15, $0x6;
	[bflag:$0x0] =	sbarrier.arrive $0xFFFF  }
0x1ff: {  	s16 =	sshrl.u32 s5, $0x3;
	s10 =	sor.u32 $0x1C03, s10;
	s17 =	rddreg [dreg:$0x11]  }
0x200: {  	[hbm:s17], [sflag:s10] =	dma.local [spmem:s16], $0x1380  }
0x201: {  	_ =	swait.ge [sflag:s24], $0x1380  }
0x202: {  	s9 =	sadd.s32 $0x1, s9;
	[sflag:s24] =	ssyncset.done $0x0  }
0x203: {  	s11 =	sshrl.u32 @!p0 s22, $0x3;
	p1 =	sne.s32 s9, s21;
	[sflag:s24] =	ssyncadd.s32 $0xFFFFEC80  }
0x204: {  	[hbm:s20], [sflag:s10] =	dma.local @!p0 [spmem:s11], $0x80  }
.Ltmp1:
0x205: {  	_ = 	snop;
	(pc) =	sbr.rel @p1 .LBB2_1-.Ltmp1, $4  }
0x206: {  	s10 =	simm.s32 @!p0 $0x3  }
0x207: {  	_ =	swait.ge @!p0 [sflag:s10], $0x80  }
0x208: {  	[sflag:s10] =	ssyncset.done @!p0 $0x0  }
0x209: {  	[sflag:s10] =	ssyncadd.s32 @!p0 $0xFFFFFF80  }
0x20a: {  	_ =	sfence.sel $0x180000  }
0x20b: {  	[bflag:$0x0] =	sbarrier.arrive $0xFFFF  }
0x20c: {  	_ =	strace $0x9000004A  }
0x20d: {  	s0 =	stileid.u32;
	[bflag:$0x2] =	sbarrier.arrive $0xFFFF  }
0x20e: {  	p0 =	sne.s32 s0, $0x0;
	s0 =	rddreg [dreg:$0x2]  }
0x20f: {  	s0 =	sadd.s32 @!p0 $0x100000, s0  }
0x210: {  	[sflag:s0] =	ssyncadd.tile.s32 @!p0 $0x1;
	_ =	shalt  }
.Lfunc_end2:
_tile_overlayer_lowered:
.L_overlay_start_2:
0x211: {  	(tag) =	ssettag $0x2  }
0x212: {  	s0 =	rddreg [dreg:$0x0];
	s2 =	stileid.u32  }
0x213: {  	s1 =	rddreg [dreg:$0x1];
	p0 =	sne.s32 s2, $0x0  }
0x214: {  	s3 =	rddreg [dreg:$0x2];
	[bflag:$0x3] =	sbarrier.arrive $0xFFFF;
	s2 =	simm.s32 @!p0 $0x1C03  }
0x215: {  	[timem:s3], [sflag:s2] =	dma.local @!p0 [hbm:s0], s1  }
0x216: {  	s0 =	simm.s32 @!p0 $0x3  }
0x217: {  	_ =	swait.ge @!p0 [sflag:s0], s1  }
0x218: {  	s1 =	ssub.s32 @!p0 $0x0, s1;
	[sflag:s0] =	ssyncset.done @!p0 $0x0  }
0x219: {  	[sflag:s0] =	ssyncadd.s32 @!p0 s1  }
0x21a: {  	[bflag:$0x3] =	sbarrier.arrive $0xFFFF  }
0x21b: {  	_ =	shalt  }

// kernel: kernel.14.cloned.1.call-start
scs
__scs_entry_jumppad:
0x0: {  	(pc) =	sbr.rel $0x88, $3  }
0x1: {  	(tag) =	ssettag $0x0;
	lr =	simm.s32 $0x1  }
0x2: {  	[smem:$0x3F99] =	sst lr;
	_ =	strace $0xD0000000  }
0x3: {  	_ = 	snop  }
0x4: {  	_ = 	snop  }
0x5: {  	_ = 	snop  }
0x6: {  	_ = 	snop  }
0x7: {  	_ = 	snop  }
__scs_overlays_trampoline_lowered:
0x8: {  	[smem:$0x3FA8] =	sst s0  }
0x9: {  	[smem:$0x3FA9] =	sst s1  }
0xa: {  	[smem:$0x3FAA] =	sst s2  }
0xb: {  	[smem:$0x3FAB] =	sst s3  }
0xc: {  	[smem:$0x3FAC] =	sst s4  }
0xd: {  	[smem:$0x3FAD] =	sst s5  }
0xe: {  	[smem:$0x3FAE] =	sst s6  }
0xf: {  	[smem:$0x3FAF] =	sst s7  }
0x10: {  	[smem:$0x3FB0] =	sst s8  }
0x11: {  	[smem:$0x3FB1] =	sst s9;
	s0 =	simm.s32 @!p0 $0x0  }
0x12: {  	s1 =	sld [smem:$0x3F97];
	s0 =	simm.s32 @p0 $0x1  }
0x13: {  	[smem:$0x3FB2] =	sst s0;
	s0 =	simm.s32 @!p1 $0x0  }
0x14: {  	s2 =	sld [smem:$0x3F96];
	s0 =	simm.s32 @p1 $0x1  }
0x15: {  	[smem:$0x3FB3] =	sst s0;
	s0 =	simm.s32 @!p2 $0x0  }
0x16: {  	s3 =	sld [smem:$0x3FDB];
	s0 =	simm.s32 @p2 $0x1  }
0x17: {  	s4 =	simm.s32 $0x1BF5;
	[smem:$0x3FB5] =	sst s0  }
0x18: {  	s0 =	sld [smem:$0x3F98];
	_ =	swait.ge [sflag:s4], $0x0  }
0x19: {  	s7 =	sld [smem:$0x3F99]  }
0x1a: {  	s8 =	sadd.s32 $0xFFFFE003, lr  }
0x1b: {  	s9 =	sadd.s32 $0xFFFFFEF7, lr;
	s5 =	simm.s32 $0xFFFFFFFF;
	p2 =	slt.u32 s8, $0xFFFFF086  }
0x1c: {  	p1 =	slt.u32 s9, $0xF7A;
	s5 =	simm.s32 @!p2 $0x0  }
0x1d: {  	s5 =	simm.s32 @p1 $0x1;
	p0 =	seq.s32 s7, s2  }
0x1e: {  	s7 =	smul.u32 @!p0 $0xF7A, s2;
	p2 =	seq.s32 @!p0 s5, $0x0  }
0x1f: {  	s9 =	smul.u32 $0xF7A, s1;
	s8 =	simm.s32 @!p0 $0x1BF5;
	p2 =	por !p2, p0  }
0x20: {  	[sflag:s8] =	ssyncset.s32 @!p0 $0xFFFFF086;
	s6 =	sadd.s32 @!p0 s3, s7;
	s7 =	simm.s32 @!p0 $0x108  }
0x21: {  	s3 =	sadd.s32 s3, s9;
	s6 =	sadd.s32 @!p0 $0x88, s6;
	s7 =	simm.s32 @p2 $0x1082  }
0x22: {  	[simem:s7], [sflag:s8] =	dma.local @!p0 [hbm:s6], $0xF7A  }
0x23: {  	s9 =	sor.u32 $0xD0000000, s2;
	s6 =	simm.s32 $0x108;
	_ =	swait.ge @!p0 [sflag:s8], $0x0  }
0x24: {  	s3 =	sadd.s32 $0x88, s3;
	s6 =	simm.s32 @!p1 $0x1082;
	[sflag:s4] =	ssyncset.s32 $0xFFFFF086  }
0x25: {  	[simem:s6], [sflag:s4] =	dma.local [hbm:s3], $0xF7A  }
0x26: {  	[smem:$0x3F99] =	sst s1;
	(tag) =	ssettag s2;
	_ =	strace s9  }
0x27: {  	s1 =	sld [smem:$0x3FA9]  }
0x28: {  	s2 =	sld [smem:$0x3FAA]  }
0x29: {  	s4 =	sld [smem:$0x3FAC]  }
0x2a: {  	p0 =	seq.s32 s5, $0x0;
	s5 =	sld [smem:$0x3FAD]  }
0x2b: {  	s6 =	sld [smem:$0x3FAE]  }
0x2c: {  	s7 =	sld [smem:$0x3FAF]  }
0x2d: {  	s3 =	simm.s32 $0x108;
	s8 =	sld [smem:$0x3FB0]  }
0x2e: {  	s3 =	simm.s32 @!p0 $0x1082;
	s9 =	sld [smem:$0x3FB1]  }
0x2f: {  	lr =	sadd.s32 s0, s3;
	s0 =	sld [smem:$0x3FA8]  }
0x30: {  	s3 =	sld [smem:$0x3FAB]  }
0x31: {  	[smem:$0x3FB4] =	sst s10  }
0x32: {  	s10 =	sld [smem:$0x3FB2];
	_ =	sdelay $0x3  }
0x33: {  	p0 =	seq.s32 s10, $0x1;
	s10 =	sld [smem:$0x3FB4];
	_ =	sdelay $0x3  }
0x34: {  	[smem:$0x3FB4] =	sst s10  }
0x35: {  	s10 =	sld [smem:$0x3FB3];
	_ =	sdelay $0x3  }
0x36: {  	p1 =	seq.s32 s10, $0x1;
	s10 =	sld [smem:$0x3FB4];
	_ =	sdelay $0x3  }
0x37: {  	[smem:$0x3FB4] =	sst s10  }
0x38: {  	s10 =	sld [smem:$0x3FB5]  }
0x39: {  	_ = 	snop;
	(pc) =	sbr.ind lr, $3  }
0x3a: {  	_ = 	snop  }
0x3b: {  	_ = 	snop  }
0x3c: {  	p2 =	seq.s32 s10, $0x1;
	s10 =	sld [smem:$0x3FB4]  }
0x3d: {  	_ =	shalt  }
0x3e: {  	_ =	shalt  }
0x3f: {  	_ =	shalt  }
0x40: {  	_ =	shalt  }
0x41: {  	_ =	shalt  }
0x42: {  	_ =	shalt  }
0x43: {  	_ =	shalt  }
0x44: {  	_ =	shalt  }
0x45: {  	_ =	shalt  }
0x46: {  	_ =	shalt  }
0x47: {  	_ =	shalt  }
0x48: {  	_ =	shalt  }
0x49: {  	_ =	shalt  }
0x4a: {  	_ =	shalt  }
0x4b: {  	_ =	shalt  }
0x4c: {  	_ =	shalt  }
0x4d: {  	_ =	shalt  }
0x4e: {  	_ =	shalt  }
0x4f: {  	_ =	shalt  }
0x50: {  	_ =	shalt  }
0x51: {  	_ =	shalt  }
0x52: {  	_ =	shalt  }
0x53: {  	_ =	shalt  }
0x54: {  	_ =	shalt  }
0x55: {  	_ =	shalt  }
0x56: {  	_ =	shalt  }
0x57: {  	_ =	shalt  }
0x58: {  	_ =	shalt  }
0x59: {  	_ =	shalt  }
0x5a: {  	_ =	shalt  }
0x5b: {  	_ =	shalt  }
0x5c: {  	_ =	shalt  }
0x5d: {  	_ =	shalt  }
0x5e: {  	_ =	shalt  }
0x5f: {  	_ =	shalt  }
0x60: {  	_ =	shalt  }
0x61: {  	_ =	shalt  }
0x62: {  	_ =	shalt  }
0x63: {  	_ =	shalt  }
0x64: {  	_ =	shalt  }
0x65: {  	_ =	shalt  }
0x66: {  	_ =	shalt  }
0x67: {  	_ =	shalt  }
0x68: {  	_ =	shalt  }
0x69: {  	_ =	shalt  }
0x6a: {  	_ =	shalt  }
0x6b: {  	_ =	shalt  }
0x6c: {  	_ =	shalt  }
0x6d: {  	_ =	shalt  }
0x6e: {  	_ =	shalt  }
0x6f: {  	_ =	shalt  }
0x70: {  	_ =	shalt  }
0x71: {  	_ =	shalt  }
0x72: {  	_ =	shalt  }
0x73: {  	_ =	shalt  }
0x74: {  	_ =	shalt  }
0x75: {  	_ =	shalt  }
0x76: {  	_ =	shalt  }
0x77: {  	_ =	shalt  }
0x78: {  	_ =	shalt  }
0x79: {  	_ =	shalt  }
0x7a: {  	_ =	shalt  }
0x7b: {  	_ =	shalt  }
0x7c: {  	_ =	shalt  }
0x7d: {  	_ =	shalt  }
0x7e: {  	_ =	shalt  }
0x7f: {  	_ =	shalt  }
0x80: {  	_ =	shalt  }
0x81: {  	_ =	shalt  }
0x82: {  	_ =	shalt  }
0x83: {  	_ =	shalt  }
0x84: {  	_ =	shalt  }
0x85: {  	_ =	shalt  }
0x86: {  	_ =	shalt  }
0x87: {  	_ =	shalt  }
.Lfunc_end0:
.L_simem_size_0:
called_computation.2_lowered:
.L_overlay_start_0:
0x88: {  	s2 =	sld [smem:$0x3FD9]  }
0x89: {  	s3 =	sld [smem:$0x3FFE];
	_ =	sdelay $0x1  }
0x8a: {  	s1 =	srdreg.scid  }
0x8b: {  	s0 =	sand.u32 $0x1, s1  }
0x8c: {  	s17 =	sshll.u32 s0, $0xA;
	s2 =	sadd.s32 s3, s2  }
0x8d: {  	s2 =	sadd.s32 s2, s17  }
0x8e: {  	[smem:$0x3FC0] =	sst s2  }
0x8f: {  	_ = 	snop  }
0x90: {  	s2 =	sld [smem:$0x3FD0];
	(tm) =	ssettm $0x1  }
0x91: {  	s18 =	sld [smem:$0x3FFB];
	_ =	sdelay $0x3  }
0x92: {  	_ =	strace s18  }
0x93: {  	s3 =	sld [smem:$0x3FFC];
	_ =	sdelay $0x3  }
0x94: {  	_ =	strace s3  }
0x95: {  	s3 =	sld [smem:$0x3FFD];
	_ =	sdelay $0x3  }
0x96: {  	_ =	strace s3  }
0x97: {  	_ =	strace $0x8FFFFFFF  }
0x98: {  	s19 =	sld [smem:$0x3FDB];
	_ =	sdelay $0x1  }
0x99: {  	s4 =	simm.s32 $_scs_section_size  }
0x9a: {  	s5 =	simm.s32 $_size__tile_overlayer_lowered;
	s6 =	simm.s32 $_tile_overlayer_lowered  }
0x9b: {  	s22 =	simm.s32 $0x1BFF;
	s21 =	sshll.u32 s6, $0x1;
	s3 =	sadd.s32 s4, s19  }
0x9c: {  	s7 =	simm.s32 $0x0;
	s20 =	sshll.u32 s5, $0x1;
	s5 =	sadd.s32 s21, s3  }
0x9d: {  	[timem:s7], [sflag:s22] =	dma.local [hbm:s5], s20  }
0x9e: {  	_ =	swait.ge [sflag:s22], s20  }
0x9f: {  	s4 =	ssub.s32 $0x0, s20;
	[sflag:s22] =	ssyncset.done $0x0  }
0xa0: {  	[sflag:s22] =	ssyncadd.s32 s4;
	_ =	sdelay $0x1  }
0xa1: {  	s23 =	simm.s32 $0x1B8B  }
0xa2: {  	_ =	swait.ge [sflag:s23], $0x1  }
0xa3: {  	[sflag:s23] =	ssyncset.done $0x0  }
0xa4: {  	s25 =	simm.s32 $0x1B8E;
	s24 =	sld [smem:$0x3FFE];
	[sflag:s23] =	ssyncadd.s32 $0xFFFFFFFF  }
0xa5: {  	s26 =	simm.s32 $execute0_lowered;
	[smem:$0x3FD2] =	sst s25  }
0xa6: {  	s5 =	sshll.u32 s26, $0x1;
	_ =	strace $0x8000004C;
	[dreg:$0x1] =	wrdreg $0xFFFFFFFF  }
0xa7: {  	s28 =	simm.s32 $_size_execute0_lowered;
	s3 =	sadd.s32 s3, s5;
	[dreg:$0x0] =	wrdreg $0x0  }
0xa8: {  	s5 =	sshll.u32 s28, $0x1;
	[dreg:$0x2] =	wrdreg s3  }
0xa9: {  	[dreg:$0x3] =	wrdreg s5  }
0xaa: {  	[dreg:$0x4] =	wrdreg $0xC0  }
0xab: {  	_ =	task [dreg:s7], $0x5FFFF  }
0xac: {  	[dreg:$0x1] =	wrdreg $0xFFFFFFFF  }
0xad: {  	[dreg:$0x0] =	wrdreg $0x60  }
0xae: {  	[dreg:$0x2] =	wrdreg s2  }
0xaf: {  	[dreg:$0x3] =	wrdreg s24  }
0xb0: {  	[dreg:$0x4] =	wrdreg $0x14C000  }
0xb1: {  	[dreg:$0x5] =	wrdreg $0x9  }
0xb2: {  	_ =	task.clear_ibuf [dreg:s7], $0x6FFFF;
	_ =	strace $0x9000004C  }
0xb3: {  	s29 =	simm.s32 $0x9;
	_ =	strace $0x8000004E  }
0xb4: {  	_ =	swait.ge [sflag:s29], $0x1  }
0xb5: {  	[sflag:s29] =	ssyncadd.s32 $0xFFFFFFFF  }
0xb6: {  	_ =	strace $0x9000004E  }
0xb7: {  	_ =	sfence  }
0xb8: {  	s30 =	sld [smem:$0x0];
	_ =	sdelay $0x2  }
0xb9: {  	s31 =	sshll.u32 s1, $0xD;
	s1 =	sshrl.u32 s1, $0x2  }
0xba: {  	s3 =	sand.u32 $0x4000, s31;
	s1 =	sadd.s32 s1, s30  }
0xbb: {  	s0 =	sor.u32 s3, s0;
	s1 =	sshll.u32 s1, $0x11  }
0xbc: {  	s0 =	sor.u32 s1, s0  }
0xbd: {  	s0 =	sadd.s32 $0x8F2B, s0  }
0xbe: {  	[sflag:s0] =	ssyncadd.remote.s32 $0x1  }
0xbf: {  	_ =	sfence.sel $0xFFFF  }
0xc0: {  	[dreg:$0x0] =	wrdreg $0xFFFFFFFF;
	(pc) =	sbr.abs _section_cstart, $3  }
0xc1: {  	[dreg:$0x1] =	wrdreg $0xFFFFFFFF  }
0xc2: {  	_ =	task.clear_ibuf [dreg:s7], $0x2FFFF;
	_ =	strace $0x9FFFFFFF  }
0xc3: {  	(tm) =	ssettm $0x7FFFFFFF  }
tec
execute0_lowered:
.L_overlay_start_1:
0x0: {  	(tag) =	ssettag $0x1  }
0x1: {  	s10 =	stileid.u32  }
0x2: {  	s1 =	rddreg [dreg:$0x0];
	s6 =	smul.u32 $0x13800, s10  }
0x3: {  	s2 =	rddreg [dreg:$0x1];
	s9 =	smul.u32 $0x4E00, s10  }
0x4: {  	s3 =	rddreg [dreg:$0x2];
	s17 =	simm.s32 $0x0;
	s6 =	sshrl.u32 s6, $0x2  }
0x5: {  	[smem:$0x7FF] =	sst s17;
	s17 =	sadd.s32 s9, s3;
	s6 =	sadd.s32 s6, s3  }
0x6: {  	_ =	strace $0x8000004D;
	[dreg:$0x4] =	wrdreg s17;
	s19 =	sadd.s32 $0x200, s6  }
0x7: {  	s20 =	sadd.s32 $0x400, s6;
	[dreg:$0x5] =	wrdreg s19  }
0x8: {  	s0 =	srdreg.scid;
	s21 =	sadd.s32 $0x600, s6;
	[dreg:$0x6] =	wrdreg s20  }
0x9: {  	s0 =	sand.u32 $0x1, s0;
	s22 =	sadd.s32 $0x800, s6;
	[dreg:$0x7] =	wrdreg s21  }
0xa: {  	s4 =	sshll.u32 s10, $0x1;
	s23 =	sadd.s32 $0xA00, s6;
	[dreg:$0x8] =	wrdreg s22  }
0xb: {  	s5 =	sor.u32 s0, s4;
	s24 =	sadd.s32 $0xC00, s6;
	[dreg:$0x9] =	wrdreg s23  }
0xc: {  	s5 =	smul.u32 $0x500, s5;
	s25 =	sadd.s32 $0xE00, s6;
	[dreg:$0xa] =	wrdreg s24  }
0xd: {  	s26 =	sadd.s32 $0x1000, s6;
	[dreg:$0xb] =	wrdreg s25  }
0xe: {  	s7 =	sadd.s32 s5, s2;
	s5 =	sadd.s32 $0x1200, s6;
	[dreg:$0xc] =	wrdreg s26  }
0xf: {  	s18 =	ssub.s32 $0x2, s0;
	s11 =	sadd.s32 $0x1400, s6;
	[dreg:$0xd] =	wrdreg s5  }
0x10: {  	s0 =	smul.u32 $0x4E200, s0;
	s12 =	sadd.s32 $0x1600, s6;
	[dreg:$0xe] =	wrdreg s11  }
0x11: {  	s8 =	sshrl.u32 s18, $0x1;
	s13 =	sadd.s32 $0x1800, s6;
	[dreg:$0xf] =	wrdreg s12  }
0x12: {  	s8 =	ssub.s32 s18, s8;
	s14 =	sadd.s32 $0x1A00, s6;
	[dreg:$0x10] =	wrdreg s13  }
0x13: {  	s9 =	sadd.s32 s9, s0;
	s15 =	sadd.s32 $0x1C00, s6;
	[dreg:$0x11] =	wrdreg s14  }
0x14: {  	s2 =	sadd.s32 $0x15C00, s2;
	s18 =	sadd.s32 $0x1E00, s6;
	[dreg:$0x12] =	wrdreg s15  }
0x15: {  	s9 =	sshrl.u32 s9, $0x3;
	s4 =	sadd.s32 $0x3000, s6;
	[dreg:$0x14] =	wrdreg s18  }
0x16: {  	s16 =	sadd.s32 s2, s9;
	[dreg:$0x1d] =	wrdreg s4  }
0x17: {  	s19 =	sadd.s32 $0x2000, s6;
	[dreg:$0x13] =	wrdreg s16  }
0x18: {  	s20 =	sadd.s32 $0x2200, s6;
	[dreg:$0x15] =	wrdreg s19  }
0x19: {  	s21 =	sadd.s32 $0x2400, s6;
	[dreg:$0x16] =	wrdreg s20  }
0x1a: {  	s22 =	sadd.s32 $0x2600, s6;
	[dreg:$0x17] =	wrdreg s21  }
0x1b: {  	s23 =	sadd.s32 $0x2800, s6;
	[dreg:$0x18] =	wrdreg s22  }
0x1c: {  	s24 =	sadd.s32 $0x2A00, s6;
	[dreg:$0x19] =	wrdreg s23  }
0x1d: {  	s25 =	sadd.s32 $0x2C00, s6;
	[dreg:$0x1a] =	wrdreg s24  }
0x1e: {  	s26 =	sadd.s32 $0x2E00, s6;
	[dreg:$0x1b] =	wrdreg s25  }
0x1f: {  	s5 =	sadd.s32 $0x3200, s6;
	[dreg:$0x1c] =	wrdreg s26  }
0x20: {  	s9 =	sadd.s32 $0x3400, s6;
	[dreg:$0x1e] =	wrdreg s5  }
0x21: {  	s11 =	sadd.s32 $0x3600, s6;
	[dreg:$0x1f] =	wrdreg s9  }
0x22: {  	s28 =	simm.s32 $0x5000;
	s12 =	sadd.s32 $0x3800, s6;
	[smem:$0x7ED] =	sst s11  }
0x23: {  	s29 =	simm.s32 $0x5FA0;
	s13 =	sadd.s32 $0x3A00, s6;
	[smem:$0x7EE] =	sst s12  }
0x24: {  	s30 =	simm.s32 $0x6F40;
	s14 =	sadd.s32 $0x3C00, s6;
	[smem:$0x7EF] =	sst s13  }
0x25: {  	s31 =	simm.s32 $0x7EE0;
	s15 =	sadd.s32 $0x3E00, s6;
	[smem:$0x7F0] =	sst s14  }
0x26: {  	p0 =	sne.s32 s10, $0xF;
	s18 =	sadd.s32 $0x4200, s6;
	[smem:$0x7F1] =	sst s15  }
0x27: {  	s10 =	simm.s32 $0xFBE0;
	s16 =	sadd.s32 $0x4000, s6;
	[smem:$0x7F3] =	sst s18  }
0x28: {  	s0 =	sshrl.u32 s0, $0x3;
	s19 =	sadd.s32 $0x4400, s6;
	[smem:$0x7F2] =	sst s16  }
0x29: {  	s0 =	sadd.s32 s2, s0;
	s20 =	sadd.s32 $0x4600, s6;
	[smem:$0x7F4] =	sst s19  }
0x2a: {  	s21 =	sadd.s32 $0x4800, s6;
	s22 =	sadd.s32 $0x4A00, s6;
	[smem:$0x7F5] =	sst s20  }
0x2b: {  	s23 =	sadd.s32 $0x4C00, s6;
	s24 =	sadd.s32 $0xBC00, s7;
	[smem:$0x7F6] =	sst s21  }
0x2c: {  	s25 =	sadd.s32 $0x1C00, s7;
	s0 =	sadd.s32 $0x9C00, s0;
	[smem:$0x7F7] =	sst s22  }
0x2d: {  	s26 =	smax.u32 s8, $0x1;
	s7 =	simm.s32 $0xCD00;
	[smem:$0x7F8] =	sst s23  }
0x2e: {  	s8 =	simm.s32 $0xDCA0;
	s9 =	simm.s32 $0xEC40;
	[smem:$0x7F9] =	sst s24  }
0x2f: {  	s11 =	simm.s32 $0x10B80;
	s12 =	simm.s32 $0x11B20;
	[smem:$0x7FA] =	sst s25  }
0x30: {  	s13 =	simm.s32 $0x12AC0;
	s14 =	simm.s32 $0x13A60;
	[smem:$0x7FB] =	sst s0  }
0x31: {  	s15 =	simm.s32 $0x1;
	s6 =	simm.s32 $0xADC0;
	[smem:$0x7FC] =	sst s26  }
0x32: {  	s19 =	sadd.s32 $0x4E000, s3;
	s24 =	simm.s32 $0x3;
	s25 =	simm.s32 $0x7D  }
0x33: {  	v0 =	vimm.f32 $0.0e+00;
	s16 =	simm.s32 $0x2;
	s0 =	simm.s32 $0x0;
	[smem:$0x7FD] =	sst s19  }
.LBB2_1:
0x34: {  	[tilespmem:$0x14A00] =	vst v0  }
0x35: {  	[tilespmem:$0x14A10] =	vst v0  }
0x36: {  	[tilespmem:$0x14A20] =	vst v0  }
0x37: {  	[tilespmem:$0x14A30] =	vst v0  }
0x38: {  	[tilespmem:$0x14A40] =	vst v0  }
0x39: {  	[tilespmem:$0x14A50] =	vst v0  }
0x3a: {  	[tilespmem:$0x14A60] =	vst v0  }
0x3b: {  	[tilespmem:$0x14A70] =	vst v0  }
0x3c: {  	[tilespmem:$0x14A80] =	vst v0  }
0x3d: {  	[tilespmem:$0x14A90] =	vst v0  }
0x3e: {  	[tilespmem:$0x14AA0] =	vst v0  }
0x3f: {  	[tilespmem:$0x14AB0] =	vst v0  }
0x40: {  	[tilespmem:$0x14AC0] =	vst v0  }
0x41: {  	[tilespmem:$0x14AD0] =	vst v0  }
0x42: {  	[tilespmem:$0x14AE0] =	vst v0  }
0x43: {  	[tilespmem:$0x14AF0] =	vst v0  }
0x44: {  	[tilespmem:$0x14B00] =	vst v0  }
0x45: {  	[tilespmem:$0x14B10] =	vst v0  }
0x46: {  	[tilespmem:$0x14B20] =	vst v0  }
0x47: {  	[tilespmem:$0x14B30] =	vst v0  }
0x48: {  	[tilespmem:$0x14B40] =	vst v0  }
0x49: {  	[tilespmem:$0x14B50] =	vst v0  }
0x4a: {  	[tilespmem:$0x14B60] =	vst v0  }
0x4b: {  	[tilespmem:$0x14B70] =	vst v0  }
0x4c: {  	[tilespmem:$0x14B80] =	vst v0  }
0x4d: {  	[tilespmem:$0x14B90] =	vst v0  }
0x4e: {  	[tilespmem:$0x14BA0] =	vst v0  }
0x4f: {  	[tilespmem:$0x14BB0] =	vst v0  }
0x50: {  	[tilespmem:$0x14BC0] =	vst v0  }
0x51: {  	[tilespmem:$0x14BD0] =	vst v0  }
0x52: {  	[tilespmem:$0x14BE0] =	vst v0  }
0x53: {  	[smem:$0x7EC] =	sst s0;
	[tilespmem:$0x14BF0] =	vst v0;
	s5 =	simm.s32 $0x14A00  }
0x54: {  	[spmem:s17] =	stream.linear.scatter [tilespmem:s5], [sflag:$0x3], $0x200, $0x38;
	[tilespmem:$0x19A20] =	vst v63  }
0x55: {  	_ =	swait.ge [sflag:s24], $0x200  }
0x56: {  	[sflag:s24] =	ssyncset.done $0x0  }
0x57: {  	s4 =	rddreg [dreg:$0x5];
	[sflag:s24] =	ssyncadd.s32 $0xFFFFFE00  }
0x58: {  	[spmem:s4] =	stream.linear.scatter [tilespmem:s5], [sflag:$0x3], $0x200, $0x38;
	[tilespmem:$0x19A20] =	vst v63  }
0x59: {  	_ =	swait.ge [sflag:s24], $0x200  }
0x5a: {  	[sflag:s24] =	ssyncset.done $0x0  }
0x5b: {  	s17 =	rddreg [dreg:$0x6];
	[sflag:s24] =	ssyncadd.s32 $0xFFFFFE00  }
0x5c: {  	[spmem:s17] =	stream.linear.scatter [tilespmem:s5], [sflag:$0x3], $0x200, $0x38;
	[tilespmem:$0x19A20] =	vst v63  }
0x5d: {  	_ =	swait.ge [sflag:s24], $0x200  }
0x5e: {  	[sflag:s24] =	ssyncset.done $0x0  }
0x5f: {  	s18 =	rddreg [dreg:$0x7];
	[sflag:s24] =	ssyncadd.s32 $0xFFFFFE00  }
0x60: {  	[spmem:s18] =	stream.linear.scatter [tilespmem:s5], [sflag:$0x3], $0x200, $0x38;
	[tilespmem:$0x19A20] =	vst v63  }
0x61: {  	_ =	swait.ge [sflag:s24], $0x200  }
0x62: {  	[sflag:s24] =	ssyncset.done $0x0  }
0x63: {  	s20 =	rddreg [dreg:$0x8];
	[sflag:s24] =	ssyncadd.s32 $0xFFFFFE00  }
0x64: {  	[spmem:s20] =	stream.linear.scatter [tilespmem:s5], [sflag:$0x3], $0x200, $0x38;
	[tilespmem:$0x19A20] =	vst v63  }
0x65: {  	_ =	swait.ge [sflag:s24], $0x200  }
0x66: {  	[sflag:s24] =	ssyncset.done $0x0  }
0x67: {  	s21 =	rddreg [dreg:$0x9];
	[sflag:s24] =	ssyncadd.s32 $0xFFFFFE00  }
0x68: {  	[spmem:s21] =	stream.linear.scatter [tilespmem:s5], [sflag:$0x3], $0x200, $0x38;
	[tilespmem:$0x19A20] =	vst v63  }
0x69: {  	_ =	swait.ge [sflag:s24], $0x200  }
0x6a: {  	[sflag:s24] =	ssyncset.done $0x0  }
0x6b: {  	s22 =	rddreg [dreg:$0xa];
	[sflag:s24] =	ssyncadd.s32 $0xFFFFFE00  }
0x6c: {  	[spmem:s22] =	stream.linear.scatter [tilespmem:s5], [sflag:$0x3], $0x200, $0x38;
	[tilespmem:$0x19A20] =	vst v63  }
0x6d: {  	_ =	swait.ge [sflag:s24], $0x200  }
0x6e: {  	[sflag:s24] =	ssyncset.done $0x0  }
0x6f: {  	s23 =	rddreg [dreg:$0xb];
	[sflag:s24] =	ssyncadd.s32 $0xFFFFFE00  }
0x70: {  	[spmem:s23] =	stream.linear.scatter [tilespmem:s5], [sflag:$0x3], $0x200, $0x38;
	[tilespmem:$0x19A20] =	vst v63  }
0x71: {  	_ =	swait.ge [sflag:s24], $0x200  }
0x72: {  	[sflag:s24] =	ssyncset.done $0x0  }
0x73: {  	s26 =	rddreg [dreg:$0xc];
	[sflag:s24] =	ssyncadd.s32 $0xFFFFFE00  }
0x74: {  	[spmem:s26] =	stream.linear.scatter [tilespmem:s5], [sflag:$0x3], $0x200, $0x38;
	[tilespmem:$0x19A20] =	vst v63  }
0x75: {  	_ =	swait.ge [sflag:s24], $0x200  }
0x76: {  	[sflag:s24] =	ssyncset.done $0x0  }
0x77: {  	s0 =	rddreg [dreg:$0xd];
	[sflag:s24] =	ssyncadd.s32 $0xFFFFFE00  }
0x78: {  	[spmem:s0] =	stream.linear.scatter [tilespmem:s5], [sflag:$0x3], $0x200, $0x38;
	[tilespmem:$0x19A20] =	vst v63  }
0x79: {  	_ =	swait.ge [sflag:s24], $0x200  }
0x7a: {  	[sflag:s24] =	ssyncset.done $0x0  }
0x7b: {  	s2 =	rddreg [dreg:$0xe];
	[sflag:s24] =	ssyncadd.s32 $0xFFFFFE00  }
0x7c: {  	[spmem:s2] =	stream.linear.scatter [tilespmem:s5], [sflag:$0x3], $0x200, $0x38;
	[tilespmem:$0x19A20] =	vst v63  }
0x7d: {  	_ =	swait.ge [sflag:s24], $0x200  }
0x7e: {  	[sflag:s24] =	ssyncset.done $0x0  }
0x7f: {  	s17 =	rddreg [dreg:$0xf];
	[sflag:s24] =	ssyncadd.s32 $0xFFFFFE00  }
0x80: {  	[spmem:s17] =	stream.linear.scatter [tilespmem:s5], [sflag:$0x3], $0x200, $0x38;
	[tilespmem:$0x19A20] =	vst v63  }
0x81: {  	_ =	swait.ge [sflag:s24], $0x200  }
0x82: {  	[sflag:s24] =	ssyncset.done $0x0  }
0x83: {  	s18 =	rddreg [dreg:$0x10];
	[sflag:s24] =	ssyncadd.s32 $0xFFFFFE00  }
0x84: {  	[spmem:s18] =	stream.linear.scatter [tilespmem:s5], [sflag:$0x3], $0x200, $0x38;
	[tilespmem:$0x19A20] =	vst v63  }
0x85: {  	_ =	swait.ge [sflag:s24], $0x200  }
0x86: {  	[sflag:s24] =	ssyncset.done $0x0  }
0x87: {  	s20 =	rddreg [dreg:$0x11];
	[sflag:s24] =	ssyncadd.s32 $0xFFFFFE00  }
0x88: {  	[spmem:s20] =	stream.linear.scatter [tilespmem:s5], [sflag:$0x3], $0x200, $0x38;
	[tilespmem:$0x19A20] =	vst v63  }
0x89: {  	_ =	swait.ge [sflag:s24], $0x200  }
0x8a: {  	[sflag:s24] =	ssyncset.done $0x0  }
0x8b: {  	s21 =	rddreg [dreg:$0x12];
	[sflag:s24] =	ssyncadd.s32 $0xFFFFFE00  }
0x8c: {  	[spmem:s21] =	stream.linear.scatter [tilespmem:s5], [sflag:$0x3], $0x200, $0x38;
	[tilespmem:$0x19A20] =	vst v63  }
0x8d: {  	_ =	swait.ge [sflag:s24], $0x200  }
0x8e: {  	[sflag:s24] =	ssyncset.done $0x0  }
0x8f: {  	s22 =	rddreg [dreg:$0x14];
	[sflag:s24] =	ssyncadd.s32 $0xFFFFFE00  }
0x90: {  	[spmem:s22] =	stream.linear.scatter [tilespmem:s5], [sflag:$0x3], $0x200, $0x38;
	[tilespmem:$0x19A20] =	vst v63  }
0x91: {  	_ =	swait.ge [sflag:s24], $0x200  }
0x92: {  	[sflag:s24] =	ssyncset.done $0x0  }
0x93: {  	s23 =	rddreg [dreg:$0x15];
	[sflag:s24] =	ssyncadd.s32 $0xFFFFFE00  }
0x94: {  	[spmem:s23] =	stream.linear.scatter [tilespmem:s5], [sflag:$0x3], $0x200, $0x38;
	[tilespmem:$0x19A20] =	vst v63  }
0x95: {  	_ =	swait.ge [sflag:s24], $0x200  }
0x96: {  	[sflag:s24] =	ssyncset.done $0x0  }
0x97: {  	s26 =	rddreg [dreg:$0x16];
	[sflag:s24] =	ssyncadd.s32 $0xFFFFFE00  }
0x98: {  	[spmem:s26] =	stream.linear.scatter [tilespmem:s5], [sflag:$0x3], $0x200, $0x38;
	[tilespmem:$0x19A20] =	vst v63  }
0x99: {  	_ =	swait.ge [sflag:s24], $0x200  }
0x9a: {  	[sflag:s24] =	ssyncset.done $0x0  }
0x9b: {  	s0 =	rddreg [dreg:$0x17];
	[sflag:s24] =	ssyncadd.s32 $0xFFFFFE00  }
0x9c: {  	[spmem:s0] =	stream.linear.scatter [tilespmem:s5], [sflag:$0x3], $0x200, $0x38;
	[tilespmem:$0x19A20] =	vst v63  }
0x9d: {  	_ =	swait.ge [sflag:s24], $0x200  }
0x9e: {  	[sflag:s24] =	ssyncset.done $0x0  }
0x9f: {  	s2 =	rddreg [dreg:$0x18];
	[sflag:s24] =	ssyncadd.s32 $0xFFFFFE00  }
0xa0: {  	[spmem:s2] =	stream.linear.scatter [tilespmem:s5], [sflag:$0x3], $0x200, $0x38;
	[tilespmem:$0x19A20] =	vst v63  }
0xa1: {  	_ =	swait.ge [sflag:s24], $0x200  }
0xa2: {  	[sflag:s24] =	ssyncset.done $0x0  }
0xa3: {  	s17 =	rddreg [dreg:$0x19];
	[sflag:s24] =	ssyncadd.s32 $0xFFFFFE00  }
0xa4: {  	[spmem:s17] =	stream.linear.scatter [tilespmem:s5], [sflag:$0x3], $0x200, $0x38;
	[tilespmem:$0x19A20] =	vst v63  }
0xa5: {  	_ =	swait.ge [sflag:s24], $0x200  }
0xa6: {  	[sflag:s24] =	ssyncset.done $0x0  }
0xa7: {  	s18 =	rddreg [dreg:$0x1a];
	[sflag:s24] =	ssyncadd.s32 $0xFFFFFE00  }
0xa8: {  	[spmem:s18] =	stream.linear.scatter [tilespmem:s5], [sflag:$0x3], $0x200, $0x38;
	[tilespmem:$0x19A20] =	vst v63  }
0xa9: {  	_ =	swait.ge [sflag:s24], $0x200  }
0xaa: {  	[sflag:s24] =	ssyncset.done $0x0  }
0xab: {  	s20 =	rddreg [dreg:$0x1b];
	[sflag:s24] =	ssyncadd.s32 $0xFFFFFE00  }
0xac: {  	[spmem:s20] =	stream.linear.scatter [tilespmem:s5], [sflag:$0x3], $0x200, $0x38;
	[tilespmem:$0x19A20] =	vst v63  }
0xad: {  	_ =	swait.ge [sflag:s24], $0x200  }
0xae: {  	[sflag:s24] =	ssyncset.done $0x0  }
0xaf: {  	s21 =	rddreg [dreg:$0x1c];
	[sflag:s24] =	ssyncadd.s32 $0xFFFFFE00  }
0xb0: {  	[spmem:s21] =	stream.linear.scatter [tilespmem:s5], [sflag:$0x3], $0x200, $0x38;
	[tilespmem:$0x19A20] =	vst v63  }
0xb1: {  	_ =	swait.ge [sflag:s24], $0x200  }
0xb2: {  	[sflag:s24] =	ssyncset.done $0x0  }
0xb3: {  	s22 =	rddreg [dreg:$0x1d];
	[sflag:s24] =	ssyncadd.s32 $0xFFFFFE00  }
0xb4: {  	[spmem:s22] =	stream.linear.scatter [tilespmem:s5], [sflag:$0x3], $0x200, $0x38;
	[tilespmem:$0x19A20] =	vst v63  }
0xb5: {  	_ =	swait.ge [sflag:s24], $0x200  }
0xb6: {  	[sflag:s24] =	ssyncset.done $0x0  }
0xb7: {  	s23 =	rddreg [dreg:$0x1e];
	[sflag:s24] =	ssyncadd.s32 $0xFFFFFE00  }
0xb8: {  	[spmem:s23] =	stream.linear.scatter [tilespmem:s5], [sflag:$0x3], $0x200, $0x38;
	[tilespmem:$0x19A20] =	vst v63  }
0xb9: {  	_ =	swait.ge [sflag:s24], $0x200  }
0xba: {  	[sflag:s24] =	ssyncset.done $0x0  }
0xbb: {  	s26 =	rddreg [dreg:$0x1f];
	[sflag:s24] =	ssyncadd.s32 $0xFFFFFE00  }
0xbc: {  	[spmem:s26] =	stream.linear.scatter [tilespmem:s5], [sflag:$0x3], $0x200, $0x38;
	[tilespmem:$0x19A20] =	vst v63  }
0xbd: {  	_ =	swait.ge [sflag:s24], $0x200  }
0xbe: {  	s0 =	sld [smem:$0x7ED]  }
0xbf: {  	[sflag:s24] =	ssyncset.done $0x0  }
0xc0: {  	[sflag:s24] =	ssyncadd.s32 $0xFFFFFE00  }
0xc1: {  	[spmem:s0] =	stream.linear.scatter [tilespmem:s5], [sflag:$0x3], $0x200, $0x38;
	[tilespmem:$0x19A20] =	vst v63  }
0xc2: {  	_ =	swait.ge [sflag:s24], $0x200  }
0xc3: {  	s2 =	sld [smem:$0x7EE]  }
0xc4: {  	[sflag:s24] =	ssyncset.done $0x0  }
0xc5: {  	[sflag:s24] =	ssyncadd.s32 $0xFFFFFE00  }
0xc6: {  	[spmem:s2] =	stream.linear.scatter [tilespmem:s5], [sflag:$0x3], $0x200, $0x38;
	[tilespmem:$0x19A20] =	vst v63  }
0xc7: {  	_ =	swait.ge [sflag:s24], $0x200  }
0xc8: {  	s17 =	sld [smem:$0x7EF]  }
0xc9: {  	[sflag:s24] =	ssyncset.done $0x0  }
0xca: {  	[sflag:s24] =	ssyncadd.s32 $0xFFFFFE00  }
0xcb: {  	[spmem:s17] =	stream.linear.scatter [tilespmem:s5], [sflag:$0x3], $0x200, $0x38;
	[tilespmem:$0x19A20] =	vst v63  }
0xcc: {  	_ =	swait.ge [sflag:s24], $0x200  }
0xcd: {  	s18 =	sld [smem:$0x7F0]  }
0xce: {  	[sflag:s24] =	ssyncset.done $0x0  }
0xcf: {  	[sflag:s24] =	ssyncadd.s32 $0xFFFFFE00  }
0xd0: {  	[spmem:s18] =	stream.linear.scatter [tilespmem:s5], [sflag:$0x3], $0x200, $0x38;
	[tilespmem:$0x19A20] =	vst v63  }
0xd1: {  	_ =	swait.ge [sflag:s24], $0x200  }
0xd2: {  	s20 =	sld [smem:$0x7F1]  }
0xd3: {  	[sflag:s24] =	ssyncset.done $0x0  }
0xd4: {  	[sflag:s24] =	ssyncadd.s32 $0xFFFFFE00  }
0xd5: {  	[spmem:s20] =	stream.linear.scatter [tilespmem:s5], [sflag:$0x3], $0x200, $0x38;
	[tilespmem:$0x19A20] =	vst v63  }
0xd6: {  	_ =	swait.ge [sflag:s24], $0x200  }
0xd7: {  	s21 =	sld [smem:$0x7F2]  }
0xd8: {  	[sflag:s24] =	ssyncset.done $0x0  }
0xd9: {  	[sflag:s24] =	ssyncadd.s32 $0xFFFFFE00  }
0xda: {  	[spmem:s21] =	stream.linear.scatter [tilespmem:s5], [sflag:$0x3], $0x200, $0x38;
	[tilespmem:$0x19A20] =	vst v63  }
0xdb: {  	_ =	swait.ge [sflag:s24], $0x200  }
0xdc: {  	s22 =	sld [smem:$0x7F3]  }
0xdd: {  	[sflag:s24] =	ssyncset.done $0x0  }
0xde: {  	[sflag:s24] =	ssyncadd.s32 $0xFFFFFE00  }
0xdf: {  	[spmem:s22] =	stream.linear.scatter [tilespmem:s5], [sflag:$0x3], $0x200, $0x38;
	[tilespmem:$0x19A20] =	vst v63  }
0xe0: {  	_ =	swait.ge [sflag:s24], $0x200  }
0xe1: {  	s23 =	sld [smem:$0x7F4]  }
0xe2: {  	[sflag:s24] =	ssyncset.done $0x0  }
0xe3: {  	[sflag:s24] =	ssyncadd.s32 $0xFFFFFE00  }
0xe4: {  	[spmem:s23] =	stream.linear.scatter [tilespmem:s5], [sflag:$0x3], $0x200, $0x38;
	[tilespmem:$0x19A20] =	vst v63  }
0xe5: {  	_ =	swait.ge [sflag:s24], $0x200  }
0xe6: {  	s26 =	sld [smem:$0x7F5]  }
0xe7: {  	[sflag:s24] =	ssyncset.done $0x0  }
0xe8: {  	[sflag:s24] =	ssyncadd.s32 $0xFFFFFE00  }
0xe9: {  	[spmem:s26] =	stream.linear.scatter [tilespmem:s5], [sflag:$0x3], $0x200, $0x38;
	[tilespmem:$0x19A20] =	vst v63  }
0xea: {  	_ =	swait.ge [sflag:s24], $0x200  }
0xeb: {  	s0 =	sld [smem:$0x7F6]  }
0xec: {  	[sflag:s24] =	ssyncset.done $0x0  }
0xed: {  	[sflag:s24] =	ssyncadd.s32 $0xFFFFFE00  }
0xee: {  	[spmem:s0] =	stream.linear.scatter [tilespmem:s5], [sflag:$0x3], $0x200, $0x38;
	[tilespmem:$0x19A20] =	vst v63  }
0xef: {  	_ =	swait.ge [sflag:s24], $0x200  }
0xf0: {  	s2 =	sld [smem:$0x7F7]  }
0xf1: {  	[sflag:s24] =	ssyncset.done $0x0  }
0xf2: {  	[sflag:s24] =	ssyncadd.s32 $0xFFFFFE00  }
0xf3: {  	[spmem:s2] =	stream.linear.scatter [tilespmem:s5], [sflag:$0x3], $0x200, $0x38;
	[tilespmem:$0x19A20] =	vst v63  }
0xf4: {  	_ =	swait.ge [sflag:s24], $0x200  }
0xf5: {  	s17 =	sld [smem:$0x7F8]  }
0xf6: {  	[sflag:s24] =	ssyncset.done $0x0  }
0xf7: {  	[sflag:s24] =	ssyncadd.s32 $0xFFFFFE00  }
0xf8: {  	[spmem:s17] =	stream.linear.scatter [tilespmem:s5], [sflag:$0x3], $0x200, $0x38;
	[tilespmem:$0x19A20] =	vst v63  }
0xf9: {  	_ =	swait.ge [sflag:s24], $0x200  }
0xfa: {  	[sflag:s24] =	ssyncset.done $0x0  }
0xfb: {  	s18 =	simm.s32 @!p0 $0x14A00;
	[sflag:s24] =	ssyncadd.s32 $0xFFFFFE00  }
0xfc: {  	[spmem:s19] =	stream.linear.scatter @!p0 [tilespmem:s18], [sflag:$0x3], $0x200, $0x38;
	[tilespmem:$0x19A20] =	vst v63  }
0xfd: {  	s18 =	simm.s32 @!p0 $0x3  }
0xfe: {  	_ =	swait.ge @!p0 [sflag:s18], $0x200  }
0xff: {  	s19 =	sld [smem:$0x7F9]  }
0x100: {  	[sflag:s18] =	ssyncset.done @!p0 $0x0  }
0x101: {  	[sflag:s18] =	ssyncadd.s32 @!p0 $0xFFFFFE00;
	s18 =	simm.s32 $0x0  }
0x102: {  	[tilespmem:s18], [sflag:$0x3] =	stream.linear.gather [hbm4b:s19+s18], $0x2800, $0x38;
	[tilespmem:$0x19A20] =	vst v63  }
0x103: {  	_ =	swait.ge [sflag:s24], $0x2800  }
0x104: {  	s20 =	sld [smem:$0x7FA]  }
0x105: {  	[sflag:s24] =	ssyncset.done $0x0  }
0x106: {  	s21 =	simm.s32 $0x2800;
	[sflag:s24] =	ssyncadd.s32 $0xFFFFD800  }
0x107: {  	[tilespmem:s21], [sflag:$0x3] =	stream.linear.gather [hbm4b:s20+s18], $0x2800, $0x38;
	[tilespmem:$0x19A20] =	vst v63  }
0x108: {  	_ =	swait.ge [sflag:s24], $0x2800  }
0x109: {  	[sflag:s24] =	ssyncset.done $0x0  }
0x10a: {  	[sflag:s24] =	ssyncadd.s32 $0xFFFFD800  }
0x10b: {  	s5 =	simm.s32 $0x5000;
	[bflag:$0x0] =	sbarrier.arrive $0xFFFF  }
0x10c: {  	[tilespmem:s5], [sflag:$0x1] =	stream.indirect.gather [hbm4b:s1+s25], $0x20, s18, s25, $0xb8;
	[tilespmem:$0x19A20] =	vst v63  }
0x10d: {  	s22 =	simm.s32 $0x80;
	s17 =	simm.s32 $0x5FA0  }
0x10e: {  	[tilespmem:s17], [sflag:$0x1] =	stream.indirect.gather [hbm4b:s1+s25], $0x20, s22, s25, $0xb8;
	[tilespmem:$0x19A20] =	vst v63  }
0x10f: {  	s23 =	simm.s32 $0x100;
	s19 =	simm.s32 $0x6F40  }
0x110: {  	[tilespmem:s19], [sflag:$0x1] =	stream.indirect.gather [hbm4b:s1+s25], $0x20, s23, s25, $0xb8;
	[tilespmem:$0x19A20] =	vst v63  }
0x111: {  	s26 =	simm.s32 $0x180;
	s20 =	simm.s32 $0x7EE0  }
0x112: {  	[tilespmem:s20], [sflag:$0x1] =	stream.indirect.gather [hbm4b:s1+s25], $0x20, s26, s25, $0xb8;
	[tilespmem:$0x19A20] =	vst v63  }
0x113: {  	s0 =	simm.s32 $0x200;
	s21 =	simm.s32 $0x8E80  }
0x114: {  	[tilespmem:s21], [sflag:$0x1] =	stream.indirect.gather [hbm4b:s1+s25], $0x20, s0, s25, $0xb8;
	[tilespmem:$0x19A20] =	vst v63  }
0x115: {  	s4 =	simm.s32 $0x9E20;
	s2 =	simm.s32 $0x280  }
0x116: {  	[tilespmem:s4], [sflag:$0x1] =	stream.indirect.gather [hbm4b:s1+s25], $0x20, s2, s25, $0xb8;
	[tilespmem:$0x19A20] =	vst v63  }
0x117: {  	s22 =	simm.s32 $0xADC0;
	s2 =	simm.s32 $0x300  }
0x118: {  	[tilespmem:s22], [sflag:$0x1] =	stream.indirect.gather [hbm4b:s1+s25], $0x20, s2, s25, $0xb8;
	[tilespmem:$0x19A20] =	vst v63  }
0x119: {  	s18 =	simm.s32 $0x380;
	s23 =	simm.s32 $0xBD60  }
0x11a: {  	[tilespmem:s23], [sflag:$0x1] =	stream.indirect.gather [hbm4b:s1+s25], $0x20, s18, s25, $0xb8;
	[tilespmem:$0x19A20] =	vst v63  }
0x11b: {  	s26 =	simm.s32 $0x400  }
0x11c: {  	[tilespmem:s7], [sflag:$0x2] =	stream.indirect.gather [hbm4b:s1+s25], $0x20, s26, s25, $0xb8;
	[tilespmem:$0x19A20] =	vst v63  }
0x11d: {  	s0 =	simm.s32 $0x480  }
0x11e: {  	[tilespmem:s8], [sflag:$0x2] =	stream.indirect.gather [hbm4b:s1+s25], $0x20, s0, s25, $0xb8;
	[tilespmem:$0x19A20] =	vst v63  }
0x11f: {  	s2 =	simm.s32 $0x500  }
0x120: {  	[tilespmem:s9], [sflag:$0x2] =	stream.indirect.gather [hbm4b:s1+s25], $0x20, s2, s25, $0xb8;
	[tilespmem:$0x19A20] =	vst v63  }
0x121: {  	s26 =	simm.s32 $0x580  }
0x122: {  	[tilespmem:s10], [sflag:$0x2] =	stream.indirect.gather [hbm4b:s1+s25], $0x20, s26, s25, $0xb8;
	[tilespmem:$0x19A20] =	vst v63  }
0x123: {  	s0 =	simm.s32 $0x600  }
0x124: {  	[tilespmem:s11], [sflag:$0x2] =	stream.indirect.gather [hbm4b:s1+s25], $0x20, s0, s25, $0xb8;
	[tilespmem:$0x19A20] =	vst v63  }
0x125: {  	s2 =	simm.s32 $0x680  }
0x126: {  	[tilespmem:s12], [sflag:$0x2] =	stream.indirect.gather [hbm4b:s1+s25], $0x20, s2, s25, $0xb8;
	[tilespmem:$0x19A20] =	vst v63  }
0x127: {  	s26 =	simm.s32 $0x700  }
0x128: {  	[tilespmem:s13], [sflag:$0x2] =	stream.indirect.gather [hbm4b:s1+s25], $0x20, s26, s25, $0xb8;
	[tilespmem:$0x19A20] =	vst v63  }
0x129: {  	s0 =	simm.s32 $0x780  }
0x12a: {  	[tilespmem:s14], [sflag:$0x2] =	stream.indirect.gather [hbm4b:s1+s25], $0x20, s0, s25, $0xb8;
	[tilespmem:$0x19A20] =	vst v63  }
0x12b: {  	_ =	swait.ge [sflag:s15], $0xFA0  }
0x12c: {  	[sflag:s15] =	ssyncset.done $0x0  }
0x12d: {  	s2 =	simm.s32 $0x2800;
	[sflag:s15] =	ssyncadd.s32 $0xFFFFF060  }
0x12e: {  	[spmem:s3] =	stream.indirect.scatter.add.f32 [tilespmem:s5], [sflag:$0x3], $0x20, s2, s25, $0xb8;
	[tilespmem:$0x19A20] =	vst v63  }
0x12f: {  	_ =	swait.ge [sflag:s24], $0xFA0  }
0x130: {  	[sflag:s24] =	ssyncset.done $0x0  }
0x131: {  	[sflag:s24] =	ssyncadd.s32 $0xFFFFF060  }
0x132: {  	_ =	swait.ge [sflag:s15], $0xFA0  }
0x133: {  	[sflag:s15] =	ssyncset.done $0x0  }
0x134: {  	s5 =	simm.s32 $0x2880;
	[sflag:s15] =	ssyncadd.s32 $0xFFFFF060  }
0x135: {  	[spmem:s3] =	stream.indirect.scatter.add.f32 [tilespmem:s17], [sflag:$0x3], $0x20, s5, s25, $0xb8;
	[tilespmem:$0x19A20] =	vst v63  }
0x136: {  	_ =	swait.ge [sflag:s24], $0xFA0  }
0x137: {  	[sflag:s24] =	ssyncset.done $0x0  }
0x138: {  	[sflag:s24] =	ssyncadd.s32 $0xFFFFF060  }
0x139: {  	_ =	swait.ge [sflag:s15], $0xFA0  }
0x13a: {  	[sflag:s15] =	ssyncset.done $0x0  }
0x13b: {  	s17 =	simm.s32 $0x2900;
	[sflag:s15] =	ssyncadd.s32 $0xFFFFF060  }
0x13c: {  	[spmem:s3] =	stream.indirect.scatter.add.f32 [tilespmem:s19], [sflag:$0x3], $0x20, s17, s25, $0xb8;
	[tilespmem:$0x19A20] =	vst v63  }
0x13d: {  	_ =	swait.ge [sflag:s24], $0xFA0  }
0x13e: {  	[sflag:s24] =	ssyncset.done $0x0  }
0x13f: {  	[sflag:s24] =	ssyncadd.s32 $0xFFFFF060  }
0x140: {  	_ =	swait.ge [sflag:s15], $0xFA0  }
0x141: {  	[sflag:s15] =	ssyncset.done $0x0  }
0x142: {  	s19 =	simm.s32 $0x2980;
	[sflag:s15] =	ssyncadd.s32 $0xFFFFF060  }
0x143: {  	[spmem:s3] =	stream.indirect.scatter.add.f32 [tilespmem:s20], [sflag:$0x3], $0x20, s19, s25, $0xb8;
	[tilespmem:$0x19A20] =	vst v63  }
0x144: {  	_ =	swait.ge [sflag:s24], $0xFA0  }
0x145: {  	[sflag:s24] =	ssyncset.done $0x0  }
0x146: {  	[sflag:s24] =	ssyncadd.s32 $0xFFFFF060  }
0x147: {  	_ =	swait.ge [sflag:s15], $0xFA0  }
0x148: {  	[sflag:s15] =	ssyncset.done $0x0  }
0x149: {  	s20 =	simm.s32 $0x2A00;
	[sflag:s15] =	ssyncadd.s32 $0xFFFFF060  }
0x14a: {  	[spmem:s3] =	stream.indirect.scatter.add.f32 [tilespmem:s21], [sflag:$0x3], $0x20, s20, s25, $0xb8;
	[tilespmem:$0x19A20] =	vst v63  }
0x14b: {  	_ =	swait.ge [sflag:s24], $0xFA0  }
0x14c: {  	[sflag:s24] =	ssyncset.done $0x0  }
0x14d: {  	[sflag:s24] =	ssyncadd.s32 $0xFFFFF060  }
0x14e: {  	_ =	swait.ge [sflag:s15], $0xFA0  }
0x14f: {  	[sflag:s15] =	ssyncset.done $0x0  }
0x150: {  	s21 =	simm.s32 $0x2A80;
	[sflag:s15] =	ssyncadd.s32 $0xFFFFF060  }
0x151: {  	[spmem:s3] =	stream.indirect.scatter.add.f32 [tilespmem:s4], [sflag:$0x3], $0x20, s21, s25, $0xb8;
	[tilespmem:$0x19A20] =	vst v63  }
0x152: {  	_ =	swait.ge [sflag:s24], $0xFA0  }
0x153: {  	[sflag:s24] =	ssyncset.done $0x0  }
0x154: {  	[sflag:s24] =	ssyncadd.s32 $0xFFFFF060  }
0x155: {  	_ =	swait.ge [sflag:s15], $0xFA0  }
0x156: {  	[sflag:s15] =	ssyncset.done $0x0  }
0x157: {  	s26 =	simm.s32 $0x2B00;
	[sflag:s15] =	ssyncadd.s32 $0xFFFFF060  }
0x158: {  	[spmem:s3] =	stream.indirect.scatter.add.f32 [tilespmem:s22], [sflag:$0x3], $0x20, s26, s25, $0xb8;
	[tilespmem:$0x19A20] =	vst v63  }
0x159: {  	_ =	swait.ge [sflag:s24], $0xFA0  }
0x15a: {  	[sflag:s24] =	ssyncset.done $0x0  }
0x15b: {  	[sflag:s24] =	ssyncadd.s32 $0xFFFFF060  }
0x15c: {  	_ =	swait.ge [sflag:s15], $0xFA0  }
0x15d: {  	[sflag:s15] =	ssyncset.done $0x0  }
0x15e: {  	s4 =	simm.s32 $0x2B80;
	[sflag:s15] =	ssyncadd.s32 $0xFFFFF060  }
0x15f: {  	[spmem:s3] =	stream.indirect.scatter.add.f32 [tilespmem:s23], [sflag:$0x3], $0x20, s4, s25, $0xb8;
	[tilespmem:$0x19A20] =	vst v63  }
0x160: {  	p1 =	por $0x0, $0x0;
	_ =	swait.ge [sflag:s24], $0xFA0  }
0x161: {  	s18 =	simm.s32 @!p1 $0x5000;
	[sflag:s24] =	ssyncset.done $0x0  }
0x162: {  	s19 =	simm.s32 @!p1 $0x800;
	s20 =	simm.s32 @!p1 $0x7D;
	[sflag:s24] =	ssyncadd.s32 $0xFFFFF060  }
0x163: {  	[tilespmem:s18], [sflag:$0x1] =	stream.indirect.gather @!p1 [hbm4b:s1+s20], $0x20, s19, s20, $0xb8;
	[tilespmem:$0x19A20] =	vst v63  }
0x164: {  	s18 =	simm.s32 @!p1 $0x880;
	s19 =	simm.s32 @!p1 $0x5FA0  }
0x165: {  	[tilespmem:s19], [sflag:$0x1] =	stream.indirect.gather @!p1 [hbm4b:s1+s20], $0x20, s18, s20, $0xb8;
	[tilespmem:$0x19A20] =	vst v63  }
0x166: {  	s18 =	simm.s32 @!p1 $0x900;
	s19 =	simm.s32 @!p1 $0x6F40  }
0x167: {  	[tilespmem:s19], [sflag:$0x1] =	stream.indirect.gather @!p1 [hbm4b:s1+s20], $0x20, s18, s20, $0xb8;
	[tilespmem:$0x19A20] =	vst v63  }
0x168: {  	s18 =	simm.s32 @!p1 $0x980;
	s19 =	simm.s32 @!p1 $0x7EE0  }
0x169: {  	[tilespmem:s19], [sflag:$0x1] =	stream.indirect.gather @!p1 [hbm4b:s1+s20], $0x20, s18, s20, $0xb8;
	[tilespmem:$0x19A20] =	vst v63  }
0x16a: {  	s18 =	simm.s32 @!p1 $0xA00;
	s19 =	simm.s32 @!p1 $0x8E80  }
0x16b: {  	[tilespmem:s19], [sflag:$0x1] =	stream.indirect.gather @!p1 [hbm4b:s1+s20], $0x20, s18, s20, $0xb8;
	[tilespmem:$0x19A20] =	vst v63  }
0x16c: {  	s18 =	simm.s32 @!p1 $0xA80;
	s19 =	simm.s32 @!p1 $0x9E20  }
0x16d: {  	[tilespmem:s19], [sflag:$0x1] =	stream.indirect.gather @!p1 [hbm4b:s1+s20], $0x20, s18, s20, $0xb8;
	[tilespmem:$0x19A20] =	vst v63  }
0x16e: {  	s18 =	simm.s32 @!p1 $0xB00;
	s19 =	simm.s32 @!p1 $0xADC0  }
0x16f: {  	[tilespmem:s19], [sflag:$0x1] =	stream.indirect.gather @!p1 [hbm4b:s1+s20], $0x20, s18, s20, $0xb8;
	[tilespmem:$0x19A20] =	vst v63  }
0x170: {  	s18 =	simm.s32 @!p1 $0xB80;
	s19 =	simm.s32 @!p1 $0xBD60  }
0x171: {  	[tilespmem:s19], [sflag:$0x1] =	stream.indirect.gather @!p1 [hbm4b:s1+s20], $0x20, s18, s20, $0xb8;
	[tilespmem:$0x19A20] =	vst v63  }
0x172: {  	_ =	swait.ge [sflag:s16], $0xFA0  }
0x173: {  	[sflag:s16] =	ssyncset.done $0x0  }
0x174: {  	s5 =	simm.s32 $0x2C00;
	[sflag:s16] =	ssyncadd.s32 $0xFFFFF060  }
0x175: {  	[spmem:s3] =	stream.indirect.scatter.add.f32 [tilespmem:s7], [sflag:$0x3], $0x20, s5, s25, $0xb8;
	[tilespmem:$0x19A20] =	vst v63  }
0x176: {  	_ =	swait.ge [sflag:s24], $0xFA0  }
0x177: {  	[sflag:s24] =	ssyncset.done $0x0  }
0x178: {  	[sflag:s24] =	ssyncadd.s32 $0xFFFFF060  }
0x179: {  	_ =	swait.ge [sflag:s16], $0xFA0  }
0x17a: {  	[sflag:s16] =	ssyncset.done $0x0  }
0x17b: {  	s17 =	simm.s32 $0x2C80;
	[sflag:s16] =	ssyncadd.s32 $0xFFFFF060  }
0x17c: {  	[spmem:s3] =	stream.indirect.scatter.add.f32 [tilespmem:s8], [sflag:$0x3], $0x20, s17, s25, $0xb8;
	[tilespmem:$0x19A20] =	vst v63  }
0x17d: {  	_ =	swait.ge [sflag:s24], $0xFA0  }
0x17e: {  	[sflag:s24] =	ssyncset.done $0x0  }
0x17f: {  	[sflag:s24] =	ssyncadd.s32 $0xFFFFF060  }
0x180: {  	_ =	swait.ge [sflag:s16], $0xFA0  }
0x181: {  	[sflag:s16] =	ssyncset.done $0x0  }
0x182: {  	s19 =	simm.s32 $0x2D00;
	[sflag:s16] =	ssyncadd.s32 $0xFFFFF060  }
0x183: {  	[spmem:s3] =	stream.indirect.scatter.add.f32 [tilespmem:s9], [sflag:$0x3], $0x20, s19, s25, $0xb8;
	[tilespmem:$0x19A20] =	vst v63  }
0x184: {  	_ =	swait.ge [sflag:s24], $0xFA0  }
0x185: {  	[sflag:s24] =	ssyncset.done $0x0  }
0x186: {  	[sflag:s24] =	ssyncadd.s32 $0xFFFFF060  }
0x187: {  	_ =	swait.ge [sflag:s16], $0xFA0  }
0x188: {  	[sflag:s16] =	ssyncset.done $0x0  }
0x189: {  	s20 =	simm.s32 $0x2D80;
	[sflag:s16] =	ssyncadd.s32 $0xFFFFF060  }
0x18a: {  	[spmem:s3] =	stream.indirect.scatter.add.f32 [tilespmem:s10], [sflag:$0x3], $0x20, s20, s25, $0xb8;
	[tilespmem:$0x19A20] =	vst v63  }
0x18b: {  	_ =	swait.ge [sflag:s24], $0xFA0  }
0x18c: {  	[sflag:s24] =	ssyncset.done $0x0  }
0x18d: {  	[sflag:s24] =	ssyncadd.s32 $0xFFFFF060  }
0x18e: {  	_ =	swait.ge [sflag:s16], $0xFA0  }
0x18f: {  	[sflag:s16] =	ssyncset.done $0x0  }
0x190: {  	s21 =	simm.s32 $0x2E00;
	[sflag:s16] =	ssyncadd.s32 $0xFFFFF060  }
0x191: {  	[spmem:s3] =	stream.indirect.scatter.add.f32 [tilespmem:s11], [sflag:$0x3], $0x20, s21, s25, $0xb8;
	[tilespmem:$0x19A20] =	vst v63  }
0x192: {  	_ =	swait.ge [sflag:s24], $0xFA0  }
0x193: {  	[sflag:s24] =	ssyncset.done $0x0  }
0x194: {  	[sflag:s24] =	ssyncadd.s32 $0xFFFFF060  }
0x195: {  	_ =	swait.ge [sflag:s16], $0xFA0  }
0x196: {  	[sflag:s16] =	ssyncset.done $0x0  }
0x197: {  	s22 =	simm.s32 $0x2E80;
	[sflag:s16] =	ssyncadd.s32 $0xFFFFF060  }
0x198: {  	[spmem:s3] =	stream.indirect.scatter.add.f32 [tilespmem:s12], [sflag:$0x3], $0x20, s22, s25, $0xb8;
	[tilespmem:$0x19A20] =	vst v63  }
0x199: {  	_ =	swait.ge [sflag:s24], $0xFA0  }
0x19a: {  	[sflag:s24] =	ssyncset.done $0x0  }
0x19b: {  	[sflag:s24] =	ssyncadd.s32 $0xFFFFF060  }
0x19c: {  	_ =	swait.ge [sflag:s16], $0xFA0  }
0x19d: {  	[sflag:s16] =	ssyncset.done $0x0  }
0x19e: {  	s23 =	simm.s32 $0x2F00;
	[sflag:s16] =	ssyncadd.s32 $0xFFFFF060  }
0x19f: {  	[spmem:s3] =	stream.indirect.scatter.add.f32 [tilespmem:s13], [sflag:$0x3], $0x20, s23, s25, $0xb8;
	[tilespmem:$0x19A20] =	vst v63  }
0x1a0: {  	_ =	swait.ge [sflag:s24], $0xFA0  }
0x1a1: {  	[sflag:s24] =	ssyncset.done $0x0  }
0x1a2: {  	[sflag:s24] =	ssyncadd.s32 $0xFFFFF060  }
0x1a3: {  	_ =	swait.ge [sflag:s16], $0xFA0  }
0x1a4: {  	[sflag:s16] =	ssyncset.done $0x0  }
0x1a5: {  	s0 =	simm.s32 $0x9E20;
	s26 =	simm.s32 $0x2F80;
	[sflag:s16] =	ssyncadd.s32 $0xFFFFF060  }
0x1a6: {  	[spmem:s3] =	stream.indirect.scatter.add.f32 [tilespmem:s14], [sflag:$0x3], $0x20, s26, s25, $0xb8;
	[tilespmem:$0x19A20] =	vst v63  }
0x1a7: {  	s2 =	simm.s32 $0x8E80;
	s18 =	simm.s32 $0x800;
	_ =	swait.ge [sflag:s24], $0xFA0  }
0x1a8: {  	s19 =	simm.s32 $0x2000;
	s20 =	simm.s32 $0x4000;
	[sflag:s24] =	ssyncset.done $0x0  }
.LBB2_2:
0x1a9: {  	s4 =	sadd.s32 $0x400, s18  }
0x1aa: {  	[sflag:s24] =	ssyncadd.s32 $0xFFFFF060;
	s21 =	smov.u32 s20;
	s20 =	sadd.s32 $0x2000, s20  }
0x1ab: {  	[tilespmem:s7], [sflag:$0x2] =	stream.indirect.gather [hbm4b:s1+s25], $0x20, s4, s25, $0xb8;
	[tilespmem:$0x19A20] =	vst v63  }
0x1ac: {  	p1 =	sne.s32 s20, $0xA000;
	s4 =	sadd.s32 $0x480, s18  }
0x1ad: {  	[tilespmem:s8], [sflag:$0x2] =	stream.indirect.gather [hbm4b:s1+s25], $0x20, s4, s25, $0xb8;
	[tilespmem:$0x19A20] =	vst v63  }
0x1ae: {  	s4 =	sadd.s32 $0x500, s18  }
0x1af: {  	[tilespmem:s9], [sflag:$0x2] =	stream.indirect.gather [hbm4b:s1+s25], $0x20, s4, s25, $0xb8;
	[tilespmem:$0x19A20] =	vst v63  }
0x1b0: {  	s4 =	sadd.s32 $0x580, s18  }
0x1b1: {  	[tilespmem:s10], [sflag:$0x2] =	stream.indirect.gather [hbm4b:s1+s25], $0x20, s4, s25, $0xb8;
	[tilespmem:$0x19A20] =	vst v63  }
0x1b2: {  	s4 =	sadd.s32 $0x600, s18  }
0x1b3: {  	[tilespmem:s11], [sflag:$0x2] =	stream.indirect.gather [hbm4b:s1+s25], $0x20, s4, s25, $0xb8;
	[tilespmem:$0x19A20] =	vst v63  }
0x1b4: {  	s4 =	sadd.s32 $0x680, s18  }
0x1b5: {  	[tilespmem:s12], [sflag:$0x2] =	stream.indirect.gather [hbm4b:s1+s25], $0x20, s4, s25, $0xb8;
	[tilespmem:$0x19A20] =	vst v63  }
0x1b6: {  	s4 =	sadd.s32 $0x700, s18  }
0x1b7: {  	[tilespmem:s13], [sflag:$0x2] =	stream.indirect.gather [hbm4b:s1+s25], $0x20, s4, s25, $0xb8;
	[tilespmem:$0x19A20] =	vst v63  }
0x1b8: {  	s4 =	sadd.s32 $0x780, s18  }
0x1b9: {  	[tilespmem:s14], [sflag:$0x2] =	stream.indirect.gather [hbm4b:s1+s25], $0x20, s4, s25, $0xb8;
	[tilespmem:$0x19A20] =	vst v63  }
0x1ba: {  	_ =	swait.ge [sflag:s15], $0xFA0  }
0x1bb: {  	[sflag:s15] =	ssyncset.done $0x0  }
0x1bc: {  	s4 =	sadd.s32 $0x2800, s18;
	[sflag:s15] =	ssyncadd.s32 $0xFFFFF060  }
0x1bd: {  	[spmem:s3] =	stream.indirect.scatter.add.f32 [tilespmem:s28], [sflag:$0x3], $0x20, s4, s25, $0xb8;
	[tilespmem:$0x19A20] =	vst v63  }
0x1be: {  	_ =	swait.ge [sflag:s24], $0xFA0  }
0x1bf: {  	[sflag:s24] =	ssyncset.done $0x0  }
0x1c0: {  	[sflag:s24] =	ssyncadd.s32 $0xFFFFF060  }
0x1c1: {  	_ =	swait.ge [sflag:s15], $0xFA0  }
0x1c2: {  	[sflag:s15] =	ssyncset.done $0x0  }
0x1c3: {  	s4 =	sadd.s32 $0x2880, s18;
	[sflag:s15] =	ssyncadd.s32 $0xFFFFF060  }
0x1c4: {  	[spmem:s3] =	stream.indirect.scatter.add.f32 [tilespmem:s29], [sflag:$0x3], $0x20, s4, s25, $0xb8;
	[tilespmem:$0x19A20] =	vst v63  }
0x1c5: {  	_ =	swait.ge [sflag:s24], $0xFA0  }
0x1c6: {  	[sflag:s24] =	ssyncset.done $0x0  }
0x1c7: {  	[sflag:s24] =	ssyncadd.s32 $0xFFFFF060  }
0x1c8: {  	_ =	swait.ge [sflag:s15], $0xFA0  }
0x1c9: {  	[sflag:s15] =	ssyncset.done $0x0  }
0x1ca: {  	s4 =	sadd.s32 $0x2900, s18;
	[sflag:s15] =	ssyncadd.s32 $0xFFFFF060  }
0x1cb: {  	[spmem:s3] =	stream.indirect.scatter.add.f32 [tilespmem:s30], [sflag:$0x3], $0x20, s4, s25, $0xb8;
	[tilespmem:$0x19A20] =	vst v63  }
0x1cc: {  	_ =	swait.ge [sflag:s24], $0xFA0  }
0x1cd: {  	[sflag:s24] =	ssyncset.done $0x0  }
0x1ce: {  	[sflag:s24] =	ssyncadd.s32 $0xFFFFF060  }
0x1cf: {  	_ =	swait.ge [sflag:s15], $0xFA0  }
0x1d0: {  	[sflag:s15] =	ssyncset.done $0x0  }
0x1d1: {  	s4 =	sadd.s32 $0x2980, s18;
	[sflag:s15] =	ssyncadd.s32 $0xFFFFF060  }
0x1d2: {  	[spmem:s3] =	stream.indirect.scatter.add.f32 [tilespmem:s31], [sflag:$0x3], $0x20, s4, s25, $0xb8;
	[tilespmem:$0x19A20] =	vst v63  }
0x1d3: {  	_ =	swait.ge [sflag:s24], $0xFA0  }
0x1d4: {  	[sflag:s24] =	ssyncset.done $0x0  }
0x1d5: {  	[sflag:s24] =	ssyncadd.s32 $0xFFFFF060  }
0x1d6: {  	_ =	swait.ge [sflag:s15], $0xFA0  }
0x1d7: {  	[sflag:s15] =	ssyncset.done $0x0  }
0x1d8: {  	s4 =	sadd.s32 $0x2A00, s18;
	[sflag:s15] =	ssyncadd.s32 $0xFFFFF060  }
0x1d9: {  	[spmem:s3] =	stream.indirect.scatter.add.f32 [tilespmem:s2], [sflag:$0x3], $0x20, s4, s25, $0xb8;
	[tilespmem:$0x19A20] =	vst v63  }
0x1da: {  	_ =	swait.ge [sflag:s24], $0xFA0  }
0x1db: {  	[sflag:s24] =	ssyncset.done $0x0  }
0x1dc: {  	[sflag:s24] =	ssyncadd.s32 $0xFFFFF060  }
0x1dd: {  	_ =	swait.ge [sflag:s15], $0xFA0  }
0x1de: {  	[sflag:s15] =	ssyncset.done $0x0  }
0x1df: {  	s4 =	sadd.s32 $0x2A80, s18;
	[sflag:s15] =	ssyncadd.s32 $0xFFFFF060  }
0x1e0: {  	[spmem:s3] =	stream.indirect.scatter.add.f32 [tilespmem:s0], [sflag:$0x3], $0x20, s4, s25, $0xb8;
	[tilespmem:$0x19A20] =	vst v63  }
0x1e1: {  	_ =	swait.ge [sflag:s24], $0xFA0  }
0x1e2: {  	[sflag:s24] =	ssyncset.done $0x0  }
0x1e3: {  	[sflag:s24] =	ssyncadd.s32 $0xFFFFF060  }
0x1e4: {  	_ =	swait.ge [sflag:s15], $0xFA0  }
0x1e5: {  	[sflag:s15] =	ssyncset.done $0x0  }
0x1e6: {  	s4 =	sadd.s32 $0x2B00, s18;
	[sflag:s15] =	ssyncadd.s32 $0xFFFFF060  }
0x1e7: {  	[spmem:s3] =	stream.indirect.scatter.add.f32 [tilespmem:s6], [sflag:$0x3], $0x20, s4, s25, $0xb8;
	[tilespmem:$0x19A20] =	vst v63  }
0x1e8: {  	_ =	swait.ge [sflag:s24], $0xFA0  }
0x1e9: {  	[sflag:s24] =	ssyncset.done $0x0  }
0x1ea: {  	[sflag:s24] =	ssyncadd.s32 $0xFFFFF060  }
0x1eb: {  	_ =	swait.ge [sflag:s15], $0xFA0  }
0x1ec: {  	[sflag:s15] =	ssyncset.done $0x0  }
0x1ed: {  	s5 =	simm.s32 $0xBD60;
	s4 =	sadd.s32 $0x2B80, s18;
	[sflag:s15] =	ssyncadd.s32 $0xFFFFF060  }
0x1ee: {  	[spmem:s3] =	stream.indirect.scatter.add.f32 [tilespmem:s5], [sflag:$0x3], $0x20, s4, s25, $0xb8;
	[tilespmem:$0x19A20] =	vst v63  }
0x1ef: {  	p2 =	seq.s32 s19, $0x8000;
	_ =	swait.ge [sflag:s24], $0xFA0  }
0x1f0: {  	s4 =	sshra.s32 @!p2 s19, $0x2;
	s19 =	simm.s32 @!p2 $0x5000;
	[sflag:s24] =	ssyncset.done $0x0  }
0x1f1: {  	s22 =	simm.s32 @!p2 $0x7D;
	s5 =	sadd.s32 @!p2 $0x800, s4;
	[sflag:s24] =	ssyncadd.s32 $0xFFFFF060  }
0x1f2: {  	[tilespmem:s19], [sflag:$0x1] =	stream.indirect.gather @!p2 [hbm4b:s1+s22], $0x20, s5, s22, $0xb8;
	[tilespmem:$0x19A20] =	vst v63  }
0x1f3: {  	s17 =	sadd.s32 @!p2 $0x900, s4;
	s5 =	sadd.s32 @!p2 $0x880, s4;
	s19 =	simm.s32 @!p2 $0x5FA0  }
0x1f4: {  	[tilespmem:s19], [sflag:$0x1] =	stream.indirect.gather @!p2 [hbm4b:s1+s22], $0x20, s5, s22, $0xb8;
	[tilespmem:$0x19A20] =	vst v63  }
0x1f5: {  	s23 =	sadd.s32 @!p2 $0xA00, s4;
	s5 =	simm.s32 @!p2 $0x6F40;
	s19 =	sadd.s32 @!p2 $0x980, s4  }
0x1f6: {  	[tilespmem:s5], [sflag:$0x1] =	stream.indirect.gather @!p2 [hbm4b:s1+s22], $0x20, s17, s22, $0xb8;
	[tilespmem:$0x19A20] =	vst v63  }
0x1f7: {  	s26 =	sadd.s32 @!p2 $0xB00, s4;
	s5 =	simm.s32 @!p2 $0x7EE0;
	s17 =	sadd.s32 @!p2 $0xA80, s4  }
0x1f8: {  	[tilespmem:s5], [sflag:$0x1] =	stream.indirect.gather @!p2 [hbm4b:s1+s22], $0x20, s19, s22, $0xb8;
	[tilespmem:$0x19A20] =	vst v63  }
0x1f9: {  	s4 =	sadd.s32 @!p2 $0xB80, s4;
	s5 =	simm.s32 @!p2 $0x8E80;
	s19 =	smov.u32 s21  }
0x1fa: {  	[tilespmem:s5], [sflag:$0x1] =	stream.indirect.gather @!p2 [hbm4b:s1+s22], $0x20, s23, s22, $0xb8;
	[tilespmem:$0x19A20] =	vst v63  }
0x1fb: {  	s5 =	simm.s32 @!p2 $0x9E20  }
0x1fc: {  	[tilespmem:s5], [sflag:$0x1] =	stream.indirect.gather @!p2 [hbm4b:s1+s22], $0x20, s17, s22, $0xb8;
	[tilespmem:$0x19A20] =	vst v63  }
0x1fd: {  	s5 =	simm.s32 @!p2 $0xADC0  }
0x1fe: {  	[tilespmem:s5], [sflag:$0x1] =	stream.indirect.gather @!p2 [hbm4b:s1+s22], $0x20, s26, s22, $0xb8;
	[tilespmem:$0x19A20] =	vst v63  }
0x1ff: {  	s5 =	simm.s32 @!p2 $0xBD60  }
0x200: {  	[tilespmem:s5], [sflag:$0x1] =	stream.indirect.gather @!p2 [hbm4b:s1+s22], $0x20, s4, s22, $0xb8;
	[tilespmem:$0x19A20] =	vst v63  }
0x201: {  	_ =	swait.ge [sflag:s16], $0xFA0  }
0x202: {  	[sflag:s16] =	ssyncset.done $0x0  }
0x203: {  	s4 =	sadd.s32 $0x2C00, s18;
	[sflag:s16] =	ssyncadd.s32 $0xFFFFF060  }
0x204: {  	[spmem:s3] =	stream.indirect.scatter.add.f32 [tilespmem:s7], [sflag:$0x3], $0x20, s4, s25, $0xb8;
	[tilespmem:$0x19A20] =	vst v63  }
0x205: {  	_ =	swait.ge [sflag:s24], $0xFA0  }
0x206: {  	[sflag:s24] =	ssyncset.done $0x0  }
0x207: {  	[sflag:s24] =	ssyncadd.s32 $0xFFFFF060  }
0x208: {  	_ =	swait.ge [sflag:s16], $0xFA0  }
0x209: {  	[sflag:s16] =	ssyncset.done $0x0  }
0x20a: {  	s4 =	sadd.s32 $0x2C80, s18;
	[sflag:s16] =	ssyncadd.s32 $0xFFFFF060  }
0x20b: {  	[spmem:s3] =	stream.indirect.scatter.add.f32 [tilespmem:s8], [sflag:$0x3], $0x20, s4, s25, $0xb8;
	[tilespmem:$0x19A20] =	vst v63  }
0x20c: {  	_ =	swait.ge [sflag:s24], $0xFA0  }
0x20d: {  	[sflag:s24] =	ssyncset.done $0x0  }
0x20e: {  	[sflag:s24] =	ssyncadd.s32 $0xFFFFF060  }
0x20f: {  	_ =	swait.ge [sflag:s16], $0xFA0  }
0x210: {  	[sflag:s16] =	ssyncset.done $0x0  }
0x211: {  	s4 =	sadd.s32 $0x2D00, s18;
	[sflag:s16] =	ssyncadd.s32 $0xFFFFF060  }
0x212: {  	[spmem:s3] =	stream.indirect.scatter.add.f32 [tilespmem:s9], [sflag:$0x3], $0x20, s4, s25, $0xb8;
	[tilespmem:$0x19A20] =	vst v63  }
0x213: {  	_ =	swait.ge [sflag:s24], $0xFA0  }
0x214: {  	[sflag:s24] =	ssyncset.done $0x0  }
0x215: {  	[sflag:s24] =	ssyncadd.s32 $0xFFFFF060  }
0x216: {  	_ =	swait.ge [sflag:s16], $0xFA0  }
0x217: {  	[sflag:s16] =	ssyncset.done $0x0  }
0x218: {  	s4 =	sadd.s32 $0x2D80, s18;
	[sflag:s16] =	ssyncadd.s32 $0xFFFFF060  }
0x219: {  	[spmem:s3] =	stream.indirect.scatter.add.f32 [tilespmem:s10], [sflag:$0x3], $0x20, s4, s25, $0xb8;
	[tilespmem:$0x19A20] =	vst v63  }
0x21a: {  	_ =	swait.ge [sflag:s24], $0xFA0  }
0x21b: {  	[sflag:s24] =	ssyncset.done $0x0  }
0x21c: {  	[sflag:s24] =	ssyncadd.s32 $0xFFFFF060  }
0x21d: {  	_ =	swait.ge [sflag:s16], $0xFA0  }
0x21e: {  	[sflag:s16] =	ssyncset.done $0x0  }
0x21f: {  	s4 =	sadd.s32 $0x2E00, s18;
	[sflag:s16] =	ssyncadd.s32 $0xFFFFF060  }
0x220: {  	[spmem:s3] =	stream.indirect.scatter.add.f32 [tilespmem:s11], [sflag:$0x3], $0x20, s4, s25, $0xb8;
	[tilespmem:$0x19A20] =	vst v63  }
0x221: {  	_ =	swait.ge [sflag:s24], $0xFA0  }
0x222: {  	[sflag:s24] =	ssyncset.done $0x0  }
0x223: {  	[sflag:s24] =	ssyncadd.s32 $0xFFFFF060  }
0x224: {  	_ =	swait.ge [sflag:s16], $0xFA0  }
0x225: {  	[sflag:s16] =	ssyncset.done $0x0  }
0x226: {  	s4 =	sadd.s32 $0x2E80, s18;
	[sflag:s16] =	ssyncadd.s32 $0xFFFFF060  }
0x227: {  	[spmem:s3] =	stream.indirect.scatter.add.f32 [tilespmem:s12], [sflag:$0x3], $0x20, s4, s25, $0xb8;
	[tilespmem:$0x19A20] =	vst v63  }
0x228: {  	_ =	swait.ge [sflag:s24], $0xFA0  }
0x229: {  	[sflag:s24] =	ssyncset.done $0x0  }
0x22a: {  	[sflag:s24] =	ssyncadd.s32 $0xFFFFF060  }
0x22b: {  	_ =	swait.ge [sflag:s16], $0xFA0  }
0x22c: {  	[sflag:s16] =	ssyncset.done $0x0  }
0x22d: {  	s4 =	sadd.s32 $0x2F00, s18;
	[sflag:s16] =	ssyncadd.s32 $0xFFFFF060  }
0x22e: {  	[spmem:s3] =	stream.indirect.scatter.add.f32 [tilespmem:s13], [sflag:$0x3], $0x20, s4, s25, $0xb8;
	[tilespmem:$0x19A20] =	vst v63  }
0x22f: {  	_ =	swait.ge [sflag:s24], $0xFA0  }
0x230: {  	[sflag:s24] =	ssyncset.done $0x0  }
0x231: {  	[sflag:s24] =	ssyncadd.s32 $0xFFFFF060  }
0x232: {  	_ =	swait.ge [sflag:s16], $0xFA0  }
.Ltmp0:
0x233: {  	[sflag:s16] =	ssyncset.done $0x0;
	(pc) =	sbr.rel @p1 .LBB2_2-.Ltmp0, $4  }
0x234: {  	s4 =	sadd.s32 $0x2F80, s18;
	[sflag:s16] =	ssyncadd.s32 $0xFFFFF060  }
0x235: {  	[spmem:s3] =	stream.indirect.scatter.add.f32 [tilespmem:s14], [sflag:$0x3], $0x20, s4, s25, $0xb8;
	[tilespmem:$0x19A20] =	vst v63  }
0x236: {  	_ =	swait.ge [sflag:s24], $0xFA0  }
0x237: {  	s18 =	sshra.s32 s19, $0x2;
	[sflag:s24] =	ssyncset.done $0x0  }
0x238: {  	s4 =	sadd.s32 $0x400, s18;
	[sflag:s24] =	ssyncadd.s32 $0xFFFFF060  }
0x239: {  	[tilespmem:s7], [sflag:$0x2] =	stream.indirect.gather [hbm4b:s1+s25], $0x20, s4, s25, $0xb8;
	[tilespmem:$0x19A20] =	vst v63  }
0x23a: {  	s20 =	sadd.s32 $0x480, s18  }
0x23b: {  	[tilespmem:s8], [sflag:$0x2] =	stream.indirect.gather [hbm4b:s1+s25], $0x20, s20, s25, $0xb8;
	[tilespmem:$0x19A20] =	vst v63  }
0x23c: {  	s21 =	sadd.s32 $0x500, s18  }
0x23d: {  	[tilespmem:s9], [sflag:$0x2] =	stream.indirect.gather [hbm4b:s1+s25], $0x20, s21, s25, $0xb8;
	[tilespmem:$0x19A20] =	vst v63  }
0x23e: {  	s22 =	sadd.s32 $0x580, s18  }
0x23f: {  	[tilespmem:s10], [sflag:$0x2] =	stream.indirect.gather [hbm4b:s1+s25], $0x20, s22, s25, $0xb8;
	[tilespmem:$0x19A20] =	vst v63  }
0x240: {  	s23 =	sadd.s32 $0x600, s18  }
0x241: {  	[tilespmem:s11], [sflag:$0x2] =	stream.indirect.gather [hbm4b:s1+s25], $0x20, s23, s25, $0xb8;
	[tilespmem:$0x19A20] =	vst v63  }
0x242: {  	s26 =	sadd.s32 $0x680, s18  }
0x243: {  	[tilespmem:s12], [sflag:$0x2] =	stream.indirect.gather [hbm4b:s1+s25], $0x20, s26, s25, $0xb8;
	[tilespmem:$0x19A20] =	vst v63  }
0x244: {  	s5 =	sadd.s32 $0x700, s18  }
0x245: {  	[tilespmem:s13], [sflag:$0x2] =	stream.indirect.gather [hbm4b:s1+s25], $0x20, s5, s25, $0xb8;
	[tilespmem:$0x19A20] =	vst v63  }
0x246: {  	s17 =	sadd.s32 $0x780, s18  }
0x247: {  	[tilespmem:s14], [sflag:$0x2] =	stream.indirect.gather [hbm4b:s1+s25], $0x20, s17, s25, $0xb8;
	[tilespmem:$0x19A20] =	vst v63  }
0x248: {  	_ =	swait.ge [sflag:s15], $0xFA0  }
0x249: {  	[sflag:s15] =	ssyncset.done $0x0  }
0x24a: {  	s20 =	sadd.s32 $0x2800, s18;
	[sflag:s15] =	ssyncadd.s32 $0xFFFFF060  }
0x24b: {  	[spmem:s3] =	stream.indirect.scatter.add.f32 [tilespmem:s28], [sflag:$0x3], $0x20, s20, s25, $0xb8;
	[tilespmem:$0x19A20] =	vst v63  }
0x24c: {  	_ =	swait.ge [sflag:s24], $0xFA0  }
0x24d: {  	[sflag:s24] =	ssyncset.done $0x0  }
0x24e: {  	[sflag:s24] =	ssyncadd.s32 $0xFFFFF060  }
0x24f: {  	_ =	swait.ge [sflag:s15], $0xFA0  }
0x250: {  	[sflag:s15] =	ssyncset.done $0x0  }
0x251: {  	s21 =	sadd.s32 $0x2880, s18;
	[sflag:s15] =	ssyncadd.s32 $0xFFFFF060  }
0x252: {  	[spmem:s3] =	stream.indirect.scatter.add.f32 [tilespmem:s29], [sflag:$0x3], $0x20, s21, s25, $0xb8;
	[tilespmem:$0x19A20] =	vst v63  }
0x253: {  	_ =	swait.ge [sflag:s24], $0xFA0  }
0x254: {  	[sflag:s24] =	ssyncset.done $0x0  }
0x255: {  	[sflag:s24] =	ssyncadd.s32 $0xFFFFF060  }
0x256: {  	_ =	swait.ge [sflag:s15], $0xFA0  }
0x257: {  	[sflag:s15] =	ssyncset.done $0x0  }
0x258: {  	s22 =	sadd.s32 $0x2900, s18;
	[sflag:s15] =	ssyncadd.s32 $0xFFFFF060  }
0x259: {  	[spmem:s3] =	stream.indirect.scatter.add.f32 [tilespmem:s30], [sflag:$0x3], $0x20, s22, s25, $0xb8;
	[tilespmem:$0x19A20] =	vst v63  }
0x25a: {  	_ =	swait.ge [sflag:s24], $0xFA0  }
0x25b: {  	[sflag:s24] =	ssyncset.done $0x0  }
0x25c: {  	[sflag:s24] =	ssyncadd.s32 $0xFFFFF060  }
0x25d: {  	_ =	swait.ge [sflag:s15], $0xFA0  }
0x25e: {  	[sflag:s15] =	ssyncset.done $0x0  }
0x25f: {  	s23 =	sadd.s32 $0x2980, s18;
	[sflag:s15] =	ssyncadd.s32 $0xFFFFF060  }
0x260: {  	[spmem:s3] =	stream.indirect.scatter.add.f32 [tilespmem:s31], [sflag:$0x3], $0x20, s23, s25, $0xb8;
	[tilespmem:$0x19A20] =	vst v63  }
0x261: {  	_ =	swait.ge [sflag:s24], $0xFA0  }
0x262: {  	[sflag:s24] =	ssyncset.done $0x0  }
0x263: {  	[sflag:s24] =	ssyncadd.s32 $0xFFFFF060  }
0x264: {  	_ =	swait.ge [sflag:s15], $0xFA0  }
0x265: {  	[sflag:s15] =	ssyncset.done $0x0  }
0x266: {  	s26 =	sadd.s32 $0x2A00, s18;
	[sflag:s15] =	ssyncadd.s32 $0xFFFFF060  }
0x267: {  	[spmem:s3] =	stream.indirect.scatter.add.f32 [tilespmem:s2], [sflag:$0x3], $0x20, s26, s25, $0xb8;
	[tilespmem:$0x19A20] =	vst v63  }
0x268: {  	_ =	swait.ge [sflag:s24], $0xFA0  }
0x269: {  	[sflag:s24] =	ssyncset.done $0x0  }
0x26a: {  	[sflag:s24] =	ssyncadd.s32 $0xFFFFF060  }
0x26b: {  	_ =	swait.ge [sflag:s15], $0xFA0  }
0x26c: {  	[sflag:s15] =	ssyncset.done $0x0  }
0x26d: {  	s5 =	sadd.s32 $0x2A80, s18;
	[sflag:s15] =	ssyncadd.s32 $0xFFFFF060  }
0x26e: {  	[spmem:s3] =	stream.indirect.scatter.add.f32 [tilespmem:s0], [sflag:$0x3], $0x20, s5, s25, $0xb8;
	[tilespmem:$0x19A20] =	vst v63  }
0x26f: {  	_ =	swait.ge [sflag:s24], $0xFA0  }
0x270: {  	[sflag:s24] =	ssyncset.done $0x0  }
0x271: {  	[sflag:s24] =	ssyncadd.s32 $0xFFFFF060  }
0x272: {  	_ =	swait.ge [sflag:s15], $0xFA0  }
0x273: {  	[sflag:s15] =	ssyncset.done $0x0  }
0x274: {  	s17 =	sadd.s32 $0x2B00, s18;
	[sflag:s15] =	ssyncadd.s32 $0xFFFFF060  }
0x275: {  	[spmem:s3] =	stream.indirect.scatter.add.f32 [tilespmem:s6], [sflag:$0x3], $0x20, s17, s25, $0xb8;
	[tilespmem:$0x19A20] =	vst v63  }
0x276: {  	_ =	swait.ge [sflag:s24], $0xFA0  }
0x277: {  	[sflag:s24] =	ssyncset.done $0x0  }
0x278: {  	[sflag:s24] =	ssyncadd.s32 $0xFFFFF060  }
0x279: {  	_ =	swait.ge [sflag:s15], $0xFA0  }
0x27a: {  	[sflag:s15] =	ssyncset.done $0x0  }
0x27b: {  	s20 =	sadd.s32 $0x2B80, s18;
	s21 =	simm.s32 $0xBD60;
	[sflag:s15] =	ssyncadd.s32 $0xFFFFF060  }
0x27c: {  	[spmem:s3] =	stream.indirect.scatter.add.f32 [tilespmem:s21], [sflag:$0x3], $0x20, s20, s25, $0xb8;
	[tilespmem:$0x19A20] =	vst v63  }
0x27d: {  	p1 =	seq.s32 s19, $0x8000;
	_ =	swait.ge [sflag:s24], $0xFA0  }
0x27e: {  	s4 =	sshra.s32 @!p1 s19, $0x2;
	s19 =	simm.s32 @!p1 $0x7D;
	[sflag:s24] =	ssyncset.done $0x0  }
0x27f: {  	s5 =	simm.s32 @!p1 $0x5000;
	s17 =	sadd.s32 @!p1 $0x800, s4;
	[sflag:s24] =	ssyncadd.s32 $0xFFFFF060  }
0x280: {  	[tilespmem:s5], [sflag:$0x1] =	stream.indirect.gather @!p1 [hbm4b:s1+s19], $0x20, s17, s19, $0xb8;
	[tilespmem:$0x19A20] =	vst v63  }
0x281: {  	s5 =	sadd.s32 @!p1 $0x880, s4;
	s17 =	simm.s32 @!p1 $0x5FA0  }
0x282: {  	[tilespmem:s17], [sflag:$0x1] =	stream.indirect.gather @!p1 [hbm4b:s1+s19], $0x20, s5, s19, $0xb8;
	[tilespmem:$0x19A20] =	vst v63  }
0x283: {  	s5 =	sadd.s32 @!p1 $0x900, s4;
	s17 =	simm.s32 @!p1 $0x6F40  }
0x284: {  	[tilespmem:s17], [sflag:$0x1] =	stream.indirect.gather @!p1 [hbm4b:s1+s19], $0x20, s5, s19, $0xb8;
	[tilespmem:$0x19A20] =	vst v63  }
0x285: {  	s5 =	sadd.s32 @!p1 $0x980, s4;
	s17 =	simm.s32 @!p1 $0x7EE0  }
0x286: {  	[tilespmem:s17], [sflag:$0x1] =	stream.indirect.gather @!p1 [hbm4b:s1+s19], $0x20, s5, s19, $0xb8;
	[tilespmem:$0x19A20] =	vst v63  }
0x287: {  	s5 =	sadd.s32 @!p1 $0xA00, s4;
	s17 =	simm.s32 @!p1 $0x8E80  }
0x288: {  	[tilespmem:s17], [sflag:$0x1] =	stream.indirect.gather @!p1 [hbm4b:s1+s19], $0x20, s5, s19, $0xb8;
	[tilespmem:$0x19A20] =	vst v63  }
0x289: {  	s5 =	sadd.s32 @!p1 $0xA80, s4;
	s17 =	simm.s32 @!p1 $0x9E20  }
0x28a: {  	[tilespmem:s17], [sflag:$0x1] =	stream.indirect.gather @!p1 [hbm4b:s1+s19], $0x20, s5, s19, $0xb8;
	[tilespmem:$0x19A20] =	vst v63  }
0x28b: {  	s5 =	sadd.s32 @!p1 $0xB00, s4;
	s17 =	simm.s32 @!p1 $0xADC0  }
0x28c: {  	[tilespmem:s17], [sflag:$0x1] =	stream.indirect.gather @!p1 [hbm4b:s1+s19], $0x20, s5, s19, $0xb8;
	[tilespmem:$0x19A20] =	vst v63  }
0x28d: {  	s4 =	sadd.s32 @!p1 $0xB80, s4;
	s5 =	simm.s32 @!p1 $0xBD60  }
0x28e: {  	[tilespmem:s5], [sflag:$0x1] =	stream.indirect.gather @!p1 [hbm4b:s1+s19], $0x20, s4, s19, $0xb8;
	[tilespmem:$0x19A20] =	vst v63  }
0x28f: {  	_ =	swait.ge [sflag:s16], $0xFA0  }
0x290: {  	[sflag:s16] =	ssyncset.done $0x0  }
0x291: {  	s22 =	sadd.s32 $0x2C00, s18;
	[sflag:s16] =	ssyncadd.s32 $0xFFFFF060  }
0x292: {  	[spmem:s3] =	stream.indirect.scatter.add.f32 [tilespmem:s7], [sflag:$0x3], $0x20, s22, s25, $0xb8;
	[tilespmem:$0x19A20] =	vst v63  }
0x293: {  	_ =	swait.ge [sflag:s24], $0xFA0  }
0x294: {  	[sflag:s24] =	ssyncset.done $0x0  }
0x295: {  	[sflag:s24] =	ssyncadd.s32 $0xFFFFF060  }
0x296: {  	_ =	swait.ge [sflag:s16], $0xFA0  }
0x297: {  	[sflag:s16] =	ssyncset.done $0x0  }
0x298: {  	s23 =	sadd.s32 $0x2C80, s18;
	[sflag:s16] =	ssyncadd.s32 $0xFFFFF060  }
0x299: {  	[spmem:s3] =	stream.indirect.scatter.add.f32 [tilespmem:s8], [sflag:$0x3], $0x20, s23, s25, $0xb8;
	[tilespmem:$0x19A20] =	vst v63  }
0x29a: {  	_ =	swait.ge [sflag:s24], $0xFA0  }
0x29b: {  	[sflag:s24] =	ssyncset.done $0x0  }
0x29c: {  	[sflag:s24] =	ssyncadd.s32 $0xFFFFF060  }
0x29d: {  	_ =	swait.ge [sflag:s16], $0xFA0  }
0x29e: {  	[sflag:s16] =	ssyncset.done $0x0  }
0x29f: {  	s26 =	sadd.s32 $0x2D00, s18;
	[sflag:s16] =	ssyncadd.s32 $0xFFFFF060  }
0x2a0: {  	[spmem:s3] =	stream.indirect.scatter.add.f32 [tilespmem:s9], [sflag:$0x3], $0x20, s26, s25, $0xb8;
	[tilespmem:$0x19A20] =	vst v63  }
0x2a1: {  	_ =	swait.ge [sflag:s24], $0xFA0  }
0x2a2: {  	[sflag:s24] =	ssyncset.done $0x0  }
0x2a3: {  	[sflag:s24] =	ssyncadd.s32 $0xFFFFF060  }
0x2a4: {  	_ =	swait.ge [sflag:s16], $0xFA0  }
0x2a5: {  	[sflag:s16] =	ssyncset.done $0x0  }
0x2a6: {  	s0 =	sadd.s32 $0x2D80, s18;
	[sflag:s16] =	ssyncadd.s32 $0xFFFFF060  }
0x2a7: {  	[spmem:s3] =	stream.indirect.scatter.add.f32 [tilespmem:s10], [sflag:$0x3], $0x20, s0, s25, $0xb8;
	[tilespmem:$0x19A20] =	vst v63  }
0x2a8: {  	_ =	swait.ge [sflag:s24], $0xFA0  }
0x2a9: {  	[sflag:s24] =	ssyncset.done $0x0  }
0x2aa: {  	[sflag:s24] =	ssyncadd.s32 $0xFFFFF060  }
0x2ab: {  	_ =	swait.ge [sflag:s16], $0xFA0  }
0x2ac: {  	[sflag:s16] =	ssyncset.done $0x0  }
0x2ad: {  	s2 =	sadd.s32 $0x2E00, s18;
	[sflag:s16] =	ssyncadd.s32 $0xFFFFF060  }
0x2ae: {  	[spmem:s3] =	stream.indirect.scatter.add.f32 [tilespmem:s11], [sflag:$0x3], $0x20, s2, s25, $0xb8;
	[tilespmem:$0x19A20] =	vst v63  }
0x2af: {  	_ =	swait.ge [sflag:s24], $0xFA0  }
0x2b0: {  	[sflag:s24] =	ssyncset.done $0x0  }
0x2b1: {  	[sflag:s24] =	ssyncadd.s32 $0xFFFFF060  }
0x2b2: {  	_ =	swait.ge [sflag:s16], $0xFA0  }
0x2b3: {  	[sflag:s16] =	ssyncset.done $0x0  }
0x2b4: {  	s5 =	sadd.s32 $0x2E80, s18;
	[sflag:s16] =	ssyncadd.s32 $0xFFFFF060  }
0x2b5: {  	[spmem:s3] =	stream.indirect.scatter.add.f32 [tilespmem:s12], [sflag:$0x3], $0x20, s5, s25, $0xb8;
	[tilespmem:$0x19A20] =	vst v63  }
0x2b6: {  	_ =	swait.ge [sflag:s24], $0xFA0  }
0x2b7: {  	[sflag:s24] =	ssyncset.done $0x0  }
0x2b8: {  	[sflag:s24] =	ssyncadd.s32 $0xFFFFF060  }
0x2b9: {  	_ =	swait.ge [sflag:s16], $0xFA0  }
0x2ba: {  	[sflag:s16] =	ssyncset.done $0x0  }
0x2bb: {  	s17 =	sadd.s32 $0x2F00, s18;
	[sflag:s16] =	ssyncadd.s32 $0xFFFFF060  }
0x2bc: {  	[spmem:s3] =	stream.indirect.scatter.add.f32 [tilespmem:s13], [sflag:$0x3], $0x20, s17, s25, $0xb8;
	[tilespmem:$0x19A20] =	vst v63  }
0x2bd: {  	_ =	swait.ge [sflag:s24], $0xFA0  }
0x2be: {  	[sflag:s24] =	ssyncset.done $0x0  }
0x2bf: {  	[sflag:s24] =	ssyncadd.s32 $0xFFFFF060  }
0x2c0: {  	_ =	swait.ge [sflag:s16], $0xFA0  }
0x2c1: {  	[sflag:s16] =	ssyncset.done $0x0  }
0x2c2: {  	s19 =	sadd.s32 $0x2F80, s18;
	[sflag:s16] =	ssyncadd.s32 $0xFFFFF060  }
0x2c3: {  	[spmem:s3] =	stream.indirect.scatter.add.f32 [tilespmem:s14], [sflag:$0x3], $0x20, s19, s25, $0xb8;
	[tilespmem:$0x19A20] =	vst v63  }
0x2c4: {  	_ =	swait.ge [sflag:s24], $0xFA0  }
0x2c5: {  	[sflag:s24] =	ssyncset.done $0x0  }
0x2c6: {  	[sflag:s24] =	ssyncadd.s32 $0xFFFFF060  }
0x2c7: {  	s20 =	stileid.u32;
	[bflag:$0x0] =	sbarrier.arrive $0xFFFF  }
0x2c8: {  	s4 =	sshll.u32 s20, $0x6;
	s17 =	rddreg [dreg:$0x4]  }
0x2c9: {  	s4 =	sor.u32 $0x1C03, s4;
	s22 =	rddreg [dreg:$0x13];
	s21 =	sshrl.u32 s17, $0x3  }
0x2ca: {  	[hbm:s22], [sflag:s4] =	dma.local [spmem:s21], $0x9C0  }
0x2cb: {  	_ =	swait.ge [sflag:s24], $0x9C0  }
0x2cc: {  	s19 =	sld [smem:$0x7FD]  }
0x2cd: {  	s18 =	sld [smem:$0x7FB]  }
0x2ce: {  	[sflag:s24] =	ssyncset.done $0x0  }
0x2cf: {  	[sflag:s24] =	ssyncadd.s32 $0xFFFFF640;
	s5 =	sshrl.u32 @!p0 s19, $0x3  }
0x2d0: {  	[hbm:s18], [sflag:s4] =	dma.local @!p0 [spmem:s5], $0x40  }
0x2d1: {  	s4 =	simm.s32 @!p0 $0x3  }
0x2d2: {  	_ =	swait.ge @!p0 [sflag:s4], $0x40  }
0x2d3: {  	s23 =	sld [smem:$0x7EC]  }
0x2d4: {  	s26 =	sld [smem:$0x7FC];
	_ =	sdelay $0x1  }
0x2d5: {  	s0 =	sadd.s32 $0x1, s23  }
0x2d6: {  	p1 =	sne.s32 s0, s26  }
.Ltmp1:
0x2d7: {  	_ = 	snop;
	(pc) =	sbr.rel @p1 .LBB2_1-.Ltmp1, $3  }
0x2d8: {  	_ =	sdelay $0x1  }
0x2d9: {  	[sflag:s4] =	ssyncset.done @!p0 $0x0  }
0x2da: {  	[sflag:s4] =	ssyncadd.s32 @!p0 $0xFFFFFFC0  }
0x2db: {  	_ =	sfence.sel $0x180000  }
0x2dc: {  	[bflag:$0x0] =	sbarrier.arrive $0xFFFF  }
0x2dd: {  	_ =	strace $0x9000004D  }
0x2de: {  	s0 =	stileid.u32;
	[bflag:$0x2] =	sbarrier.arrive $0xFFFF  }
0x2df: {  	p0 =	sne.s32 s0, $0x0;
	s0 =	rddreg [dreg:$0x3]  }
0x2e0: {  	s0 =	sadd.s32 @!p0 $0x100000, s0  }
0x2e1: {  	[sflag:s0] =	ssyncadd.tile.s32 @!p0 $0x1;
	_ =	shalt  }
.Lfunc_end2:
_tile_overlayer_lowered:
.L_overlay_start_2:
0x2e2: {  	(tag) =	ssettag $0x2  }
0x2e3: {  	s0 =	rddreg [dreg:$0x0];
	s2 =	stileid.u32  }
0x2e4: {  	s1 =	rddreg [dreg:$0x1];
	p0 =	sne.s32 s2, $0x0  }
0x2e5: {  	s3 =	rddreg [dreg:$0x2];
	[bflag:$0x3] =	sbarrier.arrive $0xFFFF;
	s2 =	simm.s32 @!p0 $0x1C03  }
0x2e6: {  	[timem:s3], [sflag:s2] =	dma.local @!p0 [hbm:s0], s1  }
0x2e7: {  	s0 =	simm.s32 @!p0 $0x3  }
0x2e8: {  	_ =	swait.ge @!p0 [sflag:s0], s1  }
0x2e9: {  	s1 =	ssub.s32 @!p0 $0x0, s1;
	[sflag:s0] =	ssyncset.done @!p0 $0x0  }
0x2ea: {  	[sflag:s0] =	ssyncadd.s32 @!p0 s1  }
0x2eb: {  	[bflag:$0x3] =	sbarrier.arrive $0xFFFF  }
0x2ec: {  	_ =	shalt  }

// kernel: kernel.8.cloned.1.call-start
scs
__scs_entry_jumppad:
0x0: {  	(pc) =	sbr.rel $0x88, $3  }
0x1: {  	(tag) =	ssettag $0x0;
	lr =	simm.s32 $0x1  }
0x2: {  	[smem:$0x3F99] =	sst lr;
	_ =	strace $0xD0000000  }
0x3: {  	_ = 	snop  }
0x4: {  	_ = 	snop  }
0x5: {  	_ = 	snop  }
0x6: {  	_ = 	snop  }
0x7: {  	_ = 	snop  }
__scs_overlays_trampoline_lowered:
0x8: {  	[smem:$0x3FA8] =	sst s0  }
0x9: {  	[smem:$0x3FA9] =	sst s1  }
0xa: {  	[smem:$0x3FAA] =	sst s2  }
0xb: {  	[smem:$0x3FAB] =	sst s3  }
0xc: {  	[smem:$0x3FAC] =	sst s4  }
0xd: {  	[smem:$0x3FAD] =	sst s5  }
0xe: {  	[smem:$0x3FAE] =	sst s6  }
0xf: {  	[smem:$0x3FAF] =	sst s7  }
0x10: {  	[smem:$0x3FB0] =	sst s8  }
0x11: {  	[smem:$0x3FB1] =	sst s9;
	s0 =	simm.s32 @!p0 $0x0  }
0x12: {  	s1 =	sld [smem:$0x3F97];
	s0 =	simm.s32 @p0 $0x1  }
0x13: {  	[smem:$0x3FB2] =	sst s0;
	s0 =	simm.s32 @!p1 $0x0  }
0x14: {  	s2 =	sld [smem:$0x3F96];
	s0 =	simm.s32 @p1 $0x1  }
0x15: {  	[smem:$0x3FB3] =	sst s0;
	s0 =	simm.s32 @!p2 $0x0  }
0x16: {  	s3 =	sld [smem:$0x3FDB];
	s0 =	simm.s32 @p2 $0x1  }
0x17: {  	s4 =	simm.s32 $0x1BF5;
	[smem:$0x3FB5] =	sst s0  }
0x18: {  	s0 =	sld [smem:$0x3F98];
	_ =	swait.ge [sflag:s4], $0x0  }
0x19: {  	s7 =	sld [smem:$0x3F99]  }
0x1a: {  	s8 =	sadd.s32 $0xFFFFE003, lr  }
0x1b: {  	s9 =	sadd.s32 $0xFFFFFEF7, lr;
	s5 =	simm.s32 $0xFFFFFFFF;
	p2 =	slt.u32 s8, $0xFFFFF086  }
0x1c: {  	p1 =	slt.u32 s9, $0xF7A;
	s5 =	simm.s32 @!p2 $0x0  }
0x1d: {  	s5 =	simm.s32 @p1 $0x1;
	p0 =	seq.s32 s7, s2  }
0x1e: {  	s7 =	smul.u32 @!p0 $0xF7A, s2;
	p2 =	seq.s32 @!p0 s5, $0x0  }
0x1f: {  	s9 =	smul.u32 $0xF7A, s1;
	s8 =	simm.s32 @!p0 $0x1BF5;
	p2 =	por !p2, p0  }
0x20: {  	[sflag:s8] =	ssyncset.s32 @!p0 $0xFFFFF086;
	s6 =	sadd.s32 @!p0 s3, s7;
	s7 =	simm.s32 @!p0 $0x108  }
0x21: {  	s3 =	sadd.s32 s3, s9;
	s6 =	sadd.s32 @!p0 $0x88, s6;
	s7 =	simm.s32 @p2 $0x1082  }
0x22: {  	[simem:s7], [sflag:s8] =	dma.local @!p0 [hbm:s6], $0xF7A  }
0x23: {  	s9 =	sor.u32 $0xD0000000, s2;
	s6 =	simm.s32 $0x108;
	_ =	swait.ge @!p0 [sflag:s8], $0x0  }
0x24: {  	s3 =	sadd.s32 $0x88, s3;
	s6 =	simm.s32 @!p1 $0x1082;
	[sflag:s4] =	ssyncset.s32 $0xFFFFF086  }
0x25: {  	[simem:s6], [sflag:s4] =	dma.local [hbm:s3], $0xF7A  }
0x26: {  	[smem:$0x3F99] =	sst s1;
	(tag) =	ssettag s2;
	_ =	strace s9  }
0x27: {  	s1 =	sld [smem:$0x3FA9]  }
0x28: {  	s2 =	sld [smem:$0x3FAA]  }
0x29: {  	s4 =	sld [smem:$0x3FAC]  }
0x2a: {  	p0 =	seq.s32 s5, $0x0;
	s5 =	sld [smem:$0x3FAD]  }
0x2b: {  	s6 =	sld [smem:$0x3FAE]  }
0x2c: {  	s7 =	sld [smem:$0x3FAF]  }
0x2d: {  	s3 =	simm.s32 $0x108;
	s8 =	sld [smem:$0x3FB0]  }
0x2e: {  	s3 =	simm.s32 @!p0 $0x1082;
	s9 =	sld [smem:$0x3FB1]  }
0x2f: {  	lr =	sadd.s32 s0, s3;
	s0 =	sld [smem:$0x3FA8]  }
0x30: {  	s3 =	sld [smem:$0x3FAB]  }
0x31: {  	[smem:$0x3FB4] =	sst s10  }
0x32: {  	s10 =	sld [smem:$0x3FB2];
	_ =	sdelay $0x3  }
0x33: {  	p0 =	seq.s32 s10, $0x1;
	s10 =	sld [smem:$0x3FB4];
	_ =	sdelay $0x3  }
0x34: {  	[smem:$0x3FB4] =	sst s10  }
0x35: {  	s10 =	sld [smem:$0x3FB3];
	_ =	sdelay $0x3  }
0x36: {  	p1 =	seq.s32 s10, $0x1;
	s10 =	sld [smem:$0x3FB4];
	_ =	sdelay $0x3  }
0x37: {  	[smem:$0x3FB4] =	sst s10  }
0x38: {  	s10 =	sld [smem:$0x3FB5]  }
0x39: {  	_ = 	snop;
	(pc) =	sbr.ind lr, $3  }
0x3a: {  	_ = 	snop  }
0x3b: {  	_ = 	snop  }
0x3c: {  	p2 =	seq.s32 s10, $0x1;
	s10 =	sld [smem:$0x3FB4]  }
0x3d: {  	_ =	shalt  }
0x3e: {  	_ =	shalt  }
0x3f: {  	_ =	shalt  }
0x40: {  	_ =	shalt  }
0x41: {  	_ =	shalt  }
0x42: {  	_ =	shalt  }
0x43: {  	_ =	shalt  }
0x44: {  	_ =	shalt  }
0x45: {  	_ =	shalt  }
0x46: {  	_ =	shalt  }
0x47: {  	_ =	shalt  }
0x48: {  	_ =	shalt  }
0x49: {  	_ =	shalt  }
0x4a: {  	_ =	shalt  }
0x4b: {  	_ =	shalt  }
0x4c: {  	_ =	shalt  }
0x4d: {  	_ =	shalt  }
0x4e: {  	_ =	shalt  }
0x4f: {  	_ =	shalt  }
0x50: {  	_ =	shalt  }
0x51: {  	_ =	shalt  }
0x52: {  	_ =	shalt  }
0x53: {  	_ =	shalt  }
0x54: {  	_ =	shalt  }
0x55: {  	_ =	shalt  }
0x56: {  	_ =	shalt  }
0x57: {  	_ =	shalt  }
0x58: {  	_ =	shalt  }
0x59: {  	_ =	shalt  }
0x5a: {  	_ =	shalt  }
0x5b: {  	_ =	shalt  }
0x5c: {  	_ =	shalt  }
0x5d: {  	_ =	shalt  }
0x5e: {  	_ =	shalt  }
0x5f: {  	_ =	shalt  }
0x60: {  	_ =	shalt  }
0x61: {  	_ =	shalt  }
0x62: {  	_ =	shalt  }
0x63: {  	_ =	shalt  }
0x64: {  	_ =	shalt  }
0x65: {  	_ =	shalt  }
0x66: {  	_ =	shalt  }
0x67: {  	_ =	shalt  }
0x68: {  	_ =	shalt  }
0x69: {  	_ =	shalt  }
0x6a: {  	_ =	shalt  }
0x6b: {  	_ =	shalt  }
0x6c: {  	_ =	shalt  }
0x6d: {  	_ =	shalt  }
0x6e: {  	_ =	shalt  }
0x6f: {  	_ =	shalt  }
0x70: {  	_ =	shalt  }
0x71: {  	_ =	shalt  }
0x72: {  	_ =	shalt  }
0x73: {  	_ =	shalt  }
0x74: {  	_ =	shalt  }
0x75: {  	_ =	shalt  }
0x76: {  	_ =	shalt  }
0x77: {  	_ =	shalt  }
0x78: {  	_ =	shalt  }
0x79: {  	_ =	shalt  }
0x7a: {  	_ =	shalt  }
0x7b: {  	_ =	shalt  }
0x7c: {  	_ =	shalt  }
0x7d: {  	_ =	shalt  }
0x7e: {  	_ =	shalt  }
0x7f: {  	_ =	shalt  }
0x80: {  	_ =	shalt  }
0x81: {  	_ =	shalt  }
0x82: {  	_ =	shalt  }
0x83: {  	_ =	shalt  }
0x84: {  	_ =	shalt  }
0x85: {  	_ =	shalt  }
0x86: {  	_ =	shalt  }
0x87: {  	_ =	shalt  }
.Lfunc_end0:
.L_simem_size_0:
called_computation_lowered:
.L_overlay_start_0:
0x88: {  	s2 =	sld [smem:$0x3FD9]  }
0x89: {  	s3 =	sld [smem:$0x3FFE];
	_ =	sdelay $0x1  }
0x8a: {  	s1 =	srdreg.scid  }
0x8b: {  	s0 =	sand.u32 $0x1, s1  }
0x8c: {  	s17 =	sshll.u32 s0, $0xA;
	s2 =	sadd.s32 s3, s2  }
0x8d: {  	s2 =	sadd.s32 s2, s17  }
0x8e: {  	[smem:$0x3FC0] =	sst s2  }
0x8f: {  	_ = 	snop  }
0x90: {  	s2 =	sld [smem:$0x3FD0];
	(tm) =	ssettm $0x1  }
0x91: {  	s18 =	sld [smem:$0x3FFB];
	_ =	sdelay $0x3  }
0x92: {  	_ =	strace s18  }
0x93: {  	s3 =	sld [smem:$0x3FFC];
	_ =	sdelay $0x3  }
0x94: {  	_ =	strace s3  }
0x95: {  	s3 =	sld [smem:$0x3FFD];
	_ =	sdelay $0x3  }
0x96: {  	_ =	strace s3  }
0x97: {  	_ =	strace $0x8FFFFFFF  }
0x98: {  	s19 =	sld [smem:$0x3FDB];
	_ =	sdelay $0x1  }
0x99: {  	s4 =	simm.s32 $_scs_section_size  }
0x9a: {  	s5 =	simm.s32 $_size__tile_overlayer_lowered;
	s6 =	simm.s32 $_tile_overlayer_lowered  }
0x9b: {  	s22 =	simm.s32 $0x1BFF;
	s21 =	sshll.u32 s6, $0x1;
	s3 =	sadd.s32 s4, s19  }
0x9c: {  	s7 =	simm.s32 $0x0;
	s20 =	sshll.u32 s5, $0x1;
	s5 =	sadd.s32 s21, s3  }
0x9d: {  	[timem:s7], [sflag:s22] =	dma.local [hbm:s5], s20  }
0x9e: {  	_ =	swait.ge [sflag:s22], s20  }
0x9f: {  	s4 =	ssub.s32 $0x0, s20;
	[sflag:s22] =	ssyncset.done $0x0  }
0xa0: {  	[sflag:s22] =	ssyncadd.s32 s4;
	_ =	sdelay $0x1  }
0xa1: {  	s23 =	simm.s32 $0x1B8B  }
0xa2: {  	_ =	swait.ge [sflag:s23], $0x1  }
0xa3: {  	[sflag:s23] =	ssyncset.done $0x0  }
0xa4: {  	s25 =	simm.s32 $0x1B8E;
	s24 =	sld [smem:$0x3FFE];
	[sflag:s23] =	ssyncadd.s32 $0xFFFFFFFF  }
0xa5: {  	s26 =	simm.s32 $execute0_lowered;
	[smem:$0x3FD2] =	sst s25  }
0xa6: {  	s5 =	sshll.u32 s26, $0x1;
	_ =	strace $0x80000046;
	[dreg:$0x1] =	wrdreg $0xFFFFFFFF  }
0xa7: {  	s28 =	simm.s32 $_size_execute0_lowered;
	s3 =	sadd.s32 s3, s5;
	[dreg:$0x0] =	wrdreg $0x0  }
0xa8: {  	s5 =	sshll.u32 s28, $0x1;
	[dreg:$0x2] =	wrdreg s3  }
0xa9: {  	[dreg:$0x3] =	wrdreg s5  }
0xaa: {  	[dreg:$0x4] =	wrdreg $0xC0  }
0xab: {  	_ =	task [dreg:s7], $0x5FFFF  }
0xac: {  	[dreg:$0x1] =	wrdreg $0xFFFFFFFF  }
0xad: {  	[dreg:$0x0] =	wrdreg $0x60  }
0xae: {  	[dreg:$0x2] =	wrdreg s24  }
0xaf: {  	[dreg:$0x3] =	wrdreg s2  }
0xb0: {  	[dreg:$0x4] =	wrdreg $0x9  }
0xb1: {  	_ =	task.clear_ibuf [dreg:s7], $0x5FFFF;
	_ =	strace $0x90000046  }
0xb2: {  	s29 =	simm.s32 $0x9;
	_ =	strace $0x80000048  }
0xb3: {  	_ =	swait.ge [sflag:s29], $0x1  }
0xb4: {  	[sflag:s29] =	ssyncadd.s32 $0xFFFFFFFF  }
0xb5: {  	_ =	strace $0x90000048  }
0xb6: {  	_ =	sfence  }
0xb7: {  	s30 =	sld [smem:$0x0];
	_ =	sdelay $0x2  }
0xb8: {  	s31 =	sshll.u32 s1, $0xD;
	s1 =	sshrl.u32 s1, $0x2  }
0xb9: {  	s3 =	sand.u32 $0x4000, s31;
	s1 =	sadd.s32 s1, s30  }
0xba: {  	s0 =	sor.u32 s3, s0;
	s1 =	sshll.u32 s1, $0x11  }
0xbb: {  	s0 =	sor.u32 s1, s0  }
0xbc: {  	s0 =	sadd.s32 $0x8F2B, s0  }
0xbd: {  	[sflag:s0] =	ssyncadd.remote.s32 $0x1  }
0xbe: {  	_ =	sfence.sel $0xFFFF  }
0xbf: {  	[dreg:$0x0] =	wrdreg $0xFFFFFFFF;
	(pc) =	sbr.abs _section_cstart, $3  }
0xc0: {  	[dreg:$0x1] =	wrdreg $0xFFFFFFFF  }
0xc1: {  	_ =	task.clear_ibuf [dreg:s7], $0x2FFFF;
	_ =	strace $0x9FFFFFFF  }
0xc2: {  	(tm) =	ssettm $0x7FFFFFFF  }
0xc3: {  	_ =	shalt  }
tec
execute0_lowered:
.L_overlay_start_1:
0x0: {  	(tag) =	ssettag $0x1  }
0x1: {  	s3 =	rddreg [dreg:$0x0]  }
0x2: {  	s1 =	srdreg.scid;
	s0 =	stileid.u32  }
0x3: {  	s4 =	rddreg [dreg:$0x1];
	s5 =	sand.u32 $0x1, s1;
	s2 =	sshll.u32 s0, $0x1  }
0x4: {  	s1 =	rddreg [dreg:$0x2];
	s6 =	sor.u32 s5, s2  }
0x5: {  	s2 =	simm.s32 $0x0;
	s5 =	ssub.s32 $0x2, s5;
	s7 =	smul.u32 $0x500, s6  }
0x6: {  	[smem:$0x7FF] =	sst s2;
	s8 =	sshrl.u32 s5, $0x1;
	s6 =	smul.u32 $0x4E2, s6  }
0x7: {  	_ =	strace $0x80000047;
	s5 =	ssub.s32 s5, s8;
	s8 =	simm.s32 $0x0  }
0x8: {  	s3 =	sadd.s32 s7, s3;
	s4 =	sadd.s32 s4, s6;
	s5 =	smax.u32 s5, $0x1  }
0x9: {  	v0 =	vimm.f32 $0.0e+00;
	v1 =	vimm.f32 $1.000000000e+00;
	vm0 =	vcmask $0x3F0C;
	s6 =	simm.s32 $0x1;
	s7 =	simm.s32 $0x2800;
	s3 =	sadd.s32 $0x1C00, s3  }
.LBB2_1:
0xa: {  	[tilespmem:s2], [sflag:$0x1] =	stream.linear.gather [hbm4b:s3+s2], $0x2800, $0x38;
	[tilespmem:$0x4F10] =	vst v63  }
0xb: {  	_ =	swait.ge [sflag:s6], $0x2800  }
0xc: {  	[sflag:s6] =	ssyncset.done $0x0  }
0xd: {  	s9 =	simm.s32 $0x0;
	[sflag:s6] =	ssyncadd.s32 $0xFFFFD800  }
.LBB2_2:
0xe: {  	p0 =	sne.s32 s9, $0x9C00  }
.Ltmp0:
0xf: {  	_ = 	snop;
	(pc) =	sbr.rel @p0 .LBB2_2-.Ltmp0, $3  }
0x10: {  	_ =	sdelay $0x1  }
0x11: {  	s10 =	sshra.s32 s9, $0x2  }
0x12: {  	s9 =	sadd.s32 $0x40, s9;
	[tilespmem:s10+$0x2800] =	vst v0  }
0x13: {  	s9 =	simm.s32 $0x0  }
.LBB2_4:
0x14: {  	s10 =	sshra.s32 s9, $0x2  }
0x15: {  	v2 =	vld [tilespmem:s10+$0x0];
	_ =	sdelay $0x7  }
0x16: {  	[tilespmem:v2+s7+$0x0] =	vst.idx.add.f32.msk $0xffff, v1  }
0x17: {  	v2 =	vld [tilespmem:s10+$0x10];
	_ =	sdelay $0x7  }
0x18: {  	[tilespmem:v2+s7+$0x0] =	vst.idx.add.f32.msk $0xffff, v1  }
0x19: {  	v2 =	vld [tilespmem:s10+$0x20];
	_ =	sdelay $0x7  }
0x1a: {  	[tilespmem:v2+s7+$0x0] =	vst.idx.add.f32.msk $0xffff, v1  }
0x1b: {  	v2 =	vld [tilespmem:s10+$0x30];
	_ =	sdelay $0x7  }
0x1c: {  	[tilespmem:v2+s7+$0x0] =	vst.idx.add.f32.msk $0xffff, v1  }
0x1d: {  	v2 =	vld [tilespmem:s10+$0x40];
	_ =	sdelay $0x7  }
0x1e: {  	[tilespmem:v2+s7+$0x0] =	vst.idx.add.f32.msk $0xffff, v1  }
0x1f: {  	v2 =	vld [tilespmem:s10+$0x50];
	_ =	sdelay $0x7  }
0x20: {  	[tilespmem:v2+s7+$0x0] =	vst.idx.add.f32.msk $0xffff, v1  }
0x21: {  	v2 =	vld [tilespmem:s10+$0x60];
	_ =	sdelay $0x7  }
0x22: {  	[tilespmem:v2+s7+$0x0] =	vst.idx.add.f32.msk $0xffff, v1  }
0x23: {  	v2 =	vld [tilespmem:s10+$0x6D];
	_ =	sdelay $0x2  }
0x24: {  	p0 =	sne.s32 s9, $0x9E00  }
.Ltmp1:
0x25: {  	_ = 	snop;
	(pc) =	sbr.rel @p0 .LBB2_4-.Ltmp1, $2  }
0x26: {  	_ =	sdelay $0x2  }
0x27: {  	s9 =	sadd.s32 $0x200, s9;
	[tilespmem:v2+s7+$0x0] =	vst.idx.add.f32.msk vm0, v1  }
0x28: {  	s8 =	sadd.s32 $0x1, s8  }
0x29: {  	p0 =	sne.s32 s8, s5  }
.Ltmp2:
0x2a: {  	_ = 	snop;
	(pc) =	sbr.rel @p0 .LBB2_1-.Ltmp2, $4  }
0x2b: {  	[hbm4b:s4+s2] =	stream.linear.scatter [tilespmem:s7], [sflag:$0x1], $0x2710, $0x38;
	[tilespmem:$0x4F10] =	vst v63  }
0x2c: {  	_ =	swait.ge [sflag:s6], $0x2710  }
0x2d: {  	[sflag:s6] =	ssyncset.done $0x0  }
0x2e: {  	[sflag:s6] =	ssyncadd.s32 $0xFFFFD8F0  }
0x2f: {  	_ =	sfence.sel $0x180000  }
0x30: {  	[bflag:$0x0] =	sbarrier.arrive $0xFFFF  }
0x31: {  	p0 =	sne.s32 s0, $0x0;
	_ =	strace $0x90000047  }
0x32: {  	s0 =	sadd.s32 @!p0 $0x100000, s1;
	[bflag:$0x2] =	sbarrier.arrive $0xFFFF  }
0x33: {  	[sflag:s0] =	ssyncadd.tile.s32 @!p0 $0x1;
	_ =	shalt  }
.Lfunc_end2:
_tile_overlayer_lowered:
.L_overlay_start_2:
0x34: {  	(tag) =	ssettag $0x2  }
0x35: {  	s0 =	rddreg [dreg:$0x0];
	s2 =	stileid.u32  }
0x36: {  	s1 =	rddreg [dreg:$0x1];
	p0 =	sne.s32 s2, $0x0  }
0x37: {  	s3 =	rddreg [dreg:$0x2];
	[bflag:$0x3] =	sbarrier.arrive $0xFFFF;
	s2 =	simm.s32 @!p0 $0x1C01  }
0x38: {  	[timem:s3], [sflag:s2] =	dma.local @!p0 [hbm:s0], s1  }
0x39: {  	s0 =	simm.s32 @!p0 $0x1  }
0x3a: {  	_ =	swait.ge @!p0 [sflag:s0], s1  }
0x3b: {  	s1 =	ssub.s32 @!p0 $0x0, s1;
	[sflag:s0] =	ssyncset.done @!p0 $0x0  }
0x3c: {  	[sflag:s0] =	ssyncadd.s32 @!p0 s1  }
0x3d: {  	[bflag:$0x3] =	sbarrier.arrive $0xFFFF  }
0x3e: {  	_ =	shalt  }

</sc_bundles>
